<compile_context>
chip_gen: v7x
topology: tpu7x:2x2x1
jax: 0.10.2.dev20260603
libtpu: 0.0.44.dev20260713+nightly
codegen_flags: <defaults>
</compile_context>

<pallas_src>
import jax
import jax.numpy as jnp
from jax import lax
from jax.experimental import pallas as pl
from jax.experimental.pallas import tpu as pltpu
from jax.experimental.pallas import tpu_sc as plsc

_N = 10
_H = 512
_E = 160
_K = 3
_NP = 16


def _edge_counts_sc(edge_ref, out_ref, src_v, dst_v, idx_v, ones_v, stage_v,
                    out_v, acc, sem_s, sem_d, sem_z):
    @pl.when((lax.axis_index("c") == 0) & (lax.axis_index("s") == 0))
    def _():
        cp_s = pltpu.make_async_copy(edge_ref.at[0], src_v, sem_s)
        cp_d = pltpu.make_async_copy(edge_ref.at[1], dst_v, sem_d)
        cp_s.start()
        cp_d.start()
        zrow = jnp.zeros((_NP,), jnp.float32)
        for r in range(_NP * _NP):
            stage_v[r, :] = zrow
        cp_z = pltpu.make_async_copy(stage_v, acc, sem_z)
        cp_z.start()
        onerow = jnp.full((_NP,), 1.0, jnp.float32)
        for e in range(_E):
            ones_v[e, :] = onerow
        cp_s.wait()
        cp_d.wait()
        for c in range(_E // _NP):
            s_ids = src_v[pl.ds(c * _NP, _NP)]
            d_ids = dst_v[pl.ds(c * _NP, _NP)]
            idx_v[pl.ds(c * _NP, _NP)] = d_ids * _NP + s_ids
        cp_z.wait()
        pltpu.sync_copy(ones_v, acc.at[idx_v], add=True)
        pltpu.sync_copy(acc, stage_v)
        lanes = lax.iota(jnp.int32, _NP)
        for d in range(_N):
            row = jnp.zeros((_NP,), jnp.float32)
            for s in range(_N):
                row = row + jnp.where(lanes == s, stage_v[d * _NP + s, :], 0.0)
            out_v[d, :] = row
        pltpu.sync_copy(out_v, out_ref)


_edge_counts = pl.kernel(
    _edge_counts_sc,
    mesh=plsc.VectorSubcoreMesh(core_axis_name="c", subcore_axis_name="s"),
    out_type=jax.ShapeDtypeStruct((_NP, _NP), jnp.float32),
    scratch_types=[pltpu.VMEM((_E,), jnp.int32),
                   pltpu.VMEM((_E,), jnp.int32),
                   pltpu.VMEM((_E,), jnp.int32),
                   pltpu.VMEM((_E, _NP), jnp.float32),
                   pltpu.VMEM((_NP * _NP, _NP), jnp.float32),
                   pltpu.VMEM((_NP, _NP), jnp.float32),
                   pltpu.VMEM_SHARED((_NP * _NP, _NP), jnp.float32),
                   pltpu.SemaphoreType.DMA,
                   pltpu.SemaphoreType.DMA,
                   pltpu.SemaphoreType.DMA],
)


def _fused(x_ref, a_ref,
           b10, b20, b11, b21, b12, b22, b13, b23,
           sa_w1_ref, sa_w2_ref, sa_w3_ref, bs_ref, vs_wT_ref,
           fc_w_ref, fc_b_ref, gcn_w_ref, gcn_b_ref,
           w10, w20, w11, w21, w12, w22, w13, w23,
           bp_ref, bm_ref):
    f32 = jnp.float32
    w_refs = (w10, w20, w11, w21, w12, w22, w13, w23)
    b_refs = (b10, b20, b11, b21, b12, b22, b13, b23)

    X = x_ref[...]
    for i in range(8):
        out = jax.lax.dot_general(X, w_refs[i][...], (((1,), (1,)), ((), ())),
                                  preferred_element_type=f32)
        out = out + b_refs[i][...]
        if i % 2 == 0:
            X_res, X = X, jnp.maximum(out, 0.0)
        else:
            X = jnp.maximum(jnp.maximum(out, 0.0) + X_res, 0.0)
    emb = X

    left = jnp.sum(emb * sa_w2_ref[...], axis=1, keepdims=True) * sa_w1_ref[0, 0]
    right = jnp.sum(emb * sa_w3_ref[...], axis=1, keepdims=True)
    sa_x = jax.lax.dot_general(left, right, (((1,), (1,)), ((), ())),
                               preferred_element_type=f32)
    sa_x = sa_x + bs_ref[...]
    sa_s = jnp.dot(jax.nn.sigmoid(sa_x), vs_wT_ref[...],
                   preferred_element_type=f32)

    A = a_ref[...][:_N, :_N]
    deg_in = jnp.sum(A, axis=1, keepdims=True)
    deg_out = jnp.sum(A, axis=0, keepdims=True)
    norm_in = jnp.where(deg_in > 0,
                        jax.lax.rsqrt(jnp.maximum(deg_in, 1e-12)), 0.0)
    norm_out = jnp.where(deg_out > 0,
                         jax.lax.rsqrt(jnp.maximum(deg_out, 1e-12)), 0.0)
    M = A * norm_in * norm_out
    agg = jnp.dot(M, emb, preferred_element_type=f32)
    g_emb = jnp.dot(agg, gcn_w_ref[...], preferred_element_type=f32) + gcn_b_ref[...]

    sa_ag = jnp.dot(sa_s, g_emb, preferred_element_type=f32)
    logits = jnp.sum(sa_ag * fc_w_ref[...], axis=1, keepdims=True) + fc_b_ref[0, 0]
    scores = jax.nn.sigmoid(logits)

    e1 = jnp.exp(scores)
    bp_ref[...] = e1 / jnp.sum(e1)
    e2 = jnp.exp(1.0 - scores)
    bm_ref[...] = e2 / jnp.sum(e2)


@jax.jit
def kernel(x, edge_index, tcn_params, sa_w1, sa_w2, sa_w3, bs, vs_w,
           fc_w, fc_b, gcn_w, gcn_b):
    A16 = _edge_counts(edge_index)

    vmem_ins = [x[:, :, 0], A16]
    vmem_ins += [b[None, :] for (w1, b1, w2, b2) in tcn_params for b in (b1, b2)]
    vmem_ins += [sa_w1, sa_w2.T, sa_w3, bs[None, :], vs_w.T,
                 fc_w, fc_b[None, :], gcn_w, gcn_b[None, :]]
    w_ins = [w[:, :, _K - 1] for (w1, b1, w2, b2) in tcn_params
             for w in (w1, w2)]

    bp, bm = pl.pallas_call(
        _fused,
        out_shape=[jax.ShapeDtypeStruct((_N, 1), jnp.float32),
                   jax.ShapeDtypeStruct((_N, 1), jnp.float32)],
    )(*vmem_ins, *w_ins)
    return bp[:, 0], bm[:, 0]

# --- scband reference (transcript-rebuilt; emitter-appended) ---
"""Pipeline reference for scband-deep-trader-asu-21904333210006 (READ-ONLY COPY).

The authoritative reference and input builder live on the scoring server;
editing this copy changes nothing except your own understanding.
"""

import jax, jax.numpy as jnp
import numpy as np

N_NODES = 10
HID = 512
IN_SIZE = 512
KSZ = 3
N_EDGES = 160


def causal_conv1d(x, w, b, dilation):
    # x: [N, C_in, L], w: [C_out, C_in, K]; torch TCN pads (K-1)*d both sides then chomps right => left-pad only
    pad = (w.shape[2] - 1) * dilation
    out = jax.lax.conv_general_dilated(x, w, window_strides=(1,), padding=[(pad, 0)], rhs_dilation=(dilation,), dimension_numbers=('NCH', 'OIH', 'NCH'))
    return out + b[None, :, None]


def tcn_forward(x, tcn_params):
    out = x
    for i, (w1, b1, w2, b2) in enumerate(tcn_params):
        d = 2 ** i
        h = jax.nn.relu(causal_conv1d(out, w1, b1, d))  # dropout is identity at eval
        h = jax.nn.relu(causal_conv1d(h, w2, b2, d))
        out = jax.nn.relu(h + out)  # residual (channels match, no downsample)
    return out


def graph_conv(edge_index, feat, gcn_w, gcn_b):
    # DGL GraphConv, norm='both': D_out^{-1/2} A D_in^{-1/2} X W + b
    src = edge_index[0]
    dst = edge_index[1]
    n = feat.shape[0]
    deg_out = jnp.bincount(src, length=n).astype(feat.dtype)
    deg_in = jnp.bincount(dst, length=n).astype(feat.dtype)
    norm_out = jnp.where(deg_out > 0, jax.lax.rsqrt(jnp.maximum(deg_out, 1e-12)), 0.0)
    norm_in = jnp.where(deg_in > 0, jax.lax.rsqrt(jnp.maximum(deg_in, 1e-12)), 0.0)
    h = feat * norm_out[:, None]
    agg = jax.ops.segment_sum(h[src], dst, num_segments=n)
    h = agg * norm_in[:, None]
    return h @ gcn_w + gcn_b


def setup_inputs(seed: int = 0):
    key = jax.random.key(seed)
    ks = [jax.random.fold_in(key, i) for i in range(64)]
    x = jax.random.normal(ks[0], (N_NODES, IN_SIZE, 1), dtype=jnp.float32)
    edge_index = jax.random.randint(ks[1], (2, N_EDGES), 0, N_NODES, dtype=jnp.int32)
    chans = [IN_SIZE, HID, HID, HID, HID]
    tcn_params = []
    j = 2
    for i in range(4):
        w1 = jax.random.normal(ks[j], (chans[i + 1], chans[i], KSZ), dtype=jnp.float32) * 0.05; j += 1
        b1 = jax.random.normal(ks[j], (chans[i + 1],), dtype=jnp.float32) * 0.05; j += 1
        w2 = jax.random.normal(ks[j], (chans[i + 1], chans[i + 1], KSZ), dtype=jnp.float32) * 0.05; j += 1
        b2 = jax.random.normal(ks[j], (chans[i + 1],), dtype=jnp.float32) * 0.05; j += 1
        tcn_params.append((w1, b1, w2, b2))
    sa_w1 = jax.random.normal(ks[j], (1, 1), dtype=jnp.float32) * 0.05; j += 1   # Linear(t=1, 1)
    sa_w2 = jax.random.normal(ks[j], (HID, 1), dtype=jnp.float32) * 0.05; j += 1  # Linear(t=1, HID) weight
    sa_w3 = jax.random.normal(ks[j], (1, HID), dtype=jnp.float32) * 0.05; j += 1  # Linear(HID, 1) weight
    bs = jax.random.uniform(ks[j], (N_NODES,), dtype=jnp.float32); j += 1
    vs_w = jax.random.normal(ks[j], (N_NODES, N_NODES), dtype=jnp.float32) * 0.05; j += 1
    fc_w = jax.random.normal(ks[j], (1, HID), dtype=jnp.float32) * 0.05; j += 1
    fc_b = jax.random.normal(ks[j], (1,), dtype=jnp.float32) * 0.05; j += 1
    gcn_w = jax.random.normal(ks[j], (HID, HID), dtype=jnp.float32) * 0.05; j += 1
    gcn_b = jax.random.normal(ks[j], (HID,), dtype=jnp.float32) * 0.05; j += 1
    return {"x": x, "edge_index": edge_index, "tcn_params": tcn_params, "sa_w1": sa_w1, "sa_w2": sa_w2, "sa_w3": sa_w3, "bs": bs, "vs_w": vs_w, "fc_w": fc_w, "fc_b": fc_b, "gcn_w": gcn_w, "gcn_b": gcn_b}


def reference(x, edge_index, tcn_params, sa_w1, sa_w2, sa_w3, bs, vs_w, fc_w, fc_b, gcn_w, gcn_b):
    emb = tcn_forward(x, tcn_params)                                  # [N, H, t], t=1
    a = jnp.squeeze(emb @ sa_w1.T, -1)                                # w1 over time: [N, H]
    left = a @ sa_w2                                                  # [N, 1]
    right = jnp.squeeze(jnp.transpose(emb, (0, 2, 1)) @ sa_w3.T, -1)  # w3 over hidden: [N, 1]
    sa_x = left @ right.T + bs                                        # [N, N] (+ bs broadcast)
    sa_s = jax.nn.sigmoid(sa_x) @ vs_w.T                              # vs: Linear(n, n)
    g_emb = graph_conv(edge_index, emb[:, :, 0], gcn_w, gcn_b)        # [N, H]
    sa_ag = sa_s @ g_emb                                              # [N, H]
    s = jax.nn.sigmoid(sa_ag @ fc_w.T + fc_b)                         # [N, 1]
    scores = s[:, 0]
    G = 10
    order = jnp.argsort(-scores)
    sorted_scores = scores[order]
    e1 = jnp.exp(sorted_scores[:G])
    b_plus = e1 / jnp.sum(e1)
    e2 = jnp.exp(1.0 - sorted_scores[-G:])
    b_minus = e2 / jnp.sum(e2)
    bp = jnp.zeros_like(scores).at[order[:G]].set(b_plus)
    bm = jnp.zeros_like(scores).at[order[-G:]].set(b_minus)
    return (bp, bm)

if __name__ == "__main__":
    import jax
    _d = setup_inputs()
    print(jax.jit(kernel)(*tuple(_d.values())))

</pallas_src>

<mosaic_0001>
#map = affine_map<(d0, d1) -> (0, 0)>
module attributes {stable_mosaic.version = 14 : i64} {
  func.func @_edge_counts_sc(%arg0: i32, %arg1: i32, %arg2: memref<2x160xi32, #tpu.memory_space<hbm>>, %arg3: memref<16x16xf32, #tpu.memory_space<hbm>>, %arg4: memref<160xi32, #tpu.memory_space<vmem>>, %arg5: memref<160xi32, #tpu.memory_space<vmem>>, %arg6: memref<160xi32, #tpu.memory_space<vmem>>, %arg7: memref<160x16xf32, #tpu.memory_space<vmem>>, %arg8: memref<256x16xf32, #tpu.memory_space<vmem>>, %arg9: memref<16x16xf32, #tpu.memory_space<vmem>>, %arg10: memref<256x16xf32, #tpu.memory_space<vmem_shared>>, %arg11: memref<!tpu.dma_semaphore, #tpu.memory_space<semaphore_mem>>, %arg12: memref<!tpu.dma_semaphore, #tpu.memory_space<semaphore_mem>>, %arg13: memref<!tpu.dma_semaphore, #tpu.memory_space<semaphore_mem>>) attributes {dimension_semantics = [#tpu.dimension_semantics<core_parallel>, #tpu.dimension_semantics<subcore_parallel>], iteration_bounds = array<i64: 2, 16>, scalar_prefetch = 0 : i64, scratch_operands = 10 : i64, tpu.core_type = #tpu.core_type<sc_vector_subcore>, window_params = [{transform_indices = #map}, {transform_indices = #map}]} {
    %eq3A = arith.constant 0 : i32
    %eq3A_0 = arith.cmpi eq, %arg0, %eq3A : i32
    %eq3A_1 = arith.constant 0 : i32
    %eq3A_2 = arith.cmpi eq, %arg1, %eq3A_1 : i32
    %and3A = arith.andi %eq3A_0, %eq3A_2 : i1
    %convert_element_type3A = arith.extui %and3A : i1 to i32
    %cond3A = arith.constant 0 : i32
    %cond3A_3 = arith.cmpi ne, %convert_element_type3A, %cond3A : i32
    scf.if %cond3A_3 {
      %dma_start3A = arith.constant 0 : i32
      %dma_start3A_4 = arith.constant 0 : i32
      %dma_start3A_5 = tpu.memref_slice %arg2[%dma_start3A, %dma_start3A_4] : memref<2x160xi32, #tpu.memory_space<hbm>> -> memref<1x160xi32, #tpu.memory_space<hbm>>
      %dma_start3A_6 = tpu.memref_squeeze %dma_start3A_5 : memref<1x160xi32, #tpu.memory_space<hbm>> -> memref<160xi32, #tpu.memory_space<hbm>>
      %dma_start3A_7 = arith.constant 0 : i32
      %dma_start3A_8 = tpu.memref_slice %arg2[%dma_start3A, %dma_start3A_7] : memref<2x160xi32, #tpu.memory_space<hbm>> -> memref<1x160xi32, #tpu.memory_space<hbm>>
      %dma_start3A_9 = tpu.memref_squeeze %dma_start3A_8 : memref<1x160xi32, #tpu.memory_space<hbm>> -> memref<160xi32, #tpu.memory_space<hbm>>
      tpu.enqueue_dma source(%dma_start3A_9 : memref<160xi32, #tpu.memory_space<hbm>>) target(%arg4 : memref<160xi32, #tpu.memory_space<vmem>>) target_semaphore(%arg11 : memref<!tpu.dma_semaphore, #tpu.memory_space<semaphore_mem>>)
      %dma_start3A_10 = arith.constant 1 : i32
      %dma_start3A_11 = arith.constant 0 : i32
      %dma_start3A_12 = tpu.memref_slice %arg2[%dma_start3A_10, %dma_start3A_11] : memref<2x160xi32, #tpu.memory_space<hbm>> -> memref<1x160xi32, #tpu.memory_space<hbm>>
      %dma_start3A_13 = tpu.memref_squeeze %dma_start3A_12 : memref<1x160xi32, #tpu.memory_space<hbm>> -> memref<160xi32, #tpu.memory_space<hbm>>
      %dma_start3A_14 = arith.constant 0 : i32
      %dma_start3A_15 = tpu.memref_slice %arg2[%dma_start3A_10, %dma_start3A_14] : memref<2x160xi32, #tpu.memory_space<hbm>> -> memref<1x160xi32, #tpu.memory_space<hbm>>
      %dma_start3A_16 = tpu.memref_squeeze %dma_start3A_15 : memref<1x160xi32, #tpu.memory_space<hbm>> -> memref<160xi32, #tpu.memory_space<hbm>>
      tpu.enqueue_dma source(%dma_start3A_16 : memref<160xi32, #tpu.memory_space<hbm>>) target(%arg5 : memref<160xi32, #tpu.memory_space<vmem>>) target_semaphore(%arg12 : memref<!tpu.dma_semaphore, #tpu.memory_space<semaphore_mem>>)
      %broadcast_in_dim3A = arith.constant 0.000000e+00 : f32
      %broadcast_in_dim3A_17 = vector.broadcast %broadcast_in_dim3A : f32 to vector<16xf32>
      %swap3A = arith.constant 0 : i32
      %swap3A_18 = arith.index_cast %swap3A : i32 to index
      %swap3A_19 = arith.constant 0 : index
      %swap3A_20 = tpu.vector_load %arg8[%swap3A_18, %swap3A_19] {strides = array<i32>} : memref<256x16xf32, #tpu.memory_space<vmem>>, vector<1x16xf32>,
      %swap3A_21 = vector.shape_cast %swap3A_20 : vector<1x16xf32> to vector<16xf32>
      %swap3A_22 = vector.shape_cast %broadcast_in_dim3A_17 : vector<16xf32> to vector<1x16xf32>
      tpu.vector_store %arg8[%swap3A_18, %swap3A_19], %swap3A_22 {strides = array<i32>} : memref<256x16xf32, #tpu.memory_space<vmem>>, vector<1x16xf32>,
      %swap3A_23 = arith.constant 1 : i32
      %swap3A_24 = arith.index_cast %swap3A_23 : i32 to index
      %swap3A_25 = arith.constant 0 : index
      %swap3A_26 = tpu.vector_load %arg8[%swap3A_24, %swap3A_25] {strides = array<i32>} : memref<256x16xf32, #tpu.memory_space<vmem>>, vector<1x16xf32>,
      %swap3A_27 = vector.shape_cast %swap3A_26 : vector<1x16xf32> to vector<16xf32>
      %swap3A_28 = vector.shape_cast %broadcast_in_dim3A_17 : vector<16xf32> to vector<1x16xf32>
      tpu.vector_store %arg8[%swap3A_24, %swap3A_25], %swap3A_28 {strides = array<i32>} : memref<256x16xf32, #tpu.memory_space<vmem>>, vector<1x16xf32>,
      %swap3A_29 = arith.constant 2 : i32
      %swap3A_30 = arith.index_cast %swap3A_29 : i32 to index
      %swap3A_31 = arith.constant 0 : index
      %swap3A_32 = tpu.vector_load %arg8[%swap3A_30, %swap3A_31] {strides = array<i32>} : memref<256x16xf32, #tpu.memory_space<vmem>>, vector<1x16xf32>,
      %swap3A_33 = vector.shape_cast %swap3A_32 : vector<1x16xf32> to vector<16xf32>
      %swap3A_34 = vector.shape_cast %broadcast_in_dim3A_17 : vector<16xf32> to vector<1x16xf32>
      tpu.vector_store %arg8[%swap3A_30, %swap3A_31], %swap3A_34 {strides = array<i32>} : memref<256x16xf32, #tpu.memory_space<vmem>>, vector<1x16xf32>,
      %swap3A_35 = arith.constant 3 : i32
      %swap3A_36 = arith.index_cast %swap3A_35 : i32 to index
      %swap3A_37 = arith.constant 0 : index
      %swap3A_38 = tpu.vector_load %arg8[%swap3A_36, %swap3A_37] {strides = array<i32>} : memref<256x16xf32, #tpu.memory_space<vmem>>, vector<1x16xf32>,
      %swap3A_39 = vector.shape_cast %swap3A_38 : vector<1x16xf32> to vector<16xf32>
      %swap3A_40 = vector.shape_cast %broadcast_in_dim3A_17 : vector<16xf32> to vector<1x16xf32>
      tpu.vector_store %arg8[%swap3A_36, %swap3A_37], %swap3A_40 {strides = array<i32>} : memref<256x16xf32, #tpu.memory_space<vmem>>, vector<1x16xf32>,
      %swap3A_41 = arith.constant 4 : i32
      %swap3A_42 = arith.index_cast %swap3A_41 : i32 to index
      %swap3A_43 = arith.constant 0 : index
      %swap3A_44 = tpu.vector_load %arg8[%swap3A_42, %swap3A_43] {strides = array<i32>} : memref<256x16xf32, #tpu.memory_space<vmem>>, vector<1x16xf32>,
      %swap3A_45 = vector.shape_cast %swap3A_44 : vector<1x16xf32> to vector<16xf32>
      %swap3A_46 = vector.shape_cast %broadcast_in_dim3A_17 : vector<16xf32> to vector<1x16xf32>
      tpu.vector_store %arg8[%swap3A_42, %swap3A_43], %swap3A_46 {strides = array<i32>} : memref<256x16xf32, #tpu.memory_space<vmem>>, vector<1x16xf32>,
      %swap3A_47 = arith.constant 5 : i32
      %swap3A_48 = arith.index_cast %swap3A_47 : i32 to index
      %swap3A_49 = arith.constant 0 : index
      %swap3A_50 = tpu.vector_load %arg8[%swap3A_48, %swap3A_49] {strides = array<i32>} : memref<256x16xf32, #tpu.memory_space<vmem>>, vector<1x16xf32>,
      %swap3A_51 = vector.shape_cast %swap3A_50 : vector<1x16xf32> to vector<16xf32>
      %swap3A_52 = vector.shape_cast %broadcast_in_dim3A_17 : vector<16xf32> to vector<1x16xf32>
      tpu.vector_store %arg8[%swap3A_48, %swap3A_49], %swap3A_52 {strides = array<i32>} : memref<256x16xf32, #tpu.memory_space<vmem>>, vector<1x16xf32>,
      %swap3A_53 = arith.constant 6 : i32
      %swap3A_54 = arith.index_cast %swap3A_53 : i32 to index
      %swap3A_55 = arith.constant 0 : index
      %swap3A_56 = tpu.vector_load %arg8[%swap3A_54, %swap3A_55] {strides = array<i32>} : memref<256x16xf32, #tpu.memory_space<vmem>>, vector<1x16xf32>,
      %swap3A_57 = vector.shape_cast %swap3A_56 : vector<1x16xf32> to vector<16xf32>
      %swap3A_58 = vector.shape_cast %broadcast_in_dim3A_17 : vector<16xf32> to vector<1x16xf32>
      tpu.vector_store %arg8[%swap3A_54, %swap3A_55], %swap3A_58 {strides = array<i32>} : memref<256x16xf32, #tpu.memory_space<vmem>>, vector<1x16xf32>,
      %swap3A_59 = arith.constant 7 : i32
      %swap3A_60 = arith.index_cast %swap3A_59 : i32 to index
      %swap3A_61 = arith.constant 0 : index
      %swap3A_62 = tpu.vector_load %arg8[%swap3A_60, %swap3A_61] {strides = array<i32>} : memref<256x16xf32, #tpu.memory_space<vmem>>, vector<1x16xf32>,
      %swap3A_63 = vector.shape_cast %swap3A_62 : vector<1x16xf32> to vector<16xf32>
      %swap3A_64 = vector.shape_cast %broadcast_in_dim3A_17 : vector<16xf32> to vector<1x16xf32>
      tpu.vector_store %arg8[%swap3A_60, %swap3A_61], %swap3A_64 {strides = array<i32>} : memref<256x16xf32, #tpu.memory_space<vmem>>, vector<1x16xf32>,
      %swap3A_65 = arith.constant 8 : i32
      %swap3A_66 = arith.index_cast %swap3A_65 : i32 to index
      %swap3A_67 = arith.constant 0 : index
      %swap3A_68 = tpu.vector_load %arg8[%swap3A_66, %swap3A_67] {strides = array<i32>} : memref<256x16xf32, #tpu.memory_space<vmem>>, vector<1x16xf32>,
      %swap3A_69 = vector.shape_cast %swap3A_68 : vector<1x16xf32> to vector<16xf32>
      %swap3A_70 = vector.shape_cast %broadcast_in_dim3A_17 : vector<16xf32> to vector<1x16xf32>
      tpu.vector_store %arg8[%swap3A_66, %swap3A_67], %swap3A_70 {strides = array<i32>} : memref<256x16xf32, #tpu.memory_space<vmem>>, vector<1x16xf32>,
      %swap3A_71 = arith.constant 9 : i32
      %swap3A_72 = arith.index_cast %swap3A_71 : i32 to index
      %swap3A_73 = arith.constant 0 : index
      %swap3A_74 = tpu.vector_load %arg8[%swap3A_72, %swap3A_73] {strides = array<i32>} : memref<256x16xf32, #tpu.memory_space<vmem>>, vector<1x16xf32>,
      %swap3A_75 = vector.shape_cast %swap3A_74 : vector<1x16xf32> to vector<16xf32>
      %swap3A_76 = vector.shape_cast %broadcast_in_dim3A_17 : vector<16xf32> to vector<1x16xf32>
      tpu.vector_store %arg8[%swap3A_72, %swap3A_73], %swap3A_76 {strides = array<i32>} : memref<256x16xf32, #tpu.memory_space<vmem>>, vector<1x16xf32>,
      %swap3A_77 = arith.constant 10 : i32
      %swap3A_78 = arith.index_cast %swap3A_77 : i32 to index
      %swap3A_79 = arith.constant 0 : index
      %swap3A_80 = tpu.vector_load %arg8[%swap3A_78, %swap3A_79] {strides = array<i32>} : memref<256x16xf32, #tpu.memory_space<vmem>>, vector<1x16xf32>,
      %swap3A_81 = vector.shape_cast %swap3A_80 : vector<1x16xf32> to vector<16xf32>
      %swap3A_82 = vector.shape_cast %broadcast_in_dim3A_17 : vector<16xf32> to vector<1x16xf32>
      tpu.vector_store %arg8[%swap3A_78, %swap3A_79], %swap3A_82 {strides = array<i32>} : memref<256x16xf32, #tpu.memory_space<vmem>>, vector<1x16xf32>,
      %swap3A_83 = arith.constant 11 : i32
      %swap3A_84 = arith.index_cast %swap3A_83 : i32 to index
      %swap3A_85 = arith.constant 0 : index
      %swap3A_86 = tpu.vector_load %arg8[%swap3A_84, %swap3A_85] {strides = array<i32>} : memref<256x16xf32, #tpu.memory_space<vmem>>, vector<1x16xf32>,
      %swap3A_87 = vector.shape_cast %swap3A_86 : vector<1x16xf32> to vector<16xf32>
      %swap3A_88 = vector.shape_cast %broadcast_in_dim3A_17 : vector<16xf32> to vector<1x16xf32>
      tpu.vector_store %arg8[%swap3A_84, %swap3A_85], %swap3A_88 {strides = array<i32>} : memref<256x16xf32, #tpu.memory_space<vmem>>, vector<1x16xf32>,
      %swap3A_89 = arith.constant 12 : i32
      %swap3A_90 = arith.index_cast %swap3A_89 : i32 to index
      %swap3A_91 = arith.constant 0 : index
      %swap3A_92 = tpu.vector_load %arg8[%swap3A_90, %swap3A_91] {strides = array<i32>} : memref<256x16xf32, #tpu.memory_space<vmem>>, vector<1x16xf32>,
      %swap3A_93 = vector.shape_cast %swap3A_92 : vector<1x16xf32> to vector<16xf32>
      %swap3A_94 = vector.shape_cast %broadcast_in_dim3A_17 : vector<16xf32> to vector<1x16xf32>
      tpu.vector_store %arg8[%swap3A_90, %swap3A_91], %swap3A_94 {strides = array<i32>} : memref<256x16xf32, #tpu.memory_space<vmem>>, vector<1x16xf32>,
      %swap3A_95 = arith.constant 13 : i32
      %swap3A_96 = arith.index_cast %swap3A_95 : i32 to index
      %swap3A_97 = arith.constant 0 : index
      %swap3A_98 = tpu.vector_load %arg8[%swap3A_96, %swap3A_97] {strides = array<i32>} : memref<256x16xf32, #tpu.memory_space<vmem>>, vector<1x16xf32>,
      %swap3A_99 = vector.shape_cast %swap3A_98 : vector<1x16xf32> to vector<16xf32>
      %swap3A_100 = vector.shape_cast %broadcast_in_dim3A_17 : vector<16xf32> to vector<1x16xf32>
      tpu.vector_store %arg8[%swap3A_96, %swap3A_97], %swap3A_100 {strides = array<i32>} : memref<256x16xf32, #tpu.memory_space<vmem>>, vector<1x16xf32>,
      %swap3A_101 = arith.constant 14 : i32
      %swap3A_102 = arith.index_cast %swap3A_101 : i32 to index
      %swap3A_103 = arith.constant 0 : index
      %swap3A_104 = tpu.vector_load %arg8[%swap3A_102, %swap3A_103] {strides = array<i32>} : memref<256x16xf32, #tpu.memory_space<vmem>>, vector<1x16xf32>,
      %swap3A_105 = vector.shape_cast %swap3A_104 : vector<1x16xf32> to vector<16xf32>
      %swap3A_106 = vector.shape_cast %broadcast_in_dim3A_17 : vector<16xf32> to vector<1x16xf32>
      tpu.vector_store %arg8[%swap3A_102, %swap3A_103], %swap3A_106 {strides = array<i32>} : memref<256x16xf32, #tpu.memory_space<vmem>>, vector<1x16xf32>,
      %swap3A_107 = arith.constant 15 : i32
      %swap3A_108 = arith.index_cast %swap3A_107 : i32 to index
      %swap3A_109 = arith.constant 0 : index
      %swap3A_110 = tpu.vector_load %arg8[%swap3A_108, %swap3A_109] {strides = array<i32>} : memref<256x16xf32, #tpu.memory_space<vmem>>, vector<1x16xf32>,
      %swap3A_111 = vector.shape_cast %swap3A_110 : vector<1x16xf32> to vector<16xf32>
      %swap3A_112 = vector.shape_cast %broadcast_in_dim3A_17 : vector<16xf32> to vector<1x16xf32>
      tpu.vector_store %arg8[%swap3A_108, %swap3A_109], %swap3A_112 {strides = array<i32>} : memref<256x16xf32, #tpu.memory_space<vmem>>, vector<1x16xf32>,
      %swap3A_113 = arith.constant 16 : i32
      %swap3A_114 = arith.index_cast %swap3A_113 : i32 to index
      %swap3A_115 = arith.constant 0 : index
      %swap3A_116 = tpu.vector_load %arg8[%swap3A_114, %swap3A_115] {strides = array<i32>} : memref<256x16xf32, #tpu.memory_space<vmem>>, vector<1x16xf32>,
      %swap3A_117 = vector.shape_cast %swap3A_116 : vector<1x16xf32> to vector<16xf32>
      %swap3A_118 = vector.shape_cast %broadcast_in_dim3A_17 : vector<16xf32> to vector<1x16xf32>
      tpu.vector_store %arg8[%swap3A_114, %swap3A_115], %swap3A_118 {strides = array<i32>} : memref<256x16xf32, #tpu.memory_space<vmem>>, vector<1x16xf32>,
      %swap3A_119 = arith.constant 17 : i32
      %swap3A_120 = arith.index_cast %swap3A_119 : i32 to index
      %swap3A_121 = arith.constant 0 : index
      %swap3A_122 = tpu.vector_load %arg8[%swap3A_120, %swap3A_121] {strides = array<i32>} : memref<256x16xf32, #tpu.memory_space<vmem>>, vector<1x16xf32>,
      %swap3A_123 = vector.shape_cast %swap3A_122 : vector<1x16xf32> to vector<16xf32>
      %swap3A_124 = vector.shape_cast %broadcast_in_dim3A_17 : vector<16xf32> to vector<1x16xf32>
      tpu.vector_store %arg8[%swap3A_120, %swap3A_121], %swap3A_124 {strides = array<i32>} : memref<256x16xf32, #tpu.memory_space<vmem>>, vector<1x16xf32>,
      %swap3A_125 = arith.constant 18 : i32
      %swap3A_126 = arith.index_cast %swap3A_125 : i32 to index
      %swap3A_127 = arith.constant 0 : index
      %swap3A_128 = tpu.vector_load %arg8[%swap3A_126, %swap3A_127] {strides = array<i32>} : memref<256x16xf32, #tpu.memory_space<vmem>>, vector<1x16xf32>,
      %swap3A_129 = vector.shape_cast %swap3A_128 : vector<1x16xf32> to vector<16xf32>
      %swap3A_130 = vector.shape_cast %broadcast_in_dim3A_17 : vector<16xf32> to vector<1x16xf32>
      tpu.vector_store %arg8[%swap3A_126, %swap3A_127], %swap3A_130 {strides = array<i32>} : memref<256x16xf32, #tpu.memory_space<vmem>>, vector<1x16xf32>,
      %swap3A_131 = arith.constant 19 : i32
      %swap3A_132 = arith.index_cast %swap3A_131 : i32 to index
      %swap3A_133 = arith.constant 0 : index
      %swap3A_134 = tpu.vector_load %arg8[%swap3A_132, %swap3A_133] {strides = array<i32>} : memref<256x16xf32, #tpu.memory_space<vmem>>, vector<1x16xf32>,
      %swap3A_135 = vector.shape_cast %swap3A_134 : vector<1x16xf32> to vector<16xf32>
      %swap3A_136 = vector.shape_cast %broadcast_in_dim3A_17 : vector<16xf32> to vector<1x16xf32>
      tpu.vector_store %arg8[%swap3A_132, %swap3A_133], %swap3A_136 {strides = array<i32>} : memref<256x16xf32, #tpu.memory_space<vmem>>, vector<1x16xf32>,
      %swap3A_137 = arith.constant 20 : i32
      %swap3A_138 = arith.index_cast %swap3A_137 : i32 to index
      %swap3A_139 = arith.constant 0 : index
      %swap3A_140 = tpu.vector_load %arg8[%swap3A_138, %swap3A_139] {strides = array<i32>} : memref<256x16xf32, #tpu.memory_space<vmem>>, vector<1x16xf32>,
      %swap3A_141 = vector.shape_cast %swap3A_140 : vector<1x16xf32> to vector<16xf32>
      %swap3A_142 = vector.shape_cast %broadcast_in_dim3A_17 : vector<16xf32> to vector<1x16xf32>
      tpu.vector_store %arg8[%swap3A_138, %swap3A_139], %swap3A_142 {strides = array<i32>} : memref<256x16xf32, #tpu.memory_space<vmem>>, vector<1x16xf32>,
      %swap3A_143 = arith.constant 21 : i32
      %swap3A_144 = arith.index_cast %swap3A_143 : i32 to index
      %swap3A_145 = arith.constant 0 : index
      %swap3A_146 = tpu.vector_load %arg8[%swap3A_144, %swap3A_145] {strides = array<i32>} : memref<256x16xf32, #tpu.memory_space<vmem>>, vector<1x16xf32>,
      %swap3A_147 = vector.shape_cast %swap3A_146 : vector<1x16xf32> to vector<16xf32>
      %swap3A_148 = vector.shape_cast %broadcast_in_dim3A_17 : vector<16xf32> to vector<1x16xf32>
      tpu.vector_store %arg8[%swap3A_144, %swap3A_145], %swap3A_148 {strides = array<i32>} : memref<256x16xf32, #tpu.memory_space<vmem>>, vector<1x16xf32>,
      %swap3A_149 = arith.constant 22 : i32
      %swap3A_150 = arith.index_cast %swap3A_149 : i32 to index
      %swap3A_151 = arith.constant 0 : index
      %swap3A_152 = tpu.vector_load %arg8[%swap3A_150, %swap3A_151] {strides = array<i32>} : memref<256x16xf32, #tpu.memory_space<vmem>>, vector<1x16xf32>,
      %swap3A_153 = vector.shape_cast %swap3A_152 : vector<1x16xf32> to vector<16xf32>
      %swap3A_154 = vector.shape_cast %broadcast_in_dim3A_17 : vector<16xf32> to vector<1x16xf32>
      tpu.vector_store %arg8[%swap3A_150, %swap3A_151], %swap3A_154 {strides = array<i32>} : memref<256x16xf32, #tpu.memory_space<vmem>>, vector<1x16xf32>,
      %swap3A_155 = arith.constant 23 : i32
      %swap3A_156 = arith.index_cast %swap3A_155 : i32 to index
      %swap3A_157 = arith.constant 0 : index
      %swap3A_158 = tpu.vector_load %arg8[%swap3A_156, %swap3A_157] {strides = array<i32>} : memref<256x16xf32, #tpu.memory_space<vmem>>, vector<1x16xf32>,
      %swap3A_159 = vector.shape_cast %swap3A_158 : vector<1x16xf32> to vector<16xf32>
      %swap3A_160 = vector.shape_cast %broadcast_in_dim3A_17 : vector<16xf32> to vector<1x16xf32>
      tpu.vector_store %arg8[%swap3A_156, %swap3A_157], %swap3A_160 {strides = array<i32>} : memref<256x16xf32, #tpu.memory_space<vmem>>, vector<1x16xf32>,
      %swap3A_161 = arith.constant 24 : i32
      %swap3A_162 = arith.index_cast %swap3A_161 : i32 to index
      %swap3A_163 = arith.constant 0 : index
      %swap3A_164 = tpu.vector_load %arg8[%swap3A_162, %swap3A_163] {strides = array<i32>} : memref<256x16xf32, #tpu.memory_space<vmem>>, vector<1x16xf32>,
      %swap3A_165 = vector.shape_cast %swap3A_164 : vector<1x16xf32> to vector<16xf32>
      %swap3A_166 = vector.shape_cast %broadcast_in_dim3A_17 : vector<16xf32> to vector<1x16xf32>
      tpu.vector_store %arg8[%swap3A_162, %swap3A_163], %swap3A_166 {strides = array<i32>} : memref<256x16xf32, #tpu.memory_space<vmem>>, vector<1x16xf32>,
      %swap3A_167 = arith.constant 25 : i32
      %swap3A_168 = arith.index_cast %swap3A_167 : i32 to index
      %swap3A_169 = arith.constant 0 : index
      %swap3A_170 = tpu.vector_load %arg8[%swap3A_168, %swap3A_169] {strides = array<i32>} : memref<256x16xf32, #tpu.memory_space<vmem>>, vector<1x16xf32>,
      %swap3A_171 = vector.shape_cast %swap3A_170 : vector<1x16xf32> to vector<16xf32>
      %swap3A_172 = vector.shape_cast %broadcast_in_dim3A_17 : vector<16xf32> to vector<1x16xf32>
      tpu.vector_store %arg8[%swap3A_168, %swap3A_169], %swap3A_172 {strides = array<i32>} : memref<256x16xf32, #tpu.memory_space<vmem>>, vector<1x16xf32>,
      %swap3A_173 = arith.constant 26 : i32
      %swap3A_174 = arith.index_cast %swap3A_173 : i32 to index
      %swap3A_175 = arith.constant 0 : index
      %swap3A_176 = tpu.vector_load %arg8[%swap3A_174, %swap3A_175] {strides = array<i32>} : memref<256x16xf32, #tpu.memory_space<vmem>>, vector<1x16xf32>,
      %swap3A_177 = vector.shape_cast %swap3A_176 : vector<1x16xf32> to vector<16xf32>
      %swap3A_178 = vector.shape_cast %broadcast_in_dim3A_17 : vector<16xf32> to vector<1x16xf32>
      tpu.vector_store %arg8[%swap3A_174, %swap3A_175], %swap3A_178 {strides = array<i32>} : memref<256x16xf32, #tpu.memory_space<vmem>>, vector<1x16xf32>,
      %swap3A_179 = arith.constant 27 : i32
      %swap3A_180 = arith.index_cast %swap3A_179 : i32 to index
      %swap3A_181 = arith.constant 0 : index
      %swap3A_182 = tpu.vector_load %arg8[%swap3A_180, %swap3A_181] {strides = array<i32>} : memref<256x16xf32, #tpu.memory_space<vmem>>, vector<1x16xf32>,
      %swap3A_183 = vector.shape_cast %swap3A_182 : vector<1x16xf32> to vector<16xf32>
      %swap3A_184 = vector.shape_cast %broadcast_in_dim3A_17 : vector<16xf32> to vector<1x16xf32>
      tpu.vector_store %arg8[%swap3A_180, %swap3A_181], %swap3A_184 {strides = array<i32>} : memref<256x16xf32, #tpu.memory_space<vmem>>, vector<1x16xf32>,
      %swap3A_185 = arith.constant 28 : i32
      %swap3A_186 = arith.index_cast %swap3A_185 : i32 to index
      %swap3A_187 = arith.constant 0 : index
      %swap3A_188 = tpu.vector_load %arg8[%swap3A_186, %swap3A_187] {strides = array<i32>} : memref<256x16xf32, #tpu.memory_space<vmem>>, vector<1x16xf32>,
      %swap3A_189 = vector.shape_cast %swap3A_188 : vector<1x16xf32> to vector<16xf32>
      %swap3A_190 = vector.shape_cast %broadcast_in_dim3A_17 : vector<16xf32> to vector<1x16xf32>
      tpu.vector_store %arg8[%swap3A_186, %swap3A_187], %swap3A_190 {strides = array<i32>} : memref<256x16xf32, #tpu.memory_space<vmem>>, vector<1x16xf32>,
      %swap3A_191 = arith.constant 29 : i32
      %swap3A_192 = arith.index_cast %swap3A_191 : i32 to index
      %swap3A_193 = arith.constant 0 : index
      %swap3A_194 = tpu.vector_load %arg8[%swap3A_192, %swap3A_193] {strides = array<i32>} : memref<256x16xf32, #tpu.memory_space<vmem>>, vector<1x16xf32>,
      %swap3A_195 = vector.shape_cast %swap3A_194 : vector<1x16xf32> to vector<16xf32>
      %swap3A_196 = vector.shape_cast %broadcast_in_dim3A_17 : vector<16xf32> to vector<1x16xf32>
      tpu.vector_store %arg8[%swap3A_192, %swap3A_193], %swap3A_196 {strides = array<i32>} : memref<256x16xf32, #tpu.memory_space<vmem>>, vector<1x16xf32>,
      %swap3A_197 = arith.constant 30 : i32
      %swap3A_198 = arith.index_cast %swap3A_197 : i32 to index
      %swap3A_199 = arith.constant 0 : index
      %swap3A_200 = tpu.vector_load %arg8[%swap3A_198, %swap3A_199] {strides = array<i32>} : memref<256x16xf32, #tpu.memory_space<vmem>>, vector<1x16xf32>,
      %swap3A_201 = vector.shape_cast %swap3A_200 : vector<1x16xf32> to vector<16xf32>
      %swap3A_202 = vector.shape_cast %broadcast_in_dim3A_17 : vector<16xf32> to vector<1x16xf32>
      tpu.vector_store %arg8[%swap3A_198, %swap3A_199], %swap3A_202 {strides = array<i32>} : memref<256x16xf32, #tpu.memory_space<vmem>>, vector<1x16xf32>,
      %swap3A_203 = arith.constant 31 : i32
      %swap3A_204 = arith.index_cast %swap3A_203 : i32 to index
      %swap3A_205 = arith.constant 0 : index
      %swap3A_206 = tpu.vector_load %arg8[%swap3A_204, %swap3A_205] {strides = array<i32>} : memref<256x16xf32, #tpu.memory_space<vmem>>, vector<1x16xf32>,
      %swap3A_207 = vector.shape_cast %swap3A_206 : vector<1x16xf32> to vector<16xf32>
      %swap3A_208 = vector.shape_cast %broadcast_in_dim3A_17 : vector<16xf32> to vector<1x16xf32>
      tpu.vector_store %arg8[%swap3A_204, %swap3A_205], %swap3A_208 {strides = array<i32>} : memref<256x16xf32, #tpu.memory_space<vmem>>, vector<1x16xf32>,
      %swap3A_209 = arith.constant 32 : i32
      %swap3A_210 = arith.index_cast %swap3A_209 : i32 to index
      %swap3A_211 = arith.constant 0 : index
      %swap3A_212 = tpu.vector_load %arg8[%swap3A_210, %swap3A_211] {strides = array<i32>} : memref<256x16xf32, #tpu.memory_space<vmem>>, vector<1x16xf32>,
      %swap3A_213 = vector.shape_cast %swap3A_212 : vector<1x16xf32> to vector<16xf32>
      %swap3A_214 = vector.shape_cast %broadcast_in_dim3A_17 : vector<16xf32> to vector<1x16xf32>
      tpu.vector_store %arg8[%swap3A_210, %swap3A_211], %swap3A_214 {strides = array<i32>} : memref<256x16xf32, #tpu.memory_space<vmem>>, vector<1x16xf32>,
      %swap3A_215 = arith.constant 33 : i32
      %swap3A_216 = arith.index_cast %swap3A_215 : i32 to index
      %swap3A_217 = arith.constant 0 : index
      %swap3A_218 = tpu.vector_load %arg8[%swap3A_216, %swap3A_217] {strides = array<i32>} : memref<256x16xf32, #tpu.memory_space<vmem>>, vector<1x16xf32>,
      %swap3A_219 = vector.shape_cast %swap3A_218 : vector<1x16xf32> to vector<16xf32>
      %swap3A_220 = vector.shape_cast %broadcast_in_dim3A_17 : vector<16xf32> to vector<1x16xf32>
      tpu.vector_store %arg8[%swap3A_216, %swap3A_217], %swap3A_220 {strides = array<i32>} : memref<256x16xf32, #tpu.memory_space<vmem>>, vector<1x16xf32>,
      %swap3A_221 = arith.constant 34 : i32
      %swap3A_222 = arith.index_cast %swap3A_221 : i32 to index
      %swap3A_223 = arith.constant 0 : index
      %swap3A_224 = tpu.vector_load %arg8[%swap3A_222, %swap3A_223] {strides = array<i32>} : memref<256x16xf32, #tpu.memory_space<vmem>>, vector<1x16xf32>,
      %swap3A_225 = vector.shape_cast %swap3A_224 : vector<1x16xf32> to vector<16xf32>
      %swap3A_226 = vector.shape_cast %broadcast_in_dim3A_17 : vector<16xf32> to vector<1x16xf32>
      tpu.vector_store %arg8[%swap3A_222, %swap3A_223], %swap3A_226 {strides = array<i32>} : memref<256x16xf32, #tpu.memory_space<vmem>>, vector<1x16xf32>,
      %swap3A_227 = arith.constant 35 : i32
      %swap3A_228 = arith.index_cast %swap3A_227 : i32 to index
      %swap3A_229 = arith.constant 0 : index
      %swap3A_230 = tpu.vector_load %arg8[%swap3A_228, %swap3A_229] {strides = array<i32>} : memref<256x16xf32, #tpu.memory_space<vmem>>, vector<1x16xf32>,
      %swap3A_231 = vector.shape_cast %swap3A_230 : vector<1x16xf32> to vector<16xf32>
      %swap3A_232 = vector.shape_cast %broadcast_in_dim3A_17 : vector<16xf32> to vector<1x16xf32>
      tpu.vector_store %arg8[%swap3A_228, %swap3A_229], %swap3A_232 {strides = array<i32>} : memref<256x16xf32, #tpu.memory_space<vmem>>, vector<1x16xf32>,
      %swap3A_233 = arith.constant 36 : i32
      %swap3A_234 = arith.index_cast %swap3A_233 : i32 to index
      %swap3A_235 = arith.constant 0 : index
      %swap3A_236 = tpu.vector_load %arg8[%swap3A_234, %swap3A_235] {strides = array<i32>} : memref<256x16xf32, #tpu.memory_space<vmem>>, vector<1x16xf32>,
      %swap3A_237 = vector.shape_cast %swap3A_236 : vector<1x16xf32> to vector<16xf32>
      %swap3A_238 = vector.shape_cast %broadcast_in_dim3A_17 : vector<16xf32> to vector<1x16xf32>
      tpu.vector_store %arg8[%swap3A_234, %swap3A_235], %swap3A_238 {strides = array<i32>} : memref<256x16xf32, #tpu.memory_space<vmem>>, vector<1x16xf32>,
      %swap3A_239 = arith.constant 37 : i32
      %swap3A_240 = arith.index_cast %swap3A_239 : i32 to index
      %swap3A_241 = arith.constant 0 : index
      %swap3A_242 = tpu.vector_load %arg8[%swap3A_240, %swap3A_241] {strides = array<i32>} : memref<256x16xf32, #tpu.memory_space<vmem>>, vector<1x16xf32>,
      %swap3A_243 = vector.shape_cast %swap3A_242 : vector<1x16xf32> to vector<16xf32>
      %swap3A_244 = vector.shape_cast %broadcast_in_dim3A_17 : vector<16xf32> to vector<1x16xf32>
      tpu.vector_store %arg8[%swap3A_240, %swap3A_241], %swap3A_244 {strides = array<i32>} : memref<256x16xf32, #tpu.memory_space<vmem>>, vector<1x16xf32>,
      %swap3A_245 = arith.constant 38 : i32
      %swap3A_246 = arith.index_cast %swap3A_245 : i32 to index
      %swap3A_247 = arith.constant 0 : index
      %swap3A_248 = tpu.vector_load %arg8[%swap3A_246, %swap3A_247] {strides = array<i32>} : memref<256x16xf32, #tpu.memory_space<vmem>>, vector<1x16xf32>,
      %swap3A_249 = vector.shape_cast %swap3A_248 : vector<1x16xf32> to vector<16xf32>
      %swap3A_250 = vector.shape_cast %broadcast_in_dim3A_17 : vector<16xf32> to vector<1x16xf32>
      tpu.vector_store %arg8[%swap3A_246, %swap3A_247], %swap3A_250 {strides = array<i32>} : memref<256x16xf32, #tpu.memory_space<vmem>>, vector<1x16xf32>,
      %swap3A_251 = arith.constant 39 : i32
      %swap3A_252 = arith.index_cast %swap3A_251 : i32 to index
      %swap3A_253 = arith.constant 0 : index
      %swap3A_254 = tpu.vector_load %arg8[%swap3A_252, %swap3A_253] {strides = array<i32>} : memref<256x16xf32, #tpu.memory_space<vmem>>, vector<1x16xf32>,
      %swap3A_255 = vector.shape_cast %swap3A_254 : vector<1x16xf32> to vector<16xf32>
      %swap3A_256 = vector.shape_cast %broadcast_in_dim3A_17 : vector<16xf32> to vector<1x16xf32>
      tpu.vector_store %arg8[%swap3A_252, %swap3A_253], %swap3A_256 {strides = array<i32>} : memref<256x16xf32, #tpu.memory_space<vmem>>, vector<1x16xf32>,
      %swap3A_257 = arith.constant 40 : i32
      %swap3A_258 = arith.index_cast %swap3A_257 : i32 to index
      %swap3A_259 = arith.constant 0 : index
      %swap3A_260 = tpu.vector_load %arg8[%swap3A_258, %swap3A_259] {strides = array<i32>} : memref<256x16xf32, #tpu.memory_space<vmem>>, vector<1x16xf32>,
      %swap3A_261 = vector.shape_cast %swap3A_260 : vector<1x16xf32> to vector<16xf32>
      %swap3A_262 = vector.shape_cast %broadcast_in_dim3A_17 : vector<16xf32> to vector<1x16xf32>
      tpu.vector_store %arg8[%swap3A_258, %swap3A_259], %swap3A_262 {strides = array<i32>} : memref<256x16xf32, #tpu.memory_space<vmem>>, vector<1x16xf32>,
      %swap3A_263 = arith.constant 41 : i32
      %swap3A_264 = arith.index_cast %swap3A_263 : i32 to index
      %swap3A_265 = arith.constant 0 : index
      %swap3A_266 = tpu.vector_load %arg8[%swap3A_264, %swap3A_265] {strides = array<i32>} : memref<256x16xf32, #tpu.memory_space<vmem>>, vector<1x16xf32>,
      %swap3A_267 = vector.shape_cast %swap3A_266 : vector<1x16xf32> to vector<16xf32>
      %swap3A_268 = vector.shape_cast %broadcast_in_dim3A_17 : vector<16xf32> to vector<1x16xf32>
      tpu.vector_store %arg8[%swap3A_264, %swap3A_265], %swap3A_268 {strides = array<i32>} : memref<256x16xf32, #tpu.memory_space<vmem>>, vector<1x16xf32>,
      %swap3A_269 = arith.constant 42 : i32
      %swap3A_270 = arith.index_cast %swap3A_269 : i32 to index
      %swap3A_271 = arith.constant 0 : index
      %swap3A_272 = tpu.vector_load %arg8[%swap3A_270, %swap3A_271] {strides = array<i32>} : memref<256x16xf32, #tpu.memory_space<vmem>>, vector<1x16xf32>,
      %swap3A_273 = vector.shape_cast %swap3A_272 : vector<1x16xf32> to vector<16xf32>
      %swap3A_274 = vector.shape_cast %broadcast_in_dim3A_17 : vector<16xf32> to vector<1x16xf32>
      tpu.vector_store %arg8[%swap3A_270, %swap3A_271], %swap3A_274 {strides = array<i32>} : memref<256x16xf32, #tpu.memory_space<vmem>>, vector<1x16xf32>,
      %swap3A_275 = arith.constant 43 : i32
      %swap3A_276 = arith.index_cast %swap3A_275 : i32 to index
      %swap3A_277 = arith.constant 0 : index
      %swap3A_278 = tpu.vector_load %arg8[%swap3A_276, %swap3A_277] {strides = array<i32>} : memref<256x16xf32, #tpu.memory_space<vmem>>, vector<1x16xf32>,
      %swap3A_279 = vector.shape_cast %swap3A_278 : vector<1x16xf32> to vector<16xf32>
      %swap3A_280 = vector.shape_cast %broadcast_in_dim3A_17 : vector<16xf32> to vector<1x16xf32>
      tpu.vector_store %arg8[%swap3A_276, %swap3A_277], %swap3A_280 {strides = array<i32>} : memref<256x16xf32, #tpu.memory_space<vmem>>, vector<1x16xf32>,
      %swap3A_281 = arith.constant 44 : i32
      %swap3A_282 = arith.index_cast %swap3A_281 : i32 to index
      %swap3A_283 = arith.constant 0 : index
      %swap3A_284 = tpu.vector_load %arg8[%swap3A_282, %swap3A_283] {strides = array<i32>} : memref<256x16xf32, #tpu.memory_space<vmem>>, vector<1x16xf32>,
      %swap3A_285 = vector.shape_cast %swap3A_284 : vector<1x16xf32> to vector<16xf32>
      %swap3A_286 = vector.shape_cast %broadcast_in_dim3A_17 : vector<16xf32> to vector<1x16xf32>
      tpu.vector_store %arg8[%swap3A_282, %swap3A_283], %swap3A_286 {strides = array<i32>} : memref<256x16xf32, #tpu.memory_space<vmem>>, vector<1x16xf32>,
      %swap3A_287 = arith.constant 45 : i32
      %swap3A_288 = arith.index_cast %swap3A_287 : i32 to index
      %swap3A_289 = arith.constant 0 : index
      %swap3A_290 = tpu.vector_load %arg8[%swap3A_288, %swap3A_289] {strides = array<i32>} : memref<256x16xf32, #tpu.memory_space<vmem>>, vector<1x16xf32>,
      %swap3A_291 = vector.shape_cast %swap3A_290 : vector<1x16xf32> to vector<16xf32>
      %swap3A_292 = vector.shape_cast %broadcast_in_dim3A_17 : vector<16xf32> to vector<1x16xf32>
      tpu.vector_store %arg8[%swap3A_288, %swap3A_289], %swap3A_292 {strides = array<i32>} : memref<256x16xf32, #tpu.memory_space<vmem>>, vector<1x16xf32>,
      %swap3A_293 = arith.constant 46 : i32
      %swap3A_294 = arith.index_cast %swap3A_293 : i32 to index
      %swap3A_295 = arith.constant 0 : index
      %swap3A_296 = tpu.vector_load %arg8[%swap3A_294, %swap3A_295] {strides = array<i32>} : memref<256x16xf32, #tpu.memory_space<vmem>>, vector<1x16xf32>,
      %swap3A_297 = vector.shape_cast %swap3A_296 : vector<1x16xf32> to vector<16xf32>
      %swap3A_298 = vector.shape_cast %broadcast_in_dim3A_17 : vector<16xf32> to vector<1x16xf32>
      tpu.vector_store %arg8[%swap3A_294, %swap3A_295], %swap3A_298 {strides = array<i32>} : memref<256x16xf32, #tpu.memory_space<vmem>>, vector<1x16xf32>,
      %swap3A_299 = arith.constant 47 : i32
      %swap3A_300 = arith.index_cast %swap3A_299 : i32 to index
      %swap3A_301 = arith.constant 0 : index
      %swap3A_302 = tpu.vector_load %arg8[%swap3A_300, %swap3A_301] {strides = array<i32>} : memref<256x16xf32, #tpu.memory_space<vmem>>, vector<1x16xf32>,
      %swap3A_303 = vector.shape_cast %swap3A_302 : vector<1x16xf32> to vector<16xf32>
      %swap3A_304 = vector.shape_cast %broadcast_in_dim3A_17 : vector<16xf32> to vector<1x16xf32>
      tpu.vector_store %arg8[%swap3A_300, %swap3A_301], %swap3A_304 {strides = array<i32>} : memref<256x16xf32, #tpu.memory_space<vmem>>, vector<1x16xf32>,
      %swap3A_305 = arith.constant 48 : i32
      %swap3A_306 = arith.index_cast %swap3A_305 : i32 to index
      %swap3A_307 = arith.constant 0 : index
      %swap3A_308 = tpu.vector_load %arg8[%swap3A_306, %swap3A_307] {strides = array<i32>} : memref<256x16xf32, #tpu.memory_space<vmem>>, vector<1x16xf32>,
      %swap3A_309 = vector.shape_cast %swap3A_308 : vector<1x16xf32> to vector<16xf32>
      %swap3A_310 = vector.shape_cast %broadcast_in_dim3A_17 : vector<16xf32> to vector<1x16xf32>
      tpu.vector_store %arg8[%swap3A_306, %swap3A_307], %swap3A_310 {strides = array<i32>} : memref<256x16xf32, #tpu.memory_space<vmem>>, vector<1x16xf32>,
      %swap3A_311 = arith.constant 49 : i32
      %swap3A_312 = arith.index_cast %swap3A_311 : i32 to index
      %swap3A_313 = arith.constant 0 : index
      %swap3A_314 = tpu.vector_load %arg8[%swap3A_312, %swap3A_313] {strides = array<i32>} : memref<256x16xf32, #tpu.memory_space<vmem>>, vector<1x16xf32>,
      %swap3A_315 = vector.shape_cast %swap3A_314 : vector<1x16xf32> to vector<16xf32>
      %swap3A_316 = vector.shape_cast %broadcast_in_dim3A_17 : vector<16xf32> to vector<1x16xf32>
      tpu.vector_store %arg8[%swap3A_312, %swap3A_313], %swap3A_316 {strides = array<i32>} : memref<256x16xf32, #tpu.memory_space<vmem>>, vector<1x16xf32>,
      %swap3A_317 = arith.constant 50 : i32
      %swap3A_318 = arith.index_cast %swap3A_317 : i32 to index
      %swap3A_319 = arith.constant 0 : index
      %swap3A_320 = tpu.vector_load %arg8[%swap3A_318, %swap3A_319] {strides = array<i32>} : memref<256x16xf32, #tpu.memory_space<vmem>>, vector<1x16xf32>,
      %swap3A_321 = vector.shape_cast %swap3A_320 : vector<1x16xf32> to vector<16xf32>
      %swap3A_322 = vector.shape_cast %broadcast_in_dim3A_17 : vector<16xf32> to vector<1x16xf32>
      tpu.vector_store %arg8[%swap3A_318, %swap3A_319], %swap3A_322 {strides = array<i32>} : memref<256x16xf32, #tpu.memory_space<vmem>>, vector<1x16xf32>,
      %swap3A_323 = arith.constant 51 : i32
      %swap3A_324 = arith.index_cast %swap3A_323 : i32 to index
      %swap3A_325 = arith.constant 0 : index
      %swap3A_326 = tpu.vector_load %arg8[%swap3A_324, %swap3A_325] {strides = array<i32>} : memref<256x16xf32, #tpu.memory_space<vmem>>, vector<1x16xf32>,
      %swap3A_327 = vector.shape_cast %swap3A_326 : vector<1x16xf32> to vector<16xf32>
      %swap3A_328 = vector.shape_cast %broadcast_in_dim3A_17 : vector<16xf32> to vector<1x16xf32>
      tpu.vector_store %arg8[%swap3A_324, %swap3A_325], %swap3A_328 {strides = array<i32>} : memref<256x16xf32, #tpu.memory_space<vmem>>, vector<1x16xf32>,
      %swap3A_329 = arith.constant 52 : i32
      %swap3A_330 = arith.index_cast %swap3A_329 : i32 to index
      %swap3A_331 = arith.constant 0 : index
      %swap3A_332 = tpu.vector_load %arg8[%swap3A_330, %swap3A_331] {strides = array<i32>} : memref<256x16xf32, #tpu.memory_space<vmem>>, vector<1x16xf32>,
      %swap3A_333 = vector.shape_cast %swap3A_332 : vector<1x16xf32> to vector<16xf32>
      %swap3A_334 = vector.shape_cast %broadcast_in_dim3A_17 : vector<16xf32> to vector<1x16xf32>
      tpu.vector_store %arg8[%swap3A_330, %swap3A_331], %swap3A_334 {strides = array<i32>} : memref<256x16xf32, #tpu.memory_space<vmem>>, vector<1x16xf32>,
      %swap3A_335 = arith.constant 53 : i32
      %swap3A_336 = arith.index_cast %swap3A_335 : i32 to index
      %swap3A_337 = arith.constant 0 : index
      %swap3A_338 = tpu.vector_load %arg8[%swap3A_336, %swap3A_337] {strides = array<i32>} : memref<256x16xf32, #tpu.memory_space<vmem>>, vector<1x16xf32>,
      %swap3A_339 = vector.shape_cast %swap3A_338 : vector<1x16xf32> to vector<16xf32>
      %swap3A_340 = vector.shape_cast %broadcast_in_dim3A_17 : vector<16xf32> to vector<1x16xf32>
      tpu.vector_store %arg8[%swap3A_336, %swap3A_337], %swap3A_340 {strides = array<i32>} : memref<256x16xf32, #tpu.memory_space<vmem>>, vector<1x16xf32>,
      %swap3A_341 = arith.constant 54 : i32
      %swap3A_342 = arith.index_cast %swap3A_341 : i32 to index
      %swap3A_343 = arith.constant 0 : index
      %swap3A_344 = tpu.vector_load %arg8[%swap3A_342, %swap3A_343] {strides = array<i32>} : memref<256x16xf32, #tpu.memory_space<vmem>>, vector<1x16xf32>,
      %swap3A_345 = vector.shape_cast %swap3A_344 : vector<1x16xf32> to vector<16xf32>
      %swap3A_346 = vector.shape_cast %broadcast_in_dim3A_17 : vector<16xf32> to vector<1x16xf32>
      tpu.vector_store %arg8[%swap3A_342, %swap3A_343], %swap3A_346 {strides = array<i32>} : memref<256x16xf32, #tpu.memory_space<vmem>>, vector<1x16xf32>,
      %swap3A_347 = arith.constant 55 : i32
      %swap3A_348 = arith.index_cast %swap3A_347 : i32 to index
      %swap3A_349 = arith.constant 0 : index
      %swap3A_350 = tpu.vector_load %arg8[%swap3A_348, %swap3A_349] {strides = array<i32>} : memref<256x16xf32, #tpu.memory_space<vmem>>, vector<1x16xf32>,
      %swap3A_351 = vector.shape_cast %swap3A_350 : vector<1x16xf32> to vector<16xf32>
      %swap3A_352 = vector.shape_cast %broadcast_in_dim3A_17 : vector<16xf32> to vector<1x16xf32>
      tpu.vector_store %arg8[%swap3A_348, %swap3A_349], %swap3A_352 {strides = array<i32>} : memref<256x16xf32, #tpu.memory_space<vmem>>, vector<1x16xf32>,
      %swap3A_353 = arith.constant 56 : i32
      %swap3A_354 = arith.index_cast %swap3A_353 : i32 to index
      %swap3A_355 = arith.constant 0 : index
      %swap3A_356 = tpu.vector_load %arg8[%swap3A_354, %swap3A_355] {strides = array<i32>} : memref<256x16xf32, #tpu.memory_space<vmem>>, vector<1x16xf32>,
      %swap3A_357 = vector.shape_cast %swap3A_356 : vector<1x16xf32> to vector<16xf32>
      %swap3A_358 = vector.shape_cast %broadcast_in_dim3A_17 : vector<16xf32> to vector<1x16xf32>
      tpu.vector_store %arg8[%swap3A_354, %swap3A_355], %swap3A_358 {strides = array<i32>} : memref<256x16xf32, #tpu.memory_space<vmem>>, vector<1x16xf32>,
      %swap3A_359 = arith.constant 57 : i32
      %swap3A_360 = arith.index_cast %swap3A_359 : i32 to index
      %swap3A_361 = arith.constant 0 : index
      %swap3A_362 = tpu.vector_load %arg8[%swap3A_360, %swap3A_361] {strides = array<i32>} : memref<256x16xf32, #tpu.memory_space<vmem>>, vector<1x16xf32>,
      %swap3A_363 = vector.shape_cast %swap3A_362 : vector<1x16xf32> to vector<16xf32>
      %swap3A_364 = vector.shape_cast %broadcast_in_dim3A_17 : vector<16xf32> to vector<1x16xf32>
      tpu.vector_store %arg8[%swap3A_360, %swap3A_361], %swap3A_364 {strides = array<i32>} : memref<256x16xf32, #tpu.memory_space<vmem>>, vector<1x16xf32>,
      %swap3A_365 = arith.constant 58 : i32
      %swap3A_366 = arith.index_cast %swap3A_365 : i32 to index
      %swap3A_367 = arith.constant 0 : index
      %swap3A_368 = tpu.vector_load %arg8[%swap3A_366, %swap3A_367] {strides = array<i32>} : memref<256x16xf32, #tpu.memory_space<vmem>>, vector<1x16xf32>,
      %swap3A_369 = vector.shape_cast %swap3A_368 : vector<1x16xf32> to vector<16xf32>
      %swap3A_370 = vector.shape_cast %broadcast_in_dim3A_17 : vector<16xf32> to vector<1x16xf32>
      tpu.vector_store %arg8[%swap3A_366, %swap3A_367], %swap3A_370 {strides = array<i32>} : memref<256x16xf32, #tpu.memory_space<vmem>>, vector<1x16xf32>,
      %swap3A_371 = arith.constant 59 : i32
      %swap3A_372 = arith.index_cast %swap3A_371 : i32 to index
      %swap3A_373 = arith.constant 0 : index
      %swap3A_374 = tpu.vector_load %arg8[%swap3A_372, %swap3A_373] {strides = array<i32>} : memref<256x16xf32, #tpu.memory_space<vmem>>, vector<1x16xf32>,
      %swap3A_375 = vector.shape_cast %swap3A_374 : vector<1x16xf32> to vector<16xf32>
      %swap3A_376 = vector.shape_cast %broadcast_in_dim3A_17 : vector<16xf32> to vector<1x16xf32>
      tpu.vector_store %arg8[%swap3A_372, %swap3A_373], %swap3A_376 {strides = array<i32>} : memref<256x16xf32, #tpu.memory_space<vmem>>, vector<1x16xf32>,
      %swap3A_377 = arith.constant 60 : i32
      %swap3A_378 = arith.index_cast %swap3A_377 : i32 to index
      %swap3A_379 = arith.constant 0 : index
      %swap3A_380 = tpu.vector_load %arg8[%swap3A_378, %swap3A_379] {strides = array<i32>} : memref<256x16xf32, #tpu.memory_space<vmem>>, vector<1x16xf32>,
      %swap3A_381 = vector.shape_cast %swap3A_380 : vector<1x16xf32> to vector<16xf32>
      %swap3A_382 = vector.shape_cast %broadcast_in_dim3A_17 : vector<16xf32> to vector<1x16xf32>
      tpu.vector_store %arg8[%swap3A_378, %swap3A_379], %swap3A_382 {strides = array<i32>} : memref<256x16xf32, #tpu.memory_space<vmem>>, vector<1x16xf32>,
      %swap3A_383 = arith.constant 61 : i32
      %swap3A_384 = arith.index_cast %swap3A_383 : i32 to index
      %swap3A_385 = arith.constant 0 : index
      %swap3A_386 = tpu.vector_load %arg8[%swap3A_384, %swap3A_385] {strides = array<i32>} : memref<256x16xf32, #tpu.memory_space<vmem>>, vector<1x16xf32>,
      %swap3A_387 = vector.shape_cast %swap3A_386 : vector<1x16xf32> to vector<16xf32>
      %swap3A_388 = vector.shape_cast %broadcast_in_dim3A_17 : vector<16xf32> to vector<1x16xf32>
      tpu.vector_store %arg8[%swap3A_384, %swap3A_385], %swap3A_388 {strides = array<i32>} : memref<256x16xf32, #tpu.memory_space<vmem>>, vector<1x16xf32>,
      %swap3A_389 = arith.constant 62 : i32
      %swap3A_390 = arith.index_cast %swap3A_389 : i32 to index
      %swap3A_391 = arith.constant 0 : index
      %swap3A_392 = tpu.vector_load %arg8[%swap3A_390, %swap3A_391] {strides = array<i32>} : memref<256x16xf32, #tpu.memory_space<vmem>>, vector<1x16xf32>,
      %swap3A_393 = vector.shape_cast %swap3A_392 : vector<1x16xf32> to vector<16xf32>
      %swap3A_394 = vector.shape_cast %broadcast_in_dim3A_17 : vector<16xf32> to vector<1x16xf32>
      tpu.vector_store %arg8[%swap3A_390, %swap3A_391], %swap3A_394 {strides = array<i32>} : memref<256x16xf32, #tpu.memory_space<vmem>>, vector<1x16xf32>,
      %swap3A_395 = arith.constant 63 : i32
      %swap3A_396 = arith.index_cast %swap3A_395 : i32 to index
      %swap3A_397 = arith.constant 0 : index
      %swap3A_398 = tpu.vector_load %arg8[%swap3A_396, %swap3A_397] {strides = array<i32>} : memref<256x16xf32, #tpu.memory_space<vmem>>, vector<1x16xf32>,
      %swap3A_399 = vector.shape_cast %swap3A_398 : vector<1x16xf32> to vector<16xf32>
      %swap3A_400 = vector.shape_cast %broadcast_in_dim3A_17 : vector<16xf32> to vector<1x16xf32>
      tpu.vector_store %arg8[%swap3A_396, %swap3A_397], %swap3A_400 {strides = array<i32>} : memref<256x16xf32, #tpu.memory_space<vmem>>, vector<1x16xf32>,
      %swap3A_401 = arith.constant 64 : i32
      %swap3A_402 = arith.index_cast %swap3A_401 : i32 to index
      %swap3A_403 = arith.constant 0 : index
      %swap3A_404 = tpu.vector_load %arg8[%swap3A_402, %swap3A_403] {strides = array<i32>} : memref<256x16xf32, #tpu.memory_space<vmem>>, vector<1x16xf32>,
      %swap3A_405 = vector.shape_cast %swap3A_404 : vector<1x16xf32> to vector<16xf32>
      %swap3A_406 = vector.shape_cast %broadcast_in_dim3A_17 : vector<16xf32> to vector<1x16xf32>
      tpu.vector_store %arg8[%swap3A_402, %swap3A_403], %swap3A_406 {strides = array<i32>} : memref<256x16xf32, #tpu.memory_space<vmem>>, vector<1x16xf32>,
      %swap3A_407 = arith.constant 65 : i32
      %swap3A_408 = arith.index_cast %swap3A_407 : i32 to index
      %swap3A_409 = arith.constant 0 : index
      %swap3A_410 = tpu.vector_load %arg8[%swap3A_408, %swap3A_409] {strides = array<i32>} : memref<256x16xf32, #tpu.memory_space<vmem>>, vector<1x16xf32>,
      %swap3A_411 = vector.shape_cast %swap3A_410 : vector<1x16xf32> to vector<16xf32>
      %swap3A_412 = vector.shape_cast %broadcast_in_dim3A_17 : vector<16xf32> to vector<1x16xf32>
      tpu.vector_store %arg8[%swap3A_408, %swap3A_409], %swap3A_412 {strides = array<i32>} : memref<256x16xf32, #tpu.memory_space<vmem>>, vector<1x16xf32>,
      %swap3A_413 = arith.constant 66 : i32
      %swap3A_414 = arith.index_cast %swap3A_413 : i32 to index
      %swap3A_415 = arith.constant 0 : index
      %swap3A_416 = tpu.vector_load %arg8[%swap3A_414, %swap3A_415] {strides = array<i32>} : memref<256x16xf32, #tpu.memory_space<vmem>>, vector<1x16xf32>,
      %swap3A_417 = vector.shape_cast %swap3A_416 : vector<1x16xf32> to vector<16xf32>
      %swap3A_418 = vector.shape_cast %broadcast_in_dim3A_17 : vector<16xf32> to vector<1x16xf32>
      tpu.vector_store %arg8[%swap3A_414, %swap3A_415], %swap3A_418 {strides = array<i32>} : memref<256x16xf32, #tpu.memory_space<vmem>>, vector<1x16xf32>,
      %swap3A_419 = arith.constant 67 : i32
      %swap3A_420 = arith.index_cast %swap3A_419 : i32 to index
      %swap3A_421 = arith.constant 0 : index
      %swap3A_422 = tpu.vector_load %arg8[%swap3A_420, %swap3A_421] {strides = array<i32>} : memref<256x16xf32, #tpu.memory_space<vmem>>, vector<1x16xf32>,
      %swap3A_423 = vector.shape_cast %swap3A_422 : vector<1x16xf32> to vector<16xf32>
      %swap3A_424 = vector.shape_cast %broadcast_in_dim3A_17 : vector<16xf32> to vector<1x16xf32>
      tpu.vector_store %arg8[%swap3A_420, %swap3A_421], %swap3A_424 {strides = array<i32>} : memref<256x16xf32, #tpu.memory_space<vmem>>, vector<1x16xf32>,
      %swap3A_425 = arith.constant 68 : i32
      %swap3A_426 = arith.index_cast %swap3A_425 : i32 to index
      %swap3A_427 = arith.constant 0 : index
      %swap3A_428 = tpu.vector_load %arg8[%swap3A_426, %swap3A_427] {strides = array<i32>} : memref<256x16xf32, #tpu.memory_space<vmem>>, vector<1x16xf32>,
      %swap3A_429 = vector.shape_cast %swap3A_428 : vector<1x16xf32> to vector<16xf32>
      %swap3A_430 = vector.shape_cast %broadcast_in_dim3A_17 : vector<16xf32> to vector<1x16xf32>
      tpu.vector_store %arg8[%swap3A_426, %swap3A_427], %swap3A_430 {strides = array<i32>} : memref<256x16xf32, #tpu.memory_space<vmem>>, vector<1x16xf32>,
      %swap3A_431 = arith.constant 69 : i32
      %swap3A_432 = arith.index_cast %swap3A_431 : i32 to index
      %swap3A_433 = arith.constant 0 : index
      %swap3A_434 = tpu.vector_load %arg8[%swap3A_432, %swap3A_433] {strides = array<i32>} : memref<256x16xf32, #tpu.memory_space<vmem>>, vector<1x16xf32>,
      %swap3A_435 = vector.shape_cast %swap3A_434 : vector<1x16xf32> to vector<16xf32>
      %swap3A_436 = vector.shape_cast %broadcast_in_dim3A_17 : vector<16xf32> to vector<1x16xf32>
      tpu.vector_store %arg8[%swap3A_432, %swap3A_433], %swap3A_436 {strides = array<i32>} : memref<256x16xf32, #tpu.memory_space<vmem>>, vector<1x16xf32>,
      %swap3A_437 = arith.constant 70 : i32
      %swap3A_438 = arith.index_cast %swap3A_437 : i32 to index
      %swap3A_439 = arith.constant 0 : index
      %swap3A_440 = tpu.vector_load %arg8[%swap3A_438, %swap3A_439] {strides = array<i32>} : memref<256x16xf32, #tpu.memory_space<vmem>>, vector<1x16xf32>,
      %swap3A_441 = vector.shape_cast %swap3A_440 : vector<1x16xf32> to vector<16xf32>
      %swap3A_442 = vector.shape_cast %broadcast_in_dim3A_17 : vector<16xf32> to vector<1x16xf32>
      tpu.vector_store %arg8[%swap3A_438, %swap3A_439], %swap3A_442 {strides = array<i32>} : memref<256x16xf32, #tpu.memory_space<vmem>>, vector<1x16xf32>,
      %swap3A_443 = arith.constant 71 : i32
      %swap3A_444 = arith.index_cast %swap3A_443 : i32 to index
      %swap3A_445 = arith.constant 0 : index
      %swap3A_446 = tpu.vector_load %arg8[%swap3A_444, %swap3A_445] {strides = array<i32>} : memref<256x16xf32, #tpu.memory_space<vmem>>, vector<1x16xf32>,
      %swap3A_447 = vector.shape_cast %swap3A_446 : vector<1x16xf32> to vector<16xf32>
      %swap3A_448 = vector.shape_cast %broadcast_in_dim3A_17 : vector<16xf32> to vector<1x16xf32>
      tpu.vector_store %arg8[%swap3A_444, %swap3A_445], %swap3A_448 {strides = array<i32>} : memref<256x16xf32, #tpu.memory_space<vmem>>, vector<1x16xf32>,
      %swap3A_449 = arith.constant 72 : i32
      %swap3A_450 = arith.index_cast %swap3A_449 : i32 to index
      %swap3A_451 = arith.constant 0 : index
      %swap3A_452 = tpu.vector_load %arg8[%swap3A_450, %swap3A_451] {strides = array<i32>} : memref<256x16xf32, #tpu.memory_space<vmem>>, vector<1x16xf32>,
      %swap3A_453 = vector.shape_cast %swap3A_452 : vector<1x16xf32> to vector<16xf32>
      %swap3A_454 = vector.shape_cast %broadcast_in_dim3A_17 : vector<16xf32> to vector<1x16xf32>
      tpu.vector_store %arg8[%swap3A_450, %swap3A_451], %swap3A_454 {strides = array<i32>} : memref<256x16xf32, #tpu.memory_space<vmem>>, vector<1x16xf32>,
      %swap3A_455 = arith.constant 73 : i32
      %swap3A_456 = arith.index_cast %swap3A_455 : i32 to index
      %swap3A_457 = arith.constant 0 : index
      %swap3A_458 = tpu.vector_load %arg8[%swap3A_456, %swap3A_457] {strides = array<i32>} : memref<256x16xf32, #tpu.memory_space<vmem>>, vector<1x16xf32>,
      %swap3A_459 = vector.shape_cast %swap3A_458 : vector<1x16xf32> to vector<16xf32>
      %swap3A_460 = vector.shape_cast %broadcast_in_dim3A_17 : vector<16xf32> to vector<1x16xf32>
      tpu.vector_store %arg8[%swap3A_456, %swap3A_457], %swap3A_460 {strides = array<i32>} : memref<256x16xf32, #tpu.memory_space<vmem>>, vector<1x16xf32>,
      %swap3A_461 = arith.constant 74 : i32
      %swap3A_462 = arith.index_cast %swap3A_461 : i32 to index
      %swap3A_463 = arith.constant 0 : index
      %swap3A_464 = tpu.vector_load %arg8[%swap3A_462, %swap3A_463] {strides = array<i32>} : memref<256x16xf32, #tpu.memory_space<vmem>>, vector<1x16xf32>,
      %swap3A_465 = vector.shape_cast %swap3A_464 : vector<1x16xf32> to vector<16xf32>
      %swap3A_466 = vector.shape_cast %broadcast_in_dim3A_17 : vector<16xf32> to vector<1x16xf32>
      tpu.vector_store %arg8[%swap3A_462, %swap3A_463], %swap3A_466 {strides = array<i32>} : memref<256x16xf32, #tpu.memory_space<vmem>>, vector<1x16xf32>,
      %swap3A_467 = arith.constant 75 : i32
      %swap3A_468 = arith.index_cast %swap3A_467 : i32 to index
      %swap3A_469 = arith.constant 0 : index
      %swap3A_470 = tpu.vector_load %arg8[%swap3A_468, %swap3A_469] {strides = array<i32>} : memref<256x16xf32, #tpu.memory_space<vmem>>, vector<1x16xf32>,
      %swap3A_471 = vector.shape_cast %swap3A_470 : vector<1x16xf32> to vector<16xf32>
      %swap3A_472 = vector.shape_cast %broadcast_in_dim3A_17 : vector<16xf32> to vector<1x16xf32>
      tpu.vector_store %arg8[%swap3A_468, %swap3A_469], %swap3A_472 {strides = array<i32>} : memref<256x16xf32, #tpu.memory_space<vmem>>, vector<1x16xf32>,
      %swap3A_473 = arith.constant 76 : i32
      %swap3A_474 = arith.index_cast %swap3A_473 : i32 to index
      %swap3A_475 = arith.constant 0 : index
      %swap3A_476 = tpu.vector_load %arg8[%swap3A_474, %swap3A_475] {strides = array<i32>} : memref<256x16xf32, #tpu.memory_space<vmem>>, vector<1x16xf32>,
      %swap3A_477 = vector.shape_cast %swap3A_476 : vector<1x16xf32> to vector<16xf32>
      %swap3A_478 = vector.shape_cast %broadcast_in_dim3A_17 : vector<16xf32> to vector<1x16xf32>
      tpu.vector_store %arg8[%swap3A_474, %swap3A_475], %swap3A_478 {strides = array<i32>} : memref<256x16xf32, #tpu.memory_space<vmem>>, vector<1x16xf32>,
      %swap3A_479 = arith.constant 77 : i32
      %swap3A_480 = arith.index_cast %swap3A_479 : i32 to index
      %swap3A_481 = arith.constant 0 : index
      %swap3A_482 = tpu.vector_load %arg8[%swap3A_480, %swap3A_481] {strides = array<i32>} : memref<256x16xf32, #tpu.memory_space<vmem>>, vector<1x16xf32>,
      %swap3A_483 = vector.shape_cast %swap3A_482 : vector<1x16xf32> to vector<16xf32>
      %swap3A_484 = vector.shape_cast %broadcast_in_dim3A_17 : vector<16xf32> to vector<1x16xf32>
      tpu.vector_store %arg8[%swap3A_480, %swap3A_481], %swap3A_484 {strides = array<i32>} : memref<256x16xf32, #tpu.memory_space<vmem>>, vector<1x16xf32>,
      %swap3A_485 = arith.constant 78 : i32
      %swap3A_486 = arith.index_cast %swap3A_485 : i32 to index
      %swap3A_487 = arith.constant 0 : index
      %swap3A_488 = tpu.vector_load %arg8[%swap3A_486, %swap3A_487] {strides = array<i32>} : memref<256x16xf32, #tpu.memory_space<vmem>>, vector<1x16xf32>,
      %swap3A_489 = vector.shape_cast %swap3A_488 : vector<1x16xf32> to vector<16xf32>
      %swap3A_490 = vector.shape_cast %broadcast_in_dim3A_17 : vector<16xf32> to vector<1x16xf32>
      tpu.vector_store %arg8[%swap3A_486, %swap3A_487], %swap3A_490 {strides = array<i32>} : memref<256x16xf32, #tpu.memory_space<vmem>>, vector<1x16xf32>,
      %swap3A_491 = arith.constant 79 : i32
      %swap3A_492 = arith.index_cast %swap3A_491 : i32 to index
      %swap3A_493 = arith.constant 0 : index
      %swap3A_494 = tpu.vector_load %arg8[%swap3A_492, %swap3A_493] {strides = array<i32>} : memref<256x16xf32, #tpu.memory_space<vmem>>, vector<1x16xf32>,
      %swap3A_495 = vector.shape_cast %swap3A_494 : vector<1x16xf32> to vector<16xf32>
      %swap3A_496 = vector.shape_cast %broadcast_in_dim3A_17 : vector<16xf32> to vector<1x16xf32>
      tpu.vector_store %arg8[%swap3A_492, %swap3A_493], %swap3A_496 {strides = array<i32>} : memref<256x16xf32, #tpu.memory_space<vmem>>, vector<1x16xf32>,
      %swap3A_497 = arith.constant 80 : i32
      %swap3A_498 = arith.index_cast %swap3A_497 : i32 to index
      %swap3A_499 = arith.constant 0 : index
      %swap3A_500 = tpu.vector_load %arg8[%swap3A_498, %swap3A_499] {strides = array<i32>} : memref<256x16xf32, #tpu.memory_space<vmem>>, vector<1x16xf32>,
      %swap3A_501 = vector.shape_cast %swap3A_500 : vector<1x16xf32> to vector<16xf32>
      %swap3A_502 = vector.shape_cast %broadcast_in_dim3A_17 : vector<16xf32> to vector<1x16xf32>
      tpu.vector_store %arg8[%swap3A_498, %swap3A_499], %swap3A_502 {strides = array<i32>} : memref<256x16xf32, #tpu.memory_space<vmem>>, vector<1x16xf32>,
      %swap3A_503 = arith.constant 81 : i32
      %swap3A_504 = arith.index_cast %swap3A_503 : i32 to index
      %swap3A_505 = arith.constant 0 : index
      %swap3A_506 = tpu.vector_load %arg8[%swap3A_504, %swap3A_505] {strides = array<i32>} : memref<256x16xf32, #tpu.memory_space<vmem>>, vector<1x16xf32>,
      %swap3A_507 = vector.shape_cast %swap3A_506 : vector<1x16xf32> to vector<16xf32>
      %swap3A_508 = vector.shape_cast %broadcast_in_dim3A_17 : vector<16xf32> to vector<1x16xf32>
      tpu.vector_store %arg8[%swap3A_504, %swap3A_505], %swap3A_508 {strides = array<i32>} : memref<256x16xf32, #tpu.memory_space<vmem>>, vector<1x16xf32>,
      %swap3A_509 = arith.constant 82 : i32
      %swap3A_510 = arith.index_cast %swap3A_509 : i32 to index
      %swap3A_511 = arith.constant 0 : index
      %swap3A_512 = tpu.vector_load %arg8[%swap3A_510, %swap3A_511] {strides = array<i32>} : memref<256x16xf32, #tpu.memory_space<vmem>>, vector<1x16xf32>,
      %swap3A_513 = vector.shape_cast %swap3A_512 : vector<1x16xf32> to vector<16xf32>
      %swap3A_514 = vector.shape_cast %broadcast_in_dim3A_17 : vector<16xf32> to vector<1x16xf32>
      tpu.vector_store %arg8[%swap3A_510, %swap3A_511], %swap3A_514 {strides = array<i32>} : memref<256x16xf32, #tpu.memory_space<vmem>>, vector<1x16xf32>,
      %swap3A_515 = arith.constant 83 : i32
      %swap3A_516 = arith.index_cast %swap3A_515 : i32 to index
      %swap3A_517 = arith.constant 0 : index
      %swap3A_518 = tpu.vector_load %arg8[%swap3A_516, %swap3A_517] {strides = array<i32>} : memref<256x16xf32, #tpu.memory_space<vmem>>, vector<1x16xf32>,
      %swap3A_519 = vector.shape_cast %swap3A_518 : vector<1x16xf32> to vector<16xf32>
      %swap3A_520 = vector.shape_cast %broadcast_in_dim3A_17 : vector<16xf32> to vector<1x16xf32>
      tpu.vector_store %arg8[%swap3A_516, %swap3A_517], %swap3A_520 {strides = array<i32>} : memref<256x16xf32, #tpu.memory_space<vmem>>, vector<1x16xf32>,
      %swap3A_521 = arith.constant 84 : i32
      %swap3A_522 = arith.index_cast %swap3A_521 : i32 to index
      %swap3A_523 = arith.constant 0 : index
      %swap3A_524 = tpu.vector_load %arg8[%swap3A_522, %swap3A_523] {strides = array<i32>} : memref<256x16xf32, #tpu.memory_space<vmem>>, vector<1x16xf32>,
      %swap3A_525 = vector.shape_cast %swap3A_524 : vector<1x16xf32> to vector<16xf32>
      %swap3A_526 = vector.shape_cast %broadcast_in_dim3A_17 : vector<16xf32> to vector<1x16xf32>
      tpu.vector_store %arg8[%swap3A_522, %swap3A_523], %swap3A_526 {strides = array<i32>} : memref<256x16xf32, #tpu.memory_space<vmem>>, vector<1x16xf32>,
      %swap3A_527 = arith.constant 85 : i32
      %swap3A_528 = arith.index_cast %swap3A_527 : i32 to index
      %swap3A_529 = arith.constant 0 : index
      %swap3A_530 = tpu.vector_load %arg8[%swap3A_528, %swap3A_529] {strides = array<i32>} : memref<256x16xf32, #tpu.memory_space<vmem>>, vector<1x16xf32>,
      %swap3A_531 = vector.shape_cast %swap3A_530 : vector<1x16xf32> to vector<16xf32>
      %swap3A_532 = vector.shape_cast %broadcast_in_dim3A_17 : vector<16xf32> to vector<1x16xf32>
      tpu.vector_store %arg8[%swap3A_528, %swap3A_529], %swap3A_532 {strides = array<i32>} : memref<256x16xf32, #tpu.memory_space<vmem>>, vector<1x16xf32>,
      %swap3A_533 = arith.constant 86 : i32
      %swap3A_534 = arith.index_cast %swap3A_533 : i32 to index
      %swap3A_535 = arith.constant 0 : index
      %swap3A_536 = tpu.vector_load %arg8[%swap3A_534, %swap3A_535] {strides = array<i32>} : memref<256x16xf32, #tpu.memory_space<vmem>>, vector<1x16xf32>,
      %swap3A_537 = vector.shape_cast %swap3A_536 : vector<1x16xf32> to vector<16xf32>
      %swap3A_538 = vector.shape_cast %broadcast_in_dim3A_17 : vector<16xf32> to vector<1x16xf32>
      tpu.vector_store %arg8[%swap3A_534, %swap3A_535], %swap3A_538 {strides = array<i32>} : memref<256x16xf32, #tpu.memory_space<vmem>>, vector<1x16xf32>,
      %swap3A_539 = arith.constant 87 : i32
      %swap3A_540 = arith.index_cast %swap3A_539 : i32 to index
      %swap3A_541 = arith.constant 0 : index
      %swap3A_542 = tpu.vector_load %arg8[%swap3A_540, %swap3A_541] {strides = array<i32>} : memref<256x16xf32, #tpu.memory_space<vmem>>, vector<1x16xf32>,
      %swap3A_543 = vector.shape_cast %swap3A_542 : vector<1x16xf32> to vector<16xf32>
      %swap3A_544 = vector.shape_cast %broadcast_in_dim3A_17 : vector<16xf32> to vector<1x16xf32>
      tpu.vector_store %arg8[%swap3A_540, %swap3A_541], %swap3A_544 {strides = array<i32>} : memref<256x16xf32, #tpu.memory_space<vmem>>, vector<1x16xf32>,
      %swap3A_545 = arith.constant 88 : i32
      %swap3A_546 = arith.index_cast %swap3A_545 : i32 to index
      %swap3A_547 = arith.constant 0 : index
      %swap3A_548 = tpu.vector_load %arg8[%swap3A_546, %swap3A_547] {strides = array<i32>} : memref<256x16xf32, #tpu.memory_space<vmem>>, vector<1x16xf32>,
      %swap3A_549 = vector.shape_cast %swap3A_548 : vector<1x16xf32> to vector<16xf32>
      %swap3A_550 = vector.shape_cast %broadcast_in_dim3A_17 : vector<16xf32> to vector<1x16xf32>
      tpu.vector_store %arg8[%swap3A_546, %swap3A_547], %swap3A_550 {strides = array<i32>} : memref<256x16xf32, #tpu.memory_space<vmem>>, vector<1x16xf32>,
      %swap3A_551 = arith.constant 89 : i32
      %swap3A_552 = arith.index_cast %swap3A_551 : i32 to index
      %swap3A_553 = arith.constant 0 : index
      %swap3A_554 = tpu.vector_load %arg8[%swap3A_552, %swap3A_553] {strides = array<i32>} : memref<256x16xf32, #tpu.memory_space<vmem>>, vector<1x16xf32>,
      %swap3A_555 = vector.shape_cast %swap3A_554 : vector<1x16xf32> to vector<16xf32>
      %swap3A_556 = vector.shape_cast %broadcast_in_dim3A_17 : vector<16xf32> to vector<1x16xf32>
      tpu.vector_store %arg8[%swap3A_552, %swap3A_553], %swap3A_556 {strides = array<i32>} : memref<256x16xf32, #tpu.memory_space<vmem>>, vector<1x16xf32>,
      %swap3A_557 = arith.constant 90 : i32
      %swap3A_558 = arith.index_cast %swap3A_557 : i32 to index
      %swap3A_559 = arith.constant 0 : index
      %swap3A_560 = tpu.vector_load %arg8[%swap3A_558, %swap3A_559] {strides = array<i32>} : memref<256x16xf32, #tpu.memory_space<vmem>>, vector<1x16xf32>,
      %swap3A_561 = vector.shape_cast %swap3A_560 : vector<1x16xf32> to vector<16xf32>
      %swap3A_562 = vector.shape_cast %broadcast_in_dim3A_17 : vector<16xf32> to vector<1x16xf32>
      tpu.vector_store %arg8[%swap3A_558, %swap3A_559], %swap3A_562 {strides = array<i32>} : memref<256x16xf32, #tpu.memory_space<vmem>>, vector<1x16xf32>,
      %swap3A_563 = arith.constant 91 : i32
      %swap3A_564 = arith.index_cast %swap3A_563 : i32 to index
      %swap3A_565 = arith.constant 0 : index
      %swap3A_566 = tpu.vector_load %arg8[%swap3A_564, %swap3A_565] {strides = array<i32>} : memref<256x16xf32, #tpu.memory_space<vmem>>, vector<1x16xf32>,
      %swap3A_567 = vector.shape_cast %swap3A_566 : vector<1x16xf32> to vector<16xf32>
      %swap3A_568 = vector.shape_cast %broadcast_in_dim3A_17 : vector<16xf32> to vector<1x16xf32>
      tpu.vector_store %arg8[%swap3A_564, %swap3A_565], %swap3A_568 {strides = array<i32>} : memref<256x16xf32, #tpu.memory_space<vmem>>, vector<1x16xf32>,
      %swap3A_569 = arith.constant 92 : i32
      %swap3A_570 = arith.index_cast %swap3A_569 : i32 to index
      %swap3A_571 = arith.constant 0 : index
      %swap3A_572 = tpu.vector_load %arg8[%swap3A_570, %swap3A_571] {strides = array<i32>} : memref<256x16xf32, #tpu.memory_space<vmem>>, vector<1x16xf32>,
      %swap3A_573 = vector.shape_cast %swap3A_572 : vector<1x16xf32> to vector<16xf32>
      %swap3A_574 = vector.shape_cast %broadcast_in_dim3A_17 : vector<16xf32> to vector<1x16xf32>
      tpu.vector_store %arg8[%swap3A_570, %swap3A_571], %swap3A_574 {strides = array<i32>} : memref<256x16xf32, #tpu.memory_space<vmem>>, vector<1x16xf32>,
      %swap3A_575 = arith.constant 93 : i32
      %swap3A_576 = arith.index_cast %swap3A_575 : i32 to index
      %swap3A_577 = arith.constant 0 : index
      %swap3A_578 = tpu.vector_load %arg8[%swap3A_576, %swap3A_577] {strides = array<i32>} : memref<256x16xf32, #tpu.memory_space<vmem>>, vector<1x16xf32>,
      %swap3A_579 = vector.shape_cast %swap3A_578 : vector<1x16xf32> to vector<16xf32>
      %swap3A_580 = vector.shape_cast %broadcast_in_dim3A_17 : vector<16xf32> to vector<1x16xf32>
      tpu.vector_store %arg8[%swap3A_576, %swap3A_577], %swap3A_580 {strides = array<i32>} : memref<256x16xf32, #tpu.memory_space<vmem>>, vector<1x16xf32>,
      %swap3A_581 = arith.constant 94 : i32
      %swap3A_582 = arith.index_cast %swap3A_581 : i32 to index
      %swap3A_583 = arith.constant 0 : index
      %swap3A_584 = tpu.vector_load %arg8[%swap3A_582, %swap3A_583] {strides = array<i32>} : memref<256x16xf32, #tpu.memory_space<vmem>>, vector<1x16xf32>,
      %swap3A_585 = vector.shape_cast %swap3A_584 : vector<1x16xf32> to vector<16xf32>
      %swap3A_586 = vector.shape_cast %broadcast_in_dim3A_17 : vector<16xf32> to vector<1x16xf32>
      tpu.vector_store %arg8[%swap3A_582, %swap3A_583], %swap3A_586 {strides = array<i32>} : memref<256x16xf32, #tpu.memory_space<vmem>>, vector<1x16xf32>,
      %swap3A_587 = arith.constant 95 : i32
      %swap3A_588 = arith.index_cast %swap3A_587 : i32 to index
      %swap3A_589 = arith.constant 0 : index
      %swap3A_590 = tpu.vector_load %arg8[%swap3A_588, %swap3A_589] {strides = array<i32>} : memref<256x16xf32, #tpu.memory_space<vmem>>, vector<1x16xf32>,
      %swap3A_591 = vector.shape_cast %swap3A_590 : vector<1x16xf32> to vector<16xf32>
      %swap3A_592 = vector.shape_cast %broadcast_in_dim3A_17 : vector<16xf32> to vector<1x16xf32>
      tpu.vector_store %arg8[%swap3A_588, %swap3A_589], %swap3A_592 {strides = array<i32>} : memref<256x16xf32, #tpu.memory_space<vmem>>, vector<1x16xf32>,
      %swap3A_593 = arith.constant 96 : i32
      %swap3A_594 = arith.index_cast %swap3A_593 : i32 to index
      %swap3A_595 = arith.constant 0 : index
      %swap3A_596 = tpu.vector_load %arg8[%swap3A_594, %swap3A_595] {strides = array<i32>} : memref<256x16xf32, #tpu.memory_space<vmem>>, vector<1x16xf32>,
      %swap3A_597 = vector.shape_cast %swap3A_596 : vector<1x16xf32> to vector<16xf32>
      %swap3A_598 = vector.shape_cast %broadcast_in_dim3A_17 : vector<16xf32> to vector<1x16xf32>
      tpu.vector_store %arg8[%swap3A_594, %swap3A_595], %swap3A_598 {strides = array<i32>} : memref<256x16xf32, #tpu.memory_space<vmem>>, vector<1x16xf32>,
      %swap3A_599 = arith.constant 97 : i32
      %swap3A_600 = arith.index_cast %swap3A_599 : i32 to index
      %swap3A_601 = arith.constant 0 : index
      %swap3A_602 = tpu.vector_load %arg8[%swap3A_600, %swap3A_601] {strides = array<i32>} : memref<256x16xf32, #tpu.memory_space<vmem>>, vector<1x16xf32>,
      %swap3A_603 = vector.shape_cast %swap3A_602 : vector<1x16xf32> to vector<16xf32>
      %swap3A_604 = vector.shape_cast %broadcast_in_dim3A_17 : vector<16xf32> to vector<1x16xf32>
      tpu.vector_store %arg8[%swap3A_600, %swap3A_601], %swap3A_604 {strides = array<i32>} : memref<256x16xf32, #tpu.memory_space<vmem>>, vector<1x16xf32>,
      %swap3A_605 = arith.constant 98 : i32
      %swap3A_606 = arith.index_cast %swap3A_605 : i32 to index
      %swap3A_607 = arith.constant 0 : index
      %swap3A_608 = tpu.vector_load %arg8[%swap3A_606, %swap3A_607] {strides = array<i32>} : memref<256x16xf32, #tpu.memory_space<vmem>>, vector<1x16xf32>,
      %swap3A_609 = vector.shape_cast %swap3A_608 : vector<1x16xf32> to vector<16xf32>
      %swap3A_610 = vector.shape_cast %broadcast_in_dim3A_17 : vector<16xf32> to vector<1x16xf32>
      tpu.vector_store %arg8[%swap3A_606, %swap3A_607], %swap3A_610 {strides = array<i32>} : memref<256x16xf32, #tpu.memory_space<vmem>>, vector<1x16xf32>,
      %swap3A_611 = arith.constant 99 : i32
      %swap3A_612 = arith.index_cast %swap3A_611 : i32 to index
      %swap3A_613 = arith.constant 0 : index
      %swap3A_614 = tpu.vector_load %arg8[%swap3A_612, %swap3A_613] {strides = array<i32>} : memref<256x16xf32, #tpu.memory_space<vmem>>, vector<1x16xf32>,
      %swap3A_615 = vector.shape_cast %swap3A_614 : vector<1x16xf32> to vector<16xf32>
      %swap3A_616 = vector.shape_cast %broadcast_in_dim3A_17 : vector<16xf32> to vector<1x16xf32>
      tpu.vector_store %arg8[%swap3A_612, %swap3A_613], %swap3A_616 {strides = array<i32>} : memref<256x16xf32, #tpu.memory_space<vmem>>, vector<1x16xf32>,
      %swap3A_617 = arith.constant 100 : i32
      %swap3A_618 = arith.index_cast %swap3A_617 : i32 to index
      %swap3A_619 = arith.constant 0 : index
      %swap3A_620 = tpu.vector_load %arg8[%swap3A_618, %swap3A_619] {strides = array<i32>} : memref<256x16xf32, #tpu.memory_space<vmem>>, vector<1x16xf32>,
      %swap3A_621 = vector.shape_cast %swap3A_620 : vector<1x16xf32> to vector<16xf32>
      %swap3A_622 = vector.shape_cast %broadcast_in_dim3A_17 : vector<16xf32> to vector<1x16xf32>
      tpu.vector_store %arg8[%swap3A_618, %swap3A_619], %swap3A_622 {strides = array<i32>} : memref<256x16xf32, #tpu.memory_space<vmem>>, vector<1x16xf32>,
      %swap3A_623 = arith.constant 101 : i32
      %swap3A_624 = arith.index_cast %swap3A_623 : i32 to index
      %swap3A_625 = arith.constant 0 : index
      %swap3A_626 = tpu.vector_load %arg8[%swap3A_624, %swap3A_625] {strides = array<i32>} : memref<256x16xf32, #tpu.memory_space<vmem>>, vector<1x16xf32>,
      %swap3A_627 = vector.shape_cast %swap3A_626 : vector<1x16xf32> to vector<16xf32>
      %swap3A_628 = vector.shape_cast %broadcast_in_dim3A_17 : vector<16xf32> to vector<1x16xf32>
      tpu.vector_store %arg8[%swap3A_624, %swap3A_625], %swap3A_628 {strides = array<i32>} : memref<256x16xf32, #tpu.memory_space<vmem>>, vector<1x16xf32>,
      %swap3A_629 = arith.constant 102 : i32
      %swap3A_630 = arith.index_cast %swap3A_629 : i32 to index
      %swap3A_631 = arith.constant 0 : index
      %swap3A_632 = tpu.vector_load %arg8[%swap3A_630, %swap3A_631] {strides = array<i32>} : memref<256x16xf32, #tpu.memory_space<vmem>>, vector<1x16xf32>,
      %swap3A_633 = vector.shape_cast %swap3A_632 : vector<1x16xf32> to vector<16xf32>
      %swap3A_634 = vector.shape_cast %broadcast_in_dim3A_17 : vector<16xf32> to vector<1x16xf32>
      tpu.vector_store %arg8[%swap3A_630, %swap3A_631], %swap3A_634 {strides = array<i32>} : memref<256x16xf32, #tpu.memory_space<vmem>>, vector<1x16xf32>,
      %swap3A_635 = arith.constant 103 : i32
      %swap3A_636 = arith.index_cast %swap3A_635 : i32 to index
      %swap3A_637 = arith.constant 0 : index
      %swap3A_638 = tpu.vector_load %arg8[%swap3A_636, %swap3A_637] {strides = array<i32>} : memref<256x16xf32, #tpu.memory_space<vmem>>, vector<1x16xf32>,
      %swap3A_639 = vector.shape_cast %swap3A_638 : vector<1x16xf32> to vector<16xf32>
      %swap3A_640 = vector.shape_cast %broadcast_in_dim3A_17 : vector<16xf32> to vector<1x16xf32>
      tpu.vector_store %arg8[%swap3A_636, %swap3A_637], %swap3A_640 {strides = array<i32>} : memref<256x16xf32, #tpu.memory_space<vmem>>, vector<1x16xf32>,
      %swap3A_641 = arith.constant 104 : i32
      %swap3A_642 = arith.index_cast %swap3A_641 : i32 to index
      %swap3A_643 = arith.constant 0 : index
      %swap3A_644 = tpu.vector_load %arg8[%swap3A_642, %swap3A_643] {strides = array<i32>} : memref<256x16xf32, #tpu.memory_space<vmem>>, vector<1x16xf32>,
      %swap3A_645 = vector.shape_cast %swap3A_644 : vector<1x16xf32> to vector<16xf32>
      %swap3A_646 = vector.shape_cast %broadcast_in_dim3A_17 : vector<16xf32> to vector<1x16xf32>
      tpu.vector_store %arg8[%swap3A_642, %swap3A_643], %swap3A_646 {strides = array<i32>} : memref<256x16xf32, #tpu.memory_space<vmem>>, vector<1x16xf32>,
      %swap3A_647 = arith.constant 105 : i32
      %swap3A_648 = arith.index_cast %swap3A_647 : i32 to index
      %swap3A_649 = arith.constant 0 : index
      %swap3A_650 = tpu.vector_load %arg8[%swap3A_648, %swap3A_649] {strides = array<i32>} : memref<256x16xf32, #tpu.memory_space<vmem>>, vector<1x16xf32>,
      %swap3A_651 = vector.shape_cast %swap3A_650 : vector<1x16xf32> to vector<16xf32>
      %swap3A_652 = vector.shape_cast %broadcast_in_dim3A_17 : vector<16xf32> to vector<1x16xf32>
      tpu.vector_store %arg8[%swap3A_648, %swap3A_649], %swap3A_652 {strides = array<i32>} : memref<256x16xf32, #tpu.memory_space<vmem>>, vector<1x16xf32>,
      %swap3A_653 = arith.constant 106 : i32
      %swap3A_654 = arith.index_cast %swap3A_653 : i32 to index
      %swap3A_655 = arith.constant 0 : index
      %swap3A_656 = tpu.vector_load %arg8[%swap3A_654, %swap3A_655] {strides = array<i32>} : memref<256x16xf32, #tpu.memory_space<vmem>>, vector<1x16xf32>,
      %swap3A_657 = vector.shape_cast %swap3A_656 : vector<1x16xf32> to vector<16xf32>
      %swap3A_658 = vector.shape_cast %broadcast_in_dim3A_17 : vector<16xf32> to vector<1x16xf32>
      tpu.vector_store %arg8[%swap3A_654, %swap3A_655], %swap3A_658 {strides = array<i32>} : memref<256x16xf32, #tpu.memory_space<vmem>>, vector<1x16xf32>,
      %swap3A_659 = arith.constant 107 : i32
      %swap3A_660 = arith.index_cast %swap3A_659 : i32 to index
      %swap3A_661 = arith.constant 0 : index
      %swap3A_662 = tpu.vector_load %arg8[%swap3A_660, %swap3A_661] {strides = array<i32>} : memref<256x16xf32, #tpu.memory_space<vmem>>, vector<1x16xf32>,
      %swap3A_663 = vector.shape_cast %swap3A_662 : vector<1x16xf32> to vector<16xf32>
      %swap3A_664 = vector.shape_cast %broadcast_in_dim3A_17 : vector<16xf32> to vector<1x16xf32>
      tpu.vector_store %arg8[%swap3A_660, %swap3A_661], %swap3A_664 {strides = array<i32>} : memref<256x16xf32, #tpu.memory_space<vmem>>, vector<1x16xf32>,
      %swap3A_665 = arith.constant 108 : i32
      %swap3A_666 = arith.index_cast %swap3A_665 : i32 to index
      %swap3A_667 = arith.constant 0 : index
      %swap3A_668 = tpu.vector_load %arg8[%swap3A_666, %swap3A_667] {strides = array<i32>} : memref<256x16xf32, #tpu.memory_space<vmem>>, vector<1x16xf32>,
      %swap3A_669 = vector.shape_cast %swap3A_668 : vector<1x16xf32> to vector<16xf32>
      %swap3A_670 = vector.shape_cast %broadcast_in_dim3A_17 : vector<16xf32> to vector<1x16xf32>
      tpu.vector_store %arg8[%swap3A_666, %swap3A_667], %swap3A_670 {strides = array<i32>} : memref<256x16xf32, #tpu.memory_space<vmem>>, vector<1x16xf32>,
      %swap3A_671 = arith.constant 109 : i32
      %swap3A_672 = arith.index_cast %swap3A_671 : i32 to index
      %swap3A_673 = arith.constant 0 : index
      %swap3A_674 = tpu.vector_load %arg8[%swap3A_672, %swap3A_673] {strides = array<i32>} : memref<256x16xf32, #tpu.memory_space<vmem>>, vector<1x16xf32>,
      %swap3A_675 = vector.shape_cast %swap3A_674 : vector<1x16xf32> to vector<16xf32>
      %swap3A_676 = vector.shape_cast %broadcast_in_dim3A_17 : vector<16xf32> to vector<1x16xf32>
      tpu.vector_store %arg8[%swap3A_672, %swap3A_673], %swap3A_676 {strides = array<i32>} : memref<256x16xf32, #tpu.memory_space<vmem>>, vector<1x16xf32>,
      %swap3A_677 = arith.constant 110 : i32
      %swap3A_678 = arith.index_cast %swap3A_677 : i32 to index
      %swap3A_679 = arith.constant 0 : index
      %swap3A_680 = tpu.vector_load %arg8[%swap3A_678, %swap3A_679] {strides = array<i32>} : memref<256x16xf32, #tpu.memory_space<vmem>>, vector<1x16xf32>,
      %swap3A_681 = vector.shape_cast %swap3A_680 : vector<1x16xf32> to vector<16xf32>
      %swap3A_682 = vector.shape_cast %broadcast_in_dim3A_17 : vector<16xf32> to vector<1x16xf32>
      tpu.vector_store %arg8[%swap3A_678, %swap3A_679], %swap3A_682 {strides = array<i32>} : memref<256x16xf32, #tpu.memory_space<vmem>>, vector<1x16xf32>,
      %swap3A_683 = arith.constant 111 : i32
      %swap3A_684 = arith.index_cast %swap3A_683 : i32 to index
      %swap3A_685 = arith.constant 0 : index
      %swap3A_686 = tpu.vector_load %arg8[%swap3A_684, %swap3A_685] {strides = array<i32>} : memref<256x16xf32, #tpu.memory_space<vmem>>, vector<1x16xf32>,
      %swap3A_687 = vector.shape_cast %swap3A_686 : vector<1x16xf32> to vector<16xf32>
      %swap3A_688 = vector.shape_cast %broadcast_in_dim3A_17 : vector<16xf32> to vector<1x16xf32>
      tpu.vector_store %arg8[%swap3A_684, %swap3A_685], %swap3A_688 {strides = array<i32>} : memref<256x16xf32, #tpu.memory_space<vmem>>, vector<1x16xf32>,
      %swap3A_689 = arith.constant 112 : i32
      %swap3A_690 = arith.index_cast %swap3A_689 : i32 to index
      %swap3A_691 = arith.constant 0 : index
      %swap3A_692 = tpu.vector_load %arg8[%swap3A_690, %swap3A_691] {strides = array<i32>} : memref<256x16xf32, #tpu.memory_space<vmem>>, vector<1x16xf32>,
      %swap3A_693 = vector.shape_cast %swap3A_692 : vector<1x16xf32> to vector<16xf32>
      %swap3A_694 = vector.shape_cast %broadcast_in_dim3A_17 : vector<16xf32> to vector<1x16xf32>
      tpu.vector_store %arg8[%swap3A_690, %swap3A_691], %swap3A_694 {strides = array<i32>} : memref<256x16xf32, #tpu.memory_space<vmem>>, vector<1x16xf32>,
      %swap3A_695 = arith.constant 113 : i32
      %swap3A_696 = arith.index_cast %swap3A_695 : i32 to index
      %swap3A_697 = arith.constant 0 : index
      %swap3A_698 = tpu.vector_load %arg8[%swap3A_696, %swap3A_697] {strides = array<i32>} : memref<256x16xf32, #tpu.memory_space<vmem>>, vector<1x16xf32>,
      %swap3A_699 = vector.shape_cast %swap3A_698 : vector<1x16xf32> to vector<16xf32>
      %swap3A_700 = vector.shape_cast %broadcast_in_dim3A_17 : vector<16xf32> to vector<1x16xf32>
      tpu.vector_store %arg8[%swap3A_696, %swap3A_697], %swap3A_700 {strides = array<i32>} : memref<256x16xf32, #tpu.memory_space<vmem>>, vector<1x16xf32>,
      %swap3A_701 = arith.constant 114 : i32
      %swap3A_702 = arith.index_cast %swap3A_701 : i32 to index
      %swap3A_703 = arith.constant 0 : index
      %swap3A_704 = tpu.vector_load %arg8[%swap3A_702, %swap3A_703] {strides = array<i32>} : memref<256x16xf32, #tpu.memory_space<vmem>>, vector<1x16xf32>,
      %swap3A_705 = vector.shape_cast %swap3A_704 : vector<1x16xf32> to vector<16xf32>
      %swap3A_706 = vector.shape_cast %broadcast_in_dim3A_17 : vector<16xf32> to vector<1x16xf32>
      tpu.vector_store %arg8[%swap3A_702, %swap3A_703], %swap3A_706 {strides = array<i32>} : memref<256x16xf32, #tpu.memory_space<vmem>>, vector<1x16xf32>,
      %swap3A_707 = arith.constant 115 : i32
      %swap3A_708 = arith.index_cast %swap3A_707 : i32 to index
      %swap3A_709 = arith.constant 0 : index
      %swap3A_710 = tpu.vector_load %arg8[%swap3A_708, %swap3A_709] {strides = array<i32>} : memref<256x16xf32, #tpu.memory_space<vmem>>, vector<1x16xf32>,
      %swap3A_711 = vector.shape_cast %swap3A_710 : vector<1x16xf32> to vector<16xf32>
      %swap3A_712 = vector.shape_cast %broadcast_in_dim3A_17 : vector<16xf32> to vector<1x16xf32>
      tpu.vector_store %arg8[%swap3A_708, %swap3A_709], %swap3A_712 {strides = array<i32>} : memref<256x16xf32, #tpu.memory_space<vmem>>, vector<1x16xf32>,
      %swap3A_713 = arith.constant 116 : i32
      %swap3A_714 = arith.index_cast %swap3A_713 : i32 to index
      %swap3A_715 = arith.constant 0 : index
      %swap3A_716 = tpu.vector_load %arg8[%swap3A_714, %swap3A_715] {strides = array<i32>} : memref<256x16xf32, #tpu.memory_space<vmem>>, vector<1x16xf32>,
      %swap3A_717 = vector.shape_cast %swap3A_716 : vector<1x16xf32> to vector<16xf32>
      %swap3A_718 = vector.shape_cast %broadcast_in_dim3A_17 : vector<16xf32> to vector<1x16xf32>
      tpu.vector_store %arg8[%swap3A_714, %swap3A_715], %swap3A_718 {strides = array<i32>} : memref<256x16xf32, #tpu.memory_space<vmem>>, vector<1x16xf32>,
      %swap3A_719 = arith.constant 117 : i32
      %swap3A_720 = arith.index_cast %swap3A_719 : i32 to index
      %swap3A_721 = arith.constant 0 : index
      %swap3A_722 = tpu.vector_load %arg8[%swap3A_720, %swap3A_721] {strides = array<i32>} : memref<256x16xf32, #tpu.memory_space<vmem>>, vector<1x16xf32>,
      %swap3A_723 = vector.shape_cast %swap3A_722 : vector<1x16xf32> to vector<16xf32>
      %swap3A_724 = vector.shape_cast %broadcast_in_dim3A_17 : vector<16xf32> to vector<1x16xf32>
      tpu.vector_store %arg8[%swap3A_720, %swap3A_721], %swap3A_724 {strides = array<i32>} : memref<256x16xf32, #tpu.memory_space<vmem>>, vector<1x16xf32>,
      %swap3A_725 = arith.constant 118 : i32
      %swap3A_726 = arith.index_cast %swap3A_725 : i32 to index
      %swap3A_727 = arith.constant 0 : index
      %swap3A_728 = tpu.vector_load %arg8[%swap3A_726, %swap3A_727] {strides = array<i32>} : memref<256x16xf32, #tpu.memory_space<vmem>>, vector<1x16xf32>,
      %swap3A_729 = vector.shape_cast %swap3A_728 : vector<1x16xf32> to vector<16xf32>
      %swap3A_730 = vector.shape_cast %broadcast_in_dim3A_17 : vector<16xf32> to vector<1x16xf32>
      tpu.vector_store %arg8[%swap3A_726, %swap3A_727], %swap3A_730 {strides = array<i32>} : memref<256x16xf32, #tpu.memory_space<vmem>>, vector<1x16xf32>,
      %swap3A_731 = arith.constant 119 : i32
      %swap3A_732 = arith.index_cast %swap3A_731 : i32 to index
      %swap3A_733 = arith.constant 0 : index
      %swap3A_734 = tpu.vector_load %arg8[%swap3A_732, %swap3A_733] {strides = array<i32>} : memref<256x16xf32, #tpu.memory_space<vmem>>, vector<1x16xf32>,
      %swap3A_735 = vector.shape_cast %swap3A_734 : vector<1x16xf32> to vector<16xf32>
      %swap3A_736 = vector.shape_cast %broadcast_in_dim3A_17 : vector<16xf32> to vector<1x16xf32>
      tpu.vector_store %arg8[%swap3A_732, %swap3A_733], %swap3A_736 {strides = array<i32>} : memref<256x16xf32, #tpu.memory_space<vmem>>, vector<1x16xf32>,
      %swap3A_737 = arith.constant 120 : i32
      %swap3A_738 = arith.index_cast %swap3A_737 : i32 to index
      %swap3A_739 = arith.constant 0 : index
      %swap3A_740 = tpu.vector_load %arg8[%swap3A_738, %swap3A_739] {strides = array<i32>} : memref<256x16xf32, #tpu.memory_space<vmem>>, vector<1x16xf32>,
      %swap3A_741 = vector.shape_cast %swap3A_740 : vector<1x16xf32> to vector<16xf32>
      %swap3A_742 = vector.shape_cast %broadcast_in_dim3A_17 : vector<16xf32> to vector<1x16xf32>
      tpu.vector_store %arg8[%swap3A_738, %swap3A_739], %swap3A_742 {strides = array<i32>} : memref<256x16xf32, #tpu.memory_space<vmem>>, vector<1x16xf32>,
      %swap3A_743 = arith.constant 121 : i32
      %swap3A_744 = arith.index_cast %swap3A_743 : i32 to index
      %swap3A_745 = arith.constant 0 : index
      %swap3A_746 = tpu.vector_load %arg8[%swap3A_744, %swap3A_745] {strides = array<i32>} : memref<256x16xf32, #tpu.memory_space<vmem>>, vector<1x16xf32>,
      %swap3A_747 = vector.shape_cast %swap3A_746 : vector<1x16xf32> to vector<16xf32>
      %swap3A_748 = vector.shape_cast %broadcast_in_dim3A_17 : vector<16xf32> to vector<1x16xf32>
      tpu.vector_store %arg8[%swap3A_744, %swap3A_745], %swap3A_748 {strides = array<i32>} : memref<256x16xf32, #tpu.memory_space<vmem>>, vector<1x16xf32>,
      %swap3A_749 = arith.constant 122 : i32
      %swap3A_750 = arith.index_cast %swap3A_749 : i32 to index
      %swap3A_751 = arith.constant 0 : index
      %swap3A_752 = tpu.vector_load %arg8[%swap3A_750, %swap3A_751] {strides = array<i32>} : memref<256x16xf32, #tpu.memory_space<vmem>>, vector<1x16xf32>,
      %swap3A_753 = vector.shape_cast %swap3A_752 : vector<1x16xf32> to vector<16xf32>
      %swap3A_754 = vector.shape_cast %broadcast_in_dim3A_17 : vector<16xf32> to vector<1x16xf32>
      tpu.vector_store %arg8[%swap3A_750, %swap3A_751], %swap3A_754 {strides = array<i32>} : memref<256x16xf32, #tpu.memory_space<vmem>>, vector<1x16xf32>,
      %swap3A_755 = arith.constant 123 : i32
      %swap3A_756 = arith.index_cast %swap3A_755 : i32 to index
      %swap3A_757 = arith.constant 0 : index
      %swap3A_758 = tpu.vector_load %arg8[%swap3A_756, %swap3A_757] {strides = array<i32>} : memref<256x16xf32, #tpu.memory_space<vmem>>, vector<1x16xf32>,
      %swap3A_759 = vector.shape_cast %swap3A_758 : vector<1x16xf32> to vector<16xf32>
      %swap3A_760 = vector.shape_cast %broadcast_in_dim3A_17 : vector<16xf32> to vector<1x16xf32>
      tpu.vector_store %arg8[%swap3A_756, %swap3A_757], %swap3A_760 {strides = array<i32>} : memref<256x16xf32, #tpu.memory_space<vmem>>, vector<1x16xf32>,
      %swap3A_761 = arith.constant 124 : i32
      %swap3A_762 = arith.index_cast %swap3A_761 : i32 to index
      %swap3A_763 = arith.constant 0 : index
      %swap3A_764 = tpu.vector_load %arg8[%swap3A_762, %swap3A_763] {strides = array<i32>} : memref<256x16xf32, #tpu.memory_space<vmem>>, vector<1x16xf32>,
      %swap3A_765 = vector.shape_cast %swap3A_764 : vector<1x16xf32> to vector<16xf32>
      %swap3A_766 = vector.shape_cast %broadcast_in_dim3A_17 : vector<16xf32> to vector<1x16xf32>
      tpu.vector_store %arg8[%swap3A_762, %swap3A_763], %swap3A_766 {strides = array<i32>} : memref<256x16xf32, #tpu.memory_space<vmem>>, vector<1x16xf32>,
      %swap3A_767 = arith.constant 125 : i32
      %swap3A_768 = arith.index_cast %swap3A_767 : i32 to index
      %swap3A_769 = arith.constant 0 : index
      %swap3A_770 = tpu.vector_load %arg8[%swap3A_768, %swap3A_769] {strides = array<i32>} : memref<256x16xf32, #tpu.memory_space<vmem>>, vector<1x16xf32>,
      %swap3A_771 = vector.shape_cast %swap3A_770 : vector<1x16xf32> to vector<16xf32>
      %swap3A_772 = vector.shape_cast %broadcast_in_dim3A_17 : vector<16xf32> to vector<1x16xf32>
      tpu.vector_store %arg8[%swap3A_768, %swap3A_769], %swap3A_772 {strides = array<i32>} : memref<256x16xf32, #tpu.memory_space<vmem>>, vector<1x16xf32>,
      %swap3A_773 = arith.constant 126 : i32
      %swap3A_774 = arith.index_cast %swap3A_773 : i32 to index
      %swap3A_775 = arith.constant 0 : index
      %swap3A_776 = tpu.vector_load %arg8[%swap3A_774, %swap3A_775] {strides = array<i32>} : memref<256x16xf32, #tpu.memory_space<vmem>>, vector<1x16xf32>,
      %swap3A_777 = vector.shape_cast %swap3A_776 : vector<1x16xf32> to vector<16xf32>
      %swap3A_778 = vector.shape_cast %broadcast_in_dim3A_17 : vector<16xf32> to vector<1x16xf32>
      tpu.vector_store %arg8[%swap3A_774, %swap3A_775], %swap3A_778 {strides = array<i32>} : memref<256x16xf32, #tpu.memory_space<vmem>>, vector<1x16xf32>,
      %swap3A_779 = arith.constant 127 : i32
      %swap3A_780 = arith.index_cast %swap3A_779 : i32 to index
      %swap3A_781 = arith.constant 0 : index
      %swap3A_782 = tpu.vector_load %arg8[%swap3A_780, %swap3A_781] {strides = array<i32>} : memref<256x16xf32, #tpu.memory_space<vmem>>, vector<1x16xf32>,
      %swap3A_783 = vector.shape_cast %swap3A_782 : vector<1x16xf32> to vector<16xf32>
      %swap3A_784 = vector.shape_cast %broadcast_in_dim3A_17 : vector<16xf32> to vector<1x16xf32>
      tpu.vector_store %arg8[%swap3A_780, %swap3A_781], %swap3A_784 {strides = array<i32>} : memref<256x16xf32, #tpu.memory_space<vmem>>, vector<1x16xf32>,
      %swap3A_785 = arith.constant 128 : i32
      %swap3A_786 = arith.index_cast %swap3A_785 : i32 to index
      %swap3A_787 = arith.constant 0 : index
      %swap3A_788 = tpu.vector_load %arg8[%swap3A_786, %swap3A_787] {strides = array<i32>} : memref<256x16xf32, #tpu.memory_space<vmem>>, vector<1x16xf32>,
      %swap3A_789 = vector.shape_cast %swap3A_788 : vector<1x16xf32> to vector<16xf32>
      %swap3A_790 = vector.shape_cast %broadcast_in_dim3A_17 : vector<16xf32> to vector<1x16xf32>
      tpu.vector_store %arg8[%swap3A_786, %swap3A_787], %swap3A_790 {strides = array<i32>} : memref<256x16xf32, #tpu.memory_space<vmem>>, vector<1x16xf32>,
      %swap3A_791 = arith.constant 129 : i32
      %swap3A_792 = arith.index_cast %swap3A_791 : i32 to index
      %swap3A_793 = arith.constant 0 : index
      %swap3A_794 = tpu.vector_load %arg8[%swap3A_792, %swap3A_793] {strides = array<i32>} : memref<256x16xf32, #tpu.memory_space<vmem>>, vector<1x16xf32>,
      %swap3A_795 = vector.shape_cast %swap3A_794 : vector<1x16xf32> to vector<16xf32>
      %swap3A_796 = vector.shape_cast %broadcast_in_dim3A_17 : vector<16xf32> to vector<1x16xf32>
      tpu.vector_store %arg8[%swap3A_792, %swap3A_793], %swap3A_796 {strides = array<i32>} : memref<256x16xf32, #tpu.memory_space<vmem>>, vector<1x16xf32>,
      %swap3A_797 = arith.constant 130 : i32
      %swap3A_798 = arith.index_cast %swap3A_797 : i32 to index
      %swap3A_799 = arith.constant 0 : index
      %swap3A_800 = tpu.vector_load %arg8[%swap3A_798, %swap3A_799] {strides = array<i32>} : memref<256x16xf32, #tpu.memory_space<vmem>>, vector<1x16xf32>,
      %swap3A_801 = vector.shape_cast %swap3A_800 : vector<1x16xf32> to vector<16xf32>
      %swap3A_802 = vector.shape_cast %broadcast_in_dim3A_17 : vector<16xf32> to vector<1x16xf32>
      tpu.vector_store %arg8[%swap3A_798, %swap3A_799], %swap3A_802 {strides = array<i32>} : memref<256x16xf32, #tpu.memory_space<vmem>>, vector<1x16xf32>,
      %swap3A_803 = arith.constant 131 : i32
      %swap3A_804 = arith.index_cast %swap3A_803 : i32 to index
      %swap3A_805 = arith.constant 0 : index
      %swap3A_806 = tpu.vector_load %arg8[%swap3A_804, %swap3A_805] {strides = array<i32>} : memref<256x16xf32, #tpu.memory_space<vmem>>, vector<1x16xf32>,
      %swap3A_807 = vector.shape_cast %swap3A_806 : vector<1x16xf32> to vector<16xf32>
      %swap3A_808 = vector.shape_cast %broadcast_in_dim3A_17 : vector<16xf32> to vector<1x16xf32>
      tpu.vector_store %arg8[%swap3A_804, %swap3A_805], %swap3A_808 {strides = array<i32>} : memref<256x16xf32, #tpu.memory_space<vmem>>, vector<1x16xf32>,
      %swap3A_809 = arith.constant 132 : i32
      %swap3A_810 = arith.index_cast %swap3A_809 : i32 to index
      %swap3A_811 = arith.constant 0 : index
      %swap3A_812 = tpu.vector_load %arg8[%swap3A_810, %swap3A_811] {strides = array<i32>} : memref<256x16xf32, #tpu.memory_space<vmem>>, vector<1x16xf32>,
      %swap3A_813 = vector.shape_cast %swap3A_812 : vector<1x16xf32> to vector<16xf32>
      %swap3A_814 = vector.shape_cast %broadcast_in_dim3A_17 : vector<16xf32> to vector<1x16xf32>
      tpu.vector_store %arg8[%swap3A_810, %swap3A_811], %swap3A_814 {strides = array<i32>} : memref<256x16xf32, #tpu.memory_space<vmem>>, vector<1x16xf32>,
      %swap3A_815 = arith.constant 133 : i32
      %swap3A_816 = arith.index_cast %swap3A_815 : i32 to index
      %swap3A_817 = arith.constant 0 : index
      %swap3A_818 = tpu.vector_load %arg8[%swap3A_816, %swap3A_817] {strides = array<i32>} : memref<256x16xf32, #tpu.memory_space<vmem>>, vector<1x16xf32>,
      %swap3A_819 = vector.shape_cast %swap3A_818 : vector<1x16xf32> to vector<16xf32>
      %swap3A_820 = vector.shape_cast %broadcast_in_dim3A_17 : vector<16xf32> to vector<1x16xf32>
      tpu.vector_store %arg8[%swap3A_816, %swap3A_817], %swap3A_820 {strides = array<i32>} : memref<256x16xf32, #tpu.memory_space<vmem>>, vector<1x16xf32>,
      %swap3A_821 = arith.constant 134 : i32
      %swap3A_822 = arith.index_cast %swap3A_821 : i32 to index
      %swap3A_823 = arith.constant 0 : index
      %swap3A_824 = tpu.vector_load %arg8[%swap3A_822, %swap3A_823] {strides = array<i32>} : memref<256x16xf32, #tpu.memory_space<vmem>>, vector<1x16xf32>,
      %swap3A_825 = vector.shape_cast %swap3A_824 : vector<1x16xf32> to vector<16xf32>
      %swap3A_826 = vector.shape_cast %broadcast_in_dim3A_17 : vector<16xf32> to vector<1x16xf32>
      tpu.vector_store %arg8[%swap3A_822, %swap3A_823], %swap3A_826 {strides = array<i32>} : memref<256x16xf32, #tpu.memory_space<vmem>>, vector<1x16xf32>,
      %swap3A_827 = arith.constant 135 : i32
      %swap3A_828 = arith.index_cast %swap3A_827 : i32 to index
      %swap3A_829 = arith.constant 0 : index
      %swap3A_830 = tpu.vector_load %arg8[%swap3A_828, %swap3A_829] {strides = array<i32>} : memref<256x16xf32, #tpu.memory_space<vmem>>, vector<1x16xf32>,
      %swap3A_831 = vector.shape_cast %swap3A_830 : vector<1x16xf32> to vector<16xf32>
      %swap3A_832 = vector.shape_cast %broadcast_in_dim3A_17 : vector<16xf32> to vector<1x16xf32>
      tpu.vector_store %arg8[%swap3A_828, %swap3A_829], %swap3A_832 {strides = array<i32>} : memref<256x16xf32, #tpu.memory_space<vmem>>, vector<1x16xf32>,
      %swap3A_833 = arith.constant 136 : i32
      %swap3A_834 = arith.index_cast %swap3A_833 : i32 to index
      %swap3A_835 = arith.constant 0 : index
      %swap3A_836 = tpu.vector_load %arg8[%swap3A_834, %swap3A_835] {strides = array<i32>} : memref<256x16xf32, #tpu.memory_space<vmem>>, vector<1x16xf32>,
      %swap3A_837 = vector.shape_cast %swap3A_836 : vector<1x16xf32> to vector<16xf32>
      %swap3A_838 = vector.shape_cast %broadcast_in_dim3A_17 : vector<16xf32> to vector<1x16xf32>
      tpu.vector_store %arg8[%swap3A_834, %swap3A_835], %swap3A_838 {strides = array<i32>} : memref<256x16xf32, #tpu.memory_space<vmem>>, vector<1x16xf32>,
      %swap3A_839 = arith.constant 137 : i32
      %swap3A_840 = arith.index_cast %swap3A_839 : i32 to index
      %swap3A_841 = arith.constant 0 : index
      %swap3A_842 = tpu.vector_load %arg8[%swap3A_840, %swap3A_841] {strides = array<i32>} : memref<256x16xf32, #tpu.memory_space<vmem>>, vector<1x16xf32>,
      %swap3A_843 = vector.shape_cast %swap3A_842 : vector<1x16xf32> to vector<16xf32>
      %swap3A_844 = vector.shape_cast %broadcast_in_dim3A_17 : vector<16xf32> to vector<1x16xf32>
      tpu.vector_store %arg8[%swap3A_840, %swap3A_841], %swap3A_844 {strides = array<i32>} : memref<256x16xf32, #tpu.memory_space<vmem>>, vector<1x16xf32>,
      %swap3A_845 = arith.constant 138 : i32
      %swap3A_846 = arith.index_cast %swap3A_845 : i32 to index
      %swap3A_847 = arith.constant 0 : index
      %swap3A_848 = tpu.vector_load %arg8[%swap3A_846, %swap3A_847] {strides = array<i32>} : memref<256x16xf32, #tpu.memory_space<vmem>>, vector<1x16xf32>,
      %swap3A_849 = vector.shape_cast %swap3A_848 : vector<1x16xf32> to vector<16xf32>
      %swap3A_850 = vector.shape_cast %broadcast_in_dim3A_17 : vector<16xf32> to vector<1x16xf32>
      tpu.vector_store %arg8[%swap3A_846, %swap3A_847], %swap3A_850 {strides = array<i32>} : memref<256x16xf32, #tpu.memory_space<vmem>>, vector<1x16xf32>,
      %swap3A_851 = arith.constant 139 : i32
      %swap3A_852 = arith.index_cast %swap3A_851 : i32 to index
      %swap3A_853 = arith.constant 0 : index
      %swap3A_854 = tpu.vector_load %arg8[%swap3A_852, %swap3A_853] {strides = array<i32>} : memref<256x16xf32, #tpu.memory_space<vmem>>, vector<1x16xf32>,
      %swap3A_855 = vector.shape_cast %swap3A_854 : vector<1x16xf32> to vector<16xf32>
      %swap3A_856 = vector.shape_cast %broadcast_in_dim3A_17 : vector<16xf32> to vector<1x16xf32>
      tpu.vector_store %arg8[%swap3A_852, %swap3A_853], %swap3A_856 {strides = array<i32>} : memref<256x16xf32, #tpu.memory_space<vmem>>, vector<1x16xf32>,
      %swap3A_857 = arith.constant 140 : i32
      %swap3A_858 = arith.index_cast %swap3A_857 : i32 to index
      %swap3A_859 = arith.constant 0 : index
      %swap3A_860 = tpu.vector_load %arg8[%swap3A_858, %swap3A_859] {strides = array<i32>} : memref<256x16xf32, #tpu.memory_space<vmem>>, vector<1x16xf32>,
      %swap3A_861 = vector.shape_cast %swap3A_860 : vector<1x16xf32> to vector<16xf32>
      %swap3A_862 = vector.shape_cast %broadcast_in_dim3A_17 : vector<16xf32> to vector<1x16xf32>
      tpu.vector_store %arg8[%swap3A_858, %swap3A_859], %swap3A_862 {strides = array<i32>} : memref<256x16xf32, #tpu.memory_space<vmem>>, vector<1x16xf32>,
      %swap3A_863 = arith.constant 141 : i32
      %swap3A_864 = arith.index_cast %swap3A_863 : i32 to index
      %swap3A_865 = arith.constant 0 : index
      %swap3A_866 = tpu.vector_load %arg8[%swap3A_864, %swap3A_865] {strides = array<i32>} : memref<256x16xf32, #tpu.memory_space<vmem>>, vector<1x16xf32>,
      %swap3A_867 = vector.shape_cast %swap3A_866 : vector<1x16xf32> to vector<16xf32>
      %swap3A_868 = vector.shape_cast %broadcast_in_dim3A_17 : vector<16xf32> to vector<1x16xf32>
      tpu.vector_store %arg8[%swap3A_864, %swap3A_865], %swap3A_868 {strides = array<i32>} : memref<256x16xf32, #tpu.memory_space<vmem>>, vector<1x16xf32>,
      %swap3A_869 = arith.constant 142 : i32
      %swap3A_870 = arith.index_cast %swap3A_869 : i32 to index
      %swap3A_871 = arith.constant 0 : index
      %swap3A_872 = tpu.vector_load %arg8[%swap3A_870, %swap3A_871] {strides = array<i32>} : memref<256x16xf32, #tpu.memory_space<vmem>>, vector<1x16xf32>,
      %swap3A_873 = vector.shape_cast %swap3A_872 : vector<1x16xf32> to vector<16xf32>
      %swap3A_874 = vector.shape_cast %broadcast_in_dim3A_17 : vector<16xf32> to vector<1x16xf32>
      tpu.vector_store %arg8[%swap3A_870, %swap3A_871], %swap3A_874 {strides = array<i32>} : memref<256x16xf32, #tpu.memory_space<vmem>>, vector<1x16xf32>,
      %swap3A_875 = arith.constant 143 : i32
      %swap3A_876 = arith.index_cast %swap3A_875 : i32 to index
      %swap3A_877 = arith.constant 0 : index
      %swap3A_878 = tpu.vector_load %arg8[%swap3A_876, %swap3A_877] {strides = array<i32>} : memref<256x16xf32, #tpu.memory_space<vmem>>, vector<1x16xf32>,
      %swap3A_879 = vector.shape_cast %swap3A_878 : vector<1x16xf32> to vector<16xf32>
      %swap3A_880 = vector.shape_cast %broadcast_in_dim3A_17 : vector<16xf32> to vector<1x16xf32>
      tpu.vector_store %arg8[%swap3A_876, %swap3A_877], %swap3A_880 {strides = array<i32>} : memref<256x16xf32, #tpu.memory_space<vmem>>, vector<1x16xf32>,
      %swap3A_881 = arith.constant 144 : i32
      %swap3A_882 = arith.index_cast %swap3A_881 : i32 to index
      %swap3A_883 = arith.constant 0 : index
      %swap3A_884 = tpu.vector_load %arg8[%swap3A_882, %swap3A_883] {strides = array<i32>} : memref<256x16xf32, #tpu.memory_space<vmem>>, vector<1x16xf32>,
      %swap3A_885 = vector.shape_cast %swap3A_884 : vector<1x16xf32> to vector<16xf32>
      %swap3A_886 = vector.shape_cast %broadcast_in_dim3A_17 : vector<16xf32> to vector<1x16xf32>
      tpu.vector_store %arg8[%swap3A_882, %swap3A_883], %swap3A_886 {strides = array<i32>} : memref<256x16xf32, #tpu.memory_space<vmem>>, vector<1x16xf32>,
      %swap3A_887 = arith.constant 145 : i32
      %swap3A_888 = arith.index_cast %swap3A_887 : i32 to index
      %swap3A_889 = arith.constant 0 : index
      %swap3A_890 = tpu.vector_load %arg8[%swap3A_888, %swap3A_889] {strides = array<i32>} : memref<256x16xf32, #tpu.memory_space<vmem>>, vector<1x16xf32>,
      %swap3A_891 = vector.shape_cast %swap3A_890 : vector<1x16xf32> to vector<16xf32>
      %swap3A_892 = vector.shape_cast %broadcast_in_dim3A_17 : vector<16xf32> to vector<1x16xf32>
      tpu.vector_store %arg8[%swap3A_888, %swap3A_889], %swap3A_892 {strides = array<i32>} : memref<256x16xf32, #tpu.memory_space<vmem>>, vector<1x16xf32>,
      %swap3A_893 = arith.constant 146 : i32
      %swap3A_894 = arith.index_cast %swap3A_893 : i32 to index
      %swap3A_895 = arith.constant 0 : index
      %swap3A_896 = tpu.vector_load %arg8[%swap3A_894, %swap3A_895] {strides = array<i32>} : memref<256x16xf32, #tpu.memory_space<vmem>>, vector<1x16xf32>,
      %swap3A_897 = vector.shape_cast %swap3A_896 : vector<1x16xf32> to vector<16xf32>
      %swap3A_898 = vector.shape_cast %broadcast_in_dim3A_17 : vector<16xf32> to vector<1x16xf32>
      tpu.vector_store %arg8[%swap3A_894, %swap3A_895], %swap3A_898 {strides = array<i32>} : memref<256x16xf32, #tpu.memory_space<vmem>>, vector<1x16xf32>,
      %swap3A_899 = arith.constant 147 : i32
      %swap3A_900 = arith.index_cast %swap3A_899 : i32 to index
      %swap3A_901 = arith.constant 0 : index
      %swap3A_902 = tpu.vector_load %arg8[%swap3A_900, %swap3A_901] {strides = array<i32>} : memref<256x16xf32, #tpu.memory_space<vmem>>, vector<1x16xf32>,
      %swap3A_903 = vector.shape_cast %swap3A_902 : vector<1x16xf32> to vector<16xf32>
      %swap3A_904 = vector.shape_cast %broadcast_in_dim3A_17 : vector<16xf32> to vector<1x16xf32>
      tpu.vector_store %arg8[%swap3A_900, %swap3A_901], %swap3A_904 {strides = array<i32>} : memref<256x16xf32, #tpu.memory_space<vmem>>, vector<1x16xf32>,
      %swap3A_905 = arith.constant 148 : i32
      %swap3A_906 = arith.index_cast %swap3A_905 : i32 to index
      %swap3A_907 = arith.constant 0 : index
      %swap3A_908 = tpu.vector_load %arg8[%swap3A_906, %swap3A_907] {strides = array<i32>} : memref<256x16xf32, #tpu.memory_space<vmem>>, vector<1x16xf32>,
      %swap3A_909 = vector.shape_cast %swap3A_908 : vector<1x16xf32> to vector<16xf32>
      %swap3A_910 = vector.shape_cast %broadcast_in_dim3A_17 : vector<16xf32> to vector<1x16xf32>
      tpu.vector_store %arg8[%swap3A_906, %swap3A_907], %swap3A_910 {strides = array<i32>} : memref<256x16xf32, #tpu.memory_space<vmem>>, vector<1x16xf32>,
      %swap3A_911 = arith.constant 149 : i32
      %swap3A_912 = arith.index_cast %swap3A_911 : i32 to index
      %swap3A_913 = arith.constant 0 : index
      %swap3A_914 = tpu.vector_load %arg8[%swap3A_912, %swap3A_913] {strides = array<i32>} : memref<256x16xf32, #tpu.memory_space<vmem>>, vector<1x16xf32>,
      %swap3A_915 = vector.shape_cast %swap3A_914 : vector<1x16xf32> to vector<16xf32>
      %swap3A_916 = vector.shape_cast %broadcast_in_dim3A_17 : vector<16xf32> to vector<1x16xf32>
      tpu.vector_store %arg8[%swap3A_912, %swap3A_913], %swap3A_916 {strides = array<i32>} : memref<256x16xf32, #tpu.memory_space<vmem>>, vector<1x16xf32>,
      %swap3A_917 = arith.constant 150 : i32
      %swap3A_918 = arith.index_cast %swap3A_917 : i32 to index
      %swap3A_919 = arith.constant 0 : index
      %swap3A_920 = tpu.vector_load %arg8[%swap3A_918, %swap3A_919] {strides = array<i32>} : memref<256x16xf32, #tpu.memory_space<vmem>>, vector<1x16xf32>,
      %swap3A_921 = vector.shape_cast %swap3A_920 : vector<1x16xf32> to vector<16xf32>
      %swap3A_922 = vector.shape_cast %broadcast_in_dim3A_17 : vector<16xf32> to vector<1x16xf32>
      tpu.vector_store %arg8[%swap3A_918, %swap3A_919], %swap3A_922 {strides = array<i32>} : memref<256x16xf32, #tpu.memory_space<vmem>>, vector<1x16xf32>,
      %swap3A_923 = arith.constant 151 : i32
      %swap3A_924 = arith.index_cast %swap3A_923 : i32 to index
      %swap3A_925 = arith.constant 0 : index
      %swap3A_926 = tpu.vector_load %arg8[%swap3A_924, %swap3A_925] {strides = array<i32>} : memref<256x16xf32, #tpu.memory_space<vmem>>, vector<1x16xf32>,
      %swap3A_927 = vector.shape_cast %swap3A_926 : vector<1x16xf32> to vector<16xf32>
      %swap3A_928 = vector.shape_cast %broadcast_in_dim3A_17 : vector<16xf32> to vector<1x16xf32>
      tpu.vector_store %arg8[%swap3A_924, %swap3A_925], %swap3A_928 {strides = array<i32>} : memref<256x16xf32, #tpu.memory_space<vmem>>, vector<1x16xf32>,
      %swap3A_929 = arith.constant 152 : i32
      %swap3A_930 = arith.index_cast %swap3A_929 : i32 to index
      %swap3A_931 = arith.constant 0 : index
      %swap3A_932 = tpu.vector_load %arg8[%swap3A_930, %swap3A_931] {strides = array<i32>} : memref<256x16xf32, #tpu.memory_space<vmem>>, vector<1x16xf32>,
      %swap3A_933 = vector.shape_cast %swap3A_932 : vector<1x16xf32> to vector<16xf32>
      %swap3A_934 = vector.shape_cast %broadcast_in_dim3A_17 : vector<16xf32> to vector<1x16xf32>
      tpu.vector_store %arg8[%swap3A_930, %swap3A_931], %swap3A_934 {strides = array<i32>} : memref<256x16xf32, #tpu.memory_space<vmem>>, vector<1x16xf32>,
      %swap3A_935 = arith.constant 153 : i32
      %swap3A_936 = arith.index_cast %swap3A_935 : i32 to index
      %swap3A_937 = arith.constant 0 : index
      %swap3A_938 = tpu.vector_load %arg8[%swap3A_936, %swap3A_937] {strides = array<i32>} : memref<256x16xf32, #tpu.memory_space<vmem>>, vector<1x16xf32>,
      %swap3A_939 = vector.shape_cast %swap3A_938 : vector<1x16xf32> to vector<16xf32>
      %swap3A_940 = vector.shape_cast %broadcast_in_dim3A_17 : vector<16xf32> to vector<1x16xf32>
      tpu.vector_store %arg8[%swap3A_936, %swap3A_937], %swap3A_940 {strides = array<i32>} : memref<256x16xf32, #tpu.memory_space<vmem>>, vector<1x16xf32>,
      %swap3A_941 = arith.constant 154 : i32
      %swap3A_942 = arith.index_cast %swap3A_941 : i32 to index
      %swap3A_943 = arith.constant 0 : index
      %swap3A_944 = tpu.vector_load %arg8[%swap3A_942, %swap3A_943] {strides = array<i32>} : memref<256x16xf32, #tpu.memory_space<vmem>>, vector<1x16xf32>,
      %swap3A_945 = vector.shape_cast %swap3A_944 : vector<1x16xf32> to vector<16xf32>
      %swap3A_946 = vector.shape_cast %broadcast_in_dim3A_17 : vector<16xf32> to vector<1x16xf32>
      tpu.vector_store %arg8[%swap3A_942, %swap3A_943], %swap3A_946 {strides = array<i32>} : memref<256x16xf32, #tpu.memory_space<vmem>>, vector<1x16xf32>,
      %swap3A_947 = arith.constant 155 : i32
      %swap3A_948 = arith.index_cast %swap3A_947 : i32 to index
      %swap3A_949 = arith.constant 0 : index
      %swap3A_950 = tpu.vector_load %arg8[%swap3A_948, %swap3A_949] {strides = array<i32>} : memref<256x16xf32, #tpu.memory_space<vmem>>, vector<1x16xf32>,
      %swap3A_951 = vector.shape_cast %swap3A_950 : vector<1x16xf32> to vector<16xf32>
      %swap3A_952 = vector.shape_cast %broadcast_in_dim3A_17 : vector<16xf32> to vector<1x16xf32>
      tpu.vector_store %arg8[%swap3A_948, %swap3A_949], %swap3A_952 {strides = array<i32>} : memref<256x16xf32, #tpu.memory_space<vmem>>, vector<1x16xf32>,
      %swap3A_953 = arith.constant 156 : i32
      %swap3A_954 = arith.index_cast %swap3A_953 : i32 to index
      %swap3A_955 = arith.constant 0 : index
      %swap3A_956 = tpu.vector_load %arg8[%swap3A_954, %swap3A_955] {strides = array<i32>} : memref<256x16xf32, #tpu.memory_space<vmem>>, vector<1x16xf32>,
      %swap3A_957 = vector.shape_cast %swap3A_956 : vector<1x16xf32> to vector<16xf32>
      %swap3A_958 = vector.shape_cast %broadcast_in_dim3A_17 : vector<16xf32> to vector<1x16xf32>
      tpu.vector_store %arg8[%swap3A_954, %swap3A_955], %swap3A_958 {strides = array<i32>} : memref<256x16xf32, #tpu.memory_space<vmem>>, vector<1x16xf32>,
      %swap3A_959 = arith.constant 157 : i32
      %swap3A_960 = arith.index_cast %swap3A_959 : i32 to index
      %swap3A_961 = arith.constant 0 : index
      %swap3A_962 = tpu.vector_load %arg8[%swap3A_960, %swap3A_961] {strides = array<i32>} : memref<256x16xf32, #tpu.memory_space<vmem>>, vector<1x16xf32>,
      %swap3A_963 = vector.shape_cast %swap3A_962 : vector<1x16xf32> to vector<16xf32>
      %swap3A_964 = vector.shape_cast %broadcast_in_dim3A_17 : vector<16xf32> to vector<1x16xf32>
      tpu.vector_store %arg8[%swap3A_960, %swap3A_961], %swap3A_964 {strides = array<i32>} : memref<256x16xf32, #tpu.memory_space<vmem>>, vector<1x16xf32>,
      %swap3A_965 = arith.constant 158 : i32
      %swap3A_966 = arith.index_cast %swap3A_965 : i32 to index
      %swap3A_967 = arith.constant 0 : index
      %swap3A_968 = tpu.vector_load %arg8[%swap3A_966, %swap3A_967] {strides = array<i32>} : memref<256x16xf32, #tpu.memory_space<vmem>>, vector<1x16xf32>,
      %swap3A_969 = vector.shape_cast %swap3A_968 : vector<1x16xf32> to vector<16xf32>
      %swap3A_970 = vector.shape_cast %broadcast_in_dim3A_17 : vector<16xf32> to vector<1x16xf32>
      tpu.vector_store %arg8[%swap3A_966, %swap3A_967], %swap3A_970 {strides = array<i32>} : memref<256x16xf32, #tpu.memory_space<vmem>>, vector<1x16xf32>,
      %swap3A_971 = arith.constant 159 : i32
      %swap3A_972 = arith.index_cast %swap3A_971 : i32 to index
      %swap3A_973 = arith.constant 0 : index
      %swap3A_974 = tpu.vector_load %arg8[%swap3A_972, %swap3A_973] {strides = array<i32>} : memref<256x16xf32, #tpu.memory_space<vmem>>, vector<1x16xf32>,
      %swap3A_975 = vector.shape_cast %swap3A_974 : vector<1x16xf32> to vector<16xf32>
      %swap3A_976 = vector.shape_cast %broadcast_in_dim3A_17 : vector<16xf32> to vector<1x16xf32>
      tpu.vector_store %arg8[%swap3A_972, %swap3A_973], %swap3A_976 {strides = array<i32>} : memref<256x16xf32, #tpu.memory_space<vmem>>, vector<1x16xf32>,
      %swap3A_977 = arith.constant 160 : i32
      %swap3A_978 = arith.index_cast %swap3A_977 : i32 to index
      %swap3A_979 = arith.constant 0 : index
      %swap3A_980 = tpu.vector_load %arg8[%swap3A_978, %swap3A_979] {strides = array<i32>} : memref<256x16xf32, #tpu.memory_space<vmem>>, vector<1x16xf32>,
      %swap3A_981 = vector.shape_cast %swap3A_980 : vector<1x16xf32> to vector<16xf32>
      %swap3A_982 = vector.shape_cast %broadcast_in_dim3A_17 : vector<16xf32> to vector<1x16xf32>
      tpu.vector_store %arg8[%swap3A_978, %swap3A_979], %swap3A_982 {strides = array<i32>} : memref<256x16xf32, #tpu.memory_space<vmem>>, vector<1x16xf32>,
      %swap3A_983 = arith.constant 161 : i32
      %swap3A_984 = arith.index_cast %swap3A_983 : i32 to index
      %swap3A_985 = arith.constant 0 : index
      %swap3A_986 = tpu.vector_load %arg8[%swap3A_984, %swap3A_985] {strides = array<i32>} : memref<256x16xf32, #tpu.memory_space<vmem>>, vector<1x16xf32>,
      %swap3A_987 = vector.shape_cast %swap3A_986 : vector<1x16xf32> to vector<16xf32>
      %swap3A_988 = vector.shape_cast %broadcast_in_dim3A_17 : vector<16xf32> to vector<1x16xf32>
      tpu.vector_store %arg8[%swap3A_984, %swap3A_985], %swap3A_988 {strides = array<i32>} : memref<256x16xf32, #tpu.memory_space<vmem>>, vector<1x16xf32>,
      %swap3A_989 = arith.constant 162 : i32
      %swap3A_990 = arith.index_cast %swap3A_989 : i32 to index
      %swap3A_991 = arith.constant 0 : index
      %swap3A_992 = tpu.vector_load %arg8[%swap3A_990, %swap3A_991] {strides = array<i32>} : memref<256x16xf32, #tpu.memory_space<vmem>>, vector<1x16xf32>,
      %swap3A_993 = vector.shape_cast %swap3A_992 : vector<1x16xf32> to vector<16xf32>
      %swap3A_994 = vector.shape_cast %broadcast_in_dim3A_17 : vector<16xf32> to vector<1x16xf32>
      tpu.vector_store %arg8[%swap3A_990, %swap3A_991], %swap3A_994 {strides = array<i32>} : memref<256x16xf32, #tpu.memory_space<vmem>>, vector<1x16xf32>,
      %swap3A_995 = arith.constant 163 : i32
      %swap3A_996 = arith.index_cast %swap3A_995 : i32 to index
      %swap3A_997 = arith.constant 0 : index
      %swap3A_998 = tpu.vector_load %arg8[%swap3A_996, %swap3A_997] {strides = array<i32>} : memref<256x16xf32, #tpu.memory_space<vmem>>, vector<1x16xf32>,
      %swap3A_999 = vector.shape_cast %swap3A_998 : vector<1x16xf32> to vector<16xf32>
      %swap3A_1000 = vector.shape_cast %broadcast_in_dim3A_17 : vector<16xf32> to vector<1x16xf32>
      tpu.vector_store %arg8[%swap3A_996, %swap3A_997], %swap3A_1000 {strides = array<i32>} : memref<256x16xf32, #tpu.memory_space<vmem>>, vector<1x16xf32>,
      %swap3A_1001 = arith.constant 164 : i32
      %swap3A_1002 = arith.index_cast %swap3A_1001 : i32 to index
      %swap3A_1003 = arith.constant 0 : index
      %swap3A_1004 = tpu.vector_load %arg8[%swap3A_1002, %swap3A_1003] {strides = array<i32>} : memref<256x16xf32, #tpu.memory_space<vmem>>, vector<1x16xf32>,
      %swap3A_1005 = vector.shape_cast %swap3A_1004 : vector<1x16xf32> to vector<16xf32>
      %swap3A_1006 = vector.shape_cast %broadcast_in_dim3A_17 : vector<16xf32> to vector<1x16xf32>
      tpu.vector_store %arg8[%swap3A_1002, %swap3A_1003], %swap3A_1006 {strides = array<i32>} : memref<256x16xf32, #tpu.memory_space<vmem>>, vector<1x16xf32>,
      %swap3A_1007 = arith.constant 165 : i32
      %swap3A_1008 = arith.index_cast %swap3A_1007 : i32 to index
      %swap3A_1009 = arith.constant 0 : index
      %swap3A_1010 = tpu.vector_load %arg8[%swap3A_1008, %swap3A_1009] {strides = array<i32>} : memref<256x16xf32, #tpu.memory_space<vmem>>, vector<1x16xf32>,
      %swap3A_1011 = vector.shape_cast %swap3A_1010 : vector<1x16xf32> to vector<16xf32>
      %swap3A_1012 = vector.shape_cast %broadcast_in_dim3A_17 : vector<16xf32> to vector<1x16xf32>
      tpu.vector_store %arg8[%swap3A_1008, %swap3A_1009], %swap3A_1012 {strides = array<i32>} : memref<256x16xf32, #tpu.memory_space<vmem>>, vector<1x16xf32>,
      %swap3A_1013 = arith.constant 166 : i32
      %swap3A_1014 = arith.index_cast %swap3A_1013 : i32 to index
      %swap3A_1015 = arith.constant 0 : index
      %swap3A_1016 = tpu.vector_load %arg8[%swap3A_1014, %swap3A_1015] {strides = array<i32>} : memref<256x16xf32, #tpu.memory_space<vmem>>, vector<1x16xf32>,
      %swap3A_1017 = vector.shape_cast %swap3A_1016 : vector<1x16xf32> to vector<16xf32>
      %swap3A_1018 = vector.shape_cast %broadcast_in_dim3A_17 : vector<16xf32> to vector<1x16xf32>
      tpu.vector_store %arg8[%swap3A_1014, %swap3A_1015], %swap3A_1018 {strides = array<i32>} : memref<256x16xf32, #tpu.memory_space<vmem>>, vector<1x16xf32>,
      %swap3A_1019 = arith.constant 167 : i32
      %swap3A_1020 = arith.index_cast %swap3A_1019 : i32 to index
      %swap3A_1021 = arith.constant 0 : index
      %swap3A_1022 = tpu.vector_load %arg8[%swap3A_1020, %swap3A_1021] {strides = array<i32>} : memref<256x16xf32, #tpu.memory_space<vmem>>, vector<1x16xf32>,
      %swap3A_1023 = vector.shape_cast %swap3A_1022 : vector<1x16xf32> to vector<16xf32>
      %swap3A_1024 = vector.shape_cast %broadcast_in_dim3A_17 : vector<16xf32> to vector<1x16xf32>
      tpu.vector_store %arg8[%swap3A_1020, %swap3A_1021], %swap3A_1024 {strides = array<i32>} : memref<256x16xf32, #tpu.memory_space<vmem>>, vector<1x16xf32>,
      %swap3A_1025 = arith.constant 168 : i32
      %swap3A_1026 = arith.index_cast %swap3A_1025 : i32 to index
      %swap3A_1027 = arith.constant 0 : index
      %swap3A_1028 = tpu.vector_load %arg8[%swap3A_1026, %swap3A_1027] {strides = array<i32>} : memref<256x16xf32, #tpu.memory_space<vmem>>, vector<1x16xf32>,
      %swap3A_1029 = vector.shape_cast %swap3A_1028 : vector<1x16xf32> to vector<16xf32>
      %swap3A_1030 = vector.shape_cast %broadcast_in_dim3A_17 : vector<16xf32> to vector<1x16xf32>
      tpu.vector_store %arg8[%swap3A_1026, %swap3A_1027], %swap3A_1030 {strides = array<i32>} : memref<256x16xf32, #tpu.memory_space<vmem>>, vector<1x16xf32>,
      %swap3A_1031 = arith.constant 169 : i32
      %swap3A_1032 = arith.index_cast %swap3A_1031 : i32 to index
      %swap3A_1033 = arith.constant 0 : index
      %swap3A_1034 = tpu.vector_load %arg8[%swap3A_1032, %swap3A_1033] {strides = array<i32>} : memref<256x16xf32, #tpu.memory_space<vmem>>, vector<1x16xf32>,
      %swap3A_1035 = vector.shape_cast %swap3A_1034 : vector<1x16xf32> to vector<16xf32>
      %swap3A_1036 = vector.shape_cast %broadcast_in_dim3A_17 : vector<16xf32> to vector<1x16xf32>
      tpu.vector_store %arg8[%swap3A_1032, %swap3A_1033], %swap3A_1036 {strides = array<i32>} : memref<256x16xf32, #tpu.memory_space<vmem>>, vector<1x16xf32>,
      %swap3A_1037 = arith.constant 170 : i32
      %swap3A_1038 = arith.index_cast %swap3A_1037 : i32 to index
      %swap3A_1039 = arith.constant 0 : index
      %swap3A_1040 = tpu.vector_load %arg8[%swap3A_1038, %swap3A_1039] {strides = array<i32>} : memref<256x16xf32, #tpu.memory_space<vmem>>, vector<1x16xf32>,
      %swap3A_1041 = vector.shape_cast %swap3A_1040 : vector<1x16xf32> to vector<16xf32>
      %swap3A_1042 = vector.shape_cast %broadcast_in_dim3A_17 : vector<16xf32> to vector<1x16xf32>
      tpu.vector_store %arg8[%swap3A_1038, %swap3A_1039], %swap3A_1042 {strides = array<i32>} : memref<256x16xf32, #tpu.memory_space<vmem>>, vector<1x16xf32>,
      %swap3A_1043 = arith.constant 171 : i32
      %swap3A_1044 = arith.index_cast %swap3A_1043 : i32 to index
      %swap3A_1045 = arith.constant 0 : index
      %swap3A_1046 = tpu.vector_load %arg8[%swap3A_1044, %swap3A_1045] {strides = array<i32>} : memref<256x16xf32, #tpu.memory_space<vmem>>, vector<1x16xf32>,
      %swap3A_1047 = vector.shape_cast %swap3A_1046 : vector<1x16xf32> to vector<16xf32>
      %swap3A_1048 = vector.shape_cast %broadcast_in_dim3A_17 : vector<16xf32> to vector<1x16xf32>
      tpu.vector_store %arg8[%swap3A_1044, %swap3A_1045], %swap3A_1048 {strides = array<i32>} : memref<256x16xf32, #tpu.memory_space<vmem>>, vector<1x16xf32>,
      %swap3A_1049 = arith.constant 172 : i32
      %swap3A_1050 = arith.index_cast %swap3A_1049 : i32 to index
      %swap3A_1051 = arith.constant 0 : index
      %swap3A_1052 = tpu.vector_load %arg8[%swap3A_1050, %swap3A_1051] {strides = array<i32>} : memref<256x16xf32, #tpu.memory_space<vmem>>, vector<1x16xf32>,
      %swap3A_1053 = vector.shape_cast %swap3A_1052 : vector<1x16xf32> to vector<16xf32>
      %swap3A_1054 = vector.shape_cast %broadcast_in_dim3A_17 : vector<16xf32> to vector<1x16xf32>
      tpu.vector_store %arg8[%swap3A_1050, %swap3A_1051], %swap3A_1054 {strides = array<i32>} : memref<256x16xf32, #tpu.memory_space<vmem>>, vector<1x16xf32>,
      %swap3A_1055 = arith.constant 173 : i32
      %swap3A_1056 = arith.index_cast %swap3A_1055 : i32 to index
      %swap3A_1057 = arith.constant 0 : index
      %swap3A_1058 = tpu.vector_load %arg8[%swap3A_1056, %swap3A_1057] {strides = array<i32>} : memref<256x16xf32, #tpu.memory_space<vmem>>, vector<1x16xf32>,
      %swap3A_1059 = vector.shape_cast %swap3A_1058 : vector<1x16xf32> to vector<16xf32>
      %swap3A_1060 = vector.shape_cast %broadcast_in_dim3A_17 : vector<16xf32> to vector<1x16xf32>
      tpu.vector_store %arg8[%swap3A_1056, %swap3A_1057], %swap3A_1060 {strides = array<i32>} : memref<256x16xf32, #tpu.memory_space<vmem>>, vector<1x16xf32>,
      %swap3A_1061 = arith.constant 174 : i32
      %swap3A_1062 = arith.index_cast %swap3A_1061 : i32 to index
      %swap3A_1063 = arith.constant 0 : index
      %swap3A_1064 = tpu.vector_load %arg8[%swap3A_1062, %swap3A_1063] {strides = array<i32>} : memref<256x16xf32, #tpu.memory_space<vmem>>, vector<1x16xf32>,
      %swap3A_1065 = vector.shape_cast %swap3A_1064 : vector<1x16xf32> to vector<16xf32>
      %swap3A_1066 = vector.shape_cast %broadcast_in_dim3A_17 : vector<16xf32> to vector<1x16xf32>
      tpu.vector_store %arg8[%swap3A_1062, %swap3A_1063], %swap3A_1066 {strides = array<i32>} : memref<256x16xf32, #tpu.memory_space<vmem>>, vector<1x16xf32>,
      %swap3A_1067 = arith.constant 175 : i32
      %swap3A_1068 = arith.index_cast %swap3A_1067 : i32 to index
      %swap3A_1069 = arith.constant 0 : index
      %swap3A_1070 = tpu.vector_load %arg8[%swap3A_1068, %swap3A_1069] {strides = array<i32>} : memref<256x16xf32, #tpu.memory_space<vmem>>, vector<1x16xf32>,
      %swap3A_1071 = vector.shape_cast %swap3A_1070 : vector<1x16xf32> to vector<16xf32>
      %swap3A_1072 = vector.shape_cast %broadcast_in_dim3A_17 : vector<16xf32> to vector<1x16xf32>
      tpu.vector_store %arg8[%swap3A_1068, %swap3A_1069], %swap3A_1072 {strides = array<i32>} : memref<256x16xf32, #tpu.memory_space<vmem>>, vector<1x16xf32>,
      %swap3A_1073 = arith.constant 176 : i32
      %swap3A_1074 = arith.index_cast %swap3A_1073 : i32 to index
      %swap3A_1075 = arith.constant 0 : index
      %swap3A_1076 = tpu.vector_load %arg8[%swap3A_1074, %swap3A_1075] {strides = array<i32>} : memref<256x16xf32, #tpu.memory_space<vmem>>, vector<1x16xf32>,
      %swap3A_1077 = vector.shape_cast %swap3A_1076 : vector<1x16xf32> to vector<16xf32>
      %swap3A_1078 = vector.shape_cast %broadcast_in_dim3A_17 : vector<16xf32> to vector<1x16xf32>
      tpu.vector_store %arg8[%swap3A_1074, %swap3A_1075], %swap3A_1078 {strides = array<i32>} : memref<256x16xf32, #tpu.memory_space<vmem>>, vector<1x16xf32>,
      %swap3A_1079 = arith.constant 177 : i32
      %swap3A_1080 = arith.index_cast %swap3A_1079 : i32 to index
      %swap3A_1081 = arith.constant 0 : index
      %swap3A_1082 = tpu.vector_load %arg8[%swap3A_1080, %swap3A_1081] {strides = array<i32>} : memref<256x16xf32, #tpu.memory_space<vmem>>, vector<1x16xf32>,
      %swap3A_1083 = vector.shape_cast %swap3A_1082 : vector<1x16xf32> to vector<16xf32>
      %swap3A_1084 = vector.shape_cast %broadcast_in_dim3A_17 : vector<16xf32> to vector<1x16xf32>
      tpu.vector_store %arg8[%swap3A_1080, %swap3A_1081], %swap3A_1084 {strides = array<i32>} : memref<256x16xf32, #tpu.memory_space<vmem>>, vector<1x16xf32>,
      %swap3A_1085 = arith.constant 178 : i32
      %swap3A_1086 = arith.index_cast %swap3A_1085 : i32 to index
      %swap3A_1087 = arith.constant 0 : index
      %swap3A_1088 = tpu.vector_load %arg8[%swap3A_1086, %swap3A_1087] {strides = array<i32>} : memref<256x16xf32, #tpu.memory_space<vmem>>, vector<1x16xf32>,
      %swap3A_1089 = vector.shape_cast %swap3A_1088 : vector<1x16xf32> to vector<16xf32>
      %swap3A_1090 = vector.shape_cast %broadcast_in_dim3A_17 : vector<16xf32> to vector<1x16xf32>
      tpu.vector_store %arg8[%swap3A_1086, %swap3A_1087], %swap3A_1090 {strides = array<i32>} : memref<256x16xf32, #tpu.memory_space<vmem>>, vector<1x16xf32>,
      %swap3A_1091 = arith.constant 179 : i32
      %swap3A_1092 = arith.index_cast %swap3A_1091 : i32 to index
      %swap3A_1093 = arith.constant 0 : index
      %swap3A_1094 = tpu.vector_load %arg8[%swap3A_1092, %swap3A_1093] {strides = array<i32>} : memref<256x16xf32, #tpu.memory_space<vmem>>, vector<1x16xf32>,
      %swap3A_1095 = vector.shape_cast %swap3A_1094 : vector<1x16xf32> to vector<16xf32>
      %swap3A_1096 = vector.shape_cast %broadcast_in_dim3A_17 : vector<16xf32> to vector<1x16xf32>
      tpu.vector_store %arg8[%swap3A_1092, %swap3A_1093], %swap3A_1096 {strides = array<i32>} : memref<256x16xf32, #tpu.memory_space<vmem>>, vector<1x16xf32>,
      %swap3A_1097 = arith.constant 180 : i32
      %swap3A_1098 = arith.index_cast %swap3A_1097 : i32 to index
      %swap3A_1099 = arith.constant 0 : index
      %swap3A_1100 = tpu.vector_load %arg8[%swap3A_1098, %swap3A_1099] {strides = array<i32>} : memref<256x16xf32, #tpu.memory_space<vmem>>, vector<1x16xf32>,
      %swap3A_1101 = vector.shape_cast %swap3A_1100 : vector<1x16xf32> to vector<16xf32>
      %swap3A_1102 = vector.shape_cast %broadcast_in_dim3A_17 : vector<16xf32> to vector<1x16xf32>
      tpu.vector_store %arg8[%swap3A_1098, %swap3A_1099], %swap3A_1102 {strides = array<i32>} : memref<256x16xf32, #tpu.memory_space<vmem>>, vector<1x16xf32>,
      %swap3A_1103 = arith.constant 181 : i32
      %swap3A_1104 = arith.index_cast %swap3A_1103 : i32 to index
      %swap3A_1105 = arith.constant 0 : index
      %swap3A_1106 = tpu.vector_load %arg8[%swap3A_1104, %swap3A_1105] {strides = array<i32>} : memref<256x16xf32, #tpu.memory_space<vmem>>, vector<1x16xf32>,
      %swap3A_1107 = vector.shape_cast %swap3A_1106 : vector<1x16xf32> to vector<16xf32>
      %swap3A_1108 = vector.shape_cast %broadcast_in_dim3A_17 : vector<16xf32> to vector<1x16xf32>
      tpu.vector_store %arg8[%swap3A_1104, %swap3A_1105], %swap3A_1108 {strides = array<i32>} : memref<256x16xf32, #tpu.memory_space<vmem>>, vector<1x16xf32>,
      %swap3A_1109 = arith.constant 182 : i32
      %swap3A_1110 = arith.index_cast %swap3A_1109 : i32 to index
      %swap3A_1111 = arith.constant 0 : index
      %swap3A_1112 = tpu.vector_load %arg8[%swap3A_1110, %swap3A_1111] {strides = array<i32>} : memref<256x16xf32, #tpu.memory_space<vmem>>, vector<1x16xf32>,
      %swap3A_1113 = vector.shape_cast %swap3A_1112 : vector<1x16xf32> to vector<16xf32>
      %swap3A_1114 = vector.shape_cast %broadcast_in_dim3A_17 : vector<16xf32> to vector<1x16xf32>
      tpu.vector_store %arg8[%swap3A_1110, %swap3A_1111], %swap3A_1114 {strides = array<i32>} : memref<256x16xf32, #tpu.memory_space<vmem>>, vector<1x16xf32>,
      %swap3A_1115 = arith.constant 183 : i32
      %swap3A_1116 = arith.index_cast %swap3A_1115 : i32 to index
      %swap3A_1117 = arith.constant 0 : index
      %swap3A_1118 = tpu.vector_load %arg8[%swap3A_1116, %swap3A_1117] {strides = array<i32>} : memref<256x16xf32, #tpu.memory_space<vmem>>, vector<1x16xf32>,
      %swap3A_1119 = vector.shape_cast %swap3A_1118 : vector<1x16xf32> to vector<16xf32>
      %swap3A_1120 = vector.shape_cast %broadcast_in_dim3A_17 : vector<16xf32> to vector<1x16xf32>
      tpu.vector_store %arg8[%swap3A_1116, %swap3A_1117], %swap3A_1120 {strides = array<i32>} : memref<256x16xf32, #tpu.memory_space<vmem>>, vector<1x16xf32>,
      %swap3A_1121 = arith.constant 184 : i32
      %swap3A_1122 = arith.index_cast %swap3A_1121 : i32 to index
      %swap3A_1123 = arith.constant 0 : index
      %swap3A_1124 = tpu.vector_load %arg8[%swap3A_1122, %swap3A_1123] {strides = array<i32>} : memref<256x16xf32, #tpu.memory_space<vmem>>, vector<1x16xf32>,
      %swap3A_1125 = vector.shape_cast %swap3A_1124 : vector<1x16xf32> to vector<16xf32>
      %swap3A_1126 = vector.shape_cast %broadcast_in_dim3A_17 : vector<16xf32> to vector<1x16xf32>
      tpu.vector_store %arg8[%swap3A_1122, %swap3A_1123], %swap3A_1126 {strides = array<i32>} : memref<256x16xf32, #tpu.memory_space<vmem>>, vector<1x16xf32>,
      %swap3A_1127 = arith.constant 185 : i32
      %swap3A_1128 = arith.index_cast %swap3A_1127 : i32 to index
      %swap3A_1129 = arith.constant 0 : index
      %swap3A_1130 = tpu.vector_load %arg8[%swap3A_1128, %swap3A_1129] {strides = array<i32>} : memref<256x16xf32, #tpu.memory_space<vmem>>, vector<1x16xf32>,
      %swap3A_1131 = vector.shape_cast %swap3A_1130 : vector<1x16xf32> to vector<16xf32>
      %swap3A_1132 = vector.shape_cast %broadcast_in_dim3A_17 : vector<16xf32> to vector<1x16xf32>
      tpu.vector_store %arg8[%swap3A_1128, %swap3A_1129], %swap3A_1132 {strides = array<i32>} : memref<256x16xf32, #tpu.memory_space<vmem>>, vector<1x16xf32>,
      %swap3A_1133 = arith.constant 186 : i32
      %swap3A_1134 = arith.index_cast %swap3A_1133 : i32 to index
      %swap3A_1135 = arith.constant 0 : index
      %swap3A_1136 = tpu.vector_load %arg8[%swap3A_1134, %swap3A_1135] {strides = array<i32>} : memref<256x16xf32, #tpu.memory_space<vmem>>, vector<1x16xf32>,
      %swap3A_1137 = vector.shape_cast %swap3A_1136 : vector<1x16xf32> to vector<16xf32>
      %swap3A_1138 = vector.shape_cast %broadcast_in_dim3A_17 : vector<16xf32> to vector<1x16xf32>
      tpu.vector_store %arg8[%swap3A_1134, %swap3A_1135], %swap3A_1138 {strides = array<i32>} : memref<256x16xf32, #tpu.memory_space<vmem>>, vector<1x16xf32>,
      %swap3A_1139 = arith.constant 187 : i32
      %swap3A_1140 = arith.index_cast %swap3A_1139 : i32 to index
      %swap3A_1141 = arith.constant 0 : index
      %swap3A_1142 = tpu.vector_load %arg8[%swap3A_1140, %swap3A_1141] {strides = array<i32>} : memref<256x16xf32, #tpu.memory_space<vmem>>, vector<1x16xf32>,
      %swap3A_1143 = vector.shape_cast %swap3A_1142 : vector<1x16xf32> to vector<16xf32>
      %swap3A_1144 = vector.shape_cast %broadcast_in_dim3A_17 : vector<16xf32> to vector<1x16xf32>
      tpu.vector_store %arg8[%swap3A_1140, %swap3A_1141], %swap3A_1144 {strides = array<i32>} : memref<256x16xf32, #tpu.memory_space<vmem>>, vector<1x16xf32>,
      %swap3A_1145 = arith.constant 188 : i32
      %swap3A_1146 = arith.index_cast %swap3A_1145 : i32 to index
      %swap3A_1147 = arith.constant 0 : index
      %swap3A_1148 = tpu.vector_load %arg8[%swap3A_1146, %swap3A_1147] {strides = array<i32>} : memref<256x16xf32, #tpu.memory_space<vmem>>, vector<1x16xf32>,
      %swap3A_1149 = vector.shape_cast %swap3A_1148 : vector<1x16xf32> to vector<16xf32>
      %swap3A_1150 = vector.shape_cast %broadcast_in_dim3A_17 : vector<16xf32> to vector<1x16xf32>
      tpu.vector_store %arg8[%swap3A_1146, %swap3A_1147], %swap3A_1150 {strides = array<i32>} : memref<256x16xf32, #tpu.memory_space<vmem>>, vector<1x16xf32>,
      %swap3A_1151 = arith.constant 189 : i32
      %swap3A_1152 = arith.index_cast %swap3A_1151 : i32 to index
      %swap3A_1153 = arith.constant 0 : index
      %swap3A_1154 = tpu.vector_load %arg8[%swap3A_1152, %swap3A_1153] {strides = array<i32>} : memref<256x16xf32, #tpu.memory_space<vmem>>, vector<1x16xf32>,
      %swap3A_1155 = vector.shape_cast %swap3A_1154 : vector<1x16xf32> to vector<16xf32>
      %swap3A_1156 = vector.shape_cast %broadcast_in_dim3A_17 : vector<16xf32> to vector<1x16xf32>
      tpu.vector_store %arg8[%swap3A_1152, %swap3A_1153], %swap3A_1156 {strides = array<i32>} : memref<256x16xf32, #tpu.memory_space<vmem>>, vector<1x16xf32>,
      %swap3A_1157 = arith.constant 190 : i32
      %swap3A_1158 = arith.index_cast %swap3A_1157 : i32 to index
      %swap3A_1159 = arith.constant 0 : index
      %swap3A_1160 = tpu.vector_load %arg8[%swap3A_1158, %swap3A_1159] {strides = array<i32>} : memref<256x16xf32, #tpu.memory_space<vmem>>, vector<1x16xf32>,
      %swap3A_1161 = vector.shape_cast %swap3A_1160 : vector<1x16xf32> to vector<16xf32>
      %swap3A_1162 = vector.shape_cast %broadcast_in_dim3A_17 : vector<16xf32> to vector<1x16xf32>
      tpu.vector_store %arg8[%swap3A_1158, %swap3A_1159], %swap3A_1162 {strides = array<i32>} : memref<256x16xf32, #tpu.memory_space<vmem>>, vector<1x16xf32>,
      %swap3A_1163 = arith.constant 191 : i32
      %swap3A_1164 = arith.index_cast %swap3A_1163 : i32 to index
      %swap3A_1165 = arith.constant 0 : index
      %swap3A_1166 = tpu.vector_load %arg8[%swap3A_1164, %swap3A_1165] {strides = array<i32>} : memref<256x16xf32, #tpu.memory_space<vmem>>, vector<1x16xf32>,
      %swap3A_1167 = vector.shape_cast %swap3A_1166 : vector<1x16xf32> to vector<16xf32>
      %swap3A_1168 = vector.shape_cast %broadcast_in_dim3A_17 : vector<16xf32> to vector<1x16xf32>
      tpu.vector_store %arg8[%swap3A_1164, %swap3A_1165], %swap3A_1168 {strides = array<i32>} : memref<256x16xf32, #tpu.memory_space<vmem>>, vector<1x16xf32>,
      %swap3A_1169 = arith.constant 192 : i32
      %swap3A_1170 = arith.index_cast %swap3A_1169 : i32 to index
      %swap3A_1171 = arith.constant 0 : index
      %swap3A_1172 = tpu.vector_load %arg8[%swap3A_1170, %swap3A_1171] {strides = array<i32>} : memref<256x16xf32, #tpu.memory_space<vmem>>, vector<1x16xf32>,
      %swap3A_1173 = vector.shape_cast %swap3A_1172 : vector<1x16xf32> to vector<16xf32>
      %swap3A_1174 = vector.shape_cast %broadcast_in_dim3A_17 : vector<16xf32> to vector<1x16xf32>
      tpu.vector_store %arg8[%swap3A_1170, %swap3A_1171], %swap3A_1174 {strides = array<i32>} : memref<256x16xf32, #tpu.memory_space<vmem>>, vector<1x16xf32>,
      %swap3A_1175 = arith.constant 193 : i32
      %swap3A_1176 = arith.index_cast %swap3A_1175 : i32 to index
      %swap3A_1177 = arith.constant 0 : index
      %swap3A_1178 = tpu.vector_load %arg8[%swap3A_1176, %swap3A_1177] {strides = array<i32>} : memref<256x16xf32, #tpu.memory_space<vmem>>, vector<1x16xf32>,
      %swap3A_1179 = vector.shape_cast %swap3A_1178 : vector<1x16xf32> to vector<16xf32>
      %swap3A_1180 = vector.shape_cast %broadcast_in_dim3A_17 : vector<16xf32> to vector<1x16xf32>
      tpu.vector_store %arg8[%swap3A_1176, %swap3A_1177], %swap3A_1180 {strides = array<i32>} : memref<256x16xf32, #tpu.memory_space<vmem>>, vector<1x16xf32>,
      %swap3A_1181 = arith.constant 194 : i32
      %swap3A_1182 = arith.index_cast %swap3A_1181 : i32 to index
      %swap3A_1183 = arith.constant 0 : index
      %swap3A_1184 = tpu.vector_load %arg8[%swap3A_1182, %swap3A_1183] {strides = array<i32>} : memref<256x16xf32, #tpu.memory_space<vmem>>, vector<1x16xf32>,
      %swap3A_1185 = vector.shape_cast %swap3A_1184 : vector<1x16xf32> to vector<16xf32>
      %swap3A_1186 = vector.shape_cast %broadcast_in_dim3A_17 : vector<16xf32> to vector<1x16xf32>
      tpu.vector_store %arg8[%swap3A_1182, %swap3A_1183], %swap3A_1186 {strides = array<i32>} : memref<256x16xf32, #tpu.memory_space<vmem>>, vector<1x16xf32>,
      %swap3A_1187 = arith.constant 195 : i32
      %swap3A_1188 = arith.index_cast %swap3A_1187 : i32 to index
      %swap3A_1189 = arith.constant 0 : index
      %swap3A_1190 = tpu.vector_load %arg8[%swap3A_1188, %swap3A_1189] {strides = array<i32>} : memref<256x16xf32, #tpu.memory_space<vmem>>, vector<1x16xf32>,
      %swap3A_1191 = vector.shape_cast %swap3A_1190 : vector<1x16xf32> to vector<16xf32>
      %swap3A_1192 = vector.shape_cast %broadcast_in_dim3A_17 : vector<16xf32> to vector<1x16xf32>
      tpu.vector_store %arg8[%swap3A_1188, %swap3A_1189], %swap3A_1192 {strides = array<i32>} : memref<256x16xf32, #tpu.memory_space<vmem>>, vector<1x16xf32>,
      %swap3A_1193 = arith.constant 196 : i32
      %swap3A_1194 = arith.index_cast %swap3A_1193 : i32 to index
      %swap3A_1195 = arith.constant 0 : index
      %swap3A_1196 = tpu.vector_load %arg8[%swap3A_1194, %swap3A_1195] {strides = array<i32>} : memref<256x16xf32, #tpu.memory_space<vmem>>, vector<1x16xf32>,
      %swap3A_1197 = vector.shape_cast %swap3A_1196 : vector<1x16xf32> to vector<16xf32>
      %swap3A_1198 = vector.shape_cast %broadcast_in_dim3A_17 : vector<16xf32> to vector<1x16xf32>
      tpu.vector_store %arg8[%swap3A_1194, %swap3A_1195], %swap3A_1198 {strides = array<i32>} : memref<256x16xf32, #tpu.memory_space<vmem>>, vector<1x16xf32>,
      %swap3A_1199 = arith.constant 197 : i32
      %swap3A_1200 = arith.index_cast %swap3A_1199 : i32 to index
      %swap3A_1201 = arith.constant 0 : index
      %swap3A_1202 = tpu.vector_load %arg8[%swap3A_1200, %swap3A_1201] {strides = array<i32>} : memref<256x16xf32, #tpu.memory_space<vmem>>, vector<1x16xf32>,
      %swap3A_1203 = vector.shape_cast %swap3A_1202 : vector<1x16xf32> to vector<16xf32>
      %swap3A_1204 = vector.shape_cast %broadcast_in_dim3A_17 : vector<16xf32> to vector<1x16xf32>
      tpu.vector_store %arg8[%swap3A_1200, %swap3A_1201], %swap3A_1204 {strides = array<i32>} : memref<256x16xf32, #tpu.memory_space<vmem>>, vector<1x16xf32>,
      %swap3A_1205 = arith.constant 198 : i32
      %swap3A_1206 = arith.index_cast %swap3A_1205 : i32 to index
      %swap3A_1207 = arith.constant 0 : index
      %swap3A_1208 = tpu.vector_load %arg8[%swap3A_1206, %swap3A_1207] {strides = array<i32>} : memref<256x16xf32, #tpu.memory_space<vmem>>, vector<1x16xf32>,
      %swap3A_1209 = vector.shape_cast %swap3A_1208 : vector<1x16xf32> to vector<16xf32>
      %swap3A_1210 = vector.shape_cast %broadcast_in_dim3A_17 : vector<16xf32> to vector<1x16xf32>
      tpu.vector_store %arg8[%swap3A_1206, %swap3A_1207], %swap3A_1210 {strides = array<i32>} : memref<256x16xf32, #tpu.memory_space<vmem>>, vector<1x16xf32>,
      %swap3A_1211 = arith.constant 199 : i32
      %swap3A_1212 = arith.index_cast %swap3A_1211 : i32 to index
      %swap3A_1213 = arith.constant 0 : index
      %swap3A_1214 = tpu.vector_load %arg8[%swap3A_1212, %swap3A_1213] {strides = array<i32>} : memref<256x16xf32, #tpu.memory_space<vmem>>, vector<1x16xf32>,
      %swap3A_1215 = vector.shape_cast %swap3A_1214 : vector<1x16xf32> to vector<16xf32>
      %swap3A_1216 = vector.shape_cast %broadcast_in_dim3A_17 : vector<16xf32> to vector<1x16xf32>
      tpu.vector_store %arg8[%swap3A_1212, %swap3A_1213], %swap3A_1216 {strides = array<i32>} : memref<256x16xf32, #tpu.memory_space<vmem>>, vector<1x16xf32>,
      %swap3A_1217 = arith.constant 200 : i32
      %swap3A_1218 = arith.index_cast %swap3A_1217 : i32 to index
      %swap3A_1219 = arith.constant 0 : index
      %swap3A_1220 = tpu.vector_load %arg8[%swap3A_1218, %swap3A_1219] {strides = array<i32>} : memref<256x16xf32, #tpu.memory_space<vmem>>, vector<1x16xf32>,
      %swap3A_1221 = vector.shape_cast %swap3A_1220 : vector<1x16xf32> to vector<16xf32>
      %swap3A_1222 = vector.shape_cast %broadcast_in_dim3A_17 : vector<16xf32> to vector<1x16xf32>
      tpu.vector_store %arg8[%swap3A_1218, %swap3A_1219], %swap3A_1222 {strides = array<i32>} : memref<256x16xf32, #tpu.memory_space<vmem>>, vector<1x16xf32>,
      %swap3A_1223 = arith.constant 201 : i32
      %swap3A_1224 = arith.index_cast %swap3A_1223 : i32 to index
      %swap3A_1225 = arith.constant 0 : index
      %swap3A_1226 = tpu.vector_load %arg8[%swap3A_1224, %swap3A_1225] {strides = array<i32>} : memref<256x16xf32, #tpu.memory_space<vmem>>, vector<1x16xf32>,
      %swap3A_1227 = vector.shape_cast %swap3A_1226 : vector<1x16xf32> to vector<16xf32>
      %swap3A_1228 = vector.shape_cast %broadcast_in_dim3A_17 : vector<16xf32> to vector<1x16xf32>
      tpu.vector_store %arg8[%swap3A_1224, %swap3A_1225], %swap3A_1228 {strides = array<i32>} : memref<256x16xf32, #tpu.memory_space<vmem>>, vector<1x16xf32>,
      %swap3A_1229 = arith.constant 202 : i32
      %swap3A_1230 = arith.index_cast %swap3A_1229 : i32 to index
      %swap3A_1231 = arith.constant 0 : index
      %swap3A_1232 = tpu.vector_load %arg8[%swap3A_1230, %swap3A_1231] {strides = array<i32>} : memref<256x16xf32, #tpu.memory_space<vmem>>, vector<1x16xf32>,
      %swap3A_1233 = vector.shape_cast %swap3A_1232 : vector<1x16xf32> to vector<16xf32>
      %swap3A_1234 = vector.shape_cast %broadcast_in_dim3A_17 : vector<16xf32> to vector<1x16xf32>
      tpu.vector_store %arg8[%swap3A_1230, %swap3A_1231], %swap3A_1234 {strides = array<i32>} : memref<256x16xf32, #tpu.memory_space<vmem>>, vector<1x16xf32>,
      %swap3A_1235 = arith.constant 203 : i32
      %swap3A_1236 = arith.index_cast %swap3A_1235 : i32 to index
      %swap3A_1237 = arith.constant 0 : index
      %swap3A_1238 = tpu.vector_load %arg8[%swap3A_1236, %swap3A_1237] {strides = array<i32>} : memref<256x16xf32, #tpu.memory_space<vmem>>, vector<1x16xf32>,
      %swap3A_1239 = vector.shape_cast %swap3A_1238 : vector<1x16xf32> to vector<16xf32>
      %swap3A_1240 = vector.shape_cast %broadcast_in_dim3A_17 : vector<16xf32> to vector<1x16xf32>
      tpu.vector_store %arg8[%swap3A_1236, %swap3A_1237], %swap3A_1240 {strides = array<i32>} : memref<256x16xf32, #tpu.memory_space<vmem>>, vector<1x16xf32>,
      %swap3A_1241 = arith.constant 204 : i32
      %swap3A_1242 = arith.index_cast %swap3A_1241 : i32 to index
      %swap3A_1243 = arith.constant 0 : index
      %swap3A_1244 = tpu.vector_load %arg8[%swap3A_1242, %swap3A_1243] {strides = array<i32>} : memref<256x16xf32, #tpu.memory_space<vmem>>, vector<1x16xf32>,
      %swap3A_1245 = vector.shape_cast %swap3A_1244 : vector<1x16xf32> to vector<16xf32>
      %swap3A_1246 = vector.shape_cast %broadcast_in_dim3A_17 : vector<16xf32> to vector<1x16xf32>
      tpu.vector_store %arg8[%swap3A_1242, %swap3A_1243], %swap3A_1246 {strides = array<i32>} : memref<256x16xf32, #tpu.memory_space<vmem>>, vector<1x16xf32>,
      %swap3A_1247 = arith.constant 205 : i32
      %swap3A_1248 = arith.index_cast %swap3A_1247 : i32 to index
      %swap3A_1249 = arith.constant 0 : index
      %swap3A_1250 = tpu.vector_load %arg8[%swap3A_1248, %swap3A_1249] {strides = array<i32>} : memref<256x16xf32, #tpu.memory_space<vmem>>, vector<1x16xf32>,
      %swap3A_1251 = vector.shape_cast %swap3A_1250 : vector<1x16xf32> to vector<16xf32>
      %swap3A_1252 = vector.shape_cast %broadcast_in_dim3A_17 : vector<16xf32> to vector<1x16xf32>
      tpu.vector_store %arg8[%swap3A_1248, %swap3A_1249], %swap3A_1252 {strides = array<i32>} : memref<256x16xf32, #tpu.memory_space<vmem>>, vector<1x16xf32>,
      %swap3A_1253 = arith.constant 206 : i32
      %swap3A_1254 = arith.index_cast %swap3A_1253 : i32 to index
      %swap3A_1255 = arith.constant 0 : index
      %swap3A_1256 = tpu.vector_load %arg8[%swap3A_1254, %swap3A_1255] {strides = array<i32>} : memref<256x16xf32, #tpu.memory_space<vmem>>, vector<1x16xf32>,
      %swap3A_1257 = vector.shape_cast %swap3A_1256 : vector<1x16xf32> to vector<16xf32>
      %swap3A_1258 = vector.shape_cast %broadcast_in_dim3A_17 : vector<16xf32> to vector<1x16xf32>
      tpu.vector_store %arg8[%swap3A_1254, %swap3A_1255], %swap3A_1258 {strides = array<i32>} : memref<256x16xf32, #tpu.memory_space<vmem>>, vector<1x16xf32>,
      %swap3A_1259 = arith.constant 207 : i32
      %swap3A_1260 = arith.index_cast %swap3A_1259 : i32 to index
      %swap3A_1261 = arith.constant 0 : index
      %swap3A_1262 = tpu.vector_load %arg8[%swap3A_1260, %swap3A_1261] {strides = array<i32>} : memref<256x16xf32, #tpu.memory_space<vmem>>, vector<1x16xf32>,
      %swap3A_1263 = vector.shape_cast %swap3A_1262 : vector<1x16xf32> to vector<16xf32>
      %swap3A_1264 = vector.shape_cast %broadcast_in_dim3A_17 : vector<16xf32> to vector<1x16xf32>
      tpu.vector_store %arg8[%swap3A_1260, %swap3A_1261], %swap3A_1264 {strides = array<i32>} : memref<256x16xf32, #tpu.memory_space<vmem>>, vector<1x16xf32>,
      %swap3A_1265 = arith.constant 208 : i32
      %swap3A_1266 = arith.index_cast %swap3A_1265 : i32 to index
      %swap3A_1267 = arith.constant 0 : index
      %swap3A_1268 = tpu.vector_load %arg8[%swap3A_1266, %swap3A_1267] {strides = array<i32>} : memref<256x16xf32, #tpu.memory_space<vmem>>, vector<1x16xf32>,
      %swap3A_1269 = vector.shape_cast %swap3A_1268 : vector<1x16xf32> to vector<16xf32>
      %swap3A_1270 = vector.shape_cast %broadcast_in_dim3A_17 : vector<16xf32> to vector<1x16xf32>
      tpu.vector_store %arg8[%swap3A_1266, %swap3A_1267], %swap3A_1270 {strides = array<i32>} : memref<256x16xf32, #tpu.memory_space<vmem>>, vector<1x16xf32>,
      %swap3A_1271 = arith.constant 209 : i32
      %swap3A_1272 = arith.index_cast %swap3A_1271 : i32 to index
      %swap3A_1273 = arith.constant 0 : index
      %swap3A_1274 = tpu.vector_load %arg8[%swap3A_1272, %swap3A_1273] {strides = array<i32>} : memref<256x16xf32, #tpu.memory_space<vmem>>, vector<1x16xf32>,
      %swap3A_1275 = vector.shape_cast %swap3A_1274 : vector<1x16xf32> to vector<16xf32>
      %swap3A_1276 = vector.shape_cast %broadcast_in_dim3A_17 : vector<16xf32> to vector<1x16xf32>
      tpu.vector_store %arg8[%swap3A_1272, %swap3A_1273], %swap3A_1276 {strides = array<i32>} : memref<256x16xf32, #tpu.memory_space<vmem>>, vector<1x16xf32>,
      %swap3A_1277 = arith.constant 210 : i32
      %swap3A_1278 = arith.index_cast %swap3A_1277 : i32 to index
      %swap3A_1279 = arith.constant 0 : index
      %swap3A_1280 = tpu.vector_load %arg8[%swap3A_1278, %swap3A_1279] {strides = array<i32>} : memref<256x16xf32, #tpu.memory_space<vmem>>, vector<1x16xf32>,
      %swap3A_1281 = vector.shape_cast %swap3A_1280 : vector<1x16xf32> to vector<16xf32>
      %swap3A_1282 = vector.shape_cast %broadcast_in_dim3A_17 : vector<16xf32> to vector<1x16xf32>
      tpu.vector_store %arg8[%swap3A_1278, %swap3A_1279], %swap3A_1282 {strides = array<i32>} : memref<256x16xf32, #tpu.memory_space<vmem>>, vector<1x16xf32>,
      %swap3A_1283 = arith.constant 211 : i32
      %swap3A_1284 = arith.index_cast %swap3A_1283 : i32 to index
      %swap3A_1285 = arith.constant 0 : index
      %swap3A_1286 = tpu.vector_load %arg8[%swap3A_1284, %swap3A_1285] {strides = array<i32>} : memref<256x16xf32, #tpu.memory_space<vmem>>, vector<1x16xf32>,
      %swap3A_1287 = vector.shape_cast %swap3A_1286 : vector<1x16xf32> to vector<16xf32>
      %swap3A_1288 = vector.shape_cast %broadcast_in_dim3A_17 : vector<16xf32> to vector<1x16xf32>
      tpu.vector_store %arg8[%swap3A_1284, %swap3A_1285], %swap3A_1288 {strides = array<i32>} : memref<256x16xf32, #tpu.memory_space<vmem>>, vector<1x16xf32>,
      %swap3A_1289 = arith.constant 212 : i32
      %swap3A_1290 = arith.index_cast %swap3A_1289 : i32 to index
      %swap3A_1291 = arith.constant 0 : index
      %swap3A_1292 = tpu.vector_load %arg8[%swap3A_1290, %swap3A_1291] {strides = array<i32>} : memref<256x16xf32, #tpu.memory_space<vmem>>, vector<1x16xf32>,
      %swap3A_1293 = vector.shape_cast %swap3A_1292 : vector<1x16xf32> to vector<16xf32>
      %swap3A_1294 = vector.shape_cast %broadcast_in_dim3A_17 : vector<16xf32> to vector<1x16xf32>
      tpu.vector_store %arg8[%swap3A_1290, %swap3A_1291], %swap3A_1294 {strides = array<i32>} : memref<256x16xf32, #tpu.memory_space<vmem>>, vector<1x16xf32>,
      %swap3A_1295 = arith.constant 213 : i32
      %swap3A_1296 = arith.index_cast %swap3A_1295 : i32 to index
      %swap3A_1297 = arith.constant 0 : index
      %swap3A_1298 = tpu.vector_load %arg8[%swap3A_1296, %swap3A_1297] {strides = array<i32>} : memref<256x16xf32, #tpu.memory_space<vmem>>, vector<1x16xf32>,
      %swap3A_1299 = vector.shape_cast %swap3A_1298 : vector<1x16xf32> to vector<16xf32>
      %swap3A_1300 = vector.shape_cast %broadcast_in_dim3A_17 : vector<16xf32> to vector<1x16xf32>
      tpu.vector_store %arg8[%swap3A_1296, %swap3A_1297], %swap3A_1300 {strides = array<i32>} : memref<256x16xf32, #tpu.memory_space<vmem>>, vector<1x16xf32>,
      %swap3A_1301 = arith.constant 214 : i32
      %swap3A_1302 = arith.index_cast %swap3A_1301 : i32 to index
      %swap3A_1303 = arith.constant 0 : index
      %swap3A_1304 = tpu.vector_load %arg8[%swap3A_1302, %swap3A_1303] {strides = array<i32>} : memref<256x16xf32, #tpu.memory_space<vmem>>, vector<1x16xf32>,
      %swap3A_1305 = vector.shape_cast %swap3A_1304 : vector<1x16xf32> to vector<16xf32>
      %swap3A_1306 = vector.shape_cast %broadcast_in_dim3A_17 : vector<16xf32> to vector<1x16xf32>
      tpu.vector_store %arg8[%swap3A_1302, %swap3A_1303], %swap3A_1306 {strides = array<i32>} : memref<256x16xf32, #tpu.memory_space<vmem>>, vector<1x16xf32>,
      %swap3A_1307 = arith.constant 215 : i32
      %swap3A_1308 = arith.index_cast %swap3A_1307 : i32 to index
      %swap3A_1309 = arith.constant 0 : index
      %swap3A_1310 = tpu.vector_load %arg8[%swap3A_1308, %swap3A_1309] {strides = array<i32>} : memref<256x16xf32, #tpu.memory_space<vmem>>, vector<1x16xf32>,
      %swap3A_1311 = vector.shape_cast %swap3A_1310 : vector<1x16xf32> to vector<16xf32>
      %swap3A_1312 = vector.shape_cast %broadcast_in_dim3A_17 : vector<16xf32> to vector<1x16xf32>
      tpu.vector_store %arg8[%swap3A_1308, %swap3A_1309], %swap3A_1312 {strides = array<i32>} : memref<256x16xf32, #tpu.memory_space<vmem>>, vector<1x16xf32>,
      %swap3A_1313 = arith.constant 216 : i32
      %swap3A_1314 = arith.index_cast %swap3A_1313 : i32 to index
      %swap3A_1315 = arith.constant 0 : index
      %swap3A_1316 = tpu.vector_load %arg8[%swap3A_1314, %swap3A_1315] {strides = array<i32>} : memref<256x16xf32, #tpu.memory_space<vmem>>, vector<1x16xf32>,
      %swap3A_1317 = vector.shape_cast %swap3A_1316 : vector<1x16xf32> to vector<16xf32>
      %swap3A_1318 = vector.shape_cast %broadcast_in_dim3A_17 : vector<16xf32> to vector<1x16xf32>
      tpu.vector_store %arg8[%swap3A_1314, %swap3A_1315], %swap3A_1318 {strides = array<i32>} : memref<256x16xf32, #tpu.memory_space<vmem>>, vector<1x16xf32>,
      %swap3A_1319 = arith.constant 217 : i32
      %swap3A_1320 = arith.index_cast %swap3A_1319 : i32 to index
      %swap3A_1321 = arith.constant 0 : index
      %swap3A_1322 = tpu.vector_load %arg8[%swap3A_1320, %swap3A_1321] {strides = array<i32>} : memref<256x16xf32, #tpu.memory_space<vmem>>, vector<1x16xf32>,
      %swap3A_1323 = vector.shape_cast %swap3A_1322 : vector<1x16xf32> to vector<16xf32>
      %swap3A_1324 = vector.shape_cast %broadcast_in_dim3A_17 : vector<16xf32> to vector<1x16xf32>
      tpu.vector_store %arg8[%swap3A_1320, %swap3A_1321], %swap3A_1324 {strides = array<i32>} : memref<256x16xf32, #tpu.memory_space<vmem>>, vector<1x16xf32>,
      %swap3A_1325 = arith.constant 218 : i32
      %swap3A_1326 = arith.index_cast %swap3A_1325 : i32 to index
      %swap3A_1327 = arith.constant 0 : index
      %swap3A_1328 = tpu.vector_load %arg8[%swap3A_1326, %swap3A_1327] {strides = array<i32>} : memref<256x16xf32, #tpu.memory_space<vmem>>, vector<1x16xf32>,
      %swap3A_1329 = vector.shape_cast %swap3A_1328 : vector<1x16xf32> to vector<16xf32>
      %swap3A_1330 = vector.shape_cast %broadcast_in_dim3A_17 : vector<16xf32> to vector<1x16xf32>
      tpu.vector_store %arg8[%swap3A_1326, %swap3A_1327], %swap3A_1330 {strides = array<i32>} : memref<256x16xf32, #tpu.memory_space<vmem>>, vector<1x16xf32>,
      %swap3A_1331 = arith.constant 219 : i32
      %swap3A_1332 = arith.index_cast %swap3A_1331 : i32 to index
      %swap3A_1333 = arith.constant 0 : index
      %swap3A_1334 = tpu.vector_load %arg8[%swap3A_1332, %swap3A_1333] {strides = array<i32>} : memref<256x16xf32, #tpu.memory_space<vmem>>, vector<1x16xf32>,
      %swap3A_1335 = vector.shape_cast %swap3A_1334 : vector<1x16xf32> to vector<16xf32>
      %swap3A_1336 = vector.shape_cast %broadcast_in_dim3A_17 : vector<16xf32> to vector<1x16xf32>
      tpu.vector_store %arg8[%swap3A_1332, %swap3A_1333], %swap3A_1336 {strides = array<i32>} : memref<256x16xf32, #tpu.memory_space<vmem>>, vector<1x16xf32>,
      %swap3A_1337 = arith.constant 220 : i32
      %swap3A_1338 = arith.index_cast %swap3A_1337 : i32 to index
      %swap3A_1339 = arith.constant 0 : index
      %swap3A_1340 = tpu.vector_load %arg8[%swap3A_1338, %swap3A_1339] {strides = array<i32>} : memref<256x16xf32, #tpu.memory_space<vmem>>, vector<1x16xf32>,
      %swap3A_1341 = vector.shape_cast %swap3A_1340 : vector<1x16xf32> to vector<16xf32>
      %swap3A_1342 = vector.shape_cast %broadcast_in_dim3A_17 : vector<16xf32> to vector<1x16xf32>
      tpu.vector_store %arg8[%swap3A_1338, %swap3A_1339], %swap3A_1342 {strides = array<i32>} : memref<256x16xf32, #tpu.memory_space<vmem>>, vector<1x16xf32>,
      %swap3A_1343 = arith.constant 221 : i32
      %swap3A_1344 = arith.index_cast %swap3A_1343 : i32 to index
      %swap3A_1345 = arith.constant 0 : index
      %swap3A_1346 = tpu.vector_load %arg8[%swap3A_1344, %swap3A_1345] {strides = array<i32>} : memref<256x16xf32, #tpu.memory_space<vmem>>, vector<1x16xf32>,
      %swap3A_1347 = vector.shape_cast %swap3A_1346 : vector<1x16xf32> to vector<16xf32>
      %swap3A_1348 = vector.shape_cast %broadcast_in_dim3A_17 : vector<16xf32> to vector<1x16xf32>
      tpu.vector_store %arg8[%swap3A_1344, %swap3A_1345], %swap3A_1348 {strides = array<i32>} : memref<256x16xf32, #tpu.memory_space<vmem>>, vector<1x16xf32>,
      %swap3A_1349 = arith.constant 222 : i32
      %swap3A_1350 = arith.index_cast %swap3A_1349 : i32 to index
      %swap3A_1351 = arith.constant 0 : index
      %swap3A_1352 = tpu.vector_load %arg8[%swap3A_1350, %swap3A_1351] {strides = array<i32>} : memref<256x16xf32, #tpu.memory_space<vmem>>, vector<1x16xf32>,
      %swap3A_1353 = vector.shape_cast %swap3A_1352 : vector<1x16xf32> to vector<16xf32>
      %swap3A_1354 = vector.shape_cast %broadcast_in_dim3A_17 : vector<16xf32> to vector<1x16xf32>
      tpu.vector_store %arg8[%swap3A_1350, %swap3A_1351], %swap3A_1354 {strides = array<i32>} : memref<256x16xf32, #tpu.memory_space<vmem>>, vector<1x16xf32>,
      %swap3A_1355 = arith.constant 223 : i32
      %swap3A_1356 = arith.index_cast %swap3A_1355 : i32 to index
      %swap3A_1357 = arith.constant 0 : index
      %swap3A_1358 = tpu.vector_load %arg8[%swap3A_1356, %swap3A_1357] {strides = array<i32>} : memref<256x16xf32, #tpu.memory_space<vmem>>, vector<1x16xf32>,
      %swap3A_1359 = vector.shape_cast %swap3A_1358 : vector<1x16xf32> to vector<16xf32>
      %swap3A_1360 = vector.shape_cast %broadcast_in_dim3A_17 : vector<16xf32> to vector<1x16xf32>
      tpu.vector_store %arg8[%swap3A_1356, %swap3A_1357], %swap3A_1360 {strides = array<i32>} : memref<256x16xf32, #tpu.memory_space<vmem>>, vector<1x16xf32>,
      %swap3A_1361 = arith.constant 224 : i32
      %swap3A_1362 = arith.index_cast %swap3A_1361 : i32 to index
      %swap3A_1363 = arith.constant 0 : index
      %swap3A_1364 = tpu.vector_load %arg8[%swap3A_1362, %swap3A_1363] {strides = array<i32>} : memref<256x16xf32, #tpu.memory_space<vmem>>, vector<1x16xf32>,
      %swap3A_1365 = vector.shape_cast %swap3A_1364 : vector<1x16xf32> to vector<16xf32>
      %swap3A_1366 = vector.shape_cast %broadcast_in_dim3A_17 : vector<16xf32> to vector<1x16xf32>
      tpu.vector_store %arg8[%swap3A_1362, %swap3A_1363], %swap3A_1366 {strides = array<i32>} : memref<256x16xf32, #tpu.memory_space<vmem>>, vector<1x16xf32>,
      %swap3A_1367 = arith.constant 225 : i32
      %swap3A_1368 = arith.index_cast %swap3A_1367 : i32 to index
      %swap3A_1369 = arith.constant 0 : index
      %swap3A_1370 = tpu.vector_load %arg8[%swap3A_1368, %swap3A_1369] {strides = array<i32>} : memref<256x16xf32, #tpu.memory_space<vmem>>, vector<1x16xf32>,
      %swap3A_1371 = vector.shape_cast %swap3A_1370 : vector<1x16xf32> to vector<16xf32>
      %swap3A_1372 = vector.shape_cast %broadcast_in_dim3A_17 : vector<16xf32> to vector<1x16xf32>
      tpu.vector_store %arg8[%swap3A_1368, %swap3A_1369], %swap3A_1372 {strides = array<i32>} : memref<256x16xf32, #tpu.memory_space<vmem>>, vector<1x16xf32>,
      %swap3A_1373 = arith.constant 226 : i32
      %swap3A_1374 = arith.index_cast %swap3A_1373 : i32 to index
      %swap3A_1375 = arith.constant 0 : index
      %swap3A_1376 = tpu.vector_load %arg8[%swap3A_1374, %swap3A_1375] {strides = array<i32>} : memref<256x16xf32, #tpu.memory_space<vmem>>, vector<1x16xf32>,
      %swap3A_1377 = vector.shape_cast %swap3A_1376 : vector<1x16xf32> to vector<16xf32>
      %swap3A_1378 = vector.shape_cast %broadcast_in_dim3A_17 : vector<16xf32> to vector<1x16xf32>
      tpu.vector_store %arg8[%swap3A_1374, %swap3A_1375], %swap3A_1378 {strides = array<i32>} : memref<256x16xf32, #tpu.memory_space<vmem>>, vector<1x16xf32>,
      %swap3A_1379 = arith.constant 227 : i32
      %swap3A_1380 = arith.index_cast %swap3A_1379 : i32 to index
      %swap3A_1381 = arith.constant 0 : index
      %swap3A_1382 = tpu.vector_load %arg8[%swap3A_1380, %swap3A_1381] {strides = array<i32>} : memref<256x16xf32, #tpu.memory_space<vmem>>, vector<1x16xf32>,
      %swap3A_1383 = vector.shape_cast %swap3A_1382 : vector<1x16xf32> to vector<16xf32>
      %swap3A_1384 = vector.shape_cast %broadcast_in_dim3A_17 : vector<16xf32> to vector<1x16xf32>
      tpu.vector_store %arg8[%swap3A_1380, %swap3A_1381], %swap3A_1384 {strides = array<i32>} : memref<256x16xf32, #tpu.memory_space<vmem>>, vector<1x16xf32>,
      %swap3A_1385 = arith.constant 228 : i32
      %swap3A_1386 = arith.index_cast %swap3A_1385 : i32 to index
      %swap3A_1387 = arith.constant 0 : index
      %swap3A_1388 = tpu.vector_load %arg8[%swap3A_1386, %swap3A_1387] {strides = array<i32>} : memref<256x16xf32, #tpu.memory_space<vmem>>, vector<1x16xf32>,
      %swap3A_1389 = vector.shape_cast %swap3A_1388 : vector<1x16xf32> to vector<16xf32>
      %swap3A_1390 = vector.shape_cast %broadcast_in_dim3A_17 : vector<16xf32> to vector<1x16xf32>
      tpu.vector_store %arg8[%swap3A_1386, %swap3A_1387], %swap3A_1390 {strides = array<i32>} : memref<256x16xf32, #tpu.memory_space<vmem>>, vector<1x16xf32>,
      %swap3A_1391 = arith.constant 229 : i32
      %swap3A_1392 = arith.index_cast %swap3A_1391 : i32 to index
      %swap3A_1393 = arith.constant 0 : index
      %swap3A_1394 = tpu.vector_load %arg8[%swap3A_1392, %swap3A_1393] {strides = array<i32>} : memref<256x16xf32, #tpu.memory_space<vmem>>, vector<1x16xf32>,
      %swap3A_1395 = vector.shape_cast %swap3A_1394 : vector<1x16xf32> to vector<16xf32>
      %swap3A_1396 = vector.shape_cast %broadcast_in_dim3A_17 : vector<16xf32> to vector<1x16xf32>
      tpu.vector_store %arg8[%swap3A_1392, %swap3A_1393], %swap3A_1396 {strides = array<i32>} : memref<256x16xf32, #tpu.memory_space<vmem>>, vector<1x16xf32>,
      %swap3A_1397 = arith.constant 230 : i32
      %swap3A_1398 = arith.index_cast %swap3A_1397 : i32 to index
      %swap3A_1399 = arith.constant 0 : index
      %swap3A_1400 = tpu.vector_load %arg8[%swap3A_1398, %swap3A_1399] {strides = array<i32>} : memref<256x16xf32, #tpu.memory_space<vmem>>, vector<1x16xf32>,
      %swap3A_1401 = vector.shape_cast %swap3A_1400 : vector<1x16xf32> to vector<16xf32>
      %swap3A_1402 = vector.shape_cast %broadcast_in_dim3A_17 : vector<16xf32> to vector<1x16xf32>
      tpu.vector_store %arg8[%swap3A_1398, %swap3A_1399], %swap3A_1402 {strides = array<i32>} : memref<256x16xf32, #tpu.memory_space<vmem>>, vector<1x16xf32>,
      %swap3A_1403 = arith.constant 231 : i32
      %swap3A_1404 = arith.index_cast %swap3A_1403 : i32 to index
      %swap3A_1405 = arith.constant 0 : index
      %swap3A_1406 = tpu.vector_load %arg8[%swap3A_1404, %swap3A_1405] {strides = array<i32>} : memref<256x16xf32, #tpu.memory_space<vmem>>, vector<1x16xf32>,
      %swap3A_1407 = vector.shape_cast %swap3A_1406 : vector<1x16xf32> to vector<16xf32>
      %swap3A_1408 = vector.shape_cast %broadcast_in_dim3A_17 : vector<16xf32> to vector<1x16xf32>
      tpu.vector_store %arg8[%swap3A_1404, %swap3A_1405], %swap3A_1408 {strides = array<i32>} : memref<256x16xf32, #tpu.memory_space<vmem>>, vector<1x16xf32>,
      %swap3A_1409 = arith.constant 232 : i32
      %swap3A_1410 = arith.index_cast %swap3A_1409 : i32 to index
      %swap3A_1411 = arith.constant 0 : index
      %swap3A_1412 = tpu.vector_load %arg8[%swap3A_1410, %swap3A_1411] {strides = array<i32>} : memref<256x16xf32, #tpu.memory_space<vmem>>, vector<1x16xf32>,
      %swap3A_1413 = vector.shape_cast %swap3A_1412 : vector<1x16xf32> to vector<16xf32>
      %swap3A_1414 = vector.shape_cast %broadcast_in_dim3A_17 : vector<16xf32> to vector<1x16xf32>
      tpu.vector_store %arg8[%swap3A_1410, %swap3A_1411], %swap3A_1414 {strides = array<i32>} : memref<256x16xf32, #tpu.memory_space<vmem>>, vector<1x16xf32>,
      %swap3A_1415 = arith.constant 233 : i32
      %swap3A_1416 = arith.index_cast %swap3A_1415 : i32 to index
      %swap3A_1417 = arith.constant 0 : index
      %swap3A_1418 = tpu.vector_load %arg8[%swap3A_1416, %swap3A_1417] {strides = array<i32>} : memref<256x16xf32, #tpu.memory_space<vmem>>, vector<1x16xf32>,
      %swap3A_1419 = vector.shape_cast %swap3A_1418 : vector<1x16xf32> to vector<16xf32>
      %swap3A_1420 = vector.shape_cast %broadcast_in_dim3A_17 : vector<16xf32> to vector<1x16xf32>
      tpu.vector_store %arg8[%swap3A_1416, %swap3A_1417], %swap3A_1420 {strides = array<i32>} : memref<256x16xf32, #tpu.memory_space<vmem>>, vector<1x16xf32>,
      %swap3A_1421 = arith.constant 234 : i32
      %swap3A_1422 = arith.index_cast %swap3A_1421 : i32 to index
      %swap3A_1423 = arith.constant 0 : index
      %swap3A_1424 = tpu.vector_load %arg8[%swap3A_1422, %swap3A_1423] {strides = array<i32>} : memref<256x16xf32, #tpu.memory_space<vmem>>, vector<1x16xf32>,
      %swap3A_1425 = vector.shape_cast %swap3A_1424 : vector<1x16xf32> to vector<16xf32>
      %swap3A_1426 = vector.shape_cast %broadcast_in_dim3A_17 : vector<16xf32> to vector<1x16xf32>
      tpu.vector_store %arg8[%swap3A_1422, %swap3A_1423], %swap3A_1426 {strides = array<i32>} : memref<256x16xf32, #tpu.memory_space<vmem>>, vector<1x16xf32>,
      %swap3A_1427 = arith.constant 235 : i32
      %swap3A_1428 = arith.index_cast %swap3A_1427 : i32 to index
      %swap3A_1429 = arith.constant 0 : index
      %swap3A_1430 = tpu.vector_load %arg8[%swap3A_1428, %swap3A_1429] {strides = array<i32>} : memref<256x16xf32, #tpu.memory_space<vmem>>, vector<1x16xf32>,
      %swap3A_1431 = vector.shape_cast %swap3A_1430 : vector<1x16xf32> to vector<16xf32>
      %swap3A_1432 = vector.shape_cast %broadcast_in_dim3A_17 : vector<16xf32> to vector<1x16xf32>
      tpu.vector_store %arg8[%swap3A_1428, %swap3A_1429], %swap3A_1432 {strides = array<i32>} : memref<256x16xf32, #tpu.memory_space<vmem>>, vector<1x16xf32>,
      %swap3A_1433 = arith.constant 236 : i32
      %swap3A_1434 = arith.index_cast %swap3A_1433 : i32 to index
      %swap3A_1435 = arith.constant 0 : index
      %swap3A_1436 = tpu.vector_load %arg8[%swap3A_1434, %swap3A_1435] {strides = array<i32>} : memref<256x16xf32, #tpu.memory_space<vmem>>, vector<1x16xf32>,
      %swap3A_1437 = vector.shape_cast %swap3A_1436 : vector<1x16xf32> to vector<16xf32>
      %swap3A_1438 = vector.shape_cast %broadcast_in_dim3A_17 : vector<16xf32> to vector<1x16xf32>
      tpu.vector_store %arg8[%swap3A_1434, %swap3A_1435], %swap3A_1438 {strides = array<i32>} : memref<256x16xf32, #tpu.memory_space<vmem>>, vector<1x16xf32>,
      %swap3A_1439 = arith.constant 237 : i32
      %swap3A_1440 = arith.index_cast %swap3A_1439 : i32 to index
      %swap3A_1441 = arith.constant 0 : index
      %swap3A_1442 = tpu.vector_load %arg8[%swap3A_1440, %swap3A_1441] {strides = array<i32>} : memref<256x16xf32, #tpu.memory_space<vmem>>, vector<1x16xf32>,
      %swap3A_1443 = vector.shape_cast %swap3A_1442 : vector<1x16xf32> to vector<16xf32>
      %swap3A_1444 = vector.shape_cast %broadcast_in_dim3A_17 : vector<16xf32> to vector<1x16xf32>
      tpu.vector_store %arg8[%swap3A_1440, %swap3A_1441], %swap3A_1444 {strides = array<i32>} : memref<256x16xf32, #tpu.memory_space<vmem>>, vector<1x16xf32>,
      %swap3A_1445 = arith.constant 238 : i32
      %swap3A_1446 = arith.index_cast %swap3A_1445 : i32 to index
      %swap3A_1447 = arith.constant 0 : index
      %swap3A_1448 = tpu.vector_load %arg8[%swap3A_1446, %swap3A_1447] {strides = array<i32>} : memref<256x16xf32, #tpu.memory_space<vmem>>, vector<1x16xf32>,
      %swap3A_1449 = vector.shape_cast %swap3A_1448 : vector<1x16xf32> to vector<16xf32>
      %swap3A_1450 = vector.shape_cast %broadcast_in_dim3A_17 : vector<16xf32> to vector<1x16xf32>
      tpu.vector_store %arg8[%swap3A_1446, %swap3A_1447], %swap3A_1450 {strides = array<i32>} : memref<256x16xf32, #tpu.memory_space<vmem>>, vector<1x16xf32>,
      %swap3A_1451 = arith.constant 239 : i32
      %swap3A_1452 = arith.index_cast %swap3A_1451 : i32 to index
      %swap3A_1453 = arith.constant 0 : index
      %swap3A_1454 = tpu.vector_load %arg8[%swap3A_1452, %swap3A_1453] {strides = array<i32>} : memref<256x16xf32, #tpu.memory_space<vmem>>, vector<1x16xf32>,
      %swap3A_1455 = vector.shape_cast %swap3A_1454 : vector<1x16xf32> to vector<16xf32>
      %swap3A_1456 = vector.shape_cast %broadcast_in_dim3A_17 : vector<16xf32> to vector<1x16xf32>
      tpu.vector_store %arg8[%swap3A_1452, %swap3A_1453], %swap3A_1456 {strides = array<i32>} : memref<256x16xf32, #tpu.memory_space<vmem>>, vector<1x16xf32>,
      %swap3A_1457 = arith.constant 240 : i32
      %swap3A_1458 = arith.index_cast %swap3A_1457 : i32 to index
      %swap3A_1459 = arith.constant 0 : index
      %swap3A_1460 = tpu.vector_load %arg8[%swap3A_1458, %swap3A_1459] {strides = array<i32>} : memref<256x16xf32, #tpu.memory_space<vmem>>, vector<1x16xf32>,
      %swap3A_1461 = vector.shape_cast %swap3A_1460 : vector<1x16xf32> to vector<16xf32>
      %swap3A_1462 = vector.shape_cast %broadcast_in_dim3A_17 : vector<16xf32> to vector<1x16xf32>
      tpu.vector_store %arg8[%swap3A_1458, %swap3A_1459], %swap3A_1462 {strides = array<i32>} : memref<256x16xf32, #tpu.memory_space<vmem>>, vector<1x16xf32>,
      %swap3A_1463 = arith.constant 241 : i32
      %swap3A_1464 = arith.index_cast %swap3A_1463 : i32 to index
      %swap3A_1465 = arith.constant 0 : index
      %swap3A_1466 = tpu.vector_load %arg8[%swap3A_1464, %swap3A_1465] {strides = array<i32>} : memref<256x16xf32, #tpu.memory_space<vmem>>, vector<1x16xf32>,
      %swap3A_1467 = vector.shape_cast %swap3A_1466 : vector<1x16xf32> to vector<16xf32>
      %swap3A_1468 = vector.shape_cast %broadcast_in_dim3A_17 : vector<16xf32> to vector<1x16xf32>
      tpu.vector_store %arg8[%swap3A_1464, %swap3A_1465], %swap3A_1468 {strides = array<i32>} : memref<256x16xf32, #tpu.memory_space<vmem>>, vector<1x16xf32>,
      %swap3A_1469 = arith.constant 242 : i32
      %swap3A_1470 = arith.index_cast %swap3A_1469 : i32 to index
      %swap3A_1471 = arith.constant 0 : index
      %swap3A_1472 = tpu.vector_load %arg8[%swap3A_1470, %swap3A_1471] {strides = array<i32>} : memref<256x16xf32, #tpu.memory_space<vmem>>, vector<1x16xf32>,
      %swap3A_1473 = vector.shape_cast %swap3A_1472 : vector<1x16xf32> to vector<16xf32>
      %swap3A_1474 = vector.shape_cast %broadcast_in_dim3A_17 : vector<16xf32> to vector<1x16xf32>
      tpu.vector_store %arg8[%swap3A_1470, %swap3A_1471], %swap3A_1474 {strides = array<i32>} : memref<256x16xf32, #tpu.memory_space<vmem>>, vector<1x16xf32>,
      %swap3A_1475 = arith.constant 243 : i32
      %swap3A_1476 = arith.index_cast %swap3A_1475 : i32 to index
      %swap3A_1477 = arith.constant 0 : index
      %swap3A_1478 = tpu.vector_load %arg8[%swap3A_1476, %swap3A_1477] {strides = array<i32>} : memref<256x16xf32, #tpu.memory_space<vmem>>, vector<1x16xf32>,
      %swap3A_1479 = vector.shape_cast %swap3A_1478 : vector<1x16xf32> to vector<16xf32>
      %swap3A_1480 = vector.shape_cast %broadcast_in_dim3A_17 : vector<16xf32> to vector<1x16xf32>
      tpu.vector_store %arg8[%swap3A_1476, %swap3A_1477], %swap3A_1480 {strides = array<i32>} : memref<256x16xf32, #tpu.memory_space<vmem>>, vector<1x16xf32>,
      %swap3A_1481 = arith.constant 244 : i32
      %swap3A_1482 = arith.index_cast %swap3A_1481 : i32 to index
      %swap3A_1483 = arith.constant 0 : index
      %swap3A_1484 = tpu.vector_load %arg8[%swap3A_1482, %swap3A_1483] {strides = array<i32>} : memref<256x16xf32, #tpu.memory_space<vmem>>, vector<1x16xf32>,
      %swap3A_1485 = vector.shape_cast %swap3A_1484 : vector<1x16xf32> to vector<16xf32>
      %swap3A_1486 = vector.shape_cast %broadcast_in_dim3A_17 : vector<16xf32> to vector<1x16xf32>
      tpu.vector_store %arg8[%swap3A_1482, %swap3A_1483], %swap3A_1486 {strides = array<i32>} : memref<256x16xf32, #tpu.memory_space<vmem>>, vector<1x16xf32>,
      %swap3A_1487 = arith.constant 245 : i32
      %swap3A_1488 = arith.index_cast %swap3A_1487 : i32 to index
      %swap3A_1489 = arith.constant 0 : index
      %swap3A_1490 = tpu.vector_load %arg8[%swap3A_1488, %swap3A_1489] {strides = array<i32>} : memref<256x16xf32, #tpu.memory_space<vmem>>, vector<1x16xf32>,
      %swap3A_1491 = vector.shape_cast %swap3A_1490 : vector<1x16xf32> to vector<16xf32>
      %swap3A_1492 = vector.shape_cast %broadcast_in_dim3A_17 : vector<16xf32> to vector<1x16xf32>
      tpu.vector_store %arg8[%swap3A_1488, %swap3A_1489], %swap3A_1492 {strides = array<i32>} : memref<256x16xf32, #tpu.memory_space<vmem>>, vector<1x16xf32>,
      %swap3A_1493 = arith.constant 246 : i32
      %swap3A_1494 = arith.index_cast %swap3A_1493 : i32 to index
      %swap3A_1495 = arith.constant 0 : index
      %swap3A_1496 = tpu.vector_load %arg8[%swap3A_1494, %swap3A_1495] {strides = array<i32>} : memref<256x16xf32, #tpu.memory_space<vmem>>, vector<1x16xf32>,
      %swap3A_1497 = vector.shape_cast %swap3A_1496 : vector<1x16xf32> to vector<16xf32>
      %swap3A_1498 = vector.shape_cast %broadcast_in_dim3A_17 : vector<16xf32> to vector<1x16xf32>
      tpu.vector_store %arg8[%swap3A_1494, %swap3A_1495], %swap3A_1498 {strides = array<i32>} : memref<256x16xf32, #tpu.memory_space<vmem>>, vector<1x16xf32>,
      %swap3A_1499 = arith.constant 247 : i32
      %swap3A_1500 = arith.index_cast %swap3A_1499 : i32 to index
      %swap3A_1501 = arith.constant 0 : index
      %swap3A_1502 = tpu.vector_load %arg8[%swap3A_1500, %swap3A_1501] {strides = array<i32>} : memref<256x16xf32, #tpu.memory_space<vmem>>, vector<1x16xf32>,
      %swap3A_1503 = vector.shape_cast %swap3A_1502 : vector<1x16xf32> to vector<16xf32>
      %swap3A_1504 = vector.shape_cast %broadcast_in_dim3A_17 : vector<16xf32> to vector<1x16xf32>
      tpu.vector_store %arg8[%swap3A_1500, %swap3A_1501], %swap3A_1504 {strides = array<i32>} : memref<256x16xf32, #tpu.memory_space<vmem>>, vector<1x16xf32>,
      %swap3A_1505 = arith.constant 248 : i32
      %swap3A_1506 = arith.index_cast %swap3A_1505 : i32 to index
      %swap3A_1507 = arith.constant 0 : index
      %swap3A_1508 = tpu.vector_load %arg8[%swap3A_1506, %swap3A_1507] {strides = array<i32>} : memref<256x16xf32, #tpu.memory_space<vmem>>, vector<1x16xf32>,
      %swap3A_1509 = vector.shape_cast %swap3A_1508 : vector<1x16xf32> to vector<16xf32>
      %swap3A_1510 = vector.shape_cast %broadcast_in_dim3A_17 : vector<16xf32> to vector<1x16xf32>
      tpu.vector_store %arg8[%swap3A_1506, %swap3A_1507], %swap3A_1510 {strides = array<i32>} : memref<256x16xf32, #tpu.memory_space<vmem>>, vector<1x16xf32>,
      %swap3A_1511 = arith.constant 249 : i32
      %swap3A_1512 = arith.index_cast %swap3A_1511 : i32 to index
      %swap3A_1513 = arith.constant 0 : index
      %swap3A_1514 = tpu.vector_load %arg8[%swap3A_1512, %swap3A_1513] {strides = array<i32>} : memref<256x16xf32, #tpu.memory_space<vmem>>, vector<1x16xf32>,
      %swap3A_1515 = vector.shape_cast %swap3A_1514 : vector<1x16xf32> to vector<16xf32>
      %swap3A_1516 = vector.shape_cast %broadcast_in_dim3A_17 : vector<16xf32> to vector<1x16xf32>
      tpu.vector_store %arg8[%swap3A_1512, %swap3A_1513], %swap3A_1516 {strides = array<i32>} : memref<256x16xf32, #tpu.memory_space<vmem>>, vector<1x16xf32>,
      %swap3A_1517 = arith.constant 250 : i32
      %swap3A_1518 = arith.index_cast %swap3A_1517 : i32 to index
      %swap3A_1519 = arith.constant 0 : index
      %swap3A_1520 = tpu.vector_load %arg8[%swap3A_1518, %swap3A_1519] {strides = array<i32>} : memref<256x16xf32, #tpu.memory_space<vmem>>, vector<1x16xf32>,
      %swap3A_1521 = vector.shape_cast %swap3A_1520 : vector<1x16xf32> to vector<16xf32>
      %swap3A_1522 = vector.shape_cast %broadcast_in_dim3A_17 : vector<16xf32> to vector<1x16xf32>
      tpu.vector_store %arg8[%swap3A_1518, %swap3A_1519], %swap3A_1522 {strides = array<i32>} : memref<256x16xf32, #tpu.memory_space<vmem>>, vector<1x16xf32>,
      %swap3A_1523 = arith.constant 251 : i32
      %swap3A_1524 = arith.index_cast %swap3A_1523 : i32 to index
      %swap3A_1525 = arith.constant 0 : index
      %swap3A_1526 = tpu.vector_load %arg8[%swap3A_1524, %swap3A_1525] {strides = array<i32>} : memref<256x16xf32, #tpu.memory_space<vmem>>, vector<1x16xf32>,
      %swap3A_1527 = vector.shape_cast %swap3A_1526 : vector<1x16xf32> to vector<16xf32>
      %swap3A_1528 = vector.shape_cast %broadcast_in_dim3A_17 : vector<16xf32> to vector<1x16xf32>
      tpu.vector_store %arg8[%swap3A_1524, %swap3A_1525], %swap3A_1528 {strides = array<i32>} : memref<256x16xf32, #tpu.memory_space<vmem>>, vector<1x16xf32>,
      %swap3A_1529 = arith.constant 252 : i32
      %swap3A_1530 = arith.index_cast %swap3A_1529 : i32 to index
      %swap3A_1531 = arith.constant 0 : index
      %swap3A_1532 = tpu.vector_load %arg8[%swap3A_1530, %swap3A_1531] {strides = array<i32>} : memref<256x16xf32, #tpu.memory_space<vmem>>, vector<1x16xf32>,
      %swap3A_1533 = vector.shape_cast %swap3A_1532 : vector<1x16xf32> to vector<16xf32>
      %swap3A_1534 = vector.shape_cast %broadcast_in_dim3A_17 : vector<16xf32> to vector<1x16xf32>
      tpu.vector_store %arg8[%swap3A_1530, %swap3A_1531], %swap3A_1534 {strides = array<i32>} : memref<256x16xf32, #tpu.memory_space<vmem>>, vector<1x16xf32>,
      %swap3A_1535 = arith.constant 253 : i32
      %swap3A_1536 = arith.index_cast %swap3A_1535 : i32 to index
      %swap3A_1537 = arith.constant 0 : index
      %swap3A_1538 = tpu.vector_load %arg8[%swap3A_1536, %swap3A_1537] {strides = array<i32>} : memref<256x16xf32, #tpu.memory_space<vmem>>, vector<1x16xf32>,
      %swap3A_1539 = vector.shape_cast %swap3A_1538 : vector<1x16xf32> to vector<16xf32>
      %swap3A_1540 = vector.shape_cast %broadcast_in_dim3A_17 : vector<16xf32> to vector<1x16xf32>
      tpu.vector_store %arg8[%swap3A_1536, %swap3A_1537], %swap3A_1540 {strides = array<i32>} : memref<256x16xf32, #tpu.memory_space<vmem>>, vector<1x16xf32>,
      %swap3A_1541 = arith.constant 254 : i32
      %swap3A_1542 = arith.index_cast %swap3A_1541 : i32 to index
      %swap3A_1543 = arith.constant 0 : index
      %swap3A_1544 = tpu.vector_load %arg8[%swap3A_1542, %swap3A_1543] {strides = array<i32>} : memref<256x16xf32, #tpu.memory_space<vmem>>, vector<1x16xf32>,
      %swap3A_1545 = vector.shape_cast %swap3A_1544 : vector<1x16xf32> to vector<16xf32>
      %swap3A_1546 = vector.shape_cast %broadcast_in_dim3A_17 : vector<16xf32> to vector<1x16xf32>
      tpu.vector_store %arg8[%swap3A_1542, %swap3A_1543], %swap3A_1546 {strides = array<i32>} : memref<256x16xf32, #tpu.memory_space<vmem>>, vector<1x16xf32>,
      %swap3A_1547 = arith.constant 255 : i32
      %swap3A_1548 = arith.index_cast %swap3A_1547 : i32 to index
      %swap3A_1549 = arith.constant 0 : index
      %swap3A_1550 = tpu.vector_load %arg8[%swap3A_1548, %swap3A_1549] {strides = array<i32>} : memref<256x16xf32, #tpu.memory_space<vmem>>, vector<1x16xf32>,
      %swap3A_1551 = vector.shape_cast %swap3A_1550 : vector<1x16xf32> to vector<16xf32>
      %swap3A_1552 = vector.shape_cast %broadcast_in_dim3A_17 : vector<16xf32> to vector<1x16xf32>
      tpu.vector_store %arg8[%swap3A_1548, %swap3A_1549], %swap3A_1552 {strides = array<i32>} : memref<256x16xf32, #tpu.memory_space<vmem>>, vector<1x16xf32>,
      tpu.enqueue_dma source(%arg8 : memref<256x16xf32, #tpu.memory_space<vmem>>) target(%arg10 : memref<256x16xf32, #tpu.memory_space<vmem_shared>>) target_semaphore(%arg13 : memref<!tpu.dma_semaphore, #tpu.memory_space<semaphore_mem>>)
      %broadcast_in_dim3A_1553 = arith.constant 1.000000e+00 : f32
      %broadcast_in_dim3A_1554 = vector.broadcast %broadcast_in_dim3A_1553 : f32 to vector<16xf32>
      %swap3A_1555 = arith.constant 0 : i32
      %swap3A_1556 = arith.index_cast %swap3A_1555 : i32 to index
      %swap3A_1557 = arith.constant 0 : index
      %swap3A_1558 = tpu.vector_load %arg7[%swap3A_1556, %swap3A_1557] {strides = array<i32>} : memref<160x16xf32, #tpu.memory_space<vmem>>, vector<1x16xf32>,
      %swap3A_1559 = vector.shape_cast %swap3A_1558 : vector<1x16xf32> to vector<16xf32>
      %swap3A_1560 = vector.shape_cast %broadcast_in_dim3A_1554 : vector<16xf32> to vector<1x16xf32>
      tpu.vector_store %arg7[%swap3A_1556, %swap3A_1557], %swap3A_1560 {strides = array<i32>} : memref<160x16xf32, #tpu.memory_space<vmem>>, vector<1x16xf32>,
      %swap3A_1561 = arith.constant 1 : i32
      %swap3A_1562 = arith.index_cast %swap3A_1561 : i32 to index
      %swap3A_1563 = arith.constant 0 : index
      %swap3A_1564 = tpu.vector_load %arg7[%swap3A_1562, %swap3A_1563] {strides = array<i32>} : memref<160x16xf32, #tpu.memory_space<vmem>>, vector<1x16xf32>,
      %swap3A_1565 = vector.shape_cast %swap3A_1564 : vector<1x16xf32> to vector<16xf32>
      %swap3A_1566 = vector.shape_cast %broadcast_in_dim3A_1554 : vector<16xf32> to vector<1x16xf32>
      tpu.vector_store %arg7[%swap3A_1562, %swap3A_1563], %swap3A_1566 {strides = array<i32>} : memref<160x16xf32, #tpu.memory_space<vmem>>, vector<1x16xf32>,
      %swap3A_1567 = arith.constant 2 : i32
      %swap3A_1568 = arith.index_cast %swap3A_1567 : i32 to index
      %swap3A_1569 = arith.constant 0 : index
      %swap3A_1570 = tpu.vector_load %arg7[%swap3A_1568, %swap3A_1569] {strides = array<i32>} : memref<160x16xf32, #tpu.memory_space<vmem>>, vector<1x16xf32>,
      %swap3A_1571 = vector.shape_cast %swap3A_1570 : vector<1x16xf32> to vector<16xf32>
      %swap3A_1572 = vector.shape_cast %broadcast_in_dim3A_1554 : vector<16xf32> to vector<1x16xf32>
      tpu.vector_store %arg7[%swap3A_1568, %swap3A_1569], %swap3A_1572 {strides = array<i32>} : memref<160x16xf32, #tpu.memory_space<vmem>>, vector<1x16xf32>,
      %swap3A_1573 = arith.constant 3 : i32
      %swap3A_1574 = arith.index_cast %swap3A_1573 : i32 to index
      %swap3A_1575 = arith.constant 0 : index
      %swap3A_1576 = tpu.vector_load %arg7[%swap3A_1574, %swap3A_1575] {strides = array<i32>} : memref<160x16xf32, #tpu.memory_space<vmem>>, vector<1x16xf32>,
      %swap3A_1577 = vector.shape_cast %swap3A_1576 : vector<1x16xf32> to vector<16xf32>
      %swap3A_1578 = vector.shape_cast %broadcast_in_dim3A_1554 : vector<16xf32> to vector<1x16xf32>
      tpu.vector_store %arg7[%swap3A_1574, %swap3A_1575], %swap3A_1578 {strides = array<i32>} : memref<160x16xf32, #tpu.memory_space<vmem>>, vector<1x16xf32>,
      %swap3A_1579 = arith.constant 4 : i32
      %swap3A_1580 = arith.index_cast %swap3A_1579 : i32 to index
      %swap3A_1581 = arith.constant 0 : index
      %swap3A_1582 = tpu.vector_load %arg7[%swap3A_1580, %swap3A_1581] {strides = array<i32>} : memref<160x16xf32, #tpu.memory_space<vmem>>, vector<1x16xf32>,
      %swap3A_1583 = vector.shape_cast %swap3A_1582 : vector<1x16xf32> to vector<16xf32>
      %swap3A_1584 = vector.shape_cast %broadcast_in_dim3A_1554 : vector<16xf32> to vector<1x16xf32>
      tpu.vector_store %arg7[%swap3A_1580, %swap3A_1581], %swap3A_1584 {strides = array<i32>} : memref<160x16xf32, #tpu.memory_space<vmem>>, vector<1x16xf32>,
      %swap3A_1585 = arith.constant 5 : i32
      %swap3A_1586 = arith.index_cast %swap3A_1585 : i32 to index
      %swap3A_1587 = arith.constant 0 : index
      %swap3A_1588 = tpu.vector_load %arg7[%swap3A_1586, %swap3A_1587] {strides = array<i32>} : memref<160x16xf32, #tpu.memory_space<vmem>>, vector<1x16xf32>,
      %swap3A_1589 = vector.shape_cast %swap3A_1588 : vector<1x16xf32> to vector<16xf32>
      %swap3A_1590 = vector.shape_cast %broadcast_in_dim3A_1554 : vector<16xf32> to vector<1x16xf32>
      tpu.vector_store %arg7[%swap3A_1586, %swap3A_1587], %swap3A_1590 {strides = array<i32>} : memref<160x16xf32, #tpu.memory_space<vmem>>, vector<1x16xf32>,
      %swap3A_1591 = arith.constant 6 : i32
      %swap3A_1592 = arith.index_cast %swap3A_1591 : i32 to index
      %swap3A_1593 = arith.constant 0 : index
      %swap3A_1594 = tpu.vector_load %arg7[%swap3A_1592, %swap3A_1593] {strides = array<i32>} : memref<160x16xf32, #tpu.memory_space<vmem>>, vector<1x16xf32>,
      %swap3A_1595 = vector.shape_cast %swap3A_1594 : vector<1x16xf32> to vector<16xf32>
      %swap3A_1596 = vector.shape_cast %broadcast_in_dim3A_1554 : vector<16xf32> to vector<1x16xf32>
      tpu.vector_store %arg7[%swap3A_1592, %swap3A_1593], %swap3A_1596 {strides = array<i32>} : memref<160x16xf32, #tpu.memory_space<vmem>>, vector<1x16xf32>,
      %swap3A_1597 = arith.constant 7 : i32
      %swap3A_1598 = arith.index_cast %swap3A_1597 : i32 to index
      %swap3A_1599 = arith.constant 0 : index
      %swap3A_1600 = tpu.vector_load %arg7[%swap3A_1598, %swap3A_1599] {strides = array<i32>} : memref<160x16xf32, #tpu.memory_space<vmem>>, vector<1x16xf32>,
      %swap3A_1601 = vector.shape_cast %swap3A_1600 : vector<1x16xf32> to vector<16xf32>
      %swap3A_1602 = vector.shape_cast %broadcast_in_dim3A_1554 : vector<16xf32> to vector<1x16xf32>
      tpu.vector_store %arg7[%swap3A_1598, %swap3A_1599], %swap3A_1602 {strides = array<i32>} : memref<160x16xf32, #tpu.memory_space<vmem>>, vector<1x16xf32>,
      %swap3A_1603 = arith.constant 8 : i32
      %swap3A_1604 = arith.index_cast %swap3A_1603 : i32 to index
      %swap3A_1605 = arith.constant 0 : index
      %swap3A_1606 = tpu.vector_load %arg7[%swap3A_1604, %swap3A_1605] {strides = array<i32>} : memref<160x16xf32, #tpu.memory_space<vmem>>, vector<1x16xf32>,
      %swap3A_1607 = vector.shape_cast %swap3A_1606 : vector<1x16xf32> to vector<16xf32>
      %swap3A_1608 = vector.shape_cast %broadcast_in_dim3A_1554 : vector<16xf32> to vector<1x16xf32>
      tpu.vector_store %arg7[%swap3A_1604, %swap3A_1605], %swap3A_1608 {strides = array<i32>} : memref<160x16xf32, #tpu.memory_space<vmem>>, vector<1x16xf32>,
      %swap3A_1609 = arith.constant 9 : i32
      %swap3A_1610 = arith.index_cast %swap3A_1609 : i32 to index
      %swap3A_1611 = arith.constant 0 : index
      %swap3A_1612 = tpu.vector_load %arg7[%swap3A_1610, %swap3A_1611] {strides = array<i32>} : memref<160x16xf32, #tpu.memory_space<vmem>>, vector<1x16xf32>,
      %swap3A_1613 = vector.shape_cast %swap3A_1612 : vector<1x16xf32> to vector<16xf32>
      %swap3A_1614 = vector.shape_cast %broadcast_in_dim3A_1554 : vector<16xf32> to vector<1x16xf32>
      tpu.vector_store %arg7[%swap3A_1610, %swap3A_1611], %swap3A_1614 {strides = array<i32>} : memref<160x16xf32, #tpu.memory_space<vmem>>, vector<1x16xf32>,
      %swap3A_1615 = arith.constant 10 : i32
      %swap3A_1616 = arith.index_cast %swap3A_1615 : i32 to index
      %swap3A_1617 = arith.constant 0 : index
      %swap3A_1618 = tpu.vector_load %arg7[%swap3A_1616, %swap3A_1617] {strides = array<i32>} : memref<160x16xf32, #tpu.memory_space<vmem>>, vector<1x16xf32>,
      %swap3A_1619 = vector.shape_cast %swap3A_1618 : vector<1x16xf32> to vector<16xf32>
      %swap3A_1620 = vector.shape_cast %broadcast_in_dim3A_1554 : vector<16xf32> to vector<1x16xf32>
      tpu.vector_store %arg7[%swap3A_1616, %swap3A_1617], %swap3A_1620 {strides = array<i32>} : memref<160x16xf32, #tpu.memory_space<vmem>>, vector<1x16xf32>,
      %swap3A_1621 = arith.constant 11 : i32
      %swap3A_1622 = arith.index_cast %swap3A_1621 : i32 to index
      %swap3A_1623 = arith.constant 0 : index
      %swap3A_1624 = tpu.vector_load %arg7[%swap3A_1622, %swap3A_1623] {strides = array<i32>} : memref<160x16xf32, #tpu.memory_space<vmem>>, vector<1x16xf32>,
      %swap3A_1625 = vector.shape_cast %swap3A_1624 : vector<1x16xf32> to vector<16xf32>
      %swap3A_1626 = vector.shape_cast %broadcast_in_dim3A_1554 : vector<16xf32> to vector<1x16xf32>
      tpu.vector_store %arg7[%swap3A_1622, %swap3A_1623], %swap3A_1626 {strides = array<i32>} : memref<160x16xf32, #tpu.memory_space<vmem>>, vector<1x16xf32>,
      %swap3A_1627 = arith.constant 12 : i32
      %swap3A_1628 = arith.index_cast %swap3A_1627 : i32 to index
      %swap3A_1629 = arith.constant 0 : index
      %swap3A_1630 = tpu.vector_load %arg7[%swap3A_1628, %swap3A_1629] {strides = array<i32>} : memref<160x16xf32, #tpu.memory_space<vmem>>, vector<1x16xf32>,
      %swap3A_1631 = vector.shape_cast %swap3A_1630 : vector<1x16xf32> to vector<16xf32>
      %swap3A_1632 = vector.shape_cast %broadcast_in_dim3A_1554 : vector<16xf32> to vector<1x16xf32>
      tpu.vector_store %arg7[%swap3A_1628, %swap3A_1629], %swap3A_1632 {strides = array<i32>} : memref<160x16xf32, #tpu.memory_space<vmem>>, vector<1x16xf32>,
      %swap3A_1633 = arith.constant 13 : i32
      %swap3A_1634 = arith.index_cast %swap3A_1633 : i32 to index
      %swap3A_1635 = arith.constant 0 : index
      %swap3A_1636 = tpu.vector_load %arg7[%swap3A_1634, %swap3A_1635] {strides = array<i32>} : memref<160x16xf32, #tpu.memory_space<vmem>>, vector<1x16xf32>,
      %swap3A_1637 = vector.shape_cast %swap3A_1636 : vector<1x16xf32> to vector<16xf32>
      %swap3A_1638 = vector.shape_cast %broadcast_in_dim3A_1554 : vector<16xf32> to vector<1x16xf32>
      tpu.vector_store %arg7[%swap3A_1634, %swap3A_1635], %swap3A_1638 {strides = array<i32>} : memref<160x16xf32, #tpu.memory_space<vmem>>, vector<1x16xf32>,
      %swap3A_1639 = arith.constant 14 : i32
      %swap3A_1640 = arith.index_cast %swap3A_1639 : i32 to index
      %swap3A_1641 = arith.constant 0 : index
      %swap3A_1642 = tpu.vector_load %arg7[%swap3A_1640, %swap3A_1641] {strides = array<i32>} : memref<160x16xf32, #tpu.memory_space<vmem>>, vector<1x16xf32>,
      %swap3A_1643 = vector.shape_cast %swap3A_1642 : vector<1x16xf32> to vector<16xf32>
      %swap3A_1644 = vector.shape_cast %broadcast_in_dim3A_1554 : vector<16xf32> to vector<1x16xf32>
      tpu.vector_store %arg7[%swap3A_1640, %swap3A_1641], %swap3A_1644 {strides = array<i32>} : memref<160x16xf32, #tpu.memory_space<vmem>>, vector<1x16xf32>,
      %swap3A_1645 = arith.constant 15 : i32
      %swap3A_1646 = arith.index_cast %swap3A_1645 : i32 to index
      %swap3A_1647 = arith.constant 0 : index
      %swap3A_1648 = tpu.vector_load %arg7[%swap3A_1646, %swap3A_1647] {strides = array<i32>} : memref<160x16xf32, #tpu.memory_space<vmem>>, vector<1x16xf32>,
      %swap3A_1649 = vector.shape_cast %swap3A_1648 : vector<1x16xf32> to vector<16xf32>
      %swap3A_1650 = vector.shape_cast %broadcast_in_dim3A_1554 : vector<16xf32> to vector<1x16xf32>
      tpu.vector_store %arg7[%swap3A_1646, %swap3A_1647], %swap3A_1650 {strides = array<i32>} : memref<160x16xf32, #tpu.memory_space<vmem>>, vector<1x16xf32>,
      %swap3A_1651 = arith.constant 16 : i32
      %swap3A_1652 = arith.index_cast %swap3A_1651 : i32 to index
      %swap3A_1653 = arith.constant 0 : index
      %swap3A_1654 = tpu.vector_load %arg7[%swap3A_1652, %swap3A_1653] {strides = array<i32>} : memref<160x16xf32, #tpu.memory_space<vmem>>, vector<1x16xf32>,
      %swap3A_1655 = vector.shape_cast %swap3A_1654 : vector<1x16xf32> to vector<16xf32>
      %swap3A_1656 = vector.shape_cast %broadcast_in_dim3A_1554 : vector<16xf32> to vector<1x16xf32>
      tpu.vector_store %arg7[%swap3A_1652, %swap3A_1653], %swap3A_1656 {strides = array<i32>} : memref<160x16xf32, #tpu.memory_space<vmem>>, vector<1x16xf32>,
      %swap3A_1657 = arith.constant 17 : i32
      %swap3A_1658 = arith.index_cast %swap3A_1657 : i32 to index
      %swap3A_1659 = arith.constant 0 : index
      %swap3A_1660 = tpu.vector_load %arg7[%swap3A_1658, %swap3A_1659] {strides = array<i32>} : memref<160x16xf32, #tpu.memory_space<vmem>>, vector<1x16xf32>,
      %swap3A_1661 = vector.shape_cast %swap3A_1660 : vector<1x16xf32> to vector<16xf32>
      %swap3A_1662 = vector.shape_cast %broadcast_in_dim3A_1554 : vector<16xf32> to vector<1x16xf32>
      tpu.vector_store %arg7[%swap3A_1658, %swap3A_1659], %swap3A_1662 {strides = array<i32>} : memref<160x16xf32, #tpu.memory_space<vmem>>, vector<1x16xf32>,
      %swap3A_1663 = arith.constant 18 : i32
      %swap3A_1664 = arith.index_cast %swap3A_1663 : i32 to index
      %swap3A_1665 = arith.constant 0 : index
      %swap3A_1666 = tpu.vector_load %arg7[%swap3A_1664, %swap3A_1665] {strides = array<i32>} : memref<160x16xf32, #tpu.memory_space<vmem>>, vector<1x16xf32>,
      %swap3A_1667 = vector.shape_cast %swap3A_1666 : vector<1x16xf32> to vector<16xf32>
      %swap3A_1668 = vector.shape_cast %broadcast_in_dim3A_1554 : vector<16xf32> to vector<1x16xf32>
      tpu.vector_store %arg7[%swap3A_1664, %swap3A_1665], %swap3A_1668 {strides = array<i32>} : memref<160x16xf32, #tpu.memory_space<vmem>>, vector<1x16xf32>,
      %swap3A_1669 = arith.constant 19 : i32
      %swap3A_1670 = arith.index_cast %swap3A_1669 : i32 to index
      %swap3A_1671 = arith.constant 0 : index
      %swap3A_1672 = tpu.vector_load %arg7[%swap3A_1670, %swap3A_1671] {strides = array<i32>} : memref<160x16xf32, #tpu.memory_space<vmem>>, vector<1x16xf32>,
      %swap3A_1673 = vector.shape_cast %swap3A_1672 : vector<1x16xf32> to vector<16xf32>
      %swap3A_1674 = vector.shape_cast %broadcast_in_dim3A_1554 : vector<16xf32> to vector<1x16xf32>
      tpu.vector_store %arg7[%swap3A_1670, %swap3A_1671], %swap3A_1674 {strides = array<i32>} : memref<160x16xf32, #tpu.memory_space<vmem>>, vector<1x16xf32>,
      %swap3A_1675 = arith.constant 20 : i32
      %swap3A_1676 = arith.index_cast %swap3A_1675 : i32 to index
      %swap3A_1677 = arith.constant 0 : index
      %swap3A_1678 = tpu.vector_load %arg7[%swap3A_1676, %swap3A_1677] {strides = array<i32>} : memref<160x16xf32, #tpu.memory_space<vmem>>, vector<1x16xf32>,
      %swap3A_1679 = vector.shape_cast %swap3A_1678 : vector<1x16xf32> to vector<16xf32>
      %swap3A_1680 = vector.shape_cast %broadcast_in_dim3A_1554 : vector<16xf32> to vector<1x16xf32>
      tpu.vector_store %arg7[%swap3A_1676, %swap3A_1677], %swap3A_1680 {strides = array<i32>} : memref<160x16xf32, #tpu.memory_space<vmem>>, vector<1x16xf32>,
      %swap3A_1681 = arith.constant 21 : i32
      %swap3A_1682 = arith.index_cast %swap3A_1681 : i32 to index
      %swap3A_1683 = arith.constant 0 : index
      %swap3A_1684 = tpu.vector_load %arg7[%swap3A_1682, %swap3A_1683] {strides = array<i32>} : memref<160x16xf32, #tpu.memory_space<vmem>>, vector<1x16xf32>,
      %swap3A_1685 = vector.shape_cast %swap3A_1684 : vector<1x16xf32> to vector<16xf32>
      %swap3A_1686 = vector.shape_cast %broadcast_in_dim3A_1554 : vector<16xf32> to vector<1x16xf32>
      tpu.vector_store %arg7[%swap3A_1682, %swap3A_1683], %swap3A_1686 {strides = array<i32>} : memref<160x16xf32, #tpu.memory_space<vmem>>, vector<1x16xf32>,
      %swap3A_1687 = arith.constant 22 : i32
      %swap3A_1688 = arith.index_cast %swap3A_1687 : i32 to index
      %swap3A_1689 = arith.constant 0 : index
      %swap3A_1690 = tpu.vector_load %arg7[%swap3A_1688, %swap3A_1689] {strides = array<i32>} : memref<160x16xf32, #tpu.memory_space<vmem>>, vector<1x16xf32>,
      %swap3A_1691 = vector.shape_cast %swap3A_1690 : vector<1x16xf32> to vector<16xf32>
      %swap3A_1692 = vector.shape_cast %broadcast_in_dim3A_1554 : vector<16xf32> to vector<1x16xf32>
      tpu.vector_store %arg7[%swap3A_1688, %swap3A_1689], %swap3A_1692 {strides = array<i32>} : memref<160x16xf32, #tpu.memory_space<vmem>>, vector<1x16xf32>,
      %swap3A_1693 = arith.constant 23 : i32
      %swap3A_1694 = arith.index_cast %swap3A_1693 : i32 to index
      %swap3A_1695 = arith.constant 0 : index
      %swap3A_1696 = tpu.vector_load %arg7[%swap3A_1694, %swap3A_1695] {strides = array<i32>} : memref<160x16xf32, #tpu.memory_space<vmem>>, vector<1x16xf32>,
      %swap3A_1697 = vector.shape_cast %swap3A_1696 : vector<1x16xf32> to vector<16xf32>
      %swap3A_1698 = vector.shape_cast %broadcast_in_dim3A_1554 : vector<16xf32> to vector<1x16xf32>
      tpu.vector_store %arg7[%swap3A_1694, %swap3A_1695], %swap3A_1698 {strides = array<i32>} : memref<160x16xf32, #tpu.memory_space<vmem>>, vector<1x16xf32>,
      %swap3A_1699 = arith.constant 24 : i32
      %swap3A_1700 = arith.index_cast %swap3A_1699 : i32 to index
      %swap3A_1701 = arith.constant 0 : index
      %swap3A_1702 = tpu.vector_load %arg7[%swap3A_1700, %swap3A_1701] {strides = array<i32>} : memref<160x16xf32, #tpu.memory_space<vmem>>, vector<1x16xf32>,
      %swap3A_1703 = vector.shape_cast %swap3A_1702 : vector<1x16xf32> to vector<16xf32>
      %swap3A_1704 = vector.shape_cast %broadcast_in_dim3A_1554 : vector<16xf32> to vector<1x16xf32>
      tpu.vector_store %arg7[%swap3A_1700, %swap3A_1701], %swap3A_1704 {strides = array<i32>} : memref<160x16xf32, #tpu.memory_space<vmem>>, vector<1x16xf32>,
      %swap3A_1705 = arith.constant 25 : i32
      %swap3A_1706 = arith.index_cast %swap3A_1705 : i32 to index
      %swap3A_1707 = arith.constant 0 : index
      %swap3A_1708 = tpu.vector_load %arg7[%swap3A_1706, %swap3A_1707] {strides = array<i32>} : memref<160x16xf32, #tpu.memory_space<vmem>>, vector<1x16xf32>,
      %swap3A_1709 = vector.shape_cast %swap3A_1708 : vector<1x16xf32> to vector<16xf32>
      %swap3A_1710 = vector.shape_cast %broadcast_in_dim3A_1554 : vector<16xf32> to vector<1x16xf32>
      tpu.vector_store %arg7[%swap3A_1706, %swap3A_1707], %swap3A_1710 {strides = array<i32>} : memref<160x16xf32, #tpu.memory_space<vmem>>, vector<1x16xf32>,
      %swap3A_1711 = arith.constant 26 : i32
      %swap3A_1712 = arith.index_cast %swap3A_1711 : i32 to index
      %swap3A_1713 = arith.constant 0 : index
      %swap3A_1714 = tpu.vector_load %arg7[%swap3A_1712, %swap3A_1713] {strides = array<i32>} : memref<160x16xf32, #tpu.memory_space<vmem>>, vector<1x16xf32>,
      %swap3A_1715 = vector.shape_cast %swap3A_1714 : vector<1x16xf32> to vector<16xf32>
      %swap3A_1716 = vector.shape_cast %broadcast_in_dim3A_1554 : vector<16xf32> to vector<1x16xf32>
      tpu.vector_store %arg7[%swap3A_1712, %swap3A_1713], %swap3A_1716 {strides = array<i32>} : memref<160x16xf32, #tpu.memory_space<vmem>>, vector<1x16xf32>,
      %swap3A_1717 = arith.constant 27 : i32
      %swap3A_1718 = arith.index_cast %swap3A_1717 : i32 to index
      %swap3A_1719 = arith.constant 0 : index
      %swap3A_1720 = tpu.vector_load %arg7[%swap3A_1718, %swap3A_1719] {strides = array<i32>} : memref<160x16xf32, #tpu.memory_space<vmem>>, vector<1x16xf32>,
      %swap3A_1721 = vector.shape_cast %swap3A_1720 : vector<1x16xf32> to vector<16xf32>
      %swap3A_1722 = vector.shape_cast %broadcast_in_dim3A_1554 : vector<16xf32> to vector<1x16xf32>
      tpu.vector_store %arg7[%swap3A_1718, %swap3A_1719], %swap3A_1722 {strides = array<i32>} : memref<160x16xf32, #tpu.memory_space<vmem>>, vector<1x16xf32>,
      %swap3A_1723 = arith.constant 28 : i32
      %swap3A_1724 = arith.index_cast %swap3A_1723 : i32 to index
      %swap3A_1725 = arith.constant 0 : index
      %swap3A_1726 = tpu.vector_load %arg7[%swap3A_1724, %swap3A_1725] {strides = array<i32>} : memref<160x16xf32, #tpu.memory_space<vmem>>, vector<1x16xf32>,
      %swap3A_1727 = vector.shape_cast %swap3A_1726 : vector<1x16xf32> to vector<16xf32>
      %swap3A_1728 = vector.shape_cast %broadcast_in_dim3A_1554 : vector<16xf32> to vector<1x16xf32>
      tpu.vector_store %arg7[%swap3A_1724, %swap3A_1725], %swap3A_1728 {strides = array<i32>} : memref<160x16xf32, #tpu.memory_space<vmem>>, vector<1x16xf32>,
      %swap3A_1729 = arith.constant 29 : i32
      %swap3A_1730 = arith.index_cast %swap3A_1729 : i32 to index
      %swap3A_1731 = arith.constant 0 : index
      %swap3A_1732 = tpu.vector_load %arg7[%swap3A_1730, %swap3A_1731] {strides = array<i32>} : memref<160x16xf32, #tpu.memory_space<vmem>>, vector<1x16xf32>,
      %swap3A_1733 = vector.shape_cast %swap3A_1732 : vector<1x16xf32> to vector<16xf32>
      %swap3A_1734 = vector.shape_cast %broadcast_in_dim3A_1554 : vector<16xf32> to vector<1x16xf32>
      tpu.vector_store %arg7[%swap3A_1730, %swap3A_1731], %swap3A_1734 {strides = array<i32>} : memref<160x16xf32, #tpu.memory_space<vmem>>, vector<1x16xf32>,
      %swap3A_1735 = arith.constant 30 : i32
      %swap3A_1736 = arith.index_cast %swap3A_1735 : i32 to index
      %swap3A_1737 = arith.constant 0 : index
      %swap3A_1738 = tpu.vector_load %arg7[%swap3A_1736, %swap3A_1737] {strides = array<i32>} : memref<160x16xf32, #tpu.memory_space<vmem>>, vector<1x16xf32>,
      %swap3A_1739 = vector.shape_cast %swap3A_1738 : vector<1x16xf32> to vector<16xf32>
      %swap3A_1740 = vector.shape_cast %broadcast_in_dim3A_1554 : vector<16xf32> to vector<1x16xf32>
      tpu.vector_store %arg7[%swap3A_1736, %swap3A_1737], %swap3A_1740 {strides = array<i32>} : memref<160x16xf32, #tpu.memory_space<vmem>>, vector<1x16xf32>,
      %swap3A_1741 = arith.constant 31 : i32
      %swap3A_1742 = arith.index_cast %swap3A_1741 : i32 to index
      %swap3A_1743 = arith.constant 0 : index
      %swap3A_1744 = tpu.vector_load %arg7[%swap3A_1742, %swap3A_1743] {strides = array<i32>} : memref<160x16xf32, #tpu.memory_space<vmem>>, vector<1x16xf32>,
      %swap3A_1745 = vector.shape_cast %swap3A_1744 : vector<1x16xf32> to vector<16xf32>
      %swap3A_1746 = vector.shape_cast %broadcast_in_dim3A_1554 : vector<16xf32> to vector<1x16xf32>
      tpu.vector_store %arg7[%swap3A_1742, %swap3A_1743], %swap3A_1746 {strides = array<i32>} : memref<160x16xf32, #tpu.memory_space<vmem>>, vector<1x16xf32>,
      %swap3A_1747 = arith.constant 32 : i32
      %swap3A_1748 = arith.index_cast %swap3A_1747 : i32 to index
      %swap3A_1749 = arith.constant 0 : index
      %swap3A_1750 = tpu.vector_load %arg7[%swap3A_1748, %swap3A_1749] {strides = array<i32>} : memref<160x16xf32, #tpu.memory_space<vmem>>, vector<1x16xf32>,
      %swap3A_1751 = vector.shape_cast %swap3A_1750 : vector<1x16xf32> to vector<16xf32>
      %swap3A_1752 = vector.shape_cast %broadcast_in_dim3A_1554 : vector<16xf32> to vector<1x16xf32>
      tpu.vector_store %arg7[%swap3A_1748, %swap3A_1749], %swap3A_1752 {strides = array<i32>} : memref<160x16xf32, #tpu.memory_space<vmem>>, vector<1x16xf32>,
      %swap3A_1753 = arith.constant 33 : i32
      %swap3A_1754 = arith.index_cast %swap3A_1753 : i32 to index
      %swap3A_1755 = arith.constant 0 : index
      %swap3A_1756 = tpu.vector_load %arg7[%swap3A_1754, %swap3A_1755] {strides = array<i32>} : memref<160x16xf32, #tpu.memory_space<vmem>>, vector<1x16xf32>,
      %swap3A_1757 = vector.shape_cast %swap3A_1756 : vector<1x16xf32> to vector<16xf32>
      %swap3A_1758 = vector.shape_cast %broadcast_in_dim3A_1554 : vector<16xf32> to vector<1x16xf32>
      tpu.vector_store %arg7[%swap3A_1754, %swap3A_1755], %swap3A_1758 {strides = array<i32>} : memref<160x16xf32, #tpu.memory_space<vmem>>, vector<1x16xf32>,
      %swap3A_1759 = arith.constant 34 : i32
      %swap3A_1760 = arith.index_cast %swap3A_1759 : i32 to index
      %swap3A_1761 = arith.constant 0 : index
      %swap3A_1762 = tpu.vector_load %arg7[%swap3A_1760, %swap3A_1761] {strides = array<i32>} : memref<160x16xf32, #tpu.memory_space<vmem>>, vector<1x16xf32>,
      %swap3A_1763 = vector.shape_cast %swap3A_1762 : vector<1x16xf32> to vector<16xf32>
      %swap3A_1764 = vector.shape_cast %broadcast_in_dim3A_1554 : vector<16xf32> to vector<1x16xf32>
      tpu.vector_store %arg7[%swap3A_1760, %swap3A_1761], %swap3A_1764 {strides = array<i32>} : memref<160x16xf32, #tpu.memory_space<vmem>>, vector<1x16xf32>,
      %swap3A_1765 = arith.constant 35 : i32
      %swap3A_1766 = arith.index_cast %swap3A_1765 : i32 to index
      %swap3A_1767 = arith.constant 0 : index
      %swap3A_1768 = tpu.vector_load %arg7[%swap3A_1766, %swap3A_1767] {strides = array<i32>} : memref<160x16xf32, #tpu.memory_space<vmem>>, vector<1x16xf32>,
      %swap3A_1769 = vector.shape_cast %swap3A_1768 : vector<1x16xf32> to vector<16xf32>
      %swap3A_1770 = vector.shape_cast %broadcast_in_dim3A_1554 : vector<16xf32> to vector<1x16xf32>
      tpu.vector_store %arg7[%swap3A_1766, %swap3A_1767], %swap3A_1770 {strides = array<i32>} : memref<160x16xf32, #tpu.memory_space<vmem>>, vector<1x16xf32>,
      %swap3A_1771 = arith.constant 36 : i32
      %swap3A_1772 = arith.index_cast %swap3A_1771 : i32 to index
      %swap3A_1773 = arith.constant 0 : index
      %swap3A_1774 = tpu.vector_load %arg7[%swap3A_1772, %swap3A_1773] {strides = array<i32>} : memref<160x16xf32, #tpu.memory_space<vmem>>, vector<1x16xf32>,
      %swap3A_1775 = vector.shape_cast %swap3A_1774 : vector<1x16xf32> to vector<16xf32>
      %swap3A_1776 = vector.shape_cast %broadcast_in_dim3A_1554 : vector<16xf32> to vector<1x16xf32>
      tpu.vector_store %arg7[%swap3A_1772, %swap3A_1773], %swap3A_1776 {strides = array<i32>} : memref<160x16xf32, #tpu.memory_space<vmem>>, vector<1x16xf32>,
      %swap3A_1777 = arith.constant 37 : i32
      %swap3A_1778 = arith.index_cast %swap3A_1777 : i32 to index
      %swap3A_1779 = arith.constant 0 : index
      %swap3A_1780 = tpu.vector_load %arg7[%swap3A_1778, %swap3A_1779] {strides = array<i32>} : memref<160x16xf32, #tpu.memory_space<vmem>>, vector<1x16xf32>,
      %swap3A_1781 = vector.shape_cast %swap3A_1780 : vector<1x16xf32> to vector<16xf32>
      %swap3A_1782 = vector.shape_cast %broadcast_in_dim3A_1554 : vector<16xf32> to vector<1x16xf32>
      tpu.vector_store %arg7[%swap3A_1778, %swap3A_1779], %swap3A_1782 {strides = array<i32>} : memref<160x16xf32, #tpu.memory_space<vmem>>, vector<1x16xf32>,
      %swap3A_1783 = arith.constant 38 : i32
      %swap3A_1784 = arith.index_cast %swap3A_1783 : i32 to index
      %swap3A_1785 = arith.constant 0 : index
      %swap3A_1786 = tpu.vector_load %arg7[%swap3A_1784, %swap3A_1785] {strides = array<i32>} : memref<160x16xf32, #tpu.memory_space<vmem>>, vector<1x16xf32>,
      %swap3A_1787 = vector.shape_cast %swap3A_1786 : vector<1x16xf32> to vector<16xf32>
      %swap3A_1788 = vector.shape_cast %broadcast_in_dim3A_1554 : vector<16xf32> to vector<1x16xf32>
      tpu.vector_store %arg7[%swap3A_1784, %swap3A_1785], %swap3A_1788 {strides = array<i32>} : memref<160x16xf32, #tpu.memory_space<vmem>>, vector<1x16xf32>,
      %swap3A_1789 = arith.constant 39 : i32
      %swap3A_1790 = arith.index_cast %swap3A_1789 : i32 to index
      %swap3A_1791 = arith.constant 0 : index
      %swap3A_1792 = tpu.vector_load %arg7[%swap3A_1790, %swap3A_1791] {strides = array<i32>} : memref<160x16xf32, #tpu.memory_space<vmem>>, vector<1x16xf32>,
      %swap3A_1793 = vector.shape_cast %swap3A_1792 : vector<1x16xf32> to vector<16xf32>
      %swap3A_1794 = vector.shape_cast %broadcast_in_dim3A_1554 : vector<16xf32> to vector<1x16xf32>
      tpu.vector_store %arg7[%swap3A_1790, %swap3A_1791], %swap3A_1794 {strides = array<i32>} : memref<160x16xf32, #tpu.memory_space<vmem>>, vector<1x16xf32>,
      %swap3A_1795 = arith.constant 40 : i32
      %swap3A_1796 = arith.index_cast %swap3A_1795 : i32 to index
      %swap3A_1797 = arith.constant 0 : index
      %swap3A_1798 = tpu.vector_load %arg7[%swap3A_1796, %swap3A_1797] {strides = array<i32>} : memref<160x16xf32, #tpu.memory_space<vmem>>, vector<1x16xf32>,
      %swap3A_1799 = vector.shape_cast %swap3A_1798 : vector<1x16xf32> to vector<16xf32>
      %swap3A_1800 = vector.shape_cast %broadcast_in_dim3A_1554 : vector<16xf32> to vector<1x16xf32>
      tpu.vector_store %arg7[%swap3A_1796, %swap3A_1797], %swap3A_1800 {strides = array<i32>} : memref<160x16xf32, #tpu.memory_space<vmem>>, vector<1x16xf32>,
      %swap3A_1801 = arith.constant 41 : i32
      %swap3A_1802 = arith.index_cast %swap3A_1801 : i32 to index
      %swap3A_1803 = arith.constant 0 : index
      %swap3A_1804 = tpu.vector_load %arg7[%swap3A_1802, %swap3A_1803] {strides = array<i32>} : memref<160x16xf32, #tpu.memory_space<vmem>>, vector<1x16xf32>,
      %swap3A_1805 = vector.shape_cast %swap3A_1804 : vector<1x16xf32> to vector<16xf32>
      %swap3A_1806 = vector.shape_cast %broadcast_in_dim3A_1554 : vector<16xf32> to vector<1x16xf32>
      tpu.vector_store %arg7[%swap3A_1802, %swap3A_1803], %swap3A_1806 {strides = array<i32>} : memref<160x16xf32, #tpu.memory_space<vmem>>, vector<1x16xf32>,
      %swap3A_1807 = arith.constant 42 : i32
      %swap3A_1808 = arith.index_cast %swap3A_1807 : i32 to index
      %swap3A_1809 = arith.constant 0 : index
      %swap3A_1810 = tpu.vector_load %arg7[%swap3A_1808, %swap3A_1809] {strides = array<i32>} : memref<160x16xf32, #tpu.memory_space<vmem>>, vector<1x16xf32>,
      %swap3A_1811 = vector.shape_cast %swap3A_1810 : vector<1x16xf32> to vector<16xf32>
      %swap3A_1812 = vector.shape_cast %broadcast_in_dim3A_1554 : vector<16xf32> to vector<1x16xf32>
      tpu.vector_store %arg7[%swap3A_1808, %swap3A_1809], %swap3A_1812 {strides = array<i32>} : memref<160x16xf32, #tpu.memory_space<vmem>>, vector<1x16xf32>,
      %swap3A_1813 = arith.constant 43 : i32
      %swap3A_1814 = arith.index_cast %swap3A_1813 : i32 to index
      %swap3A_1815 = arith.constant 0 : index
      %swap3A_1816 = tpu.vector_load %arg7[%swap3A_1814, %swap3A_1815] {strides = array<i32>} : memref<160x16xf32, #tpu.memory_space<vmem>>, vector<1x16xf32>,
      %swap3A_1817 = vector.shape_cast %swap3A_1816 : vector<1x16xf32> to vector<16xf32>
      %swap3A_1818 = vector.shape_cast %broadcast_in_dim3A_1554 : vector<16xf32> to vector<1x16xf32>
      tpu.vector_store %arg7[%swap3A_1814, %swap3A_1815], %swap3A_1818 {strides = array<i32>} : memref<160x16xf32, #tpu.memory_space<vmem>>, vector<1x16xf32>,
      %swap3A_1819 = arith.constant 44 : i32
      %swap3A_1820 = arith.index_cast %swap3A_1819 : i32 to index
      %swap3A_1821 = arith.constant 0 : index
      %swap3A_1822 = tpu.vector_load %arg7[%swap3A_1820, %swap3A_1821] {strides = array<i32>} : memref<160x16xf32, #tpu.memory_space<vmem>>, vector<1x16xf32>,
      %swap3A_1823 = vector.shape_cast %swap3A_1822 : vector<1x16xf32> to vector<16xf32>
      %swap3A_1824 = vector.shape_cast %broadcast_in_dim3A_1554 : vector<16xf32> to vector<1x16xf32>
      tpu.vector_store %arg7[%swap3A_1820, %swap3A_1821], %swap3A_1824 {strides = array<i32>} : memref<160x16xf32, #tpu.memory_space<vmem>>, vector<1x16xf32>,
      %swap3A_1825 = arith.constant 45 : i32
      %swap3A_1826 = arith.index_cast %swap3A_1825 : i32 to index
      %swap3A_1827 = arith.constant 0 : index
      %swap3A_1828 = tpu.vector_load %arg7[%swap3A_1826, %swap3A_1827] {strides = array<i32>} : memref<160x16xf32, #tpu.memory_space<vmem>>, vector<1x16xf32>,
      %swap3A_1829 = vector.shape_cast %swap3A_1828 : vector<1x16xf32> to vector<16xf32>
      %swap3A_1830 = vector.shape_cast %broadcast_in_dim3A_1554 : vector<16xf32> to vector<1x16xf32>
      tpu.vector_store %arg7[%swap3A_1826, %swap3A_1827], %swap3A_1830 {strides = array<i32>} : memref<160x16xf32, #tpu.memory_space<vmem>>, vector<1x16xf32>,
      %swap3A_1831 = arith.constant 46 : i32
      %swap3A_1832 = arith.index_cast %swap3A_1831 : i32 to index
      %swap3A_1833 = arith.constant 0 : index
      %swap3A_1834 = tpu.vector_load %arg7[%swap3A_1832, %swap3A_1833] {strides = array<i32>} : memref<160x16xf32, #tpu.memory_space<vmem>>, vector<1x16xf32>,
      %swap3A_1835 = vector.shape_cast %swap3A_1834 : vector<1x16xf32> to vector<16xf32>
      %swap3A_1836 = vector.shape_cast %broadcast_in_dim3A_1554 : vector<16xf32> to vector<1x16xf32>
      tpu.vector_store %arg7[%swap3A_1832, %swap3A_1833], %swap3A_1836 {strides = array<i32>} : memref<160x16xf32, #tpu.memory_space<vmem>>, vector<1x16xf32>,
      %swap3A_1837 = arith.constant 47 : i32
      %swap3A_1838 = arith.index_cast %swap3A_1837 : i32 to index
      %swap3A_1839 = arith.constant 0 : index
      %swap3A_1840 = tpu.vector_load %arg7[%swap3A_1838, %swap3A_1839] {strides = array<i32>} : memref<160x16xf32, #tpu.memory_space<vmem>>, vector<1x16xf32>,
      %swap3A_1841 = vector.shape_cast %swap3A_1840 : vector<1x16xf32> to vector<16xf32>
      %swap3A_1842 = vector.shape_cast %broadcast_in_dim3A_1554 : vector<16xf32> to vector<1x16xf32>
      tpu.vector_store %arg7[%swap3A_1838, %swap3A_1839], %swap3A_1842 {strides = array<i32>} : memref<160x16xf32, #tpu.memory_space<vmem>>, vector<1x16xf32>,
      %swap3A_1843 = arith.constant 48 : i32
      %swap3A_1844 = arith.index_cast %swap3A_1843 : i32 to index
      %swap3A_1845 = arith.constant 0 : index
      %swap3A_1846 = tpu.vector_load %arg7[%swap3A_1844, %swap3A_1845] {strides = array<i32>} : memref<160x16xf32, #tpu.memory_space<vmem>>, vector<1x16xf32>,
      %swap3A_1847 = vector.shape_cast %swap3A_1846 : vector<1x16xf32> to vector<16xf32>
      %swap3A_1848 = vector.shape_cast %broadcast_in_dim3A_1554 : vector<16xf32> to vector<1x16xf32>
      tpu.vector_store %arg7[%swap3A_1844, %swap3A_1845], %swap3A_1848 {strides = array<i32>} : memref<160x16xf32, #tpu.memory_space<vmem>>, vector<1x16xf32>,
      %swap3A_1849 = arith.constant 49 : i32
      %swap3A_1850 = arith.index_cast %swap3A_1849 : i32 to index
      %swap3A_1851 = arith.constant 0 : index
      %swap3A_1852 = tpu.vector_load %arg7[%swap3A_1850, %swap3A_1851] {strides = array<i32>} : memref<160x16xf32, #tpu.memory_space<vmem>>, vector<1x16xf32>,
      %swap3A_1853 = vector.shape_cast %swap3A_1852 : vector<1x16xf32> to vector<16xf32>
      %swap3A_1854 = vector.shape_cast %broadcast_in_dim3A_1554 : vector<16xf32> to vector<1x16xf32>
      tpu.vector_store %arg7[%swap3A_1850, %swap3A_1851], %swap3A_1854 {strides = array<i32>} : memref<160x16xf32, #tpu.memory_space<vmem>>, vector<1x16xf32>,
      %swap3A_1855 = arith.constant 50 : i32
      %swap3A_1856 = arith.index_cast %swap3A_1855 : i32 to index
      %swap3A_1857 = arith.constant 0 : index
      %swap3A_1858 = tpu.vector_load %arg7[%swap3A_1856, %swap3A_1857] {strides = array<i32>} : memref<160x16xf32, #tpu.memory_space<vmem>>, vector<1x16xf32>,
      %swap3A_1859 = vector.shape_cast %swap3A_1858 : vector<1x16xf32> to vector<16xf32>
      %swap3A_1860 = vector.shape_cast %broadcast_in_dim3A_1554 : vector<16xf32> to vector<1x16xf32>
      tpu.vector_store %arg7[%swap3A_1856, %swap3A_1857], %swap3A_1860 {strides = array<i32>} : memref<160x16xf32, #tpu.memory_space<vmem>>, vector<1x16xf32>,
      %swap3A_1861 = arith.constant 51 : i32
      %swap3A_1862 = arith.index_cast %swap3A_1861 : i32 to index
      %swap3A_1863 = arith.constant 0 : index
      %swap3A_1864 = tpu.vector_load %arg7[%swap3A_1862, %swap3A_1863] {strides = array<i32>} : memref<160x16xf32, #tpu.memory_space<vmem>>, vector<1x16xf32>,
      %swap3A_1865 = vector.shape_cast %swap3A_1864 : vector<1x16xf32> to vector<16xf32>
      %swap3A_1866 = vector.shape_cast %broadcast_in_dim3A_1554 : vector<16xf32> to vector<1x16xf32>
      tpu.vector_store %arg7[%swap3A_1862, %swap3A_1863], %swap3A_1866 {strides = array<i32>} : memref<160x16xf32, #tpu.memory_space<vmem>>, vector<1x16xf32>,
      %swap3A_1867 = arith.constant 52 : i32
      %swap3A_1868 = arith.index_cast %swap3A_1867 : i32 to index
      %swap3A_1869 = arith.constant 0 : index
      %swap3A_1870 = tpu.vector_load %arg7[%swap3A_1868, %swap3A_1869] {strides = array<i32>} : memref<160x16xf32, #tpu.memory_space<vmem>>, vector<1x16xf32>,
      %swap3A_1871 = vector.shape_cast %swap3A_1870 : vector<1x16xf32> to vector<16xf32>
      %swap3A_1872 = vector.shape_cast %broadcast_in_dim3A_1554 : vector<16xf32> to vector<1x16xf32>
      tpu.vector_store %arg7[%swap3A_1868, %swap3A_1869], %swap3A_1872 {strides = array<i32>} : memref<160x16xf32, #tpu.memory_space<vmem>>, vector<1x16xf32>,
      %swap3A_1873 = arith.constant 53 : i32
      %swap3A_1874 = arith.index_cast %swap3A_1873 : i32 to index
      %swap3A_1875 = arith.constant 0 : index
      %swap3A_1876 = tpu.vector_load %arg7[%swap3A_1874, %swap3A_1875] {strides = array<i32>} : memref<160x16xf32, #tpu.memory_space<vmem>>, vector<1x16xf32>,
      %swap3A_1877 = vector.shape_cast %swap3A_1876 : vector<1x16xf32> to vector<16xf32>
      %swap3A_1878 = vector.shape_cast %broadcast_in_dim3A_1554 : vector<16xf32> to vector<1x16xf32>
      tpu.vector_store %arg7[%swap3A_1874, %swap3A_1875], %swap3A_1878 {strides = array<i32>} : memref<160x16xf32, #tpu.memory_space<vmem>>, vector<1x16xf32>,
      %swap3A_1879 = arith.constant 54 : i32
      %swap3A_1880 = arith.index_cast %swap3A_1879 : i32 to index
      %swap3A_1881 = arith.constant 0 : index
      %swap3A_1882 = tpu.vector_load %arg7[%swap3A_1880, %swap3A_1881] {strides = array<i32>} : memref<160x16xf32, #tpu.memory_space<vmem>>, vector<1x16xf32>,
      %swap3A_1883 = vector.shape_cast %swap3A_1882 : vector<1x16xf32> to vector<16xf32>
      %swap3A_1884 = vector.shape_cast %broadcast_in_dim3A_1554 : vector<16xf32> to vector<1x16xf32>
      tpu.vector_store %arg7[%swap3A_1880, %swap3A_1881], %swap3A_1884 {strides = array<i32>} : memref<160x16xf32, #tpu.memory_space<vmem>>, vector<1x16xf32>,
      %swap3A_1885 = arith.constant 55 : i32
      %swap3A_1886 = arith.index_cast %swap3A_1885 : i32 to index
      %swap3A_1887 = arith.constant 0 : index
      %swap3A_1888 = tpu.vector_load %arg7[%swap3A_1886, %swap3A_1887] {strides = array<i32>} : memref<160x16xf32, #tpu.memory_space<vmem>>, vector<1x16xf32>,
      %swap3A_1889 = vector.shape_cast %swap3A_1888 : vector<1x16xf32> to vector<16xf32>
      %swap3A_1890 = vector.shape_cast %broadcast_in_dim3A_1554 : vector<16xf32> to vector<1x16xf32>
      tpu.vector_store %arg7[%swap3A_1886, %swap3A_1887], %swap3A_1890 {strides = array<i32>} : memref<160x16xf32, #tpu.memory_space<vmem>>, vector<1x16xf32>,
      %swap3A_1891 = arith.constant 56 : i32
      %swap3A_1892 = arith.index_cast %swap3A_1891 : i32 to index
      %swap3A_1893 = arith.constant 0 : index
      %swap3A_1894 = tpu.vector_load %arg7[%swap3A_1892, %swap3A_1893] {strides = array<i32>} : memref<160x16xf32, #tpu.memory_space<vmem>>, vector<1x16xf32>,
      %swap3A_1895 = vector.shape_cast %swap3A_1894 : vector<1x16xf32> to vector<16xf32>
      %swap3A_1896 = vector.shape_cast %broadcast_in_dim3A_1554 : vector<16xf32> to vector<1x16xf32>
      tpu.vector_store %arg7[%swap3A_1892, %swap3A_1893], %swap3A_1896 {strides = array<i32>} : memref<160x16xf32, #tpu.memory_space<vmem>>, vector<1x16xf32>,
      %swap3A_1897 = arith.constant 57 : i32
      %swap3A_1898 = arith.index_cast %swap3A_1897 : i32 to index
      %swap3A_1899 = arith.constant 0 : index
      %swap3A_1900 = tpu.vector_load %arg7[%swap3A_1898, %swap3A_1899] {strides = array<i32>} : memref<160x16xf32, #tpu.memory_space<vmem>>, vector<1x16xf32>,
      %swap3A_1901 = vector.shape_cast %swap3A_1900 : vector<1x16xf32> to vector<16xf32>
      %swap3A_1902 = vector.shape_cast %broadcast_in_dim3A_1554 : vector<16xf32> to vector<1x16xf32>
      tpu.vector_store %arg7[%swap3A_1898, %swap3A_1899], %swap3A_1902 {strides = array<i32>} : memref<160x16xf32, #tpu.memory_space<vmem>>, vector<1x16xf32>,
      %swap3A_1903 = arith.constant 58 : i32
      %swap3A_1904 = arith.index_cast %swap3A_1903 : i32 to index
      %swap3A_1905 = arith.constant 0 : index
      %swap3A_1906 = tpu.vector_load %arg7[%swap3A_1904, %swap3A_1905] {strides = array<i32>} : memref<160x16xf32, #tpu.memory_space<vmem>>, vector<1x16xf32>,
      %swap3A_1907 = vector.shape_cast %swap3A_1906 : vector<1x16xf32> to vector<16xf32>
      %swap3A_1908 = vector.shape_cast %broadcast_in_dim3A_1554 : vector<16xf32> to vector<1x16xf32>
      tpu.vector_store %arg7[%swap3A_1904, %swap3A_1905], %swap3A_1908 {strides = array<i32>} : memref<160x16xf32, #tpu.memory_space<vmem>>, vector<1x16xf32>,
      %swap3A_1909 = arith.constant 59 : i32
      %swap3A_1910 = arith.index_cast %swap3A_1909 : i32 to index
      %swap3A_1911 = arith.constant 0 : index
      %swap3A_1912 = tpu.vector_load %arg7[%swap3A_1910, %swap3A_1911] {strides = array<i32>} : memref<160x16xf32, #tpu.memory_space<vmem>>, vector<1x16xf32>,
      %swap3A_1913 = vector.shape_cast %swap3A_1912 : vector<1x16xf32> to vector<16xf32>
      %swap3A_1914 = vector.shape_cast %broadcast_in_dim3A_1554 : vector<16xf32> to vector<1x16xf32>
      tpu.vector_store %arg7[%swap3A_1910, %swap3A_1911], %swap3A_1914 {strides = array<i32>} : memref<160x16xf32, #tpu.memory_space<vmem>>, vector<1x16xf32>,
      %swap3A_1915 = arith.constant 60 : i32
      %swap3A_1916 = arith.index_cast %swap3A_1915 : i32 to index
      %swap3A_1917 = arith.constant 0 : index
      %swap3A_1918 = tpu.vector_load %arg7[%swap3A_1916, %swap3A_1917] {strides = array<i32>} : memref<160x16xf32, #tpu.memory_space<vmem>>, vector<1x16xf32>,
      %swap3A_1919 = vector.shape_cast %swap3A_1918 : vector<1x16xf32> to vector<16xf32>
      %swap3A_1920 = vector.shape_cast %broadcast_in_dim3A_1554 : vector<16xf32> to vector<1x16xf32>
      tpu.vector_store %arg7[%swap3A_1916, %swap3A_1917], %swap3A_1920 {strides = array<i32>} : memref<160x16xf32, #tpu.memory_space<vmem>>, vector<1x16xf32>,
      %swap3A_1921 = arith.constant 61 : i32
      %swap3A_1922 = arith.index_cast %swap3A_1921 : i32 to index
      %swap3A_1923 = arith.constant 0 : index
      %swap3A_1924 = tpu.vector_load %arg7[%swap3A_1922, %swap3A_1923] {strides = array<i32>} : memref<160x16xf32, #tpu.memory_space<vmem>>, vector<1x16xf32>,
      %swap3A_1925 = vector.shape_cast %swap3A_1924 : vector<1x16xf32> to vector<16xf32>
      %swap3A_1926 = vector.shape_cast %broadcast_in_dim3A_1554 : vector<16xf32> to vector<1x16xf32>
      tpu.vector_store %arg7[%swap3A_1922, %swap3A_1923], %swap3A_1926 {strides = array<i32>} : memref<160x16xf32, #tpu.memory_space<vmem>>, vector<1x16xf32>,
      %swap3A_1927 = arith.constant 62 : i32
      %swap3A_1928 = arith.index_cast %swap3A_1927 : i32 to index
      %swap3A_1929 = arith.constant 0 : index
      %swap3A_1930 = tpu.vector_load %arg7[%swap3A_1928, %swap3A_1929] {strides = array<i32>} : memref<160x16xf32, #tpu.memory_space<vmem>>, vector<1x16xf32>,
      %swap3A_1931 = vector.shape_cast %swap3A_1930 : vector<1x16xf32> to vector<16xf32>
      %swap3A_1932 = vector.shape_cast %broadcast_in_dim3A_1554 : vector<16xf32> to vector<1x16xf32>
      tpu.vector_store %arg7[%swap3A_1928, %swap3A_1929], %swap3A_1932 {strides = array<i32>} : memref<160x16xf32, #tpu.memory_space<vmem>>, vector<1x16xf32>,
      %swap3A_1933 = arith.constant 63 : i32
      %swap3A_1934 = arith.index_cast %swap3A_1933 : i32 to index
      %swap3A_1935 = arith.constant 0 : index
      %swap3A_1936 = tpu.vector_load %arg7[%swap3A_1934, %swap3A_1935] {strides = array<i32>} : memref<160x16xf32, #tpu.memory_space<vmem>>, vector<1x16xf32>,
      %swap3A_1937 = vector.shape_cast %swap3A_1936 : vector<1x16xf32> to vector<16xf32>
      %swap3A_1938 = vector.shape_cast %broadcast_in_dim3A_1554 : vector<16xf32> to vector<1x16xf32>
      tpu.vector_store %arg7[%swap3A_1934, %swap3A_1935], %swap3A_1938 {strides = array<i32>} : memref<160x16xf32, #tpu.memory_space<vmem>>, vector<1x16xf32>,
      %swap3A_1939 = arith.constant 64 : i32
      %swap3A_1940 = arith.index_cast %swap3A_1939 : i32 to index
      %swap3A_1941 = arith.constant 0 : index
      %swap3A_1942 = tpu.vector_load %arg7[%swap3A_1940, %swap3A_1941] {strides = array<i32>} : memref<160x16xf32, #tpu.memory_space<vmem>>, vector<1x16xf32>,
      %swap3A_1943 = vector.shape_cast %swap3A_1942 : vector<1x16xf32> to vector<16xf32>
      %swap3A_1944 = vector.shape_cast %broadcast_in_dim3A_1554 : vector<16xf32> to vector<1x16xf32>
      tpu.vector_store %arg7[%swap3A_1940, %swap3A_1941], %swap3A_1944 {strides = array<i32>} : memref<160x16xf32, #tpu.memory_space<vmem>>, vector<1x16xf32>,
      %swap3A_1945 = arith.constant 65 : i32
      %swap3A_1946 = arith.index_cast %swap3A_1945 : i32 to index
      %swap3A_1947 = arith.constant 0 : index
      %swap3A_1948 = tpu.vector_load %arg7[%swap3A_1946, %swap3A_1947] {strides = array<i32>} : memref<160x16xf32, #tpu.memory_space<vmem>>, vector<1x16xf32>,
      %swap3A_1949 = vector.shape_cast %swap3A_1948 : vector<1x16xf32> to vector<16xf32>
      %swap3A_1950 = vector.shape_cast %broadcast_in_dim3A_1554 : vector<16xf32> to vector<1x16xf32>
      tpu.vector_store %arg7[%swap3A_1946, %swap3A_1947], %swap3A_1950 {strides = array<i32>} : memref<160x16xf32, #tpu.memory_space<vmem>>, vector<1x16xf32>,
      %swap3A_1951 = arith.constant 66 : i32
      %swap3A_1952 = arith.index_cast %swap3A_1951 : i32 to index
      %swap3A_1953 = arith.constant 0 : index
      %swap3A_1954 = tpu.vector_load %arg7[%swap3A_1952, %swap3A_1953] {strides = array<i32>} : memref<160x16xf32, #tpu.memory_space<vmem>>, vector<1x16xf32>,
      %swap3A_1955 = vector.shape_cast %swap3A_1954 : vector<1x16xf32> to vector<16xf32>
      %swap3A_1956 = vector.shape_cast %broadcast_in_dim3A_1554 : vector<16xf32> to vector<1x16xf32>
      tpu.vector_store %arg7[%swap3A_1952, %swap3A_1953], %swap3A_1956 {strides = array<i32>} : memref<160x16xf32, #tpu.memory_space<vmem>>, vector<1x16xf32>,
      %swap3A_1957 = arith.constant 67 : i32
      %swap3A_1958 = arith.index_cast %swap3A_1957 : i32 to index
      %swap3A_1959 = arith.constant 0 : index
      %swap3A_1960 = tpu.vector_load %arg7[%swap3A_1958, %swap3A_1959] {strides = array<i32>} : memref<160x16xf32, #tpu.memory_space<vmem>>, vector<1x16xf32>,
      %swap3A_1961 = vector.shape_cast %swap3A_1960 : vector<1x16xf32> to vector<16xf32>
      %swap3A_1962 = vector.shape_cast %broadcast_in_dim3A_1554 : vector<16xf32> to vector<1x16xf32>
      tpu.vector_store %arg7[%swap3A_1958, %swap3A_1959], %swap3A_1962 {strides = array<i32>} : memref<160x16xf32, #tpu.memory_space<vmem>>, vector<1x16xf32>,
      %swap3A_1963 = arith.constant 68 : i32
      %swap3A_1964 = arith.index_cast %swap3A_1963 : i32 to index
      %swap3A_1965 = arith.constant 0 : index
      %swap3A_1966 = tpu.vector_load %arg7[%swap3A_1964, %swap3A_1965] {strides = array<i32>} : memref<160x16xf32, #tpu.memory_space<vmem>>, vector<1x16xf32>,
      %swap3A_1967 = vector.shape_cast %swap3A_1966 : vector<1x16xf32> to vector<16xf32>
      %swap3A_1968 = vector.shape_cast %broadcast_in_dim3A_1554 : vector<16xf32> to vector<1x16xf32>
      tpu.vector_store %arg7[%swap3A_1964, %swap3A_1965], %swap3A_1968 {strides = array<i32>} : memref<160x16xf32, #tpu.memory_space<vmem>>, vector<1x16xf32>,
      %swap3A_1969 = arith.constant 69 : i32
      %swap3A_1970 = arith.index_cast %swap3A_1969 : i32 to index
      %swap3A_1971 = arith.constant 0 : index
      %swap3A_1972 = tpu.vector_load %arg7[%swap3A_1970, %swap3A_1971] {strides = array<i32>} : memref<160x16xf32, #tpu.memory_space<vmem>>, vector<1x16xf32>,
      %swap3A_1973 = vector.shape_cast %swap3A_1972 : vector<1x16xf32> to vector<16xf32>
      %swap3A_1974 = vector.shape_cast %broadcast_in_dim3A_1554 : vector<16xf32> to vector<1x16xf32>
      tpu.vector_store %arg7[%swap3A_1970, %swap3A_1971], %swap3A_1974 {strides = array<i32>} : memref<160x16xf32, #tpu.memory_space<vmem>>, vector<1x16xf32>,
      %swap3A_1975 = arith.constant 70 : i32
      %swap3A_1976 = arith.index_cast %swap3A_1975 : i32 to index
      %swap3A_1977 = arith.constant 0 : index
      %swap3A_1978 = tpu.vector_load %arg7[%swap3A_1976, %swap3A_1977] {strides = array<i32>} : memref<160x16xf32, #tpu.memory_space<vmem>>, vector<1x16xf32>,
      %swap3A_1979 = vector.shape_cast %swap3A_1978 : vector<1x16xf32> to vector<16xf32>
      %swap3A_1980 = vector.shape_cast %broadcast_in_dim3A_1554 : vector<16xf32> to vector<1x16xf32>
      tpu.vector_store %arg7[%swap3A_1976, %swap3A_1977], %swap3A_1980 {strides = array<i32>} : memref<160x16xf32, #tpu.memory_space<vmem>>, vector<1x16xf32>,
      %swap3A_1981 = arith.constant 71 : i32
      %swap3A_1982 = arith.index_cast %swap3A_1981 : i32 to index
      %swap3A_1983 = arith.constant 0 : index
      %swap3A_1984 = tpu.vector_load %arg7[%swap3A_1982, %swap3A_1983] {strides = array<i32>} : memref<160x16xf32, #tpu.memory_space<vmem>>, vector<1x16xf32>,
      %swap3A_1985 = vector.shape_cast %swap3A_1984 : vector<1x16xf32> to vector<16xf32>
      %swap3A_1986 = vector.shape_cast %broadcast_in_dim3A_1554 : vector<16xf32> to vector<1x16xf32>
      tpu.vector_store %arg7[%swap3A_1982, %swap3A_1983], %swap3A_1986 {strides = array<i32>} : memref<160x16xf32, #tpu.memory_space<vmem>>, vector<1x16xf32>,
      %swap3A_1987 = arith.constant 72 : i32
      %swap3A_1988 = arith.index_cast %swap3A_1987 : i32 to index
      %swap3A_1989 = arith.constant 0 : index
      %swap3A_1990 = tpu.vector_load %arg7[%swap3A_1988, %swap3A_1989] {strides = array<i32>} : memref<160x16xf32, #tpu.memory_space<vmem>>, vector<1x16xf32>,
      %swap3A_1991 = vector.shape_cast %swap3A_1990 : vector<1x16xf32> to vector<16xf32>
      %swap3A_1992 = vector.shape_cast %broadcast_in_dim3A_1554 : vector<16xf32> to vector<1x16xf32>
      tpu.vector_store %arg7[%swap3A_1988, %swap3A_1989], %swap3A_1992 {strides = array<i32>} : memref<160x16xf32, #tpu.memory_space<vmem>>, vector<1x16xf32>,
      %swap3A_1993 = arith.constant 73 : i32
      %swap3A_1994 = arith.index_cast %swap3A_1993 : i32 to index
      %swap3A_1995 = arith.constant 0 : index
      %swap3A_1996 = tpu.vector_load %arg7[%swap3A_1994, %swap3A_1995] {strides = array<i32>} : memref<160x16xf32, #tpu.memory_space<vmem>>, vector<1x16xf32>,
      %swap3A_1997 = vector.shape_cast %swap3A_1996 : vector<1x16xf32> to vector<16xf32>
      %swap3A_1998 = vector.shape_cast %broadcast_in_dim3A_1554 : vector<16xf32> to vector<1x16xf32>
      tpu.vector_store %arg7[%swap3A_1994, %swap3A_1995], %swap3A_1998 {strides = array<i32>} : memref<160x16xf32, #tpu.memory_space<vmem>>, vector<1x16xf32>,
      %swap3A_1999 = arith.constant 74 : i32
      %swap3A_2000 = arith.index_cast %swap3A_1999 : i32 to index
      %swap3A_2001 = arith.constant 0 : index
      %swap3A_2002 = tpu.vector_load %arg7[%swap3A_2000, %swap3A_2001] {strides = array<i32>} : memref<160x16xf32, #tpu.memory_space<vmem>>, vector<1x16xf32>,
      %swap3A_2003 = vector.shape_cast %swap3A_2002 : vector<1x16xf32> to vector<16xf32>
      %swap3A_2004 = vector.shape_cast %broadcast_in_dim3A_1554 : vector<16xf32> to vector<1x16xf32>
      tpu.vector_store %arg7[%swap3A_2000, %swap3A_2001], %swap3A_2004 {strides = array<i32>} : memref<160x16xf32, #tpu.memory_space<vmem>>, vector<1x16xf32>,
      %swap3A_2005 = arith.constant 75 : i32
      %swap3A_2006 = arith.index_cast %swap3A_2005 : i32 to index
      %swap3A_2007 = arith.constant 0 : index
      %swap3A_2008 = tpu.vector_load %arg7[%swap3A_2006, %swap3A_2007] {strides = array<i32>} : memref<160x16xf32, #tpu.memory_space<vmem>>, vector<1x16xf32>,
      %swap3A_2009 = vector.shape_cast %swap3A_2008 : vector<1x16xf32> to vector<16xf32>
      %swap3A_2010 = vector.shape_cast %broadcast_in_dim3A_1554 : vector<16xf32> to vector<1x16xf32>
      tpu.vector_store %arg7[%swap3A_2006, %swap3A_2007], %swap3A_2010 {strides = array<i32>} : memref<160x16xf32, #tpu.memory_space<vmem>>, vector<1x16xf32>,
      %swap3A_2011 = arith.constant 76 : i32
      %swap3A_2012 = arith.index_cast %swap3A_2011 : i32 to index
      %swap3A_2013 = arith.constant 0 : index
      %swap3A_2014 = tpu.vector_load %arg7[%swap3A_2012, %swap3A_2013] {strides = array<i32>} : memref<160x16xf32, #tpu.memory_space<vmem>>, vector<1x16xf32>,
      %swap3A_2015 = vector.shape_cast %swap3A_2014 : vector<1x16xf32> to vector<16xf32>
      %swap3A_2016 = vector.shape_cast %broadcast_in_dim3A_1554 : vector<16xf32> to vector<1x16xf32>
      tpu.vector_store %arg7[%swap3A_2012, %swap3A_2013], %swap3A_2016 {strides = array<i32>} : memref<160x16xf32, #tpu.memory_space<vmem>>, vector<1x16xf32>,
      %swap3A_2017 = arith.constant 77 : i32
      %swap3A_2018 = arith.index_cast %swap3A_2017 : i32 to index
      %swap3A_2019 = arith.constant 0 : index
      %swap3A_2020 = tpu.vector_load %arg7[%swap3A_2018, %swap3A_2019] {strides = array<i32>} : memref<160x16xf32, #tpu.memory_space<vmem>>, vector<1x16xf32>,
      %swap3A_2021 = vector.shape_cast %swap3A_2020 : vector<1x16xf32> to vector<16xf32>
      %swap3A_2022 = vector.shape_cast %broadcast_in_dim3A_1554 : vector<16xf32> to vector<1x16xf32>
      tpu.vector_store %arg7[%swap3A_2018, %swap3A_2019], %swap3A_2022 {strides = array<i32>} : memref<160x16xf32, #tpu.memory_space<vmem>>, vector<1x16xf32>,
      %swap3A_2023 = arith.constant 78 : i32
      %swap3A_2024 = arith.index_cast %swap3A_2023 : i32 to index
      %swap3A_2025 = arith.constant 0 : index
      %swap3A_2026 = tpu.vector_load %arg7[%swap3A_2024, %swap3A_2025] {strides = array<i32>} : memref<160x16xf32, #tpu.memory_space<vmem>>, vector<1x16xf32>,
      %swap3A_2027 = vector.shape_cast %swap3A_2026 : vector<1x16xf32> to vector<16xf32>
      %swap3A_2028 = vector.shape_cast %broadcast_in_dim3A_1554 : vector<16xf32> to vector<1x16xf32>
      tpu.vector_store %arg7[%swap3A_2024, %swap3A_2025], %swap3A_2028 {strides = array<i32>} : memref<160x16xf32, #tpu.memory_space<vmem>>, vector<1x16xf32>,
      %swap3A_2029 = arith.constant 79 : i32
      %swap3A_2030 = arith.index_cast %swap3A_2029 : i32 to index
      %swap3A_2031 = arith.constant 0 : index
      %swap3A_2032 = tpu.vector_load %arg7[%swap3A_2030, %swap3A_2031] {strides = array<i32>} : memref<160x16xf32, #tpu.memory_space<vmem>>, vector<1x16xf32>,
      %swap3A_2033 = vector.shape_cast %swap3A_2032 : vector<1x16xf32> to vector<16xf32>
      %swap3A_2034 = vector.shape_cast %broadcast_in_dim3A_1554 : vector<16xf32> to vector<1x16xf32>
      tpu.vector_store %arg7[%swap3A_2030, %swap3A_2031], %swap3A_2034 {strides = array<i32>} : memref<160x16xf32, #tpu.memory_space<vmem>>, vector<1x16xf32>,
      %swap3A_2035 = arith.constant 80 : i32
      %swap3A_2036 = arith.index_cast %swap3A_2035 : i32 to index
      %swap3A_2037 = arith.constant 0 : index
      %swap3A_2038 = tpu.vector_load %arg7[%swap3A_2036, %swap3A_2037] {strides = array<i32>} : memref<160x16xf32, #tpu.memory_space<vmem>>, vector<1x16xf32>,
      %swap3A_2039 = vector.shape_cast %swap3A_2038 : vector<1x16xf32> to vector<16xf32>
      %swap3A_2040 = vector.shape_cast %broadcast_in_dim3A_1554 : vector<16xf32> to vector<1x16xf32>
      tpu.vector_store %arg7[%swap3A_2036, %swap3A_2037], %swap3A_2040 {strides = array<i32>} : memref<160x16xf32, #tpu.memory_space<vmem>>, vector<1x16xf32>,
      %swap3A_2041 = arith.constant 81 : i32
      %swap3A_2042 = arith.index_cast %swap3A_2041 : i32 to index
      %swap3A_2043 = arith.constant 0 : index
      %swap3A_2044 = tpu.vector_load %arg7[%swap3A_2042, %swap3A_2043] {strides = array<i32>} : memref<160x16xf32, #tpu.memory_space<vmem>>, vector<1x16xf32>,
      %swap3A_2045 = vector.shape_cast %swap3A_2044 : vector<1x16xf32> to vector<16xf32>
      %swap3A_2046 = vector.shape_cast %broadcast_in_dim3A_1554 : vector<16xf32> to vector<1x16xf32>
      tpu.vector_store %arg7[%swap3A_2042, %swap3A_2043], %swap3A_2046 {strides = array<i32>} : memref<160x16xf32, #tpu.memory_space<vmem>>, vector<1x16xf32>,
      %swap3A_2047 = arith.constant 82 : i32
      %swap3A_2048 = arith.index_cast %swap3A_2047 : i32 to index
      %swap3A_2049 = arith.constant 0 : index
      %swap3A_2050 = tpu.vector_load %arg7[%swap3A_2048, %swap3A_2049] {strides = array<i32>} : memref<160x16xf32, #tpu.memory_space<vmem>>, vector<1x16xf32>,
      %swap3A_2051 = vector.shape_cast %swap3A_2050 : vector<1x16xf32> to vector<16xf32>
      %swap3A_2052 = vector.shape_cast %broadcast_in_dim3A_1554 : vector<16xf32> to vector<1x16xf32>
      tpu.vector_store %arg7[%swap3A_2048, %swap3A_2049], %swap3A_2052 {strides = array<i32>} : memref<160x16xf32, #tpu.memory_space<vmem>>, vector<1x16xf32>,
      %swap3A_2053 = arith.constant 83 : i32
      %swap3A_2054 = arith.index_cast %swap3A_2053 : i32 to index
      %swap3A_2055 = arith.constant 0 : index
      %swap3A_2056 = tpu.vector_load %arg7[%swap3A_2054, %swap3A_2055] {strides = array<i32>} : memref<160x16xf32, #tpu.memory_space<vmem>>, vector<1x16xf32>,
      %swap3A_2057 = vector.shape_cast %swap3A_2056 : vector<1x16xf32> to vector<16xf32>
      %swap3A_2058 = vector.shape_cast %broadcast_in_dim3A_1554 : vector<16xf32> to vector<1x16xf32>
      tpu.vector_store %arg7[%swap3A_2054, %swap3A_2055], %swap3A_2058 {strides = array<i32>} : memref<160x16xf32, #tpu.memory_space<vmem>>, vector<1x16xf32>,
      %swap3A_2059 = arith.constant 84 : i32
      %swap3A_2060 = arith.index_cast %swap3A_2059 : i32 to index
      %swap3A_2061 = arith.constant 0 : index
      %swap3A_2062 = tpu.vector_load %arg7[%swap3A_2060, %swap3A_2061] {strides = array<i32>} : memref<160x16xf32, #tpu.memory_space<vmem>>, vector<1x16xf32>,
      %swap3A_2063 = vector.shape_cast %swap3A_2062 : vector<1x16xf32> to vector<16xf32>
      %swap3A_2064 = vector.shape_cast %broadcast_in_dim3A_1554 : vector<16xf32> to vector<1x16xf32>
      tpu.vector_store %arg7[%swap3A_2060, %swap3A_2061], %swap3A_2064 {strides = array<i32>} : memref<160x16xf32, #tpu.memory_space<vmem>>, vector<1x16xf32>,
      %swap3A_2065 = arith.constant 85 : i32
      %swap3A_2066 = arith.index_cast %swap3A_2065 : i32 to index
      %swap3A_2067 = arith.constant 0 : index
      %swap3A_2068 = tpu.vector_load %arg7[%swap3A_2066, %swap3A_2067] {strides = array<i32>} : memref<160x16xf32, #tpu.memory_space<vmem>>, vector<1x16xf32>,
      %swap3A_2069 = vector.shape_cast %swap3A_2068 : vector<1x16xf32> to vector<16xf32>
      %swap3A_2070 = vector.shape_cast %broadcast_in_dim3A_1554 : vector<16xf32> to vector<1x16xf32>
      tpu.vector_store %arg7[%swap3A_2066, %swap3A_2067], %swap3A_2070 {strides = array<i32>} : memref<160x16xf32, #tpu.memory_space<vmem>>, vector<1x16xf32>,
      %swap3A_2071 = arith.constant 86 : i32
      %swap3A_2072 = arith.index_cast %swap3A_2071 : i32 to index
      %swap3A_2073 = arith.constant 0 : index
      %swap3A_2074 = tpu.vector_load %arg7[%swap3A_2072, %swap3A_2073] {strides = array<i32>} : memref<160x16xf32, #tpu.memory_space<vmem>>, vector<1x16xf32>,
      %swap3A_2075 = vector.shape_cast %swap3A_2074 : vector<1x16xf32> to vector<16xf32>
      %swap3A_2076 = vector.shape_cast %broadcast_in_dim3A_1554 : vector<16xf32> to vector<1x16xf32>
      tpu.vector_store %arg7[%swap3A_2072, %swap3A_2073], %swap3A_2076 {strides = array<i32>} : memref<160x16xf32, #tpu.memory_space<vmem>>, vector<1x16xf32>,
      %swap3A_2077 = arith.constant 87 : i32
      %swap3A_2078 = arith.index_cast %swap3A_2077 : i32 to index
      %swap3A_2079 = arith.constant 0 : index
      %swap3A_2080 = tpu.vector_load %arg7[%swap3A_2078, %swap3A_2079] {strides = array<i32>} : memref<160x16xf32, #tpu.memory_space<vmem>>, vector<1x16xf32>,
      %swap3A_2081 = vector.shape_cast %swap3A_2080 : vector<1x16xf32> to vector<16xf32>
      %swap3A_2082 = vector.shape_cast %broadcast_in_dim3A_1554 : vector<16xf32> to vector<1x16xf32>
      tpu.vector_store %arg7[%swap3A_2078, %swap3A_2079], %swap3A_2082 {strides = array<i32>} : memref<160x16xf32, #tpu.memory_space<vmem>>, vector<1x16xf32>,
      %swap3A_2083 = arith.constant 88 : i32
      %swap3A_2084 = arith.index_cast %swap3A_2083 : i32 to index
      %swap3A_2085 = arith.constant 0 : index
      %swap3A_2086 = tpu.vector_load %arg7[%swap3A_2084, %swap3A_2085] {strides = array<i32>} : memref<160x16xf32, #tpu.memory_space<vmem>>, vector<1x16xf32>,
      %swap3A_2087 = vector.shape_cast %swap3A_2086 : vector<1x16xf32> to vector<16xf32>
      %swap3A_2088 = vector.shape_cast %broadcast_in_dim3A_1554 : vector<16xf32> to vector<1x16xf32>
      tpu.vector_store %arg7[%swap3A_2084, %swap3A_2085], %swap3A_2088 {strides = array<i32>} : memref<160x16xf32, #tpu.memory_space<vmem>>, vector<1x16xf32>,
      %swap3A_2089 = arith.constant 89 : i32
      %swap3A_2090 = arith.index_cast %swap3A_2089 : i32 to index
      %swap3A_2091 = arith.constant 0 : index
      %swap3A_2092 = tpu.vector_load %arg7[%swap3A_2090, %swap3A_2091] {strides = array<i32>} : memref<160x16xf32, #tpu.memory_space<vmem>>, vector<1x16xf32>,
      %swap3A_2093 = vector.shape_cast %swap3A_2092 : vector<1x16xf32> to vector<16xf32>
      %swap3A_2094 = vector.shape_cast %broadcast_in_dim3A_1554 : vector<16xf32> to vector<1x16xf32>
      tpu.vector_store %arg7[%swap3A_2090, %swap3A_2091], %swap3A_2094 {strides = array<i32>} : memref<160x16xf32, #tpu.memory_space<vmem>>, vector<1x16xf32>,
      %swap3A_2095 = arith.constant 90 : i32
      %swap3A_2096 = arith.index_cast %swap3A_2095 : i32 to index
      %swap3A_2097 = arith.constant 0 : index
      %swap3A_2098 = tpu.vector_load %arg7[%swap3A_2096, %swap3A_2097] {strides = array<i32>} : memref<160x16xf32, #tpu.memory_space<vmem>>, vector<1x16xf32>,
      %swap3A_2099 = vector.shape_cast %swap3A_2098 : vector<1x16xf32> to vector<16xf32>
      %swap3A_2100 = vector.shape_cast %broadcast_in_dim3A_1554 : vector<16xf32> to vector<1x16xf32>
      tpu.vector_store %arg7[%swap3A_2096, %swap3A_2097], %swap3A_2100 {strides = array<i32>} : memref<160x16xf32, #tpu.memory_space<vmem>>, vector<1x16xf32>,
      %swap3A_2101 = arith.constant 91 : i32
      %swap3A_2102 = arith.index_cast %swap3A_2101 : i32 to index
      %swap3A_2103 = arith.constant 0 : index
      %swap3A_2104 = tpu.vector_load %arg7[%swap3A_2102, %swap3A_2103] {strides = array<i32>} : memref<160x16xf32, #tpu.memory_space<vmem>>, vector<1x16xf32>,
      %swap3A_2105 = vector.shape_cast %swap3A_2104 : vector<1x16xf32> to vector<16xf32>
      %swap3A_2106 = vector.shape_cast %broadcast_in_dim3A_1554 : vector<16xf32> to vector<1x16xf32>
      tpu.vector_store %arg7[%swap3A_2102, %swap3A_2103], %swap3A_2106 {strides = array<i32>} : memref<160x16xf32, #tpu.memory_space<vmem>>, vector<1x16xf32>,
      %swap3A_2107 = arith.constant 92 : i32
      %swap3A_2108 = arith.index_cast %swap3A_2107 : i32 to index
      %swap3A_2109 = arith.constant 0 : index
      %swap3A_2110 = tpu.vector_load %arg7[%swap3A_2108, %swap3A_2109] {strides = array<i32>} : memref<160x16xf32, #tpu.memory_space<vmem>>, vector<1x16xf32>,
      %swap3A_2111 = vector.shape_cast %swap3A_2110 : vector<1x16xf32> to vector<16xf32>
      %swap3A_2112 = vector.shape_cast %broadcast_in_dim3A_1554 : vector<16xf32> to vector<1x16xf32>
      tpu.vector_store %arg7[%swap3A_2108, %swap3A_2109], %swap3A_2112 {strides = array<i32>} : memref<160x16xf32, #tpu.memory_space<vmem>>, vector<1x16xf32>,
      %swap3A_2113 = arith.constant 93 : i32
      %swap3A_2114 = arith.index_cast %swap3A_2113 : i32 to index
      %swap3A_2115 = arith.constant 0 : index
      %swap3A_2116 = tpu.vector_load %arg7[%swap3A_2114, %swap3A_2115] {strides = array<i32>} : memref<160x16xf32, #tpu.memory_space<vmem>>, vector<1x16xf32>,
      %swap3A_2117 = vector.shape_cast %swap3A_2116 : vector<1x16xf32> to vector<16xf32>
      %swap3A_2118 = vector.shape_cast %broadcast_in_dim3A_1554 : vector<16xf32> to vector<1x16xf32>
      tpu.vector_store %arg7[%swap3A_2114, %swap3A_2115], %swap3A_2118 {strides = array<i32>} : memref<160x16xf32, #tpu.memory_space<vmem>>, vector<1x16xf32>,
      %swap3A_2119 = arith.constant 94 : i32
      %swap3A_2120 = arith.index_cast %swap3A_2119 : i32 to index
      %swap3A_2121 = arith.constant 0 : index
      %swap3A_2122 = tpu.vector_load %arg7[%swap3A_2120, %swap3A_2121] {strides = array<i32>} : memref<160x16xf32, #tpu.memory_space<vmem>>, vector<1x16xf32>,
      %swap3A_2123 = vector.shape_cast %swap3A_2122 : vector<1x16xf32> to vector<16xf32>
      %swap3A_2124 = vector.shape_cast %broadcast_in_dim3A_1554 : vector<16xf32> to vector<1x16xf32>
      tpu.vector_store %arg7[%swap3A_2120, %swap3A_2121], %swap3A_2124 {strides = array<i32>} : memref<160x16xf32, #tpu.memory_space<vmem>>, vector<1x16xf32>,
      %swap3A_2125 = arith.constant 95 : i32
      %swap3A_2126 = arith.index_cast %swap3A_2125 : i32 to index
      %swap3A_2127 = arith.constant 0 : index
      %swap3A_2128 = tpu.vector_load %arg7[%swap3A_2126, %swap3A_2127] {strides = array<i32>} : memref<160x16xf32, #tpu.memory_space<vmem>>, vector<1x16xf32>,
      %swap3A_2129 = vector.shape_cast %swap3A_2128 : vector<1x16xf32> to vector<16xf32>
      %swap3A_2130 = vector.shape_cast %broadcast_in_dim3A_1554 : vector<16xf32> to vector<1x16xf32>
      tpu.vector_store %arg7[%swap3A_2126, %swap3A_2127], %swap3A_2130 {strides = array<i32>} : memref<160x16xf32, #tpu.memory_space<vmem>>, vector<1x16xf32>,
      %swap3A_2131 = arith.constant 96 : i32
      %swap3A_2132 = arith.index_cast %swap3A_2131 : i32 to index
      %swap3A_2133 = arith.constant 0 : index
      %swap3A_2134 = tpu.vector_load %arg7[%swap3A_2132, %swap3A_2133] {strides = array<i32>} : memref<160x16xf32, #tpu.memory_space<vmem>>, vector<1x16xf32>,
      %swap3A_2135 = vector.shape_cast %swap3A_2134 : vector<1x16xf32> to vector<16xf32>
      %swap3A_2136 = vector.shape_cast %broadcast_in_dim3A_1554 : vector<16xf32> to vector<1x16xf32>
      tpu.vector_store %arg7[%swap3A_2132, %swap3A_2133], %swap3A_2136 {strides = array<i32>} : memref<160x16xf32, #tpu.memory_space<vmem>>, vector<1x16xf32>,
      %swap3A_2137 = arith.constant 97 : i32
      %swap3A_2138 = arith.index_cast %swap3A_2137 : i32 to index
      %swap3A_2139 = arith.constant 0 : index
      %swap3A_2140 = tpu.vector_load %arg7[%swap3A_2138, %swap3A_2139] {strides = array<i32>} : memref<160x16xf32, #tpu.memory_space<vmem>>, vector<1x16xf32>,
      %swap3A_2141 = vector.shape_cast %swap3A_2140 : vector<1x16xf32> to vector<16xf32>
      %swap3A_2142 = vector.shape_cast %broadcast_in_dim3A_1554 : vector<16xf32> to vector<1x16xf32>
      tpu.vector_store %arg7[%swap3A_2138, %swap3A_2139], %swap3A_2142 {strides = array<i32>} : memref<160x16xf32, #tpu.memory_space<vmem>>, vector<1x16xf32>,
      %swap3A_2143 = arith.constant 98 : i32
      %swap3A_2144 = arith.index_cast %swap3A_2143 : i32 to index
      %swap3A_2145 = arith.constant 0 : index
      %swap3A_2146 = tpu.vector_load %arg7[%swap3A_2144, %swap3A_2145] {strides = array<i32>} : memref<160x16xf32, #tpu.memory_space<vmem>>, vector<1x16xf32>,
      %swap3A_2147 = vector.shape_cast %swap3A_2146 : vector<1x16xf32> to vector<16xf32>
      %swap3A_2148 = vector.shape_cast %broadcast_in_dim3A_1554 : vector<16xf32> to vector<1x16xf32>
      tpu.vector_store %arg7[%swap3A_2144, %swap3A_2145], %swap3A_2148 {strides = array<i32>} : memref<160x16xf32, #tpu.memory_space<vmem>>, vector<1x16xf32>,
      %swap3A_2149 = arith.constant 99 : i32
      %swap3A_2150 = arith.index_cast %swap3A_2149 : i32 to index
      %swap3A_2151 = arith.constant 0 : index
      %swap3A_2152 = tpu.vector_load %arg7[%swap3A_2150, %swap3A_2151] {strides = array<i32>} : memref<160x16xf32, #tpu.memory_space<vmem>>, vector<1x16xf32>,
      %swap3A_2153 = vector.shape_cast %swap3A_2152 : vector<1x16xf32> to vector<16xf32>
      %swap3A_2154 = vector.shape_cast %broadcast_in_dim3A_1554 : vector<16xf32> to vector<1x16xf32>
      tpu.vector_store %arg7[%swap3A_2150, %swap3A_2151], %swap3A_2154 {strides = array<i32>} : memref<160x16xf32, #tpu.memory_space<vmem>>, vector<1x16xf32>,
      %swap3A_2155 = arith.constant 100 : i32
      %swap3A_2156 = arith.index_cast %swap3A_2155 : i32 to index
      %swap3A_2157 = arith.constant 0 : index
      %swap3A_2158 = tpu.vector_load %arg7[%swap3A_2156, %swap3A_2157] {strides = array<i32>} : memref<160x16xf32, #tpu.memory_space<vmem>>, vector<1x16xf32>,
      %swap3A_2159 = vector.shape_cast %swap3A_2158 : vector<1x16xf32> to vector<16xf32>
      %swap3A_2160 = vector.shape_cast %broadcast_in_dim3A_1554 : vector<16xf32> to vector<1x16xf32>
      tpu.vector_store %arg7[%swap3A_2156, %swap3A_2157], %swap3A_2160 {strides = array<i32>} : memref<160x16xf32, #tpu.memory_space<vmem>>, vector<1x16xf32>,
      %swap3A_2161 = arith.constant 101 : i32
      %swap3A_2162 = arith.index_cast %swap3A_2161 : i32 to index
      %swap3A_2163 = arith.constant 0 : index
      %swap3A_2164 = tpu.vector_load %arg7[%swap3A_2162, %swap3A_2163] {strides = array<i32>} : memref<160x16xf32, #tpu.memory_space<vmem>>, vector<1x16xf32>,
      %swap3A_2165 = vector.shape_cast %swap3A_2164 : vector<1x16xf32> to vector<16xf32>
      %swap3A_2166 = vector.shape_cast %broadcast_in_dim3A_1554 : vector<16xf32> to vector<1x16xf32>
      tpu.vector_store %arg7[%swap3A_2162, %swap3A_2163], %swap3A_2166 {strides = array<i32>} : memref<160x16xf32, #tpu.memory_space<vmem>>, vector<1x16xf32>,
      %swap3A_2167 = arith.constant 102 : i32
      %swap3A_2168 = arith.index_cast %swap3A_2167 : i32 to index
      %swap3A_2169 = arith.constant 0 : index
      %swap3A_2170 = tpu.vector_load %arg7[%swap3A_2168, %swap3A_2169] {strides = array<i32>} : memref<160x16xf32, #tpu.memory_space<vmem>>, vector<1x16xf32>,
      %swap3A_2171 = vector.shape_cast %swap3A_2170 : vector<1x16xf32> to vector<16xf32>
      %swap3A_2172 = vector.shape_cast %broadcast_in_dim3A_1554 : vector<16xf32> to vector<1x16xf32>
      tpu.vector_store %arg7[%swap3A_2168, %swap3A_2169], %swap3A_2172 {strides = array<i32>} : memref<160x16xf32, #tpu.memory_space<vmem>>, vector<1x16xf32>,
      %swap3A_2173 = arith.constant 103 : i32
      %swap3A_2174 = arith.index_cast %swap3A_2173 : i32 to index
      %swap3A_2175 = arith.constant 0 : index
      %swap3A_2176 = tpu.vector_load %arg7[%swap3A_2174, %swap3A_2175] {strides = array<i32>} : memref<160x16xf32, #tpu.memory_space<vmem>>, vector<1x16xf32>,
      %swap3A_2177 = vector.shape_cast %swap3A_2176 : vector<1x16xf32> to vector<16xf32>
      %swap3A_2178 = vector.shape_cast %broadcast_in_dim3A_1554 : vector<16xf32> to vector<1x16xf32>
      tpu.vector_store %arg7[%swap3A_2174, %swap3A_2175], %swap3A_2178 {strides = array<i32>} : memref<160x16xf32, #tpu.memory_space<vmem>>, vector<1x16xf32>,
      %swap3A_2179 = arith.constant 104 : i32
      %swap3A_2180 = arith.index_cast %swap3A_2179 : i32 to index
      %swap3A_2181 = arith.constant 0 : index
      %swap3A_2182 = tpu.vector_load %arg7[%swap3A_2180, %swap3A_2181] {strides = array<i32>} : memref<160x16xf32, #tpu.memory_space<vmem>>, vector<1x16xf32>,
      %swap3A_2183 = vector.shape_cast %swap3A_2182 : vector<1x16xf32> to vector<16xf32>
      %swap3A_2184 = vector.shape_cast %broadcast_in_dim3A_1554 : vector<16xf32> to vector<1x16xf32>
      tpu.vector_store %arg7[%swap3A_2180, %swap3A_2181], %swap3A_2184 {strides = array<i32>} : memref<160x16xf32, #tpu.memory_space<vmem>>, vector<1x16xf32>,
      %swap3A_2185 = arith.constant 105 : i32
      %swap3A_2186 = arith.index_cast %swap3A_2185 : i32 to index
      %swap3A_2187 = arith.constant 0 : index
      %swap3A_2188 = tpu.vector_load %arg7[%swap3A_2186, %swap3A_2187] {strides = array<i32>} : memref<160x16xf32, #tpu.memory_space<vmem>>, vector<1x16xf32>,
      %swap3A_2189 = vector.shape_cast %swap3A_2188 : vector<1x16xf32> to vector<16xf32>
      %swap3A_2190 = vector.shape_cast %broadcast_in_dim3A_1554 : vector<16xf32> to vector<1x16xf32>
      tpu.vector_store %arg7[%swap3A_2186, %swap3A_2187], %swap3A_2190 {strides = array<i32>} : memref<160x16xf32, #tpu.memory_space<vmem>>, vector<1x16xf32>,
      %swap3A_2191 = arith.constant 106 : i32
      %swap3A_2192 = arith.index_cast %swap3A_2191 : i32 to index
      %swap3A_2193 = arith.constant 0 : index
      %swap3A_2194 = tpu.vector_load %arg7[%swap3A_2192, %swap3A_2193] {strides = array<i32>} : memref<160x16xf32, #tpu.memory_space<vmem>>, vector<1x16xf32>,
      %swap3A_2195 = vector.shape_cast %swap3A_2194 : vector<1x16xf32> to vector<16xf32>
      %swap3A_2196 = vector.shape_cast %broadcast_in_dim3A_1554 : vector<16xf32> to vector<1x16xf32>
      tpu.vector_store %arg7[%swap3A_2192, %swap3A_2193], %swap3A_2196 {strides = array<i32>} : memref<160x16xf32, #tpu.memory_space<vmem>>, vector<1x16xf32>,
      %swap3A_2197 = arith.constant 107 : i32
      %swap3A_2198 = arith.index_cast %swap3A_2197 : i32 to index
      %swap3A_2199 = arith.constant 0 : index
      %swap3A_2200 = tpu.vector_load %arg7[%swap3A_2198, %swap3A_2199] {strides = array<i32>} : memref<160x16xf32, #tpu.memory_space<vmem>>, vector<1x16xf32>,
      %swap3A_2201 = vector.shape_cast %swap3A_2200 : vector<1x16xf32> to vector<16xf32>
      %swap3A_2202 = vector.shape_cast %broadcast_in_dim3A_1554 : vector<16xf32> to vector<1x16xf32>
      tpu.vector_store %arg7[%swap3A_2198, %swap3A_2199], %swap3A_2202 {strides = array<i32>} : memref<160x16xf32, #tpu.memory_space<vmem>>, vector<1x16xf32>,
      %swap3A_2203 = arith.constant 108 : i32
      %swap3A_2204 = arith.index_cast %swap3A_2203 : i32 to index
      %swap3A_2205 = arith.constant 0 : index
      %swap3A_2206 = tpu.vector_load %arg7[%swap3A_2204, %swap3A_2205] {strides = array<i32>} : memref<160x16xf32, #tpu.memory_space<vmem>>, vector<1x16xf32>,
      %swap3A_2207 = vector.shape_cast %swap3A_2206 : vector<1x16xf32> to vector<16xf32>
      %swap3A_2208 = vector.shape_cast %broadcast_in_dim3A_1554 : vector<16xf32> to vector<1x16xf32>
      tpu.vector_store %arg7[%swap3A_2204, %swap3A_2205], %swap3A_2208 {strides = array<i32>} : memref<160x16xf32, #tpu.memory_space<vmem>>, vector<1x16xf32>,
      %swap3A_2209 = arith.constant 109 : i32
      %swap3A_2210 = arith.index_cast %swap3A_2209 : i32 to index
      %swap3A_2211 = arith.constant 0 : index
      %swap3A_2212 = tpu.vector_load %arg7[%swap3A_2210, %swap3A_2211] {strides = array<i32>} : memref<160x16xf32, #tpu.memory_space<vmem>>, vector<1x16xf32>,
      %swap3A_2213 = vector.shape_cast %swap3A_2212 : vector<1x16xf32> to vector<16xf32>
      %swap3A_2214 = vector.shape_cast %broadcast_in_dim3A_1554 : vector<16xf32> to vector<1x16xf32>
      tpu.vector_store %arg7[%swap3A_2210, %swap3A_2211], %swap3A_2214 {strides = array<i32>} : memref<160x16xf32, #tpu.memory_space<vmem>>, vector<1x16xf32>,
      %swap3A_2215 = arith.constant 110 : i32
      %swap3A_2216 = arith.index_cast %swap3A_2215 : i32 to index
      %swap3A_2217 = arith.constant 0 : index
      %swap3A_2218 = tpu.vector_load %arg7[%swap3A_2216, %swap3A_2217] {strides = array<i32>} : memref<160x16xf32, #tpu.memory_space<vmem>>, vector<1x16xf32>,
      %swap3A_2219 = vector.shape_cast %swap3A_2218 : vector<1x16xf32> to vector<16xf32>
      %swap3A_2220 = vector.shape_cast %broadcast_in_dim3A_1554 : vector<16xf32> to vector<1x16xf32>
      tpu.vector_store %arg7[%swap3A_2216, %swap3A_2217], %swap3A_2220 {strides = array<i32>} : memref<160x16xf32, #tpu.memory_space<vmem>>, vector<1x16xf32>,
      %swap3A_2221 = arith.constant 111 : i32
      %swap3A_2222 = arith.index_cast %swap3A_2221 : i32 to index
      %swap3A_2223 = arith.constant 0 : index
      %swap3A_2224 = tpu.vector_load %arg7[%swap3A_2222, %swap3A_2223] {strides = array<i32>} : memref<160x16xf32, #tpu.memory_space<vmem>>, vector<1x16xf32>,
      %swap3A_2225 = vector.shape_cast %swap3A_2224 : vector<1x16xf32> to vector<16xf32>
      %swap3A_2226 = vector.shape_cast %broadcast_in_dim3A_1554 : vector<16xf32> to vector<1x16xf32>
      tpu.vector_store %arg7[%swap3A_2222, %swap3A_2223], %swap3A_2226 {strides = array<i32>} : memref<160x16xf32, #tpu.memory_space<vmem>>, vector<1x16xf32>,
      %swap3A_2227 = arith.constant 112 : i32
      %swap3A_2228 = arith.index_cast %swap3A_2227 : i32 to index
      %swap3A_2229 = arith.constant 0 : index
      %swap3A_2230 = tpu.vector_load %arg7[%swap3A_2228, %swap3A_2229] {strides = array<i32>} : memref<160x16xf32, #tpu.memory_space<vmem>>, vector<1x16xf32>,
      %swap3A_2231 = vector.shape_cast %swap3A_2230 : vector<1x16xf32> to vector<16xf32>
      %swap3A_2232 = vector.shape_cast %broadcast_in_dim3A_1554 : vector<16xf32> to vector<1x16xf32>
      tpu.vector_store %arg7[%swap3A_2228, %swap3A_2229], %swap3A_2232 {strides = array<i32>} : memref<160x16xf32, #tpu.memory_space<vmem>>, vector<1x16xf32>,
      %swap3A_2233 = arith.constant 113 : i32
      %swap3A_2234 = arith.index_cast %swap3A_2233 : i32 to index
      %swap3A_2235 = arith.constant 0 : index
      %swap3A_2236 = tpu.vector_load %arg7[%swap3A_2234, %swap3A_2235] {strides = array<i32>} : memref<160x16xf32, #tpu.memory_space<vmem>>, vector<1x16xf32>,
      %swap3A_2237 = vector.shape_cast %swap3A_2236 : vector<1x16xf32> to vector<16xf32>
      %swap3A_2238 = vector.shape_cast %broadcast_in_dim3A_1554 : vector<16xf32> to vector<1x16xf32>
      tpu.vector_store %arg7[%swap3A_2234, %swap3A_2235], %swap3A_2238 {strides = array<i32>} : memref<160x16xf32, #tpu.memory_space<vmem>>, vector<1x16xf32>,
      %swap3A_2239 = arith.constant 114 : i32
      %swap3A_2240 = arith.index_cast %swap3A_2239 : i32 to index
      %swap3A_2241 = arith.constant 0 : index
      %swap3A_2242 = tpu.vector_load %arg7[%swap3A_2240, %swap3A_2241] {strides = array<i32>} : memref<160x16xf32, #tpu.memory_space<vmem>>, vector<1x16xf32>,
      %swap3A_2243 = vector.shape_cast %swap3A_2242 : vector<1x16xf32> to vector<16xf32>
      %swap3A_2244 = vector.shape_cast %broadcast_in_dim3A_1554 : vector<16xf32> to vector<1x16xf32>
      tpu.vector_store %arg7[%swap3A_2240, %swap3A_2241], %swap3A_2244 {strides = array<i32>} : memref<160x16xf32, #tpu.memory_space<vmem>>, vector<1x16xf32>,
      %swap3A_2245 = arith.constant 115 : i32
      %swap3A_2246 = arith.index_cast %swap3A_2245 : i32 to index
      %swap3A_2247 = arith.constant 0 : index
      %swap3A_2248 = tpu.vector_load %arg7[%swap3A_2246, %swap3A_2247] {strides = array<i32>} : memref<160x16xf32, #tpu.memory_space<vmem>>, vector<1x16xf32>,
      %swap3A_2249 = vector.shape_cast %swap3A_2248 : vector<1x16xf32> to vector<16xf32>
      %swap3A_2250 = vector.shape_cast %broadcast_in_dim3A_1554 : vector<16xf32> to vector<1x16xf32>
      tpu.vector_store %arg7[%swap3A_2246, %swap3A_2247], %swap3A_2250 {strides = array<i32>} : memref<160x16xf32, #tpu.memory_space<vmem>>, vector<1x16xf32>,
      %swap3A_2251 = arith.constant 116 : i32
      %swap3A_2252 = arith.index_cast %swap3A_2251 : i32 to index
      %swap3A_2253 = arith.constant 0 : index
      %swap3A_2254 = tpu.vector_load %arg7[%swap3A_2252, %swap3A_2253] {strides = array<i32>} : memref<160x16xf32, #tpu.memory_space<vmem>>, vector<1x16xf32>,
      %swap3A_2255 = vector.shape_cast %swap3A_2254 : vector<1x16xf32> to vector<16xf32>
      %swap3A_2256 = vector.shape_cast %broadcast_in_dim3A_1554 : vector<16xf32> to vector<1x16xf32>
      tpu.vector_store %arg7[%swap3A_2252, %swap3A_2253], %swap3A_2256 {strides = array<i32>} : memref<160x16xf32, #tpu.memory_space<vmem>>, vector<1x16xf32>,
      %swap3A_2257 = arith.constant 117 : i32
      %swap3A_2258 = arith.index_cast %swap3A_2257 : i32 to index
      %swap3A_2259 = arith.constant 0 : index
      %swap3A_2260 = tpu.vector_load %arg7[%swap3A_2258, %swap3A_2259] {strides = array<i32>} : memref<160x16xf32, #tpu.memory_space<vmem>>, vector<1x16xf32>,
      %swap3A_2261 = vector.shape_cast %swap3A_2260 : vector<1x16xf32> to vector<16xf32>
      %swap3A_2262 = vector.shape_cast %broadcast_in_dim3A_1554 : vector<16xf32> to vector<1x16xf32>
      tpu.vector_store %arg7[%swap3A_2258, %swap3A_2259], %swap3A_2262 {strides = array<i32>} : memref<160x16xf32, #tpu.memory_space<vmem>>, vector<1x16xf32>,
      %swap3A_2263 = arith.constant 118 : i32
      %swap3A_2264 = arith.index_cast %swap3A_2263 : i32 to index
      %swap3A_2265 = arith.constant 0 : index
      %swap3A_2266 = tpu.vector_load %arg7[%swap3A_2264, %swap3A_2265] {strides = array<i32>} : memref<160x16xf32, #tpu.memory_space<vmem>>, vector<1x16xf32>,
      %swap3A_2267 = vector.shape_cast %swap3A_2266 : vector<1x16xf32> to vector<16xf32>
      %swap3A_2268 = vector.shape_cast %broadcast_in_dim3A_1554 : vector<16xf32> to vector<1x16xf32>
      tpu.vector_store %arg7[%swap3A_2264, %swap3A_2265], %swap3A_2268 {strides = array<i32>} : memref<160x16xf32, #tpu.memory_space<vmem>>, vector<1x16xf32>,
      %swap3A_2269 = arith.constant 119 : i32
      %swap3A_2270 = arith.index_cast %swap3A_2269 : i32 to index
      %swap3A_2271 = arith.constant 0 : index
      %swap3A_2272 = tpu.vector_load %arg7[%swap3A_2270, %swap3A_2271] {strides = array<i32>} : memref<160x16xf32, #tpu.memory_space<vmem>>, vector<1x16xf32>,
      %swap3A_2273 = vector.shape_cast %swap3A_2272 : vector<1x16xf32> to vector<16xf32>
      %swap3A_2274 = vector.shape_cast %broadcast_in_dim3A_1554 : vector<16xf32> to vector<1x16xf32>
      tpu.vector_store %arg7[%swap3A_2270, %swap3A_2271], %swap3A_2274 {strides = array<i32>} : memref<160x16xf32, #tpu.memory_space<vmem>>, vector<1x16xf32>,
      %swap3A_2275 = arith.constant 120 : i32
      %swap3A_2276 = arith.index_cast %swap3A_2275 : i32 to index
      %swap3A_2277 = arith.constant 0 : index
      %swap3A_2278 = tpu.vector_load %arg7[%swap3A_2276, %swap3A_2277] {strides = array<i32>} : memref<160x16xf32, #tpu.memory_space<vmem>>, vector<1x16xf32>,
      %swap3A_2279 = vector.shape_cast %swap3A_2278 : vector<1x16xf32> to vector<16xf32>
      %swap3A_2280 = vector.shape_cast %broadcast_in_dim3A_1554 : vector<16xf32> to vector<1x16xf32>
      tpu.vector_store %arg7[%swap3A_2276, %swap3A_2277], %swap3A_2280 {strides = array<i32>} : memref<160x16xf32, #tpu.memory_space<vmem>>, vector<1x16xf32>,
      %swap3A_2281 = arith.constant 121 : i32
      %swap3A_2282 = arith.index_cast %swap3A_2281 : i32 to index
      %swap3A_2283 = arith.constant 0 : index
      %swap3A_2284 = tpu.vector_load %arg7[%swap3A_2282, %swap3A_2283] {strides = array<i32>} : memref<160x16xf32, #tpu.memory_space<vmem>>, vector<1x16xf32>,
      %swap3A_2285 = vector.shape_cast %swap3A_2284 : vector<1x16xf32> to vector<16xf32>
      %swap3A_2286 = vector.shape_cast %broadcast_in_dim3A_1554 : vector<16xf32> to vector<1x16xf32>
      tpu.vector_store %arg7[%swap3A_2282, %swap3A_2283], %swap3A_2286 {strides = array<i32>} : memref<160x16xf32, #tpu.memory_space<vmem>>, vector<1x16xf32>,
      %swap3A_2287 = arith.constant 122 : i32
      %swap3A_2288 = arith.index_cast %swap3A_2287 : i32 to index
      %swap3A_2289 = arith.constant 0 : index
      %swap3A_2290 = tpu.vector_load %arg7[%swap3A_2288, %swap3A_2289] {strides = array<i32>} : memref<160x16xf32, #tpu.memory_space<vmem>>, vector<1x16xf32>,
      %swap3A_2291 = vector.shape_cast %swap3A_2290 : vector<1x16xf32> to vector<16xf32>
      %swap3A_2292 = vector.shape_cast %broadcast_in_dim3A_1554 : vector<16xf32> to vector<1x16xf32>
      tpu.vector_store %arg7[%swap3A_2288, %swap3A_2289], %swap3A_2292 {strides = array<i32>} : memref<160x16xf32, #tpu.memory_space<vmem>>, vector<1x16xf32>,
      %swap3A_2293 = arith.constant 123 : i32
      %swap3A_2294 = arith.index_cast %swap3A_2293 : i32 to index
      %swap3A_2295 = arith.constant 0 : index
      %swap3A_2296 = tpu.vector_load %arg7[%swap3A_2294, %swap3A_2295] {strides = array<i32>} : memref<160x16xf32, #tpu.memory_space<vmem>>, vector<1x16xf32>,
      %swap3A_2297 = vector.shape_cast %swap3A_2296 : vector<1x16xf32> to vector<16xf32>
      %swap3A_2298 = vector.shape_cast %broadcast_in_dim3A_1554 : vector<16xf32> to vector<1x16xf32>
      tpu.vector_store %arg7[%swap3A_2294, %swap3A_2295], %swap3A_2298 {strides = array<i32>} : memref<160x16xf32, #tpu.memory_space<vmem>>, vector<1x16xf32>,
      %swap3A_2299 = arith.constant 124 : i32
      %swap3A_2300 = arith.index_cast %swap3A_2299 : i32 to index
      %swap3A_2301 = arith.constant 0 : index
      %swap3A_2302 = tpu.vector_load %arg7[%swap3A_2300, %swap3A_2301] {strides = array<i32>} : memref<160x16xf32, #tpu.memory_space<vmem>>, vector<1x16xf32>,
      %swap3A_2303 = vector.shape_cast %swap3A_2302 : vector<1x16xf32> to vector<16xf32>
      %swap3A_2304 = vector.shape_cast %broadcast_in_dim3A_1554 : vector<16xf32> to vector<1x16xf32>
      tpu.vector_store %arg7[%swap3A_2300, %swap3A_2301], %swap3A_2304 {strides = array<i32>} : memref<160x16xf32, #tpu.memory_space<vmem>>, vector<1x16xf32>,
      %swap3A_2305 = arith.constant 125 : i32
      %swap3A_2306 = arith.index_cast %swap3A_2305 : i32 to index
      %swap3A_2307 = arith.constant 0 : index
      %swap3A_2308 = tpu.vector_load %arg7[%swap3A_2306, %swap3A_2307] {strides = array<i32>} : memref<160x16xf32, #tpu.memory_space<vmem>>, vector<1x16xf32>,
      %swap3A_2309 = vector.shape_cast %swap3A_2308 : vector<1x16xf32> to vector<16xf32>
      %swap3A_2310 = vector.shape_cast %broadcast_in_dim3A_1554 : vector<16xf32> to vector<1x16xf32>
      tpu.vector_store %arg7[%swap3A_2306, %swap3A_2307], %swap3A_2310 {strides = array<i32>} : memref<160x16xf32, #tpu.memory_space<vmem>>, vector<1x16xf32>,
      %swap3A_2311 = arith.constant 126 : i32
      %swap3A_2312 = arith.index_cast %swap3A_2311 : i32 to index
      %swap3A_2313 = arith.constant 0 : index
      %swap3A_2314 = tpu.vector_load %arg7[%swap3A_2312, %swap3A_2313] {strides = array<i32>} : memref<160x16xf32, #tpu.memory_space<vmem>>, vector<1x16xf32>,
      %swap3A_2315 = vector.shape_cast %swap3A_2314 : vector<1x16xf32> to vector<16xf32>
      %swap3A_2316 = vector.shape_cast %broadcast_in_dim3A_1554 : vector<16xf32> to vector<1x16xf32>
      tpu.vector_store %arg7[%swap3A_2312, %swap3A_2313], %swap3A_2316 {strides = array<i32>} : memref<160x16xf32, #tpu.memory_space<vmem>>, vector<1x16xf32>,
      %swap3A_2317 = arith.constant 127 : i32
      %swap3A_2318 = arith.index_cast %swap3A_2317 : i32 to index
      %swap3A_2319 = arith.constant 0 : index
      %swap3A_2320 = tpu.vector_load %arg7[%swap3A_2318, %swap3A_2319] {strides = array<i32>} : memref<160x16xf32, #tpu.memory_space<vmem>>, vector<1x16xf32>,
      %swap3A_2321 = vector.shape_cast %swap3A_2320 : vector<1x16xf32> to vector<16xf32>
      %swap3A_2322 = vector.shape_cast %broadcast_in_dim3A_1554 : vector<16xf32> to vector<1x16xf32>
      tpu.vector_store %arg7[%swap3A_2318, %swap3A_2319], %swap3A_2322 {strides = array<i32>} : memref<160x16xf32, #tpu.memory_space<vmem>>, vector<1x16xf32>,
      %swap3A_2323 = arith.constant 128 : i32
      %swap3A_2324 = arith.index_cast %swap3A_2323 : i32 to index
      %swap3A_2325 = arith.constant 0 : index
      %swap3A_2326 = tpu.vector_load %arg7[%swap3A_2324, %swap3A_2325] {strides = array<i32>} : memref<160x16xf32, #tpu.memory_space<vmem>>, vector<1x16xf32>,
      %swap3A_2327 = vector.shape_cast %swap3A_2326 : vector<1x16xf32> to vector<16xf32>
      %swap3A_2328 = vector.shape_cast %broadcast_in_dim3A_1554 : vector<16xf32> to vector<1x16xf32>
      tpu.vector_store %arg7[%swap3A_2324, %swap3A_2325], %swap3A_2328 {strides = array<i32>} : memref<160x16xf32, #tpu.memory_space<vmem>>, vector<1x16xf32>,
      %swap3A_2329 = arith.constant 129 : i32
      %swap3A_2330 = arith.index_cast %swap3A_2329 : i32 to index
      %swap3A_2331 = arith.constant 0 : index
      %swap3A_2332 = tpu.vector_load %arg7[%swap3A_2330, %swap3A_2331] {strides = array<i32>} : memref<160x16xf32, #tpu.memory_space<vmem>>, vector<1x16xf32>,
      %swap3A_2333 = vector.shape_cast %swap3A_2332 : vector<1x16xf32> to vector<16xf32>
      %swap3A_2334 = vector.shape_cast %broadcast_in_dim3A_1554 : vector<16xf32> to vector<1x16xf32>
      tpu.vector_store %arg7[%swap3A_2330, %swap3A_2331], %swap3A_2334 {strides = array<i32>} : memref<160x16xf32, #tpu.memory_space<vmem>>, vector<1x16xf32>,
      %swap3A_2335 = arith.constant 130 : i32
      %swap3A_2336 = arith.index_cast %swap3A_2335 : i32 to index
      %swap3A_2337 = arith.constant 0 : index
      %swap3A_2338 = tpu.vector_load %arg7[%swap3A_2336, %swap3A_2337] {strides = array<i32>} : memref<160x16xf32, #tpu.memory_space<vmem>>, vector<1x16xf32>,
      %swap3A_2339 = vector.shape_cast %swap3A_2338 : vector<1x16xf32> to vector<16xf32>
      %swap3A_2340 = vector.shape_cast %broadcast_in_dim3A_1554 : vector<16xf32> to vector<1x16xf32>
      tpu.vector_store %arg7[%swap3A_2336, %swap3A_2337], %swap3A_2340 {strides = array<i32>} : memref<160x16xf32, #tpu.memory_space<vmem>>, vector<1x16xf32>,
      %swap3A_2341 = arith.constant 131 : i32
      %swap3A_2342 = arith.index_cast %swap3A_2341 : i32 to index
      %swap3A_2343 = arith.constant 0 : index
      %swap3A_2344 = tpu.vector_load %arg7[%swap3A_2342, %swap3A_2343] {strides = array<i32>} : memref<160x16xf32, #tpu.memory_space<vmem>>, vector<1x16xf32>,
      %swap3A_2345 = vector.shape_cast %swap3A_2344 : vector<1x16xf32> to vector<16xf32>
      %swap3A_2346 = vector.shape_cast %broadcast_in_dim3A_1554 : vector<16xf32> to vector<1x16xf32>
      tpu.vector_store %arg7[%swap3A_2342, %swap3A_2343], %swap3A_2346 {strides = array<i32>} : memref<160x16xf32, #tpu.memory_space<vmem>>, vector<1x16xf32>,
      %swap3A_2347 = arith.constant 132 : i32
      %swap3A_2348 = arith.index_cast %swap3A_2347 : i32 to index
      %swap3A_2349 = arith.constant 0 : index
      %swap3A_2350 = tpu.vector_load %arg7[%swap3A_2348, %swap3A_2349] {strides = array<i32>} : memref<160x16xf32, #tpu.memory_space<vmem>>, vector<1x16xf32>,
      %swap3A_2351 = vector.shape_cast %swap3A_2350 : vector<1x16xf32> to vector<16xf32>
      %swap3A_2352 = vector.shape_cast %broadcast_in_dim3A_1554 : vector<16xf32> to vector<1x16xf32>
      tpu.vector_store %arg7[%swap3A_2348, %swap3A_2349], %swap3A_2352 {strides = array<i32>} : memref<160x16xf32, #tpu.memory_space<vmem>>, vector<1x16xf32>,
      %swap3A_2353 = arith.constant 133 : i32
      %swap3A_2354 = arith.index_cast %swap3A_2353 : i32 to index
      %swap3A_2355 = arith.constant 0 : index
      %swap3A_2356 = tpu.vector_load %arg7[%swap3A_2354, %swap3A_2355] {strides = array<i32>} : memref<160x16xf32, #tpu.memory_space<vmem>>, vector<1x16xf32>,
      %swap3A_2357 = vector.shape_cast %swap3A_2356 : vector<1x16xf32> to vector<16xf32>
      %swap3A_2358 = vector.shape_cast %broadcast_in_dim3A_1554 : vector<16xf32> to vector<1x16xf32>
      tpu.vector_store %arg7[%swap3A_2354, %swap3A_2355], %swap3A_2358 {strides = array<i32>} : memref<160x16xf32, #tpu.memory_space<vmem>>, vector<1x16xf32>,
      %swap3A_2359 = arith.constant 134 : i32
      %swap3A_2360 = arith.index_cast %swap3A_2359 : i32 to index
      %swap3A_2361 = arith.constant 0 : index
      %swap3A_2362 = tpu.vector_load %arg7[%swap3A_2360, %swap3A_2361] {strides = array<i32>} : memref<160x16xf32, #tpu.memory_space<vmem>>, vector<1x16xf32>,
      %swap3A_2363 = vector.shape_cast %swap3A_2362 : vector<1x16xf32> to vector<16xf32>
      %swap3A_2364 = vector.shape_cast %broadcast_in_dim3A_1554 : vector<16xf32> to vector<1x16xf32>
      tpu.vector_store %arg7[%swap3A_2360, %swap3A_2361], %swap3A_2364 {strides = array<i32>} : memref<160x16xf32, #tpu.memory_space<vmem>>, vector<1x16xf32>,
      %swap3A_2365 = arith.constant 135 : i32
      %swap3A_2366 = arith.index_cast %swap3A_2365 : i32 to index
      %swap3A_2367 = arith.constant 0 : index
      %swap3A_2368 = tpu.vector_load %arg7[%swap3A_2366, %swap3A_2367] {strides = array<i32>} : memref<160x16xf32, #tpu.memory_space<vmem>>, vector<1x16xf32>,
      %swap3A_2369 = vector.shape_cast %swap3A_2368 : vector<1x16xf32> to vector<16xf32>
      %swap3A_2370 = vector.shape_cast %broadcast_in_dim3A_1554 : vector<16xf32> to vector<1x16xf32>
      tpu.vector_store %arg7[%swap3A_2366, %swap3A_2367], %swap3A_2370 {strides = array<i32>} : memref<160x16xf32, #tpu.memory_space<vmem>>, vector<1x16xf32>,
      %swap3A_2371 = arith.constant 136 : i32
      %swap3A_2372 = arith.index_cast %swap3A_2371 : i32 to index
      %swap3A_2373 = arith.constant 0 : index
      %swap3A_2374 = tpu.vector_load %arg7[%swap3A_2372, %swap3A_2373] {strides = array<i32>} : memref<160x16xf32, #tpu.memory_space<vmem>>, vector<1x16xf32>,
      %swap3A_2375 = vector.shape_cast %swap3A_2374 : vector<1x16xf32> to vector<16xf32>
      %swap3A_2376 = vector.shape_cast %broadcast_in_dim3A_1554 : vector<16xf32> to vector<1x16xf32>
      tpu.vector_store %arg7[%swap3A_2372, %swap3A_2373], %swap3A_2376 {strides = array<i32>} : memref<160x16xf32, #tpu.memory_space<vmem>>, vector<1x16xf32>,
      %swap3A_2377 = arith.constant 137 : i32
      %swap3A_2378 = arith.index_cast %swap3A_2377 : i32 to index
      %swap3A_2379 = arith.constant 0 : index
      %swap3A_2380 = tpu.vector_load %arg7[%swap3A_2378, %swap3A_2379] {strides = array<i32>} : memref<160x16xf32, #tpu.memory_space<vmem>>, vector<1x16xf32>,
      %swap3A_2381 = vector.shape_cast %swap3A_2380 : vector<1x16xf32> to vector<16xf32>
      %swap3A_2382 = vector.shape_cast %broadcast_in_dim3A_1554 : vector<16xf32> to vector<1x16xf32>
      tpu.vector_store %arg7[%swap3A_2378, %swap3A_2379], %swap3A_2382 {strides = array<i32>} : memref<160x16xf32, #tpu.memory_space<vmem>>, vector<1x16xf32>,
      %swap3A_2383 = arith.constant 138 : i32
      %swap3A_2384 = arith.index_cast %swap3A_2383 : i32 to index
      %swap3A_2385 = arith.constant 0 : index
      %swap3A_2386 = tpu.vector_load %arg7[%swap3A_2384, %swap3A_2385] {strides = array<i32>} : memref<160x16xf32, #tpu.memory_space<vmem>>, vector<1x16xf32>,
      %swap3A_2387 = vector.shape_cast %swap3A_2386 : vector<1x16xf32> to vector<16xf32>
      %swap3A_2388 = vector.shape_cast %broadcast_in_dim3A_1554 : vector<16xf32> to vector<1x16xf32>
      tpu.vector_store %arg7[%swap3A_2384, %swap3A_2385], %swap3A_2388 {strides = array<i32>} : memref<160x16xf32, #tpu.memory_space<vmem>>, vector<1x16xf32>,
      %swap3A_2389 = arith.constant 139 : i32
      %swap3A_2390 = arith.index_cast %swap3A_2389 : i32 to index
      %swap3A_2391 = arith.constant 0 : index
      %swap3A_2392 = tpu.vector_load %arg7[%swap3A_2390, %swap3A_2391] {strides = array<i32>} : memref<160x16xf32, #tpu.memory_space<vmem>>, vector<1x16xf32>,
      %swap3A_2393 = vector.shape_cast %swap3A_2392 : vector<1x16xf32> to vector<16xf32>
      %swap3A_2394 = vector.shape_cast %broadcast_in_dim3A_1554 : vector<16xf32> to vector<1x16xf32>
      tpu.vector_store %arg7[%swap3A_2390, %swap3A_2391], %swap3A_2394 {strides = array<i32>} : memref<160x16xf32, #tpu.memory_space<vmem>>, vector<1x16xf32>,
      %swap3A_2395 = arith.constant 140 : i32
      %swap3A_2396 = arith.index_cast %swap3A_2395 : i32 to index
      %swap3A_2397 = arith.constant 0 : index
      %swap3A_2398 = tpu.vector_load %arg7[%swap3A_2396, %swap3A_2397] {strides = array<i32>} : memref<160x16xf32, #tpu.memory_space<vmem>>, vector<1x16xf32>,
      %swap3A_2399 = vector.shape_cast %swap3A_2398 : vector<1x16xf32> to vector<16xf32>
      %swap3A_2400 = vector.shape_cast %broadcast_in_dim3A_1554 : vector<16xf32> to vector<1x16xf32>
      tpu.vector_store %arg7[%swap3A_2396, %swap3A_2397], %swap3A_2400 {strides = array<i32>} : memref<160x16xf32, #tpu.memory_space<vmem>>, vector<1x16xf32>,
      %swap3A_2401 = arith.constant 141 : i32
      %swap3A_2402 = arith.index_cast %swap3A_2401 : i32 to index
      %swap3A_2403 = arith.constant 0 : index
      %swap3A_2404 = tpu.vector_load %arg7[%swap3A_2402, %swap3A_2403] {strides = array<i32>} : memref<160x16xf32, #tpu.memory_space<vmem>>, vector<1x16xf32>,
      %swap3A_2405 = vector.shape_cast %swap3A_2404 : vector<1x16xf32> to vector<16xf32>
      %swap3A_2406 = vector.shape_cast %broadcast_in_dim3A_1554 : vector<16xf32> to vector<1x16xf32>
      tpu.vector_store %arg7[%swap3A_2402, %swap3A_2403], %swap3A_2406 {strides = array<i32>} : memref<160x16xf32, #tpu.memory_space<vmem>>, vector<1x16xf32>,
      %swap3A_2407 = arith.constant 142 : i32
      %swap3A_2408 = arith.index_cast %swap3A_2407 : i32 to index
      %swap3A_2409 = arith.constant 0 : index
      %swap3A_2410 = tpu.vector_load %arg7[%swap3A_2408, %swap3A_2409] {strides = array<i32>} : memref<160x16xf32, #tpu.memory_space<vmem>>, vector<1x16xf32>,
      %swap3A_2411 = vector.shape_cast %swap3A_2410 : vector<1x16xf32> to vector<16xf32>
      %swap3A_2412 = vector.shape_cast %broadcast_in_dim3A_1554 : vector<16xf32> to vector<1x16xf32>
      tpu.vector_store %arg7[%swap3A_2408, %swap3A_2409], %swap3A_2412 {strides = array<i32>} : memref<160x16xf32, #tpu.memory_space<vmem>>, vector<1x16xf32>,
      %swap3A_2413 = arith.constant 143 : i32
      %swap3A_2414 = arith.index_cast %swap3A_2413 : i32 to index
      %swap3A_2415 = arith.constant 0 : index
      %swap3A_2416 = tpu.vector_load %arg7[%swap3A_2414, %swap3A_2415] {strides = array<i32>} : memref<160x16xf32, #tpu.memory_space<vmem>>, vector<1x16xf32>,
      %swap3A_2417 = vector.shape_cast %swap3A_2416 : vector<1x16xf32> to vector<16xf32>
      %swap3A_2418 = vector.shape_cast %broadcast_in_dim3A_1554 : vector<16xf32> to vector<1x16xf32>
      tpu.vector_store %arg7[%swap3A_2414, %swap3A_2415], %swap3A_2418 {strides = array<i32>} : memref<160x16xf32, #tpu.memory_space<vmem>>, vector<1x16xf32>,
      %swap3A_2419 = arith.constant 144 : i32
      %swap3A_2420 = arith.index_cast %swap3A_2419 : i32 to index
      %swap3A_2421 = arith.constant 0 : index
      %swap3A_2422 = tpu.vector_load %arg7[%swap3A_2420, %swap3A_2421] {strides = array<i32>} : memref<160x16xf32, #tpu.memory_space<vmem>>, vector<1x16xf32>,
      %swap3A_2423 = vector.shape_cast %swap3A_2422 : vector<1x16xf32> to vector<16xf32>
      %swap3A_2424 = vector.shape_cast %broadcast_in_dim3A_1554 : vector<16xf32> to vector<1x16xf32>
      tpu.vector_store %arg7[%swap3A_2420, %swap3A_2421], %swap3A_2424 {strides = array<i32>} : memref<160x16xf32, #tpu.memory_space<vmem>>, vector<1x16xf32>,
      %swap3A_2425 = arith.constant 145 : i32
      %swap3A_2426 = arith.index_cast %swap3A_2425 : i32 to index
      %swap3A_2427 = arith.constant 0 : index
      %swap3A_2428 = tpu.vector_load %arg7[%swap3A_2426, %swap3A_2427] {strides = array<i32>} : memref<160x16xf32, #tpu.memory_space<vmem>>, vector<1x16xf32>,
      %swap3A_2429 = vector.shape_cast %swap3A_2428 : vector<1x16xf32> to vector<16xf32>
      %swap3A_2430 = vector.shape_cast %broadcast_in_dim3A_1554 : vector<16xf32> to vector<1x16xf32>
      tpu.vector_store %arg7[%swap3A_2426, %swap3A_2427], %swap3A_2430 {strides = array<i32>} : memref<160x16xf32, #tpu.memory_space<vmem>>, vector<1x16xf32>,
      %swap3A_2431 = arith.constant 146 : i32
      %swap3A_2432 = arith.index_cast %swap3A_2431 : i32 to index
      %swap3A_2433 = arith.constant 0 : index
      %swap3A_2434 = tpu.vector_load %arg7[%swap3A_2432, %swap3A_2433] {strides = array<i32>} : memref<160x16xf32, #tpu.memory_space<vmem>>, vector<1x16xf32>,
      %swap3A_2435 = vector.shape_cast %swap3A_2434 : vector<1x16xf32> to vector<16xf32>
      %swap3A_2436 = vector.shape_cast %broadcast_in_dim3A_1554 : vector<16xf32> to vector<1x16xf32>
      tpu.vector_store %arg7[%swap3A_2432, %swap3A_2433], %swap3A_2436 {strides = array<i32>} : memref<160x16xf32, #tpu.memory_space<vmem>>, vector<1x16xf32>,
      %swap3A_2437 = arith.constant 147 : i32
      %swap3A_2438 = arith.index_cast %swap3A_2437 : i32 to index
      %swap3A_2439 = arith.constant 0 : index
      %swap3A_2440 = tpu.vector_load %arg7[%swap3A_2438, %swap3A_2439] {strides = array<i32>} : memref<160x16xf32, #tpu.memory_space<vmem>>, vector<1x16xf32>,
      %swap3A_2441 = vector.shape_cast %swap3A_2440 : vector<1x16xf32> to vector<16xf32>
      %swap3A_2442 = vector.shape_cast %broadcast_in_dim3A_1554 : vector<16xf32> to vector<1x16xf32>
      tpu.vector_store %arg7[%swap3A_2438, %swap3A_2439], %swap3A_2442 {strides = array<i32>} : memref<160x16xf32, #tpu.memory_space<vmem>>, vector<1x16xf32>,
      %swap3A_2443 = arith.constant 148 : i32
      %swap3A_2444 = arith.index_cast %swap3A_2443 : i32 to index
      %swap3A_2445 = arith.constant 0 : index
      %swap3A_2446 = tpu.vector_load %arg7[%swap3A_2444, %swap3A_2445] {strides = array<i32>} : memref<160x16xf32, #tpu.memory_space<vmem>>, vector<1x16xf32>,
      %swap3A_2447 = vector.shape_cast %swap3A_2446 : vector<1x16xf32> to vector<16xf32>
      %swap3A_2448 = vector.shape_cast %broadcast_in_dim3A_1554 : vector<16xf32> to vector<1x16xf32>
      tpu.vector_store %arg7[%swap3A_2444, %swap3A_2445], %swap3A_2448 {strides = array<i32>} : memref<160x16xf32, #tpu.memory_space<vmem>>, vector<1x16xf32>,
      %swap3A_2449 = arith.constant 149 : i32
      %swap3A_2450 = arith.index_cast %swap3A_2449 : i32 to index
      %swap3A_2451 = arith.constant 0 : index
      %swap3A_2452 = tpu.vector_load %arg7[%swap3A_2450, %swap3A_2451] {strides = array<i32>} : memref<160x16xf32, #tpu.memory_space<vmem>>, vector<1x16xf32>,
      %swap3A_2453 = vector.shape_cast %swap3A_2452 : vector<1x16xf32> to vector<16xf32>
      %swap3A_2454 = vector.shape_cast %broadcast_in_dim3A_1554 : vector<16xf32> to vector<1x16xf32>
      tpu.vector_store %arg7[%swap3A_2450, %swap3A_2451], %swap3A_2454 {strides = array<i32>} : memref<160x16xf32, #tpu.memory_space<vmem>>, vector<1x16xf32>,
      %swap3A_2455 = arith.constant 150 : i32
      %swap3A_2456 = arith.index_cast %swap3A_2455 : i32 to index
      %swap3A_2457 = arith.constant 0 : index
      %swap3A_2458 = tpu.vector_load %arg7[%swap3A_2456, %swap3A_2457] {strides = array<i32>} : memref<160x16xf32, #tpu.memory_space<vmem>>, vector<1x16xf32>,
      %swap3A_2459 = vector.shape_cast %swap3A_2458 : vector<1x16xf32> to vector<16xf32>
      %swap3A_2460 = vector.shape_cast %broadcast_in_dim3A_1554 : vector<16xf32> to vector<1x16xf32>
      tpu.vector_store %arg7[%swap3A_2456, %swap3A_2457], %swap3A_2460 {strides = array<i32>} : memref<160x16xf32, #tpu.memory_space<vmem>>, vector<1x16xf32>,
      %swap3A_2461 = arith.constant 151 : i32
      %swap3A_2462 = arith.index_cast %swap3A_2461 : i32 to index
      %swap3A_2463 = arith.constant 0 : index
      %swap3A_2464 = tpu.vector_load %arg7[%swap3A_2462, %swap3A_2463] {strides = array<i32>} : memref<160x16xf32, #tpu.memory_space<vmem>>, vector<1x16xf32>,
      %swap3A_2465 = vector.shape_cast %swap3A_2464 : vector<1x16xf32> to vector<16xf32>
      %swap3A_2466 = vector.shape_cast %broadcast_in_dim3A_1554 : vector<16xf32> to vector<1x16xf32>
      tpu.vector_store %arg7[%swap3A_2462, %swap3A_2463], %swap3A_2466 {strides = array<i32>} : memref<160x16xf32, #tpu.memory_space<vmem>>, vector<1x16xf32>,
      %swap3A_2467 = arith.constant 152 : i32
      %swap3A_2468 = arith.index_cast %swap3A_2467 : i32 to index
      %swap3A_2469 = arith.constant 0 : index
      %swap3A_2470 = tpu.vector_load %arg7[%swap3A_2468, %swap3A_2469] {strides = array<i32>} : memref<160x16xf32, #tpu.memory_space<vmem>>, vector<1x16xf32>,
      %swap3A_2471 = vector.shape_cast %swap3A_2470 : vector<1x16xf32> to vector<16xf32>
      %swap3A_2472 = vector.shape_cast %broadcast_in_dim3A_1554 : vector<16xf32> to vector<1x16xf32>
      tpu.vector_store %arg7[%swap3A_2468, %swap3A_2469], %swap3A_2472 {strides = array<i32>} : memref<160x16xf32, #tpu.memory_space<vmem>>, vector<1x16xf32>,
      %swap3A_2473 = arith.constant 153 : i32
      %swap3A_2474 = arith.index_cast %swap3A_2473 : i32 to index
      %swap3A_2475 = arith.constant 0 : index
      %swap3A_2476 = tpu.vector_load %arg7[%swap3A_2474, %swap3A_2475] {strides = array<i32>} : memref<160x16xf32, #tpu.memory_space<vmem>>, vector<1x16xf32>,
      %swap3A_2477 = vector.shape_cast %swap3A_2476 : vector<1x16xf32> to vector<16xf32>
      %swap3A_2478 = vector.shape_cast %broadcast_in_dim3A_1554 : vector<16xf32> to vector<1x16xf32>
      tpu.vector_store %arg7[%swap3A_2474, %swap3A_2475], %swap3A_2478 {strides = array<i32>} : memref<160x16xf32, #tpu.memory_space<vmem>>, vector<1x16xf32>,
      %swap3A_2479 = arith.constant 154 : i32
      %swap3A_2480 = arith.index_cast %swap3A_2479 : i32 to index
      %swap3A_2481 = arith.constant 0 : index
      %swap3A_2482 = tpu.vector_load %arg7[%swap3A_2480, %swap3A_2481] {strides = array<i32>} : memref<160x16xf32, #tpu.memory_space<vmem>>, vector<1x16xf32>,
      %swap3A_2483 = vector.shape_cast %swap3A_2482 : vector<1x16xf32> to vector<16xf32>
      %swap3A_2484 = vector.shape_cast %broadcast_in_dim3A_1554 : vector<16xf32> to vector<1x16xf32>
      tpu.vector_store %arg7[%swap3A_2480, %swap3A_2481], %swap3A_2484 {strides = array<i32>} : memref<160x16xf32, #tpu.memory_space<vmem>>, vector<1x16xf32>,
      %swap3A_2485 = arith.constant 155 : i32
      %swap3A_2486 = arith.index_cast %swap3A_2485 : i32 to index
      %swap3A_2487 = arith.constant 0 : index
      %swap3A_2488 = tpu.vector_load %arg7[%swap3A_2486, %swap3A_2487] {strides = array<i32>} : memref<160x16xf32, #tpu.memory_space<vmem>>, vector<1x16xf32>,
      %swap3A_2489 = vector.shape_cast %swap3A_2488 : vector<1x16xf32> to vector<16xf32>
      %swap3A_2490 = vector.shape_cast %broadcast_in_dim3A_1554 : vector<16xf32> to vector<1x16xf32>
      tpu.vector_store %arg7[%swap3A_2486, %swap3A_2487], %swap3A_2490 {strides = array<i32>} : memref<160x16xf32, #tpu.memory_space<vmem>>, vector<1x16xf32>,
      %swap3A_2491 = arith.constant 156 : i32
      %swap3A_2492 = arith.index_cast %swap3A_2491 : i32 to index
      %swap3A_2493 = arith.constant 0 : index
      %swap3A_2494 = tpu.vector_load %arg7[%swap3A_2492, %swap3A_2493] {strides = array<i32>} : memref<160x16xf32, #tpu.memory_space<vmem>>, vector<1x16xf32>,
      %swap3A_2495 = vector.shape_cast %swap3A_2494 : vector<1x16xf32> to vector<16xf32>
      %swap3A_2496 = vector.shape_cast %broadcast_in_dim3A_1554 : vector<16xf32> to vector<1x16xf32>
      tpu.vector_store %arg7[%swap3A_2492, %swap3A_2493], %swap3A_2496 {strides = array<i32>} : memref<160x16xf32, #tpu.memory_space<vmem>>, vector<1x16xf32>,
      %swap3A_2497 = arith.constant 157 : i32
      %swap3A_2498 = arith.index_cast %swap3A_2497 : i32 to index
      %swap3A_2499 = arith.constant 0 : index
      %swap3A_2500 = tpu.vector_load %arg7[%swap3A_2498, %swap3A_2499] {strides = array<i32>} : memref<160x16xf32, #tpu.memory_space<vmem>>, vector<1x16xf32>,
      %swap3A_2501 = vector.shape_cast %swap3A_2500 : vector<1x16xf32> to vector<16xf32>
      %swap3A_2502 = vector.shape_cast %broadcast_in_dim3A_1554 : vector<16xf32> to vector<1x16xf32>
      tpu.vector_store %arg7[%swap3A_2498, %swap3A_2499], %swap3A_2502 {strides = array<i32>} : memref<160x16xf32, #tpu.memory_space<vmem>>, vector<1x16xf32>,
      %swap3A_2503 = arith.constant 158 : i32
      %swap3A_2504 = arith.index_cast %swap3A_2503 : i32 to index
      %swap3A_2505 = arith.constant 0 : index
      %swap3A_2506 = tpu.vector_load %arg7[%swap3A_2504, %swap3A_2505] {strides = array<i32>} : memref<160x16xf32, #tpu.memory_space<vmem>>, vector<1x16xf32>,
      %swap3A_2507 = vector.shape_cast %swap3A_2506 : vector<1x16xf32> to vector<16xf32>
      %swap3A_2508 = vector.shape_cast %broadcast_in_dim3A_1554 : vector<16xf32> to vector<1x16xf32>
      tpu.vector_store %arg7[%swap3A_2504, %swap3A_2505], %swap3A_2508 {strides = array<i32>} : memref<160x16xf32, #tpu.memory_space<vmem>>, vector<1x16xf32>,
      %swap3A_2509 = arith.constant 159 : i32
      %swap3A_2510 = arith.index_cast %swap3A_2509 : i32 to index
      %swap3A_2511 = arith.constant 0 : index
      %swap3A_2512 = tpu.vector_load %arg7[%swap3A_2510, %swap3A_2511] {strides = array<i32>} : memref<160x16xf32, #tpu.memory_space<vmem>>, vector<1x16xf32>,
      %swap3A_2513 = vector.shape_cast %swap3A_2512 : vector<1x16xf32> to vector<16xf32>
      %swap3A_2514 = vector.shape_cast %broadcast_in_dim3A_1554 : vector<16xf32> to vector<1x16xf32>
      tpu.vector_store %arg7[%swap3A_2510, %swap3A_2511], %swap3A_2514 {strides = array<i32>} : memref<160x16xf32, #tpu.memory_space<vmem>>, vector<1x16xf32>,
      %dma_wait3A = arith.constant 0 : i32
      %dma_wait3A_2515 = arith.constant 0 : i32
      %dma_wait3A_2516 = tpu.memref_slice %arg2[%dma_wait3A, %dma_wait3A_2515] : memref<2x160xi32, #tpu.memory_space<hbm>> -> memref<1x160xi32, #tpu.memory_space<hbm>>
      %dma_wait3A_2517 = tpu.memref_squeeze %dma_wait3A_2516 : memref<1x160xi32, #tpu.memory_space<hbm>> -> memref<160xi32, #tpu.memory_space<hbm>>
      %dma_wait3A_2518 = arith.constant 0 : i32
      %dma_wait3A_2519 = tpu.memref_slice %arg2[%dma_wait3A, %dma_wait3A_2518] : memref<2x160xi32, #tpu.memory_space<hbm>> -> memref<1x160xi32, #tpu.memory_space<hbm>>
      %dma_wait3A_2520 = tpu.memref_squeeze %dma_wait3A_2519 : memref<1x160xi32, #tpu.memory_space<hbm>> -> memref<160xi32, #tpu.memory_space<hbm>>
      tpu.wait_dma2 semaphore(%arg11 : memref<!tpu.dma_semaphore, #tpu.memory_space<semaphore_mem>>) src(%dma_wait3A_2520 : memref<160xi32, #tpu.memory_space<hbm>>) dst(%arg4 : memref<160xi32, #tpu.memory_space<vmem>>)
      %dma_wait3A_2521 = arith.constant 1 : i32
      %dma_wait3A_2522 = arith.constant 0 : i32
      %dma_wait3A_2523 = tpu.memref_slice %arg2[%dma_wait3A_2521, %dma_wait3A_2522] : memref<2x160xi32, #tpu.memory_space<hbm>> -> memref<1x160xi32, #tpu.memory_space<hbm>>
      %dma_wait3A_2524 = tpu.memref_squeeze %dma_wait3A_2523 : memref<1x160xi32, #tpu.memory_space<hbm>> -> memref<160xi32, #tpu.memory_space<hbm>>
      %dma_wait3A_2525 = arith.constant 0 : i32
      %dma_wait3A_2526 = tpu.memref_slice %arg2[%dma_wait3A_2521, %dma_wait3A_2525] : memref<2x160xi32, #tpu.memory_space<hbm>> -> memref<1x160xi32, #tpu.memory_space<hbm>>
      %dma_wait3A_2527 = tpu.memref_squeeze %dma_wait3A_2526 : memref<1x160xi32, #tpu.memory_space<hbm>> -> memref<160xi32, #tpu.memory_space<hbm>>
      tpu.wait_dma2 semaphore(%arg12 : memref<!tpu.dma_semaphore, #tpu.memory_space<semaphore_mem>>) src(%dma_wait3A_2527 : memref<160xi32, #tpu.memory_space<hbm>>) dst(%arg5 : memref<160xi32, #tpu.memory_space<vmem>>)
      %get3A = arith.constant 0 : index
      %get3A_2528 = tpu.vector_load %arg4[%get3A] {strides = array<i32>} : memref<160xi32, #tpu.memory_space<vmem>>, vector<16xi32>,
      %get3A_2529 = vector.shape_cast %get3A_2528 : vector<16xi32> to vector<16xi32>
      %get3A_2530 = arith.constant 0 : index
      %get3A_2531 = tpu.vector_load %arg5[%get3A_2530] {strides = array<i32>} : memref<160xi32, #tpu.memory_space<vmem>>, vector<16xi32>,
      %get3A_2532 = vector.shape_cast %get3A_2531 : vector<16xi32> to vector<16xi32>
      %mul3A = arith.constant 16 : i32
      %mul3A_2533 = vector.broadcast %mul3A : i32 to vector<16xi32>
      %mul3A_2534 = arith.muli %get3A_2532, %mul3A_2533 : vector<16xi32>
      %add3A = arith.addi %mul3A_2534, %get3A_2529 : vector<16xi32>
      %swap3A_2535 = arith.constant 0 : index
      %swap3A_2536 = tpu.vector_load %arg6[%swap3A_2535] {strides = array<i32>} : memref<160xi32, #tpu.memory_space<vmem>>, vector<16xi32>,
      %swap3A_2537 = vector.shape_cast %swap3A_2536 : vector<16xi32> to vector<16xi32>
      %swap3A_2538 = vector.shape_cast %add3A : vector<16xi32> to vector<16xi32>
      tpu.vector_store %arg6[%swap3A_2535], %swap3A_2538 {strides = array<i32>} : memref<160xi32, #tpu.memory_space<vmem>>, vector<16xi32>,
      %get3A_2539 = arith.constant 16 : index
      %get3A_2540 = tpu.vector_load %arg4[%get3A_2539] {strides = array<i32>} : memref<160xi32, #tpu.memory_space<vmem>>, vector<16xi32>,
      %get3A_2541 = vector.shape_cast %get3A_2540 : vector<16xi32> to vector<16xi32>
      %get3A_2542 = arith.constant 16 : index
      %get3A_2543 = tpu.vector_load %arg5[%get3A_2542] {strides = array<i32>} : memref<160xi32, #tpu.memory_space<vmem>>, vector<16xi32>,
      %get3A_2544 = vector.shape_cast %get3A_2543 : vector<16xi32> to vector<16xi32>
      %mul3A_2545 = arith.constant 16 : i32
      %mul3A_2546 = vector.broadcast %mul3A_2545 : i32 to vector<16xi32>
      %mul3A_2547 = arith.muli %get3A_2544, %mul3A_2546 : vector<16xi32>
      %add3A_2548 = arith.addi %mul3A_2547, %get3A_2541 : vector<16xi32>
      %swap3A_2549 = arith.constant 16 : index
      %swap3A_2550 = tpu.vector_load %arg6[%swap3A_2549] {strides = array<i32>} : memref<160xi32, #tpu.memory_space<vmem>>, vector<16xi32>,
      %swap3A_2551 = vector.shape_cast %swap3A_2550 : vector<16xi32> to vector<16xi32>
      %swap3A_2552 = vector.shape_cast %add3A_2548 : vector<16xi32> to vector<16xi32>
      tpu.vector_store %arg6[%swap3A_2549], %swap3A_2552 {strides = array<i32>} : memref<160xi32, #tpu.memory_space<vmem>>, vector<16xi32>,
      %get3A_2553 = arith.constant 32 : index
      %get3A_2554 = tpu.vector_load %arg4[%get3A_2553] {strides = array<i32>} : memref<160xi32, #tpu.memory_space<vmem>>, vector<16xi32>,
      %get3A_2555 = vector.shape_cast %get3A_2554 : vector<16xi32> to vector<16xi32>
      %get3A_2556 = arith.constant 32 : index
      %get3A_2557 = tpu.vector_load %arg5[%get3A_2556] {strides = array<i32>} : memref<160xi32, #tpu.memory_space<vmem>>, vector<16xi32>,
      %get3A_2558 = vector.shape_cast %get3A_2557 : vector<16xi32> to vector<16xi32>
      %mul3A_2559 = arith.constant 16 : i32
      %mul3A_2560 = vector.broadcast %mul3A_2559 : i32 to vector<16xi32>
      %mul3A_2561 = arith.muli %get3A_2558, %mul3A_2560 : vector<16xi32>
      %add3A_2562 = arith.addi %mul3A_2561, %get3A_2555 : vector<16xi32>
      %swap3A_2563 = arith.constant 32 : index
      %swap3A_2564 = tpu.vector_load %arg6[%swap3A_2563] {strides = array<i32>} : memref<160xi32, #tpu.memory_space<vmem>>, vector<16xi32>,
      %swap3A_2565 = vector.shape_cast %swap3A_2564 : vector<16xi32> to vector<16xi32>
      %swap3A_2566 = vector.shape_cast %add3A_2562 : vector<16xi32> to vector<16xi32>
      tpu.vector_store %arg6[%swap3A_2563], %swap3A_2566 {strides = array<i32>} : memref<160xi32, #tpu.memory_space<vmem>>, vector<16xi32>,
      %get3A_2567 = arith.constant 48 : index
      %get3A_2568 = tpu.vector_load %arg4[%get3A_2567] {strides = array<i32>} : memref<160xi32, #tpu.memory_space<vmem>>, vector<16xi32>,
      %get3A_2569 = vector.shape_cast %get3A_2568 : vector<16xi32> to vector<16xi32>
      %get3A_2570 = arith.constant 48 : index
      %get3A_2571 = tpu.vector_load %arg5[%get3A_2570] {strides = array<i32>} : memref<160xi32, #tpu.memory_space<vmem>>, vector<16xi32>,
      %get3A_2572 = vector.shape_cast %get3A_2571 : vector<16xi32> to vector<16xi32>
      %mul3A_2573 = arith.constant 16 : i32
      %mul3A_2574 = vector.broadcast %mul3A_2573 : i32 to vector<16xi32>
      %mul3A_2575 = arith.muli %get3A_2572, %mul3A_2574 : vector<16xi32>
      %add3A_2576 = arith.addi %mul3A_2575, %get3A_2569 : vector<16xi32>
      %swap3A_2577 = arith.constant 48 : index
      %swap3A_2578 = tpu.vector_load %arg6[%swap3A_2577] {strides = array<i32>} : memref<160xi32, #tpu.memory_space<vmem>>, vector<16xi32>,
      %swap3A_2579 = vector.shape_cast %swap3A_2578 : vector<16xi32> to vector<16xi32>
      %swap3A_2580 = vector.shape_cast %add3A_2576 : vector<16xi32> to vector<16xi32>
      tpu.vector_store %arg6[%swap3A_2577], %swap3A_2580 {strides = array<i32>} : memref<160xi32, #tpu.memory_space<vmem>>, vector<16xi32>,
      %get3A_2581 = arith.constant 64 : index
      %get3A_2582 = tpu.vector_load %arg4[%get3A_2581] {strides = array<i32>} : memref<160xi32, #tpu.memory_space<vmem>>, vector<16xi32>,
      %get3A_2583 = vector.shape_cast %get3A_2582 : vector<16xi32> to vector<16xi32>
      %get3A_2584 = arith.constant 64 : index
      %get3A_2585 = tpu.vector_load %arg5[%get3A_2584] {strides = array<i32>} : memref<160xi32, #tpu.memory_space<vmem>>, vector<16xi32>,
      %get3A_2586 = vector.shape_cast %get3A_2585 : vector<16xi32> to vector<16xi32>
      %mul3A_2587 = arith.constant 16 : i32
      %mul3A_2588 = vector.broadcast %mul3A_2587 : i32 to vector<16xi32>
      %mul3A_2589 = arith.muli %get3A_2586, %mul3A_2588 : vector<16xi32>
      %add3A_2590 = arith.addi %mul3A_2589, %get3A_2583 : vector<16xi32>
      %swap3A_2591 = arith.constant 64 : index
      %swap3A_2592 = tpu.vector_load %arg6[%swap3A_2591] {strides = array<i32>} : memref<160xi32, #tpu.memory_space<vmem>>, vector<16xi32>,
      %swap3A_2593 = vector.shape_cast %swap3A_2592 : vector<16xi32> to vector<16xi32>
      %swap3A_2594 = vector.shape_cast %add3A_2590 : vector<16xi32> to vector<16xi32>
      tpu.vector_store %arg6[%swap3A_2591], %swap3A_2594 {strides = array<i32>} : memref<160xi32, #tpu.memory_space<vmem>>, vector<16xi32>,
      %get3A_2595 = arith.constant 80 : index
      %get3A_2596 = tpu.vector_load %arg4[%get3A_2595] {strides = array<i32>} : memref<160xi32, #tpu.memory_space<vmem>>, vector<16xi32>,
      %get3A_2597 = vector.shape_cast %get3A_2596 : vector<16xi32> to vector<16xi32>
      %get3A_2598 = arith.constant 80 : index
      %get3A_2599 = tpu.vector_load %arg5[%get3A_2598] {strides = array<i32>} : memref<160xi32, #tpu.memory_space<vmem>>, vector<16xi32>,
      %get3A_2600 = vector.shape_cast %get3A_2599 : vector<16xi32> to vector<16xi32>
      %mul3A_2601 = arith.constant 16 : i32
      %mul3A_2602 = vector.broadcast %mul3A_2601 : i32 to vector<16xi32>
      %mul3A_2603 = arith.muli %get3A_2600, %mul3A_2602 : vector<16xi32>
      %add3A_2604 = arith.addi %mul3A_2603, %get3A_2597 : vector<16xi32>
      %swap3A_2605 = arith.constant 80 : index
      %swap3A_2606 = tpu.vector_load %arg6[%swap3A_2605] {strides = array<i32>} : memref<160xi32, #tpu.memory_space<vmem>>, vector<16xi32>,
      %swap3A_2607 = vector.shape_cast %swap3A_2606 : vector<16xi32> to vector<16xi32>
      %swap3A_2608 = vector.shape_cast %add3A_2604 : vector<16xi32> to vector<16xi32>
      tpu.vector_store %arg6[%swap3A_2605], %swap3A_2608 {strides = array<i32>} : memref<160xi32, #tpu.memory_space<vmem>>, vector<16xi32>,
      %get3A_2609 = arith.constant 96 : index
      %get3A_2610 = tpu.vector_load %arg4[%get3A_2609] {strides = array<i32>} : memref<160xi32, #tpu.memory_space<vmem>>, vector<16xi32>,
      %get3A_2611 = vector.shape_cast %get3A_2610 : vector<16xi32> to vector<16xi32>
      %get3A_2612 = arith.constant 96 : index
      %get3A_2613 = tpu.vector_load %arg5[%get3A_2612] {strides = array<i32>} : memref<160xi32, #tpu.memory_space<vmem>>, vector<16xi32>,
      %get3A_2614 = vector.shape_cast %get3A_2613 : vector<16xi32> to vector<16xi32>
      %mul3A_2615 = arith.constant 16 : i32
      %mul3A_2616 = vector.broadcast %mul3A_2615 : i32 to vector<16xi32>
      %mul3A_2617 = arith.muli %get3A_2614, %mul3A_2616 : vector<16xi32>
      %add3A_2618 = arith.addi %mul3A_2617, %get3A_2611 : vector<16xi32>
      %swap3A_2619 = arith.constant 96 : index
      %swap3A_2620 = tpu.vector_load %arg6[%swap3A_2619] {strides = array<i32>} : memref<160xi32, #tpu.memory_space<vmem>>, vector<16xi32>,
      %swap3A_2621 = vector.shape_cast %swap3A_2620 : vector<16xi32> to vector<16xi32>
      %swap3A_2622 = vector.shape_cast %add3A_2618 : vector<16xi32> to vector<16xi32>
      tpu.vector_store %arg6[%swap3A_2619], %swap3A_2622 {strides = array<i32>} : memref<160xi32, #tpu.memory_space<vmem>>, vector<16xi32>,
      %get3A_2623 = arith.constant 112 : index
      %get3A_2624 = tpu.vector_load %arg4[%get3A_2623] {strides = array<i32>} : memref<160xi32, #tpu.memory_space<vmem>>, vector<16xi32>,
      %get3A_2625 = vector.shape_cast %get3A_2624 : vector<16xi32> to vector<16xi32>
      %get3A_2626 = arith.constant 112 : index
      %get3A_2627 = tpu.vector_load %arg5[%get3A_2626] {strides = array<i32>} : memref<160xi32, #tpu.memory_space<vmem>>, vector<16xi32>,
      %get3A_2628 = vector.shape_cast %get3A_2627 : vector<16xi32> to vector<16xi32>
      %mul3A_2629 = arith.constant 16 : i32
      %mul3A_2630 = vector.broadcast %mul3A_2629 : i32 to vector<16xi32>
      %mul3A_2631 = arith.muli %get3A_2628, %mul3A_2630 : vector<16xi32>
      %add3A_2632 = arith.addi %mul3A_2631, %get3A_2625 : vector<16xi32>
      %swap3A_2633 = arith.constant 112 : index
      %swap3A_2634 = tpu.vector_load %arg6[%swap3A_2633] {strides = array<i32>} : memref<160xi32, #tpu.memory_space<vmem>>, vector<16xi32>,
      %swap3A_2635 = vector.shape_cast %swap3A_2634 : vector<16xi32> to vector<16xi32>
      %swap3A_2636 = vector.shape_cast %add3A_2632 : vector<16xi32> to vector<16xi32>
      tpu.vector_store %arg6[%swap3A_2633], %swap3A_2636 {strides = array<i32>} : memref<160xi32, #tpu.memory_space<vmem>>, vector<16xi32>,
      %get3A_2637 = arith.constant 128 : index
      %get3A_2638 = tpu.vector_load %arg4[%get3A_2637] {strides = array<i32>} : memref<160xi32, #tpu.memory_space<vmem>>, vector<16xi32>,
      %get3A_2639 = vector.shape_cast %get3A_2638 : vector<16xi32> to vector<16xi32>
      %get3A_2640 = arith.constant 128 : index
      %get3A_2641 = tpu.vector_load %arg5[%get3A_2640] {strides = array<i32>} : memref<160xi32, #tpu.memory_space<vmem>>, vector<16xi32>,
      %get3A_2642 = vector.shape_cast %get3A_2641 : vector<16xi32> to vector<16xi32>
      %mul3A_2643 = arith.constant 16 : i32
      %mul3A_2644 = vector.broadcast %mul3A_2643 : i32 to vector<16xi32>
      %mul3A_2645 = arith.muli %get3A_2642, %mul3A_2644 : vector<16xi32>
      %add3A_2646 = arith.addi %mul3A_2645, %get3A_2639 : vector<16xi32>
      %swap3A_2647 = arith.constant 128 : index
      %swap3A_2648 = tpu.vector_load %arg6[%swap3A_2647] {strides = array<i32>} : memref<160xi32, #tpu.memory_space<vmem>>, vector<16xi32>,
      %swap3A_2649 = vector.shape_cast %swap3A_2648 : vector<16xi32> to vector<16xi32>
      %swap3A_2650 = vector.shape_cast %add3A_2646 : vector<16xi32> to vector<16xi32>
      tpu.vector_store %arg6[%swap3A_2647], %swap3A_2650 {strides = array<i32>} : memref<160xi32, #tpu.memory_space<vmem>>, vector<16xi32>,
      %get3A_2651 = arith.constant 144 : index
      %get3A_2652 = tpu.vector_load %arg4[%get3A_2651] {strides = array<i32>} : memref<160xi32, #tpu.memory_space<vmem>>, vector<16xi32>,
      %get3A_2653 = vector.shape_cast %get3A_2652 : vector<16xi32> to vector<16xi32>
      %get3A_2654 = arith.constant 144 : index
      %get3A_2655 = tpu.vector_load %arg5[%get3A_2654] {strides = array<i32>} : memref<160xi32, #tpu.memory_space<vmem>>, vector<16xi32>,
      %get3A_2656 = vector.shape_cast %get3A_2655 : vector<16xi32> to vector<16xi32>
      %mul3A_2657 = arith.constant 16 : i32
      %mul3A_2658 = vector.broadcast %mul3A_2657 : i32 to vector<16xi32>
      %mul3A_2659 = arith.muli %get3A_2656, %mul3A_2658 : vector<16xi32>
      %add3A_2660 = arith.addi %mul3A_2659, %get3A_2653 : vector<16xi32>
      %swap3A_2661 = arith.constant 144 : index
      %swap3A_2662 = tpu.vector_load %arg6[%swap3A_2661] {strides = array<i32>} : memref<160xi32, #tpu.memory_space<vmem>>, vector<16xi32>,
      %swap3A_2663 = vector.shape_cast %swap3A_2662 : vector<16xi32> to vector<16xi32>
      %swap3A_2664 = vector.shape_cast %add3A_2660 : vector<16xi32> to vector<16xi32>
      tpu.vector_store %arg6[%swap3A_2661], %swap3A_2664 {strides = array<i32>} : memref<160xi32, #tpu.memory_space<vmem>>, vector<16xi32>,
      tpu.wait_dma2 semaphore(%arg13 : memref<!tpu.dma_semaphore, #tpu.memory_space<semaphore_mem>>) src(%arg8 : memref<256x16xf32, #tpu.memory_space<vmem>>) dst(%arg10 : memref<256x16xf32, #tpu.memory_space<vmem_shared>>)
      "tpu.region"() ({
        %run_scoped3A = tpu.sem_alloc : memref<!tpu.dma_semaphore, #tpu.memory_space<semaphore_mem>>
        %dma_start3A_3943 = arith.constant 0 : i32
        %dma_start3A_3944 = arith.constant 0 : i32
        %dma_start3A_3945 = tpu.memref_slice %arg10[%dma_start3A_3943, %dma_start3A_3944] : memref<256x16xf32, #tpu.memory_space<vmem_shared>> -> memref<256x16xf32, #tpu.memory_space<vmem_shared>>
        tpu.enqueue_indirect_dma source(%arg7 : memref<160x16xf32, #tpu.memory_space<vmem>>) target(%dma_start3A_3945 : memref<256x16xf32, #tpu.memory_space<vmem_shared>>) offsets(%arg6 : memref<160xi32, #tpu.memory_space<vmem>>) semaphore(%run_scoped3A : memref<!tpu.dma_semaphore, #tpu.memory_space<semaphore_mem>>) {add = true}
        %dma_wait3A_3946 = arith.constant 0 : i32
        %dma_wait3A_3947 = arith.constant 0 : i32
        %dma_wait3A_3948 = tpu.memref_slice %arg10[%dma_wait3A_3946, %dma_wait3A_3947] : memref<256x16xf32, #tpu.memory_space<vmem_shared>> -> memref<256x16xf32, #tpu.memory_space<vmem_shared>>
        tpu.wait_indirect_dma semaphore(%run_scoped3A : memref<!tpu.dma_semaphore, #tpu.memory_space<semaphore_mem>>) src(%arg7 : memref<160x16xf32, #tpu.memory_space<vmem>>) dst(%dma_wait3A_3948 : memref<256x16xf32, #tpu.memory_space<vmem_shared>>)
        tpu.yield
      }) : () -> ()
      "tpu.region"() ({
        %run_scoped3A = tpu.sem_alloc : memref<!tpu.dma_semaphore, #tpu.memory_space<semaphore_mem>>
        tpu.enqueue_dma source(%arg10 : memref<256x16xf32, #tpu.memory_space<vmem_shared>>) target(%arg8 : memref<256x16xf32, #tpu.memory_space<vmem>>) target_semaphore(%run_scoped3A : memref<!tpu.dma_semaphore, #tpu.memory_space<semaphore_mem>>)
        tpu.wait_dma2 semaphore(%run_scoped3A : memref<!tpu.dma_semaphore, #tpu.memory_space<semaphore_mem>>) src(%arg10 : memref<256x16xf32, #tpu.memory_space<vmem_shared>>) dst(%arg8 : memref<256x16xf32, #tpu.memory_space<vmem>>)
        tpu.yield
      }) : () -> ()
      %iota3A = tpu.iota {dimensions = array<i32: 0>} : vector<16xi32>
      %broadcast_in_dim3A_2665 = arith.constant 0.000000e+00 : f32
      %broadcast_in_dim3A_2666 = vector.broadcast %broadcast_in_dim3A_2665 : f32 to vector<16xf32>
      %eq3A_2667 = arith.constant 0 : i32
      %eq3A_2668 = vector.broadcast %eq3A_2667 : i32 to vector<16xi32>
      %eq3A_2669 = arith.cmpi eq, %iota3A, %eq3A_2668 : vector<16xi32>
      %get3A_2670 = arith.constant 0 : i32
      %get3A_2671 = arith.index_cast %get3A_2670 : i32 to index
      %get3A_2672 = arith.constant 0 : index
      %get3A_2673 = tpu.vector_load %arg8[%get3A_2671, %get3A_2672] {strides = array<i32>} : memref<256x16xf32, #tpu.memory_space<vmem>>, vector<1x16xf32>,
      %get3A_2674 = vector.shape_cast %get3A_2673 : vector<1x16xf32> to vector<16xf32>
      %jit3A = arith.constant 0.000000e+00 : f32
      %broadcast_in_dim3A_2675 = vector.broadcast %jit3A : f32 to vector<16xf32>
      %select_n3A = arith.select %eq3A_2669, %get3A_2674, %broadcast_in_dim3A_2675 : vector<16xi1>, vector<16xf32>
      %add3A_2676 = arith.addf %broadcast_in_dim3A_2666, %select_n3A : vector<16xf32>
      %eq3A_2677 = arith.constant 1 : i32
      %eq3A_2678 = vector.broadcast %eq3A_2677 : i32 to vector<16xi32>
      %eq3A_2679 = arith.cmpi eq, %iota3A, %eq3A_2678 : vector<16xi32>
      %get3A_2680 = arith.constant 1 : i32
      %get3A_2681 = arith.index_cast %get3A_2680 : i32 to index
      %get3A_2682 = arith.constant 0 : index
      %get3A_2683 = tpu.vector_load %arg8[%get3A_2681, %get3A_2682] {strides = array<i32>} : memref<256x16xf32, #tpu.memory_space<vmem>>, vector<1x16xf32>,
      %get3A_2684 = vector.shape_cast %get3A_2683 : vector<1x16xf32> to vector<16xf32>
      %jit3A_2685 = arith.constant 0.000000e+00 : f32
      %broadcast_in_dim3A_2686 = vector.broadcast %jit3A_2685 : f32 to vector<16xf32>
      %select_n3A_2687 = arith.select %eq3A_2679, %get3A_2684, %broadcast_in_dim3A_2686 : vector<16xi1>, vector<16xf32>
      %add3A_2688 = arith.addf %add3A_2676, %select_n3A_2687 : vector<16xf32>
      %eq3A_2689 = arith.constant 2 : i32
      %eq3A_2690 = vector.broadcast %eq3A_2689 : i32 to vector<16xi32>
      %eq3A_2691 = arith.cmpi eq, %iota3A, %eq3A_2690 : vector<16xi32>
      %get3A_2692 = arith.constant 2 : i32
      %get3A_2693 = arith.index_cast %get3A_2692 : i32 to index
      %get3A_2694 = arith.constant 0 : index
      %get3A_2695 = tpu.vector_load %arg8[%get3A_2693, %get3A_2694] {strides = array<i32>} : memref<256x16xf32, #tpu.memory_space<vmem>>, vector<1x16xf32>,
      %get3A_2696 = vector.shape_cast %get3A_2695 : vector<1x16xf32> to vector<16xf32>
      %jit3A_2697 = arith.constant 0.000000e+00 : f32
      %broadcast_in_dim3A_2698 = vector.broadcast %jit3A_2697 : f32 to vector<16xf32>
      %select_n3A_2699 = arith.select %eq3A_2691, %get3A_2696, %broadcast_in_dim3A_2698 : vector<16xi1>, vector<16xf32>
      %add3A_2700 = arith.addf %add3A_2688, %select_n3A_2699 : vector<16xf32>
      %eq3A_2701 = arith.constant 3 : i32
      %eq3A_2702 = vector.broadcast %eq3A_2701 : i32 to vector<16xi32>
      %eq3A_2703 = arith.cmpi eq, %iota3A, %eq3A_2702 : vector<16xi32>
      %get3A_2704 = arith.constant 3 : i32
      %get3A_2705 = arith.index_cast %get3A_2704 : i32 to index
      %get3A_2706 = arith.constant 0 : index
      %get3A_2707 = tpu.vector_load %arg8[%get3A_2705, %get3A_2706] {strides = array<i32>} : memref<256x16xf32, #tpu.memory_space<vmem>>, vector<1x16xf32>,
      %get3A_2708 = vector.shape_cast %get3A_2707 : vector<1x16xf32> to vector<16xf32>
      %jit3A_2709 = arith.constant 0.000000e+00 : f32
      %broadcast_in_dim3A_2710 = vector.broadcast %jit3A_2709 : f32 to vector<16xf32>
      %select_n3A_2711 = arith.select %eq3A_2703, %get3A_2708, %broadcast_in_dim3A_2710 : vector<16xi1>, vector<16xf32>
      %add3A_2712 = arith.addf %add3A_2700, %select_n3A_2711 : vector<16xf32>
      %eq3A_2713 = arith.constant 4 : i32
      %eq3A_2714 = vector.broadcast %eq3A_2713 : i32 to vector<16xi32>
      %eq3A_2715 = arith.cmpi eq, %iota3A, %eq3A_2714 : vector<16xi32>
      %get3A_2716 = arith.constant 4 : i32
      %get3A_2717 = arith.index_cast %get3A_2716 : i32 to index
      %get3A_2718 = arith.constant 0 : index
      %get3A_2719 = tpu.vector_load %arg8[%get3A_2717, %get3A_2718] {strides = array<i32>} : memref<256x16xf32, #tpu.memory_space<vmem>>, vector<1x16xf32>,
      %get3A_2720 = vector.shape_cast %get3A_2719 : vector<1x16xf32> to vector<16xf32>
      %jit3A_2721 = arith.constant 0.000000e+00 : f32
      %broadcast_in_dim3A_2722 = vector.broadcast %jit3A_2721 : f32 to vector<16xf32>
      %select_n3A_2723 = arith.select %eq3A_2715, %get3A_2720, %broadcast_in_dim3A_2722 : vector<16xi1>, vector<16xf32>
      %add3A_2724 = arith.addf %add3A_2712, %select_n3A_2723 : vector<16xf32>
      %eq3A_2725 = arith.constant 5 : i32
      %eq3A_2726 = vector.broadcast %eq3A_2725 : i32 to vector<16xi32>
      %eq3A_2727 = arith.cmpi eq, %iota3A, %eq3A_2726 : vector<16xi32>
      %get3A_2728 = arith.constant 5 : i32
      %get3A_2729 = arith.index_cast %get3A_2728 : i32 to index
      %get3A_2730 = arith.constant 0 : index
      %get3A_2731 = tpu.vector_load %arg8[%get3A_2729, %get3A_2730] {strides = array<i32>} : memref<256x16xf32, #tpu.memory_space<vmem>>, vector<1x16xf32>,
      %get3A_2732 = vector.shape_cast %get3A_2731 : vector<1x16xf32> to vector<16xf32>
      %jit3A_2733 = arith.constant 0.000000e+00 : f32
      %broadcast_in_dim3A_2734 = vector.broadcast %jit3A_2733 : f32 to vector<16xf32>
      %select_n3A_2735 = arith.select %eq3A_2727, %get3A_2732, %broadcast_in_dim3A_2734 : vector<16xi1>, vector<16xf32>
      %add3A_2736 = arith.addf %add3A_2724, %select_n3A_2735 : vector<16xf32>
      %eq3A_2737 = arith.constant 6 : i32
      %eq3A_2738 = vector.broadcast %eq3A_2737 : i32 to vector<16xi32>
      %eq3A_2739 = arith.cmpi eq, %iota3A, %eq3A_2738 : vector<16xi32>
      %get3A_2740 = arith.constant 6 : i32
      %get3A_2741 = arith.index_cast %get3A_2740 : i32 to index
      %get3A_2742 = arith.constant 0 : index
      %get3A_2743 = tpu.vector_load %arg8[%get3A_2741, %get3A_2742] {strides = array<i32>} : memref<256x16xf32, #tpu.memory_space<vmem>>, vector<1x16xf32>,
      %get3A_2744 = vector.shape_cast %get3A_2743 : vector<1x16xf32> to vector<16xf32>
      %jit3A_2745 = arith.constant 0.000000e+00 : f32
      %broadcast_in_dim3A_2746 = vector.broadcast %jit3A_2745 : f32 to vector<16xf32>
      %select_n3A_2747 = arith.select %eq3A_2739, %get3A_2744, %broadcast_in_dim3A_2746 : vector<16xi1>, vector<16xf32>
      %add3A_2748 = arith.addf %add3A_2736, %select_n3A_2747 : vector<16xf32>
      %eq3A_2749 = arith.constant 7 : i32
      %eq3A_2750 = vector.broadcast %eq3A_2749 : i32 to vector<16xi32>
      %eq3A_2751 = arith.cmpi eq, %iota3A, %eq3A_2750 : vector<16xi32>
      %get3A_2752 = arith.constant 7 : i32
      %get3A_2753 = arith.index_cast %get3A_2752 : i32 to index
      %get3A_2754 = arith.constant 0 : index
      %get3A_2755 = tpu.vector_load %arg8[%get3A_2753, %get3A_2754] {strides = array<i32>} : memref<256x16xf32, #tpu.memory_space<vmem>>, vector<1x16xf32>,
      %get3A_2756 = vector.shape_cast %get3A_2755 : vector<1x16xf32> to vector<16xf32>
      %jit3A_2757 = arith.constant 0.000000e+00 : f32
      %broadcast_in_dim3A_2758 = vector.broadcast %jit3A_2757 : f32 to vector<16xf32>
      %select_n3A_2759 = arith.select %eq3A_2751, %get3A_2756, %broadcast_in_dim3A_2758 : vector<16xi1>, vector<16xf32>
      %add3A_2760 = arith.addf %add3A_2748, %select_n3A_2759 : vector<16xf32>
      %eq3A_2761 = arith.constant 8 : i32
      %eq3A_2762 = vector.broadcast %eq3A_2761 : i32 to vector<16xi32>
      %eq3A_2763 = arith.cmpi eq, %iota3A, %eq3A_2762 : vector<16xi32>
      %get3A_2764 = arith.constant 8 : i32
      %get3A_2765 = arith.index_cast %get3A_2764 : i32 to index
      %get3A_2766 = arith.constant 0 : index
      %get3A_2767 = tpu.vector_load %arg8[%get3A_2765, %get3A_2766] {strides = array<i32>} : memref<256x16xf32, #tpu.memory_space<vmem>>, vector<1x16xf32>,
      %get3A_2768 = vector.shape_cast %get3A_2767 : vector<1x16xf32> to vector<16xf32>
      %jit3A_2769 = arith.constant 0.000000e+00 : f32
      %broadcast_in_dim3A_2770 = vector.broadcast %jit3A_2769 : f32 to vector<16xf32>
      %select_n3A_2771 = arith.select %eq3A_2763, %get3A_2768, %broadcast_in_dim3A_2770 : vector<16xi1>, vector<16xf32>
      %add3A_2772 = arith.addf %add3A_2760, %select_n3A_2771 : vector<16xf32>
      %eq3A_2773 = arith.constant 9 : i32
      %eq3A_2774 = vector.broadcast %eq3A_2773 : i32 to vector<16xi32>
      %eq3A_2775 = arith.cmpi eq, %iota3A, %eq3A_2774 : vector<16xi32>
      %get3A_2776 = arith.constant 9 : i32
      %get3A_2777 = arith.index_cast %get3A_2776 : i32 to index
      %get3A_2778 = arith.constant 0 : index
      %get3A_2779 = tpu.vector_load %arg8[%get3A_2777, %get3A_2778] {strides = array<i32>} : memref<256x16xf32, #tpu.memory_space<vmem>>, vector<1x16xf32>,
      %get3A_2780 = vector.shape_cast %get3A_2779 : vector<1x16xf32> to vector<16xf32>
      %jit3A_2781 = arith.constant 0.000000e+00 : f32
      %broadcast_in_dim3A_2782 = vector.broadcast %jit3A_2781 : f32 to vector<16xf32>
      %select_n3A_2783 = arith.select %eq3A_2775, %get3A_2780, %broadcast_in_dim3A_2782 : vector<16xi1>, vector<16xf32>
      %add3A_2784 = arith.addf %add3A_2772, %select_n3A_2783 : vector<16xf32>
      %swap3A_2785 = arith.constant 0 : i32
      %swap3A_2786 = arith.index_cast %swap3A_2785 : i32 to index
      %swap3A_2787 = arith.constant 0 : index
      %swap3A_2788 = tpu.vector_load %arg9[%swap3A_2786, %swap3A_2787] {strides = array<i32>} : memref<16x16xf32, #tpu.memory_space<vmem>>, vector<1x16xf32>,
      %swap3A_2789 = vector.shape_cast %swap3A_2788 : vector<1x16xf32> to vector<16xf32>
      %swap3A_2790 = vector.shape_cast %add3A_2784 : vector<16xf32> to vector<1x16xf32>
      tpu.vector_store %arg9[%swap3A_2786, %swap3A_2787], %swap3A_2790 {strides = array<i32>} : memref<16x16xf32, #tpu.memory_space<vmem>>, vector<1x16xf32>,
      %broadcast_in_dim3A_2791 = arith.constant 0.000000e+00 : f32
      %broadcast_in_dim3A_2792 = vector.broadcast %broadcast_in_dim3A_2791 : f32 to vector<16xf32>
      %eq3A_2793 = arith.constant 0 : i32
      %eq3A_2794 = vector.broadcast %eq3A_2793 : i32 to vector<16xi32>
      %eq3A_2795 = arith.cmpi eq, %iota3A, %eq3A_2794 : vector<16xi32>
      %get3A_2796 = arith.constant 16 : i32
      %get3A_2797 = arith.index_cast %get3A_2796 : i32 to index
      %get3A_2798 = arith.constant 0 : index
      %get3A_2799 = tpu.vector_load %arg8[%get3A_2797, %get3A_2798] {strides = array<i32>} : memref<256x16xf32, #tpu.memory_space<vmem>>, vector<1x16xf32>,
      %get3A_2800 = vector.shape_cast %get3A_2799 : vector<1x16xf32> to vector<16xf32>
      %jit3A_2801 = arith.constant 0.000000e+00 : f32
      %broadcast_in_dim3A_2802 = vector.broadcast %jit3A_2801 : f32 to vector<16xf32>
      %select_n3A_2803 = arith.select %eq3A_2795, %get3A_2800, %broadcast_in_dim3A_2802 : vector<16xi1>, vector<16xf32>
      %add3A_2804 = arith.addf %broadcast_in_dim3A_2792, %select_n3A_2803 : vector<16xf32>
      %eq3A_2805 = arith.constant 1 : i32
      %eq3A_2806 = vector.broadcast %eq3A_2805 : i32 to vector<16xi32>
      %eq3A_2807 = arith.cmpi eq, %iota3A, %eq3A_2806 : vector<16xi32>
      %get3A_2808 = arith.constant 17 : i32
      %get3A_2809 = arith.index_cast %get3A_2808 : i32 to index
      %get3A_2810 = arith.constant 0 : index
      %get3A_2811 = tpu.vector_load %arg8[%get3A_2809, %get3A_2810] {strides = array<i32>} : memref<256x16xf32, #tpu.memory_space<vmem>>, vector<1x16xf32>,
      %get3A_2812 = vector.shape_cast %get3A_2811 : vector<1x16xf32> to vector<16xf32>
      %jit3A_2813 = arith.constant 0.000000e+00 : f32
      %broadcast_in_dim3A_2814 = vector.broadcast %jit3A_2813 : f32 to vector<16xf32>
      %select_n3A_2815 = arith.select %eq3A_2807, %get3A_2812, %broadcast_in_dim3A_2814 : vector<16xi1>, vector<16xf32>
      %add3A_2816 = arith.addf %add3A_2804, %select_n3A_2815 : vector<16xf32>
      %eq3A_2817 = arith.constant 2 : i32
      %eq3A_2818 = vector.broadcast %eq3A_2817 : i32 to vector<16xi32>
      %eq3A_2819 = arith.cmpi eq, %iota3A, %eq3A_2818 : vector<16xi32>
      %get3A_2820 = arith.constant 18 : i32
      %get3A_2821 = arith.index_cast %get3A_2820 : i32 to index
      %get3A_2822 = arith.constant 0 : index
      %get3A_2823 = tpu.vector_load %arg8[%get3A_2821, %get3A_2822] {strides = array<i32>} : memref<256x16xf32, #tpu.memory_space<vmem>>, vector<1x16xf32>,
      %get3A_2824 = vector.shape_cast %get3A_2823 : vector<1x16xf32> to vector<16xf32>
      %jit3A_2825 = arith.constant 0.000000e+00 : f32
      %broadcast_in_dim3A_2826 = vector.broadcast %jit3A_2825 : f32 to vector<16xf32>
      %select_n3A_2827 = arith.select %eq3A_2819, %get3A_2824, %broadcast_in_dim3A_2826 : vector<16xi1>, vector<16xf32>
      %add3A_2828 = arith.addf %add3A_2816, %select_n3A_2827 : vector<16xf32>
      %eq3A_2829 = arith.constant 3 : i32
      %eq3A_2830 = vector.broadcast %eq3A_2829 : i32 to vector<16xi32>
      %eq3A_2831 = arith.cmpi eq, %iota3A, %eq3A_2830 : vector<16xi32>
      %get3A_2832 = arith.constant 19 : i32
      %get3A_2833 = arith.index_cast %get3A_2832 : i32 to index
      %get3A_2834 = arith.constant 0 : index
      %get3A_2835 = tpu.vector_load %arg8[%get3A_2833, %get3A_2834] {strides = array<i32>} : memref<256x16xf32, #tpu.memory_space<vmem>>, vector<1x16xf32>,
      %get3A_2836 = vector.shape_cast %get3A_2835 : vector<1x16xf32> to vector<16xf32>
      %jit3A_2837 = arith.constant 0.000000e+00 : f32
      %broadcast_in_dim3A_2838 = vector.broadcast %jit3A_2837 : f32 to vector<16xf32>
      %select_n3A_2839 = arith.select %eq3A_2831, %get3A_2836, %broadcast_in_dim3A_2838 : vector<16xi1>, vector<16xf32>
      %add3A_2840 = arith.addf %add3A_2828, %select_n3A_2839 : vector<16xf32>
      %eq3A_2841 = arith.constant 4 : i32
      %eq3A_2842 = vector.broadcast %eq3A_2841 : i32 to vector<16xi32>
      %eq3A_2843 = arith.cmpi eq, %iota3A, %eq3A_2842 : vector<16xi32>
      %get3A_2844 = arith.constant 20 : i32
      %get3A_2845 = arith.index_cast %get3A_2844 : i32 to index
      %get3A_2846 = arith.constant 0 : index
      %get3A_2847 = tpu.vector_load %arg8[%get3A_2845, %get3A_2846] {strides = array<i32>} : memref<256x16xf32, #tpu.memory_space<vmem>>, vector<1x16xf32>,
      %get3A_2848 = vector.shape_cast %get3A_2847 : vector<1x16xf32> to vector<16xf32>
      %jit3A_2849 = arith.constant 0.000000e+00 : f32
      %broadcast_in_dim3A_2850 = vector.broadcast %jit3A_2849 : f32 to vector<16xf32>
      %select_n3A_2851 = arith.select %eq3A_2843, %get3A_2848, %broadcast_in_dim3A_2850 : vector<16xi1>, vector<16xf32>
      %add3A_2852 = arith.addf %add3A_2840, %select_n3A_2851 : vector<16xf32>
      %eq3A_2853 = arith.constant 5 : i32
      %eq3A_2854 = vector.broadcast %eq3A_2853 : i32 to vector<16xi32>
      %eq3A_2855 = arith.cmpi eq, %iota3A, %eq3A_2854 : vector<16xi32>
      %get3A_2856 = arith.constant 21 : i32
      %get3A_2857 = arith.index_cast %get3A_2856 : i32 to index
      %get3A_2858 = arith.constant 0 : index
      %get3A_2859 = tpu.vector_load %arg8[%get3A_2857, %get3A_2858] {strides = array<i32>} : memref<256x16xf32, #tpu.memory_space<vmem>>, vector<1x16xf32>,
      %get3A_2860 = vector.shape_cast %get3A_2859 : vector<1x16xf32> to vector<16xf32>
      %jit3A_2861 = arith.constant 0.000000e+00 : f32
      %broadcast_in_dim3A_2862 = vector.broadcast %jit3A_2861 : f32 to vector<16xf32>
      %select_n3A_2863 = arith.select %eq3A_2855, %get3A_2860, %broadcast_in_dim3A_2862 : vector<16xi1>, vector<16xf32>
      %add3A_2864 = arith.addf %add3A_2852, %select_n3A_2863 : vector<16xf32>
      %eq3A_2865 = arith.constant 6 : i32
      %eq3A_2866 = vector.broadcast %eq3A_2865 : i32 to vector<16xi32>
      %eq3A_2867 = arith.cmpi eq, %iota3A, %eq3A_2866 : vector<16xi32>
      %get3A_2868 = arith.constant 22 : i32
      %get3A_2869 = arith.index_cast %get3A_2868 : i32 to index
      %get3A_2870 = arith.constant 0 : index
      %get3A_2871 = tpu.vector_load %arg8[%get3A_2869, %get3A_2870] {strides = array<i32>} : memref<256x16xf32, #tpu.memory_space<vmem>>, vector<1x16xf32>,
      %get3A_2872 = vector.shape_cast %get3A_2871 : vector<1x16xf32> to vector<16xf32>
      %jit3A_2873 = arith.constant 0.000000e+00 : f32
      %broadcast_in_dim3A_2874 = vector.broadcast %jit3A_2873 : f32 to vector<16xf32>
      %select_n3A_2875 = arith.select %eq3A_2867, %get3A_2872, %broadcast_in_dim3A_2874 : vector<16xi1>, vector<16xf32>
      %add3A_2876 = arith.addf %add3A_2864, %select_n3A_2875 : vector<16xf32>
      %eq3A_2877 = arith.constant 7 : i32
      %eq3A_2878 = vector.broadcast %eq3A_2877 : i32 to vector<16xi32>
      %eq3A_2879 = arith.cmpi eq, %iota3A, %eq3A_2878 : vector<16xi32>
      %get3A_2880 = arith.constant 23 : i32
      %get3A_2881 = arith.index_cast %get3A_2880 : i32 to index
      %get3A_2882 = arith.constant 0 : index
      %get3A_2883 = tpu.vector_load %arg8[%get3A_2881, %get3A_2882] {strides = array<i32>} : memref<256x16xf32, #tpu.memory_space<vmem>>, vector<1x16xf32>,
      %get3A_2884 = vector.shape_cast %get3A_2883 : vector<1x16xf32> to vector<16xf32>
      %jit3A_2885 = arith.constant 0.000000e+00 : f32
      %broadcast_in_dim3A_2886 = vector.broadcast %jit3A_2885 : f32 to vector<16xf32>
      %select_n3A_2887 = arith.select %eq3A_2879, %get3A_2884, %broadcast_in_dim3A_2886 : vector<16xi1>, vector<16xf32>
      %add3A_2888 = arith.addf %add3A_2876, %select_n3A_2887 : vector<16xf32>
      %eq3A_2889 = arith.constant 8 : i32
      %eq3A_2890 = vector.broadcast %eq3A_2889 : i32 to vector<16xi32>
      %eq3A_2891 = arith.cmpi eq, %iota3A, %eq3A_2890 : vector<16xi32>
      %get3A_2892 = arith.constant 24 : i32
      %get3A_2893 = arith.index_cast %get3A_2892 : i32 to index
      %get3A_2894 = arith.constant 0 : index
      %get3A_2895 = tpu.vector_load %arg8[%get3A_2893, %get3A_2894] {strides = array<i32>} : memref<256x16xf32, #tpu.memory_space<vmem>>, vector<1x16xf32>,
      %get3A_2896 = vector.shape_cast %get3A_2895 : vector<1x16xf32> to vector<16xf32>
      %jit3A_2897 = arith.constant 0.000000e+00 : f32
      %broadcast_in_dim3A_2898 = vector.broadcast %jit3A_2897 : f32 to vector<16xf32>
      %select_n3A_2899 = arith.select %eq3A_2891, %get3A_2896, %broadcast_in_dim3A_2898 : vector<16xi1>, vector<16xf32>
      %add3A_2900 = arith.addf %add3A_2888, %select_n3A_2899 : vector<16xf32>
      %eq3A_2901 = arith.constant 9 : i32
      %eq3A_2902 = vector.broadcast %eq3A_2901 : i32 to vector<16xi32>
      %eq3A_2903 = arith.cmpi eq, %iota3A, %eq3A_2902 : vector<16xi32>
      %get3A_2904 = arith.constant 25 : i32
      %get3A_2905 = arith.index_cast %get3A_2904 : i32 to index
      %get3A_2906 = arith.constant 0 : index
      %get3A_2907 = tpu.vector_load %arg8[%get3A_2905, %get3A_2906] {strides = array<i32>} : memref<256x16xf32, #tpu.memory_space<vmem>>, vector<1x16xf32>,
      %get3A_2908 = vector.shape_cast %get3A_2907 : vector<1x16xf32> to vector<16xf32>
      %jit3A_2909 = arith.constant 0.000000e+00 : f32
      %broadcast_in_dim3A_2910 = vector.broadcast %jit3A_2909 : f32 to vector<16xf32>
      %select_n3A_2911 = arith.select %eq3A_2903, %get3A_2908, %broadcast_in_dim3A_2910 : vector<16xi1>, vector<16xf32>
      %add3A_2912 = arith.addf %add3A_2900, %select_n3A_2911 : vector<16xf32>
      %swap3A_2913 = arith.constant 1 : i32
      %swap3A_2914 = arith.index_cast %swap3A_2913 : i32 to index
      %swap3A_2915 = arith.constant 0 : index
      %swap3A_2916 = tpu.vector_load %arg9[%swap3A_2914, %swap3A_2915] {strides = array<i32>} : memref<16x16xf32, #tpu.memory_space<vmem>>, vector<1x16xf32>,
      %swap3A_2917 = vector.shape_cast %swap3A_2916 : vector<1x16xf32> to vector<16xf32>
      %swap3A_2918 = vector.shape_cast %add3A_2912 : vector<16xf32> to vector<1x16xf32>
      tpu.vector_store %arg9[%swap3A_2914, %swap3A_2915], %swap3A_2918 {strides = array<i32>} : memref<16x16xf32, #tpu.memory_space<vmem>>, vector<1x16xf32>,
      %broadcast_in_dim3A_2919 = arith.constant 0.000000e+00 : f32
      %broadcast_in_dim3A_2920 = vector.broadcast %broadcast_in_dim3A_2919 : f32 to vector<16xf32>
      %eq3A_2921 = arith.constant 0 : i32
      %eq3A_2922 = vector.broadcast %eq3A_2921 : i32 to vector<16xi32>
      %eq3A_2923 = arith.cmpi eq, %iota3A, %eq3A_2922 : vector<16xi32>
      %get3A_2924 = arith.constant 32 : i32
      %get3A_2925 = arith.index_cast %get3A_2924 : i32 to index
      %get3A_2926 = arith.constant 0 : index
      %get3A_2927 = tpu.vector_load %arg8[%get3A_2925, %get3A_2926] {strides = array<i32>} : memref<256x16xf32, #tpu.memory_space<vmem>>, vector<1x16xf32>,
      %get3A_2928 = vector.shape_cast %get3A_2927 : vector<1x16xf32> to vector<16xf32>
      %jit3A_2929 = arith.constant 0.000000e+00 : f32
      %broadcast_in_dim3A_2930 = vector.broadcast %jit3A_2929 : f32 to vector<16xf32>
      %select_n3A_2931 = arith.select %eq3A_2923, %get3A_2928, %broadcast_in_dim3A_2930 : vector<16xi1>, vector<16xf32>
      %add3A_2932 = arith.addf %broadcast_in_dim3A_2920, %select_n3A_2931 : vector<16xf32>
      %eq3A_2933 = arith.constant 1 : i32
      %eq3A_2934 = vector.broadcast %eq3A_2933 : i32 to vector<16xi32>
      %eq3A_2935 = arith.cmpi eq, %iota3A, %eq3A_2934 : vector<16xi32>
      %get3A_2936 = arith.constant 33 : i32
      %get3A_2937 = arith.index_cast %get3A_2936 : i32 to index
      %get3A_2938 = arith.constant 0 : index
      %get3A_2939 = tpu.vector_load %arg8[%get3A_2937, %get3A_2938] {strides = array<i32>} : memref<256x16xf32, #tpu.memory_space<vmem>>, vector<1x16xf32>,
      %get3A_2940 = vector.shape_cast %get3A_2939 : vector<1x16xf32> to vector<16xf32>
      %jit3A_2941 = arith.constant 0.000000e+00 : f32
      %broadcast_in_dim3A_2942 = vector.broadcast %jit3A_2941 : f32 to vector<16xf32>
      %select_n3A_2943 = arith.select %eq3A_2935, %get3A_2940, %broadcast_in_dim3A_2942 : vector<16xi1>, vector<16xf32>
      %add3A_2944 = arith.addf %add3A_2932, %select_n3A_2943 : vector<16xf32>
      %eq3A_2945 = arith.constant 2 : i32
      %eq3A_2946 = vector.broadcast %eq3A_2945 : i32 to vector<16xi32>
      %eq3A_2947 = arith.cmpi eq, %iota3A, %eq3A_2946 : vector<16xi32>
      %get3A_2948 = arith.constant 34 : i32
      %get3A_2949 = arith.index_cast %get3A_2948 : i32 to index
      %get3A_2950 = arith.constant 0 : index
      %get3A_2951 = tpu.vector_load %arg8[%get3A_2949, %get3A_2950] {strides = array<i32>} : memref<256x16xf32, #tpu.memory_space<vmem>>, vector<1x16xf32>,
      %get3A_2952 = vector.shape_cast %get3A_2951 : vector<1x16xf32> to vector<16xf32>
      %jit3A_2953 = arith.constant 0.000000e+00 : f32
      %broadcast_in_dim3A_2954 = vector.broadcast %jit3A_2953 : f32 to vector<16xf32>
      %select_n3A_2955 = arith.select %eq3A_2947, %get3A_2952, %broadcast_in_dim3A_2954 : vector<16xi1>, vector<16xf32>
      %add3A_2956 = arith.addf %add3A_2944, %select_n3A_2955 : vector<16xf32>
      %eq3A_2957 = arith.constant 3 : i32
      %eq3A_2958 = vector.broadcast %eq3A_2957 : i32 to vector<16xi32>
      %eq3A_2959 = arith.cmpi eq, %iota3A, %eq3A_2958 : vector<16xi32>
      %get3A_2960 = arith.constant 35 : i32
      %get3A_2961 = arith.index_cast %get3A_2960 : i32 to index
      %get3A_2962 = arith.constant 0 : index
      %get3A_2963 = tpu.vector_load %arg8[%get3A_2961, %get3A_2962] {strides = array<i32>} : memref<256x16xf32, #tpu.memory_space<vmem>>, vector<1x16xf32>,
      %get3A_2964 = vector.shape_cast %get3A_2963 : vector<1x16xf32> to vector<16xf32>
      %jit3A_2965 = arith.constant 0.000000e+00 : f32
      %broadcast_in_dim3A_2966 = vector.broadcast %jit3A_2965 : f32 to vector<16xf32>
      %select_n3A_2967 = arith.select %eq3A_2959, %get3A_2964, %broadcast_in_dim3A_2966 : vector<16xi1>, vector<16xf32>
      %add3A_2968 = arith.addf %add3A_2956, %select_n3A_2967 : vector<16xf32>
      %eq3A_2969 = arith.constant 4 : i32
      %eq3A_2970 = vector.broadcast %eq3A_2969 : i32 to vector<16xi32>
      %eq3A_2971 = arith.cmpi eq, %iota3A, %eq3A_2970 : vector<16xi32>
      %get3A_2972 = arith.constant 36 : i32
      %get3A_2973 = arith.index_cast %get3A_2972 : i32 to index
      %get3A_2974 = arith.constant 0 : index
      %get3A_2975 = tpu.vector_load %arg8[%get3A_2973, %get3A_2974] {strides = array<i32>} : memref<256x16xf32, #tpu.memory_space<vmem>>, vector<1x16xf32>,
      %get3A_2976 = vector.shape_cast %get3A_2975 : vector<1x16xf32> to vector<16xf32>
      %jit3A_2977 = arith.constant 0.000000e+00 : f32
      %broadcast_in_dim3A_2978 = vector.broadcast %jit3A_2977 : f32 to vector<16xf32>
      %select_n3A_2979 = arith.select %eq3A_2971, %get3A_2976, %broadcast_in_dim3A_2978 : vector<16xi1>, vector<16xf32>
      %add3A_2980 = arith.addf %add3A_2968, %select_n3A_2979 : vector<16xf32>
      %eq3A_2981 = arith.constant 5 : i32
      %eq3A_2982 = vector.broadcast %eq3A_2981 : i32 to vector<16xi32>
      %eq3A_2983 = arith.cmpi eq, %iota3A, %eq3A_2982 : vector<16xi32>
      %get3A_2984 = arith.constant 37 : i32
      %get3A_2985 = arith.index_cast %get3A_2984 : i32 to index
      %get3A_2986 = arith.constant 0 : index
      %get3A_2987 = tpu.vector_load %arg8[%get3A_2985, %get3A_2986] {strides = array<i32>} : memref<256x16xf32, #tpu.memory_space<vmem>>, vector<1x16xf32>,
      %get3A_2988 = vector.shape_cast %get3A_2987 : vector<1x16xf32> to vector<16xf32>
      %jit3A_2989 = arith.constant 0.000000e+00 : f32
      %broadcast_in_dim3A_2990 = vector.broadcast %jit3A_2989 : f32 to vector<16xf32>
      %select_n3A_2991 = arith.select %eq3A_2983, %get3A_2988, %broadcast_in_dim3A_2990 : vector<16xi1>, vector<16xf32>
      %add3A_2992 = arith.addf %add3A_2980, %select_n3A_2991 : vector<16xf32>
      %eq3A_2993 = arith.constant 6 : i32
      %eq3A_2994 = vector.broadcast %eq3A_2993 : i32 to vector<16xi32>
      %eq3A_2995 = arith.cmpi eq, %iota3A, %eq3A_2994 : vector<16xi32>
      %get3A_2996 = arith.constant 38 : i32
      %get3A_2997 = arith.index_cast %get3A_2996 : i32 to index
      %get3A_2998 = arith.constant 0 : index
      %get3A_2999 = tpu.vector_load %arg8[%get3A_2997, %get3A_2998] {strides = array<i32>} : memref<256x16xf32, #tpu.memory_space<vmem>>, vector<1x16xf32>,
      %get3A_3000 = vector.shape_cast %get3A_2999 : vector<1x16xf32> to vector<16xf32>
      %jit3A_3001 = arith.constant 0.000000e+00 : f32
      %broadcast_in_dim3A_3002 = vector.broadcast %jit3A_3001 : f32 to vector<16xf32>
      %select_n3A_3003 = arith.select %eq3A_2995, %get3A_3000, %broadcast_in_dim3A_3002 : vector<16xi1>, vector<16xf32>
      %add3A_3004 = arith.addf %add3A_2992, %select_n3A_3003 : vector<16xf32>
      %eq3A_3005 = arith.constant 7 : i32
      %eq3A_3006 = vector.broadcast %eq3A_3005 : i32 to vector<16xi32>
      %eq3A_3007 = arith.cmpi eq, %iota3A, %eq3A_3006 : vector<16xi32>
      %get3A_3008 = arith.constant 39 : i32
      %get3A_3009 = arith.index_cast %get3A_3008 : i32 to index
      %get3A_3010 = arith.constant 0 : index
      %get3A_3011 = tpu.vector_load %arg8[%get3A_3009, %get3A_3010] {strides = array<i32>} : memref<256x16xf32, #tpu.memory_space<vmem>>, vector<1x16xf32>,
      %get3A_3012 = vector.shape_cast %get3A_3011 : vector<1x16xf32> to vector<16xf32>
      %jit3A_3013 = arith.constant 0.000000e+00 : f32
      %broadcast_in_dim3A_3014 = vector.broadcast %jit3A_3013 : f32 to vector<16xf32>
      %select_n3A_3015 = arith.select %eq3A_3007, %get3A_3012, %broadcast_in_dim3A_3014 : vector<16xi1>, vector<16xf32>
      %add3A_3016 = arith.addf %add3A_3004, %select_n3A_3015 : vector<16xf32>
      %eq3A_3017 = arith.constant 8 : i32
      %eq3A_3018 = vector.broadcast %eq3A_3017 : i32 to vector<16xi32>
      %eq3A_3019 = arith.cmpi eq, %iota3A, %eq3A_3018 : vector<16xi32>
      %get3A_3020 = arith.constant 40 : i32
      %get3A_3021 = arith.index_cast %get3A_3020 : i32 to index
      %get3A_3022 = arith.constant 0 : index
      %get3A_3023 = tpu.vector_load %arg8[%get3A_3021, %get3A_3022] {strides = array<i32>} : memref<256x16xf32, #tpu.memory_space<vmem>>, vector<1x16xf32>,
      %get3A_3024 = vector.shape_cast %get3A_3023 : vector<1x16xf32> to vector<16xf32>
      %jit3A_3025 = arith.constant 0.000000e+00 : f32
      %broadcast_in_dim3A_3026 = vector.broadcast %jit3A_3025 : f32 to vector<16xf32>
      %select_n3A_3027 = arith.select %eq3A_3019, %get3A_3024, %broadcast_in_dim3A_3026 : vector<16xi1>, vector<16xf32>
      %add3A_3028 = arith.addf %add3A_3016, %select_n3A_3027 : vector<16xf32>
      %eq3A_3029 = arith.constant 9 : i32
      %eq3A_3030 = vector.broadcast %eq3A_3029 : i32 to vector<16xi32>
      %eq3A_3031 = arith.cmpi eq, %iota3A, %eq3A_3030 : vector<16xi32>
      %get3A_3032 = arith.constant 41 : i32
      %get3A_3033 = arith.index_cast %get3A_3032 : i32 to index
      %get3A_3034 = arith.constant 0 : index
      %get3A_3035 = tpu.vector_load %arg8[%get3A_3033, %get3A_3034] {strides = array<i32>} : memref<256x16xf32, #tpu.memory_space<vmem>>, vector<1x16xf32>,
      %get3A_3036 = vector.shape_cast %get3A_3035 : vector<1x16xf32> to vector<16xf32>
      %jit3A_3037 = arith.constant 0.000000e+00 : f32
      %broadcast_in_dim3A_3038 = vector.broadcast %jit3A_3037 : f32 to vector<16xf32>
      %select_n3A_3039 = arith.select %eq3A_3031, %get3A_3036, %broadcast_in_dim3A_3038 : vector<16xi1>, vector<16xf32>
      %add3A_3040 = arith.addf %add3A_3028, %select_n3A_3039 : vector<16xf32>
      %swap3A_3041 = arith.constant 2 : i32
      %swap3A_3042 = arith.index_cast %swap3A_3041 : i32 to index
      %swap3A_3043 = arith.constant 0 : index
      %swap3A_3044 = tpu.vector_load %arg9[%swap3A_3042, %swap3A_3043] {strides = array<i32>} : memref<16x16xf32, #tpu.memory_space<vmem>>, vector<1x16xf32>,
      %swap3A_3045 = vector.shape_cast %swap3A_3044 : vector<1x16xf32> to vector<16xf32>
      %swap3A_3046 = vector.shape_cast %add3A_3040 : vector<16xf32> to vector<1x16xf32>
      tpu.vector_store %arg9[%swap3A_3042, %swap3A_3043], %swap3A_3046 {strides = array<i32>} : memref<16x16xf32, #tpu.memory_space<vmem>>, vector<1x16xf32>,
      %broadcast_in_dim3A_3047 = arith.constant 0.000000e+00 : f32
      %broadcast_in_dim3A_3048 = vector.broadcast %broadcast_in_dim3A_3047 : f32 to vector<16xf32>
      %eq3A_3049 = arith.constant 0 : i32
      %eq3A_3050 = vector.broadcast %eq3A_3049 : i32 to vector<16xi32>
      %eq3A_3051 = arith.cmpi eq, %iota3A, %eq3A_3050 : vector<16xi32>
      %get3A_3052 = arith.constant 48 : i32
      %get3A_3053 = arith.index_cast %get3A_3052 : i32 to index
      %get3A_3054 = arith.constant 0 : index
      %get3A_3055 = tpu.vector_load %arg8[%get3A_3053, %get3A_3054] {strides = array<i32>} : memref<256x16xf32, #tpu.memory_space<vmem>>, vector<1x16xf32>,
      %get3A_3056 = vector.shape_cast %get3A_3055 : vector<1x16xf32> to vector<16xf32>
      %jit3A_3057 = arith.constant 0.000000e+00 : f32
      %broadcast_in_dim3A_3058 = vector.broadcast %jit3A_3057 : f32 to vector<16xf32>
      %select_n3A_3059 = arith.select %eq3A_3051, %get3A_3056, %broadcast_in_dim3A_3058 : vector<16xi1>, vector<16xf32>
      %add3A_3060 = arith.addf %broadcast_in_dim3A_3048, %select_n3A_3059 : vector<16xf32>
      %eq3A_3061 = arith.constant 1 : i32
      %eq3A_3062 = vector.broadcast %eq3A_3061 : i32 to vector<16xi32>
      %eq3A_3063 = arith.cmpi eq, %iota3A, %eq3A_3062 : vector<16xi32>
      %get3A_3064 = arith.constant 49 : i32
      %get3A_3065 = arith.index_cast %get3A_3064 : i32 to index
      %get3A_3066 = arith.constant 0 : index
      %get3A_3067 = tpu.vector_load %arg8[%get3A_3065, %get3A_3066] {strides = array<i32>} : memref<256x16xf32, #tpu.memory_space<vmem>>, vector<1x16xf32>,
      %get3A_3068 = vector.shape_cast %get3A_3067 : vector<1x16xf32> to vector<16xf32>
      %jit3A_3069 = arith.constant 0.000000e+00 : f32
      %broadcast_in_dim3A_3070 = vector.broadcast %jit3A_3069 : f32 to vector<16xf32>
      %select_n3A_3071 = arith.select %eq3A_3063, %get3A_3068, %broadcast_in_dim3A_3070 : vector<16xi1>, vector<16xf32>
      %add3A_3072 = arith.addf %add3A_3060, %select_n3A_3071 : vector<16xf32>
      %eq3A_3073 = arith.constant 2 : i32
      %eq3A_3074 = vector.broadcast %eq3A_3073 : i32 to vector<16xi32>
      %eq3A_3075 = arith.cmpi eq, %iota3A, %eq3A_3074 : vector<16xi32>
      %get3A_3076 = arith.constant 50 : i32
      %get3A_3077 = arith.index_cast %get3A_3076 : i32 to index
      %get3A_3078 = arith.constant 0 : index
      %get3A_3079 = tpu.vector_load %arg8[%get3A_3077, %get3A_3078] {strides = array<i32>} : memref<256x16xf32, #tpu.memory_space<vmem>>, vector<1x16xf32>,
      %get3A_3080 = vector.shape_cast %get3A_3079 : vector<1x16xf32> to vector<16xf32>
      %jit3A_3081 = arith.constant 0.000000e+00 : f32
      %broadcast_in_dim3A_3082 = vector.broadcast %jit3A_3081 : f32 to vector<16xf32>
      %select_n3A_3083 = arith.select %eq3A_3075, %get3A_3080, %broadcast_in_dim3A_3082 : vector<16xi1>, vector<16xf32>
      %add3A_3084 = arith.addf %add3A_3072, %select_n3A_3083 : vector<16xf32>
      %eq3A_3085 = arith.constant 3 : i32
      %eq3A_3086 = vector.broadcast %eq3A_3085 : i32 to vector<16xi32>
      %eq3A_3087 = arith.cmpi eq, %iota3A, %eq3A_3086 : vector<16xi32>
      %get3A_3088 = arith.constant 51 : i32
      %get3A_3089 = arith.index_cast %get3A_3088 : i32 to index
      %get3A_3090 = arith.constant 0 : index
      %get3A_3091 = tpu.vector_load %arg8[%get3A_3089, %get3A_3090] {strides = array<i32>} : memref<256x16xf32, #tpu.memory_space<vmem>>, vector<1x16xf32>,
      %get3A_3092 = vector.shape_cast %get3A_3091 : vector<1x16xf32> to vector<16xf32>
      %jit3A_3093 = arith.constant 0.000000e+00 : f32
      %broadcast_in_dim3A_3094 = vector.broadcast %jit3A_3093 : f32 to vector<16xf32>
      %select_n3A_3095 = arith.select %eq3A_3087, %get3A_3092, %broadcast_in_dim3A_3094 : vector<16xi1>, vector<16xf32>
      %add3A_3096 = arith.addf %add3A_3084, %select_n3A_3095 : vector<16xf32>
      %eq3A_3097 = arith.constant 4 : i32
      %eq3A_3098 = vector.broadcast %eq3A_3097 : i32 to vector<16xi32>
      %eq3A_3099 = arith.cmpi eq, %iota3A, %eq3A_3098 : vector<16xi32>
      %get3A_3100 = arith.constant 52 : i32
      %get3A_3101 = arith.index_cast %get3A_3100 : i32 to index
      %get3A_3102 = arith.constant 0 : index
      %get3A_3103 = tpu.vector_load %arg8[%get3A_3101, %get3A_3102] {strides = array<i32>} : memref<256x16xf32, #tpu.memory_space<vmem>>, vector<1x16xf32>,
      %get3A_3104 = vector.shape_cast %get3A_3103 : vector<1x16xf32> to vector<16xf32>
      %jit3A_3105 = arith.constant 0.000000e+00 : f32
      %broadcast_in_dim3A_3106 = vector.broadcast %jit3A_3105 : f32 to vector<16xf32>
      %select_n3A_3107 = arith.select %eq3A_3099, %get3A_3104, %broadcast_in_dim3A_3106 : vector<16xi1>, vector<16xf32>
      %add3A_3108 = arith.addf %add3A_3096, %select_n3A_3107 : vector<16xf32>
      %eq3A_3109 = arith.constant 5 : i32
      %eq3A_3110 = vector.broadcast %eq3A_3109 : i32 to vector<16xi32>
      %eq3A_3111 = arith.cmpi eq, %iota3A, %eq3A_3110 : vector<16xi32>
      %get3A_3112 = arith.constant 53 : i32
      %get3A_3113 = arith.index_cast %get3A_3112 : i32 to index
      %get3A_3114 = arith.constant 0 : index
      %get3A_3115 = tpu.vector_load %arg8[%get3A_3113, %get3A_3114] {strides = array<i32>} : memref<256x16xf32, #tpu.memory_space<vmem>>, vector<1x16xf32>,
      %get3A_3116 = vector.shape_cast %get3A_3115 : vector<1x16xf32> to vector<16xf32>
      %jit3A_3117 = arith.constant 0.000000e+00 : f32
      %broadcast_in_dim3A_3118 = vector.broadcast %jit3A_3117 : f32 to vector<16xf32>
      %select_n3A_3119 = arith.select %eq3A_3111, %get3A_3116, %broadcast_in_dim3A_3118 : vector<16xi1>, vector<16xf32>
      %add3A_3120 = arith.addf %add3A_3108, %select_n3A_3119 : vector<16xf32>
      %eq3A_3121 = arith.constant 6 : i32
      %eq3A_3122 = vector.broadcast %eq3A_3121 : i32 to vector<16xi32>
      %eq3A_3123 = arith.cmpi eq, %iota3A, %eq3A_3122 : vector<16xi32>
      %get3A_3124 = arith.constant 54 : i32
      %get3A_3125 = arith.index_cast %get3A_3124 : i32 to index
      %get3A_3126 = arith.constant 0 : index
      %get3A_3127 = tpu.vector_load %arg8[%get3A_3125, %get3A_3126] {strides = array<i32>} : memref<256x16xf32, #tpu.memory_space<vmem>>, vector<1x16xf32>,
      %get3A_3128 = vector.shape_cast %get3A_3127 : vector<1x16xf32> to vector<16xf32>
      %jit3A_3129 = arith.constant 0.000000e+00 : f32
      %broadcast_in_dim3A_3130 = vector.broadcast %jit3A_3129 : f32 to vector<16xf32>
      %select_n3A_3131 = arith.select %eq3A_3123, %get3A_3128, %broadcast_in_dim3A_3130 : vector<16xi1>, vector<16xf32>
      %add3A_3132 = arith.addf %add3A_3120, %select_n3A_3131 : vector<16xf32>
      %eq3A_3133 = arith.constant 7 : i32
      %eq3A_3134 = vector.broadcast %eq3A_3133 : i32 to vector<16xi32>
      %eq3A_3135 = arith.cmpi eq, %iota3A, %eq3A_3134 : vector<16xi32>
      %get3A_3136 = arith.constant 55 : i32
      %get3A_3137 = arith.index_cast %get3A_3136 : i32 to index
      %get3A_3138 = arith.constant 0 : index
      %get3A_3139 = tpu.vector_load %arg8[%get3A_3137, %get3A_3138] {strides = array<i32>} : memref<256x16xf32, #tpu.memory_space<vmem>>, vector<1x16xf32>,
      %get3A_3140 = vector.shape_cast %get3A_3139 : vector<1x16xf32> to vector<16xf32>
      %jit3A_3141 = arith.constant 0.000000e+00 : f32
      %broadcast_in_dim3A_3142 = vector.broadcast %jit3A_3141 : f32 to vector<16xf32>
      %select_n3A_3143 = arith.select %eq3A_3135, %get3A_3140, %broadcast_in_dim3A_3142 : vector<16xi1>, vector<16xf32>
      %add3A_3144 = arith.addf %add3A_3132, %select_n3A_3143 : vector<16xf32>
      %eq3A_3145 = arith.constant 8 : i32
      %eq3A_3146 = vector.broadcast %eq3A_3145 : i32 to vector<16xi32>
      %eq3A_3147 = arith.cmpi eq, %iota3A, %eq3A_3146 : vector<16xi32>
      %get3A_3148 = arith.constant 56 : i32
      %get3A_3149 = arith.index_cast %get3A_3148 : i32 to index
      %get3A_3150 = arith.constant 0 : index
      %get3A_3151 = tpu.vector_load %arg8[%get3A_3149, %get3A_3150] {strides = array<i32>} : memref<256x16xf32, #tpu.memory_space<vmem>>, vector<1x16xf32>,
      %get3A_3152 = vector.shape_cast %get3A_3151 : vector<1x16xf32> to vector<16xf32>
      %jit3A_3153 = arith.constant 0.000000e+00 : f32
      %broadcast_in_dim3A_3154 = vector.broadcast %jit3A_3153 : f32 to vector<16xf32>
      %select_n3A_3155 = arith.select %eq3A_3147, %get3A_3152, %broadcast_in_dim3A_3154 : vector<16xi1>, vector<16xf32>
      %add3A_3156 = arith.addf %add3A_3144, %select_n3A_3155 : vector<16xf32>
      %eq3A_3157 = arith.constant 9 : i32
      %eq3A_3158 = vector.broadcast %eq3A_3157 : i32 to vector<16xi32>
      %eq3A_3159 = arith.cmpi eq, %iota3A, %eq3A_3158 : vector<16xi32>
      %get3A_3160 = arith.constant 57 : i32
      %get3A_3161 = arith.index_cast %get3A_3160 : i32 to index
      %get3A_3162 = arith.constant 0 : index
      %get3A_3163 = tpu.vector_load %arg8[%get3A_3161, %get3A_3162] {strides = array<i32>} : memref<256x16xf32, #tpu.memory_space<vmem>>, vector<1x16xf32>,
      %get3A_3164 = vector.shape_cast %get3A_3163 : vector<1x16xf32> to vector<16xf32>
      %jit3A_3165 = arith.constant 0.000000e+00 : f32
      %broadcast_in_dim3A_3166 = vector.broadcast %jit3A_3165 : f32 to vector<16xf32>
      %select_n3A_3167 = arith.select %eq3A_3159, %get3A_3164, %broadcast_in_dim3A_3166 : vector<16xi1>, vector<16xf32>
      %add3A_3168 = arith.addf %add3A_3156, %select_n3A_3167 : vector<16xf32>
      %swap3A_3169 = arith.constant 3 : i32
      %swap3A_3170 = arith.index_cast %swap3A_3169 : i32 to index
      %swap3A_3171 = arith.constant 0 : index
      %swap3A_3172 = tpu.vector_load %arg9[%swap3A_3170, %swap3A_3171] {strides = array<i32>} : memref<16x16xf32, #tpu.memory_space<vmem>>, vector<1x16xf32>,
      %swap3A_3173 = vector.shape_cast %swap3A_3172 : vector<1x16xf32> to vector<16xf32>
      %swap3A_3174 = vector.shape_cast %add3A_3168 : vector<16xf32> to vector<1x16xf32>
      tpu.vector_store %arg9[%swap3A_3170, %swap3A_3171], %swap3A_3174 {strides = array<i32>} : memref<16x16xf32, #tpu.memory_space<vmem>>, vector<1x16xf32>,
      %broadcast_in_dim3A_3175 = arith.constant 0.000000e+00 : f32
      %broadcast_in_dim3A_3176 = vector.broadcast %broadcast_in_dim3A_3175 : f32 to vector<16xf32>
      %eq3A_3177 = arith.constant 0 : i32
      %eq3A_3178 = vector.broadcast %eq3A_3177 : i32 to vector<16xi32>
      %eq3A_3179 = arith.cmpi eq, %iota3A, %eq3A_3178 : vector<16xi32>
      %get3A_3180 = arith.constant 64 : i32
      %get3A_3181 = arith.index_cast %get3A_3180 : i32 to index
      %get3A_3182 = arith.constant 0 : index
      %get3A_3183 = tpu.vector_load %arg8[%get3A_3181, %get3A_3182] {strides = array<i32>} : memref<256x16xf32, #tpu.memory_space<vmem>>, vector<1x16xf32>,
      %get3A_3184 = vector.shape_cast %get3A_3183 : vector<1x16xf32> to vector<16xf32>
      %jit3A_3185 = arith.constant 0.000000e+00 : f32
      %broadcast_in_dim3A_3186 = vector.broadcast %jit3A_3185 : f32 to vector<16xf32>
      %select_n3A_3187 = arith.select %eq3A_3179, %get3A_3184, %broadcast_in_dim3A_3186 : vector<16xi1>, vector<16xf32>
      %add3A_3188 = arith.addf %broadcast_in_dim3A_3176, %select_n3A_3187 : vector<16xf32>
      %eq3A_3189 = arith.constant 1 : i32
      %eq3A_3190 = vector.broadcast %eq3A_3189 : i32 to vector<16xi32>
      %eq3A_3191 = arith.cmpi eq, %iota3A, %eq3A_3190 : vector<16xi32>
      %get3A_3192 = arith.constant 65 : i32
      %get3A_3193 = arith.index_cast %get3A_3192 : i32 to index
      %get3A_3194 = arith.constant 0 : index
      %get3A_3195 = tpu.vector_load %arg8[%get3A_3193, %get3A_3194] {strides = array<i32>} : memref<256x16xf32, #tpu.memory_space<vmem>>, vector<1x16xf32>,
      %get3A_3196 = vector.shape_cast %get3A_3195 : vector<1x16xf32> to vector<16xf32>
      %jit3A_3197 = arith.constant 0.000000e+00 : f32
      %broadcast_in_dim3A_3198 = vector.broadcast %jit3A_3197 : f32 to vector<16xf32>
      %select_n3A_3199 = arith.select %eq3A_3191, %get3A_3196, %broadcast_in_dim3A_3198 : vector<16xi1>, vector<16xf32>
      %add3A_3200 = arith.addf %add3A_3188, %select_n3A_3199 : vector<16xf32>
      %eq3A_3201 = arith.constant 2 : i32
      %eq3A_3202 = vector.broadcast %eq3A_3201 : i32 to vector<16xi32>
      %eq3A_3203 = arith.cmpi eq, %iota3A, %eq3A_3202 : vector<16xi32>
      %get3A_3204 = arith.constant 66 : i32
      %get3A_3205 = arith.index_cast %get3A_3204 : i32 to index
      %get3A_3206 = arith.constant 0 : index
      %get3A_3207 = tpu.vector_load %arg8[%get3A_3205, %get3A_3206] {strides = array<i32>} : memref<256x16xf32, #tpu.memory_space<vmem>>, vector<1x16xf32>,
      %get3A_3208 = vector.shape_cast %get3A_3207 : vector<1x16xf32> to vector<16xf32>
      %jit3A_3209 = arith.constant 0.000000e+00 : f32
      %broadcast_in_dim3A_3210 = vector.broadcast %jit3A_3209 : f32 to vector<16xf32>
      %select_n3A_3211 = arith.select %eq3A_3203, %get3A_3208, %broadcast_in_dim3A_3210 : vector<16xi1>, vector<16xf32>
      %add3A_3212 = arith.addf %add3A_3200, %select_n3A_3211 : vector<16xf32>
      %eq3A_3213 = arith.constant 3 : i32
      %eq3A_3214 = vector.broadcast %eq3A_3213 : i32 to vector<16xi32>
      %eq3A_3215 = arith.cmpi eq, %iota3A, %eq3A_3214 : vector<16xi32>
      %get3A_3216 = arith.constant 67 : i32
      %get3A_3217 = arith.index_cast %get3A_3216 : i32 to index
      %get3A_3218 = arith.constant 0 : index
      %get3A_3219 = tpu.vector_load %arg8[%get3A_3217, %get3A_3218] {strides = array<i32>} : memref<256x16xf32, #tpu.memory_space<vmem>>, vector<1x16xf32>,
      %get3A_3220 = vector.shape_cast %get3A_3219 : vector<1x16xf32> to vector<16xf32>
      %jit3A_3221 = arith.constant 0.000000e+00 : f32
      %broadcast_in_dim3A_3222 = vector.broadcast %jit3A_3221 : f32 to vector<16xf32>
      %select_n3A_3223 = arith.select %eq3A_3215, %get3A_3220, %broadcast_in_dim3A_3222 : vector<16xi1>, vector<16xf32>
      %add3A_3224 = arith.addf %add3A_3212, %select_n3A_3223 : vector<16xf32>
      %eq3A_3225 = arith.constant 4 : i32
      %eq3A_3226 = vector.broadcast %eq3A_3225 : i32 to vector<16xi32>
      %eq3A_3227 = arith.cmpi eq, %iota3A, %eq3A_3226 : vector<16xi32>
      %get3A_3228 = arith.constant 68 : i32
      %get3A_3229 = arith.index_cast %get3A_3228 : i32 to index
      %get3A_3230 = arith.constant 0 : index
      %get3A_3231 = tpu.vector_load %arg8[%get3A_3229, %get3A_3230] {strides = array<i32>} : memref<256x16xf32, #tpu.memory_space<vmem>>, vector<1x16xf32>,
      %get3A_3232 = vector.shape_cast %get3A_3231 : vector<1x16xf32> to vector<16xf32>
      %jit3A_3233 = arith.constant 0.000000e+00 : f32
      %broadcast_in_dim3A_3234 = vector.broadcast %jit3A_3233 : f32 to vector<16xf32>
      %select_n3A_3235 = arith.select %eq3A_3227, %get3A_3232, %broadcast_in_dim3A_3234 : vector<16xi1>, vector<16xf32>
      %add3A_3236 = arith.addf %add3A_3224, %select_n3A_3235 : vector<16xf32>
      %eq3A_3237 = arith.constant 5 : i32
      %eq3A_3238 = vector.broadcast %eq3A_3237 : i32 to vector<16xi32>
      %eq3A_3239 = arith.cmpi eq, %iota3A, %eq3A_3238 : vector<16xi32>
      %get3A_3240 = arith.constant 69 : i32
      %get3A_3241 = arith.index_cast %get3A_3240 : i32 to index
      %get3A_3242 = arith.constant 0 : index
      %get3A_3243 = tpu.vector_load %arg8[%get3A_3241, %get3A_3242] {strides = array<i32>} : memref<256x16xf32, #tpu.memory_space<vmem>>, vector<1x16xf32>,
      %get3A_3244 = vector.shape_cast %get3A_3243 : vector<1x16xf32> to vector<16xf32>
      %jit3A_3245 = arith.constant 0.000000e+00 : f32
      %broadcast_in_dim3A_3246 = vector.broadcast %jit3A_3245 : f32 to vector<16xf32>
      %select_n3A_3247 = arith.select %eq3A_3239, %get3A_3244, %broadcast_in_dim3A_3246 : vector<16xi1>, vector<16xf32>
      %add3A_3248 = arith.addf %add3A_3236, %select_n3A_3247 : vector<16xf32>
      %eq3A_3249 = arith.constant 6 : i32
      %eq3A_3250 = vector.broadcast %eq3A_3249 : i32 to vector<16xi32>
      %eq3A_3251 = arith.cmpi eq, %iota3A, %eq3A_3250 : vector<16xi32>
      %get3A_3252 = arith.constant 70 : i32
      %get3A_3253 = arith.index_cast %get3A_3252 : i32 to index
      %get3A_3254 = arith.constant 0 : index
      %get3A_3255 = tpu.vector_load %arg8[%get3A_3253, %get3A_3254] {strides = array<i32>} : memref<256x16xf32, #tpu.memory_space<vmem>>, vector<1x16xf32>,
      %get3A_3256 = vector.shape_cast %get3A_3255 : vector<1x16xf32> to vector<16xf32>
      %jit3A_3257 = arith.constant 0.000000e+00 : f32
      %broadcast_in_dim3A_3258 = vector.broadcast %jit3A_3257 : f32 to vector<16xf32>
      %select_n3A_3259 = arith.select %eq3A_3251, %get3A_3256, %broadcast_in_dim3A_3258 : vector<16xi1>, vector<16xf32>
      %add3A_3260 = arith.addf %add3A_3248, %select_n3A_3259 : vector<16xf32>
      %eq3A_3261 = arith.constant 7 : i32
      %eq3A_3262 = vector.broadcast %eq3A_3261 : i32 to vector<16xi32>
      %eq3A_3263 = arith.cmpi eq, %iota3A, %eq3A_3262 : vector<16xi32>
      %get3A_3264 = arith.constant 71 : i32
      %get3A_3265 = arith.index_cast %get3A_3264 : i32 to index
      %get3A_3266 = arith.constant 0 : index
      %get3A_3267 = tpu.vector_load %arg8[%get3A_3265, %get3A_3266] {strides = array<i32>} : memref<256x16xf32, #tpu.memory_space<vmem>>, vector<1x16xf32>,
      %get3A_3268 = vector.shape_cast %get3A_3267 : vector<1x16xf32> to vector<16xf32>
      %jit3A_3269 = arith.constant 0.000000e+00 : f32
      %broadcast_in_dim3A_3270 = vector.broadcast %jit3A_3269 : f32 to vector<16xf32>
      %select_n3A_3271 = arith.select %eq3A_3263, %get3A_3268, %broadcast_in_dim3A_3270 : vector<16xi1>, vector<16xf32>
      %add3A_3272 = arith.addf %add3A_3260, %select_n3A_3271 : vector<16xf32>
      %eq3A_3273 = arith.constant 8 : i32
      %eq3A_3274 = vector.broadcast %eq3A_3273 : i32 to vector<16xi32>
      %eq3A_3275 = arith.cmpi eq, %iota3A, %eq3A_3274 : vector<16xi32>
      %get3A_3276 = arith.constant 72 : i32
      %get3A_3277 = arith.index_cast %get3A_3276 : i32 to index
      %get3A_3278 = arith.constant 0 : index
      %get3A_3279 = tpu.vector_load %arg8[%get3A_3277, %get3A_3278] {strides = array<i32>} : memref<256x16xf32, #tpu.memory_space<vmem>>, vector<1x16xf32>,
      %get3A_3280 = vector.shape_cast %get3A_3279 : vector<1x16xf32> to vector<16xf32>
      %jit3A_3281 = arith.constant 0.000000e+00 : f32
      %broadcast_in_dim3A_3282 = vector.broadcast %jit3A_3281 : f32 to vector<16xf32>
      %select_n3A_3283 = arith.select %eq3A_3275, %get3A_3280, %broadcast_in_dim3A_3282 : vector<16xi1>, vector<16xf32>
      %add3A_3284 = arith.addf %add3A_3272, %select_n3A_3283 : vector<16xf32>
      %eq3A_3285 = arith.constant 9 : i32
      %eq3A_3286 = vector.broadcast %eq3A_3285 : i32 to vector<16xi32>
      %eq3A_3287 = arith.cmpi eq, %iota3A, %eq3A_3286 : vector<16xi32>
      %get3A_3288 = arith.constant 73 : i32
      %get3A_3289 = arith.index_cast %get3A_3288 : i32 to index
      %get3A_3290 = arith.constant 0 : index
      %get3A_3291 = tpu.vector_load %arg8[%get3A_3289, %get3A_3290] {strides = array<i32>} : memref<256x16xf32, #tpu.memory_space<vmem>>, vector<1x16xf32>,
      %get3A_3292 = vector.shape_cast %get3A_3291 : vector<1x16xf32> to vector<16xf32>
      %jit3A_3293 = arith.constant 0.000000e+00 : f32
      %broadcast_in_dim3A_3294 = vector.broadcast %jit3A_3293 : f32 to vector<16xf32>
      %select_n3A_3295 = arith.select %eq3A_3287, %get3A_3292, %broadcast_in_dim3A_3294 : vector<16xi1>, vector<16xf32>
      %add3A_3296 = arith.addf %add3A_3284, %select_n3A_3295 : vector<16xf32>
      %swap3A_3297 = arith.constant 4 : i32
      %swap3A_3298 = arith.index_cast %swap3A_3297 : i32 to index
      %swap3A_3299 = arith.constant 0 : index
      %swap3A_3300 = tpu.vector_load %arg9[%swap3A_3298, %swap3A_3299] {strides = array<i32>} : memref<16x16xf32, #tpu.memory_space<vmem>>, vector<1x16xf32>,
      %swap3A_3301 = vector.shape_cast %swap3A_3300 : vector<1x16xf32> to vector<16xf32>
      %swap3A_3302 = vector.shape_cast %add3A_3296 : vector<16xf32> to vector<1x16xf32>
      tpu.vector_store %arg9[%swap3A_3298, %swap3A_3299], %swap3A_3302 {strides = array<i32>} : memref<16x16xf32, #tpu.memory_space<vmem>>, vector<1x16xf32>,
      %broadcast_in_dim3A_3303 = arith.constant 0.000000e+00 : f32
      %broadcast_in_dim3A_3304 = vector.broadcast %broadcast_in_dim3A_3303 : f32 to vector<16xf32>
      %eq3A_3305 = arith.constant 0 : i32
      %eq3A_3306 = vector.broadcast %eq3A_3305 : i32 to vector<16xi32>
      %eq3A_3307 = arith.cmpi eq, %iota3A, %eq3A_3306 : vector<16xi32>
      %get3A_3308 = arith.constant 80 : i32
      %get3A_3309 = arith.index_cast %get3A_3308 : i32 to index
      %get3A_3310 = arith.constant 0 : index
      %get3A_3311 = tpu.vector_load %arg8[%get3A_3309, %get3A_3310] {strides = array<i32>} : memref<256x16xf32, #tpu.memory_space<vmem>>, vector<1x16xf32>,
      %get3A_3312 = vector.shape_cast %get3A_3311 : vector<1x16xf32> to vector<16xf32>
      %jit3A_3313 = arith.constant 0.000000e+00 : f32
      %broadcast_in_dim3A_3314 = vector.broadcast %jit3A_3313 : f32 to vector<16xf32>
      %select_n3A_3315 = arith.select %eq3A_3307, %get3A_3312, %broadcast_in_dim3A_3314 : vector<16xi1>, vector<16xf32>
      %add3A_3316 = arith.addf %broadcast_in_dim3A_3304, %select_n3A_3315 : vector<16xf32>
      %eq3A_3317 = arith.constant 1 : i32
      %eq3A_3318 = vector.broadcast %eq3A_3317 : i32 to vector<16xi32>
      %eq3A_3319 = arith.cmpi eq, %iota3A, %eq3A_3318 : vector<16xi32>
      %get3A_3320 = arith.constant 81 : i32
      %get3A_3321 = arith.index_cast %get3A_3320 : i32 to index
      %get3A_3322 = arith.constant 0 : index
      %get3A_3323 = tpu.vector_load %arg8[%get3A_3321, %get3A_3322] {strides = array<i32>} : memref<256x16xf32, #tpu.memory_space<vmem>>, vector<1x16xf32>,
      %get3A_3324 = vector.shape_cast %get3A_3323 : vector<1x16xf32> to vector<16xf32>
      %jit3A_3325 = arith.constant 0.000000e+00 : f32
      %broadcast_in_dim3A_3326 = vector.broadcast %jit3A_3325 : f32 to vector<16xf32>
      %select_n3A_3327 = arith.select %eq3A_3319, %get3A_3324, %broadcast_in_dim3A_3326 : vector<16xi1>, vector<16xf32>
      %add3A_3328 = arith.addf %add3A_3316, %select_n3A_3327 : vector<16xf32>
      %eq3A_3329 = arith.constant 2 : i32
      %eq3A_3330 = vector.broadcast %eq3A_3329 : i32 to vector<16xi32>
      %eq3A_3331 = arith.cmpi eq, %iota3A, %eq3A_3330 : vector<16xi32>
      %get3A_3332 = arith.constant 82 : i32
      %get3A_3333 = arith.index_cast %get3A_3332 : i32 to index
      %get3A_3334 = arith.constant 0 : index
      %get3A_3335 = tpu.vector_load %arg8[%get3A_3333, %get3A_3334] {strides = array<i32>} : memref<256x16xf32, #tpu.memory_space<vmem>>, vector<1x16xf32>,
      %get3A_3336 = vector.shape_cast %get3A_3335 : vector<1x16xf32> to vector<16xf32>
      %jit3A_3337 = arith.constant 0.000000e+00 : f32
      %broadcast_in_dim3A_3338 = vector.broadcast %jit3A_3337 : f32 to vector<16xf32>
      %select_n3A_3339 = arith.select %eq3A_3331, %get3A_3336, %broadcast_in_dim3A_3338 : vector<16xi1>, vector<16xf32>
      %add3A_3340 = arith.addf %add3A_3328, %select_n3A_3339 : vector<16xf32>
      %eq3A_3341 = arith.constant 3 : i32
      %eq3A_3342 = vector.broadcast %eq3A_3341 : i32 to vector<16xi32>
      %eq3A_3343 = arith.cmpi eq, %iota3A, %eq3A_3342 : vector<16xi32>
      %get3A_3344 = arith.constant 83 : i32
      %get3A_3345 = arith.index_cast %get3A_3344 : i32 to index
      %get3A_3346 = arith.constant 0 : index
      %get3A_3347 = tpu.vector_load %arg8[%get3A_3345, %get3A_3346] {strides = array<i32>} : memref<256x16xf32, #tpu.memory_space<vmem>>, vector<1x16xf32>,
      %get3A_3348 = vector.shape_cast %get3A_3347 : vector<1x16xf32> to vector<16xf32>
      %jit3A_3349 = arith.constant 0.000000e+00 : f32
      %broadcast_in_dim3A_3350 = vector.broadcast %jit3A_3349 : f32 to vector<16xf32>
      %select_n3A_3351 = arith.select %eq3A_3343, %get3A_3348, %broadcast_in_dim3A_3350 : vector<16xi1>, vector<16xf32>
      %add3A_3352 = arith.addf %add3A_3340, %select_n3A_3351 : vector<16xf32>
      %eq3A_3353 = arith.constant 4 : i32
      %eq3A_3354 = vector.broadcast %eq3A_3353 : i32 to vector<16xi32>
      %eq3A_3355 = arith.cmpi eq, %iota3A, %eq3A_3354 : vector<16xi32>
      %get3A_3356 = arith.constant 84 : i32
      %get3A_3357 = arith.index_cast %get3A_3356 : i32 to index
      %get3A_3358 = arith.constant 0 : index
      %get3A_3359 = tpu.vector_load %arg8[%get3A_3357, %get3A_3358] {strides = array<i32>} : memref<256x16xf32, #tpu.memory_space<vmem>>, vector<1x16xf32>,
      %get3A_3360 = vector.shape_cast %get3A_3359 : vector<1x16xf32> to vector<16xf32>
      %jit3A_3361 = arith.constant 0.000000e+00 : f32
      %broadcast_in_dim3A_3362 = vector.broadcast %jit3A_3361 : f32 to vector<16xf32>
      %select_n3A_3363 = arith.select %eq3A_3355, %get3A_3360, %broadcast_in_dim3A_3362 : vector<16xi1>, vector<16xf32>
      %add3A_3364 = arith.addf %add3A_3352, %select_n3A_3363 : vector<16xf32>
      %eq3A_3365 = arith.constant 5 : i32
      %eq3A_3366 = vector.broadcast %eq3A_3365 : i32 to vector<16xi32>
      %eq3A_3367 = arith.cmpi eq, %iota3A, %eq3A_3366 : vector<16xi32>
      %get3A_3368 = arith.constant 85 : i32
      %get3A_3369 = arith.index_cast %get3A_3368 : i32 to index
      %get3A_3370 = arith.constant 0 : index
      %get3A_3371 = tpu.vector_load %arg8[%get3A_3369, %get3A_3370] {strides = array<i32>} : memref<256x16xf32, #tpu.memory_space<vmem>>, vector<1x16xf32>,
      %get3A_3372 = vector.shape_cast %get3A_3371 : vector<1x16xf32> to vector<16xf32>
      %jit3A_3373 = arith.constant 0.000000e+00 : f32
      %broadcast_in_dim3A_3374 = vector.broadcast %jit3A_3373 : f32 to vector<16xf32>
      %select_n3A_3375 = arith.select %eq3A_3367, %get3A_3372, %broadcast_in_dim3A_3374 : vector<16xi1>, vector<16xf32>
      %add3A_3376 = arith.addf %add3A_3364, %select_n3A_3375 : vector<16xf32>
      %eq3A_3377 = arith.constant 6 : i32
      %eq3A_3378 = vector.broadcast %eq3A_3377 : i32 to vector<16xi32>
      %eq3A_3379 = arith.cmpi eq, %iota3A, %eq3A_3378 : vector<16xi32>
      %get3A_3380 = arith.constant 86 : i32
      %get3A_3381 = arith.index_cast %get3A_3380 : i32 to index
      %get3A_3382 = arith.constant 0 : index
      %get3A_3383 = tpu.vector_load %arg8[%get3A_3381, %get3A_3382] {strides = array<i32>} : memref<256x16xf32, #tpu.memory_space<vmem>>, vector<1x16xf32>,
      %get3A_3384 = vector.shape_cast %get3A_3383 : vector<1x16xf32> to vector<16xf32>
      %jit3A_3385 = arith.constant 0.000000e+00 : f32
      %broadcast_in_dim3A_3386 = vector.broadcast %jit3A_3385 : f32 to vector<16xf32>
      %select_n3A_3387 = arith.select %eq3A_3379, %get3A_3384, %broadcast_in_dim3A_3386 : vector<16xi1>, vector<16xf32>
      %add3A_3388 = arith.addf %add3A_3376, %select_n3A_3387 : vector<16xf32>
      %eq3A_3389 = arith.constant 7 : i32
      %eq3A_3390 = vector.broadcast %eq3A_3389 : i32 to vector<16xi32>
      %eq3A_3391 = arith.cmpi eq, %iota3A, %eq3A_3390 : vector<16xi32>
      %get3A_3392 = arith.constant 87 : i32
      %get3A_3393 = arith.index_cast %get3A_3392 : i32 to index
      %get3A_3394 = arith.constant 0 : index
      %get3A_3395 = tpu.vector_load %arg8[%get3A_3393, %get3A_3394] {strides = array<i32>} : memref<256x16xf32, #tpu.memory_space<vmem>>, vector<1x16xf32>,
      %get3A_3396 = vector.shape_cast %get3A_3395 : vector<1x16xf32> to vector<16xf32>
      %jit3A_3397 = arith.constant 0.000000e+00 : f32
      %broadcast_in_dim3A_3398 = vector.broadcast %jit3A_3397 : f32 to vector<16xf32>
      %select_n3A_3399 = arith.select %eq3A_3391, %get3A_3396, %broadcast_in_dim3A_3398 : vector<16xi1>, vector<16xf32>
      %add3A_3400 = arith.addf %add3A_3388, %select_n3A_3399 : vector<16xf32>
      %eq3A_3401 = arith.constant 8 : i32
      %eq3A_3402 = vector.broadcast %eq3A_3401 : i32 to vector<16xi32>
      %eq3A_3403 = arith.cmpi eq, %iota3A, %eq3A_3402 : vector<16xi32>
      %get3A_3404 = arith.constant 88 : i32
      %get3A_3405 = arith.index_cast %get3A_3404 : i32 to index
      %get3A_3406 = arith.constant 0 : index
      %get3A_3407 = tpu.vector_load %arg8[%get3A_3405, %get3A_3406] {strides = array<i32>} : memref<256x16xf32, #tpu.memory_space<vmem>>, vector<1x16xf32>,
      %get3A_3408 = vector.shape_cast %get3A_3407 : vector<1x16xf32> to vector<16xf32>
      %jit3A_3409 = arith.constant 0.000000e+00 : f32
      %broadcast_in_dim3A_3410 = vector.broadcast %jit3A_3409 : f32 to vector<16xf32>
      %select_n3A_3411 = arith.select %eq3A_3403, %get3A_3408, %broadcast_in_dim3A_3410 : vector<16xi1>, vector<16xf32>
      %add3A_3412 = arith.addf %add3A_3400, %select_n3A_3411 : vector<16xf32>
      %eq3A_3413 = arith.constant 9 : i32
      %eq3A_3414 = vector.broadcast %eq3A_3413 : i32 to vector<16xi32>
      %eq3A_3415 = arith.cmpi eq, %iota3A, %eq3A_3414 : vector<16xi32>
      %get3A_3416 = arith.constant 89 : i32
      %get3A_3417 = arith.index_cast %get3A_3416 : i32 to index
      %get3A_3418 = arith.constant 0 : index
      %get3A_3419 = tpu.vector_load %arg8[%get3A_3417, %get3A_3418] {strides = array<i32>} : memref<256x16xf32, #tpu.memory_space<vmem>>, vector<1x16xf32>,
      %get3A_3420 = vector.shape_cast %get3A_3419 : vector<1x16xf32> to vector<16xf32>
      %jit3A_3421 = arith.constant 0.000000e+00 : f32
      %broadcast_in_dim3A_3422 = vector.broadcast %jit3A_3421 : f32 to vector<16xf32>
      %select_n3A_3423 = arith.select %eq3A_3415, %get3A_3420, %broadcast_in_dim3A_3422 : vector<16xi1>, vector<16xf32>
      %add3A_3424 = arith.addf %add3A_3412, %select_n3A_3423 : vector<16xf32>
      %swap3A_3425 = arith.constant 5 : i32
      %swap3A_3426 = arith.index_cast %swap3A_3425 : i32 to index
      %swap3A_3427 = arith.constant 0 : index
      %swap3A_3428 = tpu.vector_load %arg9[%swap3A_3426, %swap3A_3427] {strides = array<i32>} : memref<16x16xf32, #tpu.memory_space<vmem>>, vector<1x16xf32>,
      %swap3A_3429 = vector.shape_cast %swap3A_3428 : vector<1x16xf32> to vector<16xf32>
      %swap3A_3430 = vector.shape_cast %add3A_3424 : vector<16xf32> to vector<1x16xf32>
      tpu.vector_store %arg9[%swap3A_3426, %swap3A_3427], %swap3A_3430 {strides = array<i32>} : memref<16x16xf32, #tpu.memory_space<vmem>>, vector<1x16xf32>,
      %broadcast_in_dim3A_3431 = arith.constant 0.000000e+00 : f32
      %broadcast_in_dim3A_3432 = vector.broadcast %broadcast_in_dim3A_3431 : f32 to vector<16xf32>
      %eq3A_3433 = arith.constant 0 : i32
      %eq3A_3434 = vector.broadcast %eq3A_3433 : i32 to vector<16xi32>
      %eq3A_3435 = arith.cmpi eq, %iota3A, %eq3A_3434 : vector<16xi32>
      %get3A_3436 = arith.constant 96 : i32
      %get3A_3437 = arith.index_cast %get3A_3436 : i32 to index
      %get3A_3438 = arith.constant 0 : index
      %get3A_3439 = tpu.vector_load %arg8[%get3A_3437, %get3A_3438] {strides = array<i32>} : memref<256x16xf32, #tpu.memory_space<vmem>>, vector<1x16xf32>,
      %get3A_3440 = vector.shape_cast %get3A_3439 : vector<1x16xf32> to vector<16xf32>
      %jit3A_3441 = arith.constant 0.000000e+00 : f32
      %broadcast_in_dim3A_3442 = vector.broadcast %jit3A_3441 : f32 to vector<16xf32>
      %select_n3A_3443 = arith.select %eq3A_3435, %get3A_3440, %broadcast_in_dim3A_3442 : vector<16xi1>, vector<16xf32>
      %add3A_3444 = arith.addf %broadcast_in_dim3A_3432, %select_n3A_3443 : vector<16xf32>
      %eq3A_3445 = arith.constant 1 : i32
      %eq3A_3446 = vector.broadcast %eq3A_3445 : i32 to vector<16xi32>
      %eq3A_3447 = arith.cmpi eq, %iota3A, %eq3A_3446 : vector<16xi32>
      %get3A_3448 = arith.constant 97 : i32
      %get3A_3449 = arith.index_cast %get3A_3448 : i32 to index
      %get3A_3450 = arith.constant 0 : index
      %get3A_3451 = tpu.vector_load %arg8[%get3A_3449, %get3A_3450] {strides = array<i32>} : memref<256x16xf32, #tpu.memory_space<vmem>>, vector<1x16xf32>,
      %get3A_3452 = vector.shape_cast %get3A_3451 : vector<1x16xf32> to vector<16xf32>
      %jit3A_3453 = arith.constant 0.000000e+00 : f32
      %broadcast_in_dim3A_3454 = vector.broadcast %jit3A_3453 : f32 to vector<16xf32>
      %select_n3A_3455 = arith.select %eq3A_3447, %get3A_3452, %broadcast_in_dim3A_3454 : vector<16xi1>, vector<16xf32>
      %add3A_3456 = arith.addf %add3A_3444, %select_n3A_3455 : vector<16xf32>
      %eq3A_3457 = arith.constant 2 : i32
      %eq3A_3458 = vector.broadcast %eq3A_3457 : i32 to vector<16xi32>
      %eq3A_3459 = arith.cmpi eq, %iota3A, %eq3A_3458 : vector<16xi32>
      %get3A_3460 = arith.constant 98 : i32
      %get3A_3461 = arith.index_cast %get3A_3460 : i32 to index
      %get3A_3462 = arith.constant 0 : index
      %get3A_3463 = tpu.vector_load %arg8[%get3A_3461, %get3A_3462] {strides = array<i32>} : memref<256x16xf32, #tpu.memory_space<vmem>>, vector<1x16xf32>,
      %get3A_3464 = vector.shape_cast %get3A_3463 : vector<1x16xf32> to vector<16xf32>
      %jit3A_3465 = arith.constant 0.000000e+00 : f32
      %broadcast_in_dim3A_3466 = vector.broadcast %jit3A_3465 : f32 to vector<16xf32>
      %select_n3A_3467 = arith.select %eq3A_3459, %get3A_3464, %broadcast_in_dim3A_3466 : vector<16xi1>, vector<16xf32>
      %add3A_3468 = arith.addf %add3A_3456, %select_n3A_3467 : vector<16xf32>
      %eq3A_3469 = arith.constant 3 : i32
      %eq3A_3470 = vector.broadcast %eq3A_3469 : i32 to vector<16xi32>
      %eq3A_3471 = arith.cmpi eq, %iota3A, %eq3A_3470 : vector<16xi32>
      %get3A_3472 = arith.constant 99 : i32
      %get3A_3473 = arith.index_cast %get3A_3472 : i32 to index
      %get3A_3474 = arith.constant 0 : index
      %get3A_3475 = tpu.vector_load %arg8[%get3A_3473, %get3A_3474] {strides = array<i32>} : memref<256x16xf32, #tpu.memory_space<vmem>>, vector<1x16xf32>,
      %get3A_3476 = vector.shape_cast %get3A_3475 : vector<1x16xf32> to vector<16xf32>
      %jit3A_3477 = arith.constant 0.000000e+00 : f32
      %broadcast_in_dim3A_3478 = vector.broadcast %jit3A_3477 : f32 to vector<16xf32>
      %select_n3A_3479 = arith.select %eq3A_3471, %get3A_3476, %broadcast_in_dim3A_3478 : vector<16xi1>, vector<16xf32>
      %add3A_3480 = arith.addf %add3A_3468, %select_n3A_3479 : vector<16xf32>
      %eq3A_3481 = arith.constant 4 : i32
      %eq3A_3482 = vector.broadcast %eq3A_3481 : i32 to vector<16xi32>
      %eq3A_3483 = arith.cmpi eq, %iota3A, %eq3A_3482 : vector<16xi32>
      %get3A_3484 = arith.constant 100 : i32
      %get3A_3485 = arith.index_cast %get3A_3484 : i32 to index
      %get3A_3486 = arith.constant 0 : index
      %get3A_3487 = tpu.vector_load %arg8[%get3A_3485, %get3A_3486] {strides = array<i32>} : memref<256x16xf32, #tpu.memory_space<vmem>>, vector<1x16xf32>,
      %get3A_3488 = vector.shape_cast %get3A_3487 : vector<1x16xf32> to vector<16xf32>
      %jit3A_3489 = arith.constant 0.000000e+00 : f32
      %broadcast_in_dim3A_3490 = vector.broadcast %jit3A_3489 : f32 to vector<16xf32>
      %select_n3A_3491 = arith.select %eq3A_3483, %get3A_3488, %broadcast_in_dim3A_3490 : vector<16xi1>, vector<16xf32>
      %add3A_3492 = arith.addf %add3A_3480, %select_n3A_3491 : vector<16xf32>
      %eq3A_3493 = arith.constant 5 : i32
      %eq3A_3494 = vector.broadcast %eq3A_3493 : i32 to vector<16xi32>
      %eq3A_3495 = arith.cmpi eq, %iota3A, %eq3A_3494 : vector<16xi32>
      %get3A_3496 = arith.constant 101 : i32
      %get3A_3497 = arith.index_cast %get3A_3496 : i32 to index
      %get3A_3498 = arith.constant 0 : index
      %get3A_3499 = tpu.vector_load %arg8[%get3A_3497, %get3A_3498] {strides = array<i32>} : memref<256x16xf32, #tpu.memory_space<vmem>>, vector<1x16xf32>,
      %get3A_3500 = vector.shape_cast %get3A_3499 : vector<1x16xf32> to vector<16xf32>
      %jit3A_3501 = arith.constant 0.000000e+00 : f32
      %broadcast_in_dim3A_3502 = vector.broadcast %jit3A_3501 : f32 to vector<16xf32>
      %select_n3A_3503 = arith.select %eq3A_3495, %get3A_3500, %broadcast_in_dim3A_3502 : vector<16xi1>, vector<16xf32>
      %add3A_3504 = arith.addf %add3A_3492, %select_n3A_3503 : vector<16xf32>
      %eq3A_3505 = arith.constant 6 : i32
      %eq3A_3506 = vector.broadcast %eq3A_3505 : i32 to vector<16xi32>
      %eq3A_3507 = arith.cmpi eq, %iota3A, %eq3A_3506 : vector<16xi32>
      %get3A_3508 = arith.constant 102 : i32
      %get3A_3509 = arith.index_cast %get3A_3508 : i32 to index
      %get3A_3510 = arith.constant 0 : index
      %get3A_3511 = tpu.vector_load %arg8[%get3A_3509, %get3A_3510] {strides = array<i32>} : memref<256x16xf32, #tpu.memory_space<vmem>>, vector<1x16xf32>,
      %get3A_3512 = vector.shape_cast %get3A_3511 : vector<1x16xf32> to vector<16xf32>
      %jit3A_3513 = arith.constant 0.000000e+00 : f32
      %broadcast_in_dim3A_3514 = vector.broadcast %jit3A_3513 : f32 to vector<16xf32>
      %select_n3A_3515 = arith.select %eq3A_3507, %get3A_3512, %broadcast_in_dim3A_3514 : vector<16xi1>, vector<16xf32>
      %add3A_3516 = arith.addf %add3A_3504, %select_n3A_3515 : vector<16xf32>
      %eq3A_3517 = arith.constant 7 : i32
      %eq3A_3518 = vector.broadcast %eq3A_3517 : i32 to vector<16xi32>
      %eq3A_3519 = arith.cmpi eq, %iota3A, %eq3A_3518 : vector<16xi32>
      %get3A_3520 = arith.constant 103 : i32
      %get3A_3521 = arith.index_cast %get3A_3520 : i32 to index
      %get3A_3522 = arith.constant 0 : index
      %get3A_3523 = tpu.vector_load %arg8[%get3A_3521, %get3A_3522] {strides = array<i32>} : memref<256x16xf32, #tpu.memory_space<vmem>>, vector<1x16xf32>,
      %get3A_3524 = vector.shape_cast %get3A_3523 : vector<1x16xf32> to vector<16xf32>
      %jit3A_3525 = arith.constant 0.000000e+00 : f32
      %broadcast_in_dim3A_3526 = vector.broadcast %jit3A_3525 : f32 to vector<16xf32>
      %select_n3A_3527 = arith.select %eq3A_3519, %get3A_3524, %broadcast_in_dim3A_3526 : vector<16xi1>, vector<16xf32>
      %add3A_3528 = arith.addf %add3A_3516, %select_n3A_3527 : vector<16xf32>
      %eq3A_3529 = arith.constant 8 : i32
      %eq3A_3530 = vector.broadcast %eq3A_3529 : i32 to vector<16xi32>
      %eq3A_3531 = arith.cmpi eq, %iota3A, %eq3A_3530 : vector<16xi32>
      %get3A_3532 = arith.constant 104 : i32
      %get3A_3533 = arith.index_cast %get3A_3532 : i32 to index
      %get3A_3534 = arith.constant 0 : index
      %get3A_3535 = tpu.vector_load %arg8[%get3A_3533, %get3A_3534] {strides = array<i32>} : memref<256x16xf32, #tpu.memory_space<vmem>>, vector<1x16xf32>,
      %get3A_3536 = vector.shape_cast %get3A_3535 : vector<1x16xf32> to vector<16xf32>
      %jit3A_3537 = arith.constant 0.000000e+00 : f32
      %broadcast_in_dim3A_3538 = vector.broadcast %jit3A_3537 : f32 to vector<16xf32>
      %select_n3A_3539 = arith.select %eq3A_3531, %get3A_3536, %broadcast_in_dim3A_3538 : vector<16xi1>, vector<16xf32>
      %add3A_3540 = arith.addf %add3A_3528, %select_n3A_3539 : vector<16xf32>
      %eq3A_3541 = arith.constant 9 : i32
      %eq3A_3542 = vector.broadcast %eq3A_3541 : i32 to vector<16xi32>
      %eq3A_3543 = arith.cmpi eq, %iota3A, %eq3A_3542 : vector<16xi32>
      %get3A_3544 = arith.constant 105 : i32
      %get3A_3545 = arith.index_cast %get3A_3544 : i32 to index
      %get3A_3546 = arith.constant 0 : index
      %get3A_3547 = tpu.vector_load %arg8[%get3A_3545, %get3A_3546] {strides = array<i32>} : memref<256x16xf32, #tpu.memory_space<vmem>>, vector<1x16xf32>,
      %get3A_3548 = vector.shape_cast %get3A_3547 : vector<1x16xf32> to vector<16xf32>
      %jit3A_3549 = arith.constant 0.000000e+00 : f32
      %broadcast_in_dim3A_3550 = vector.broadcast %jit3A_3549 : f32 to vector<16xf32>
      %select_n3A_3551 = arith.select %eq3A_3543, %get3A_3548, %broadcast_in_dim3A_3550 : vector<16xi1>, vector<16xf32>
      %add3A_3552 = arith.addf %add3A_3540, %select_n3A_3551 : vector<16xf32>
      %swap3A_3553 = arith.constant 6 : i32
      %swap3A_3554 = arith.index_cast %swap3A_3553 : i32 to index
      %swap3A_3555 = arith.constant 0 : index
      %swap3A_3556 = tpu.vector_load %arg9[%swap3A_3554, %swap3A_3555] {strides = array<i32>} : memref<16x16xf32, #tpu.memory_space<vmem>>, vector<1x16xf32>,
      %swap3A_3557 = vector.shape_cast %swap3A_3556 : vector<1x16xf32> to vector<16xf32>
      %swap3A_3558 = vector.shape_cast %add3A_3552 : vector<16xf32> to vector<1x16xf32>
      tpu.vector_store %arg9[%swap3A_3554, %swap3A_3555], %swap3A_3558 {strides = array<i32>} : memref<16x16xf32, #tpu.memory_space<vmem>>, vector<1x16xf32>,
      %broadcast_in_dim3A_3559 = arith.constant 0.000000e+00 : f32
      %broadcast_in_dim3A_3560 = vector.broadcast %broadcast_in_dim3A_3559 : f32 to vector<16xf32>
      %eq3A_3561 = arith.constant 0 : i32
      %eq3A_3562 = vector.broadcast %eq3A_3561 : i32 to vector<16xi32>
      %eq3A_3563 = arith.cmpi eq, %iota3A, %eq3A_3562 : vector<16xi32>
      %get3A_3564 = arith.constant 112 : i32
      %get3A_3565 = arith.index_cast %get3A_3564 : i32 to index
      %get3A_3566 = arith.constant 0 : index
      %get3A_3567 = tpu.vector_load %arg8[%get3A_3565, %get3A_3566] {strides = array<i32>} : memref<256x16xf32, #tpu.memory_space<vmem>>, vector<1x16xf32>,
      %get3A_3568 = vector.shape_cast %get3A_3567 : vector<1x16xf32> to vector<16xf32>
      %jit3A_3569 = arith.constant 0.000000e+00 : f32
      %broadcast_in_dim3A_3570 = vector.broadcast %jit3A_3569 : f32 to vector<16xf32>
      %select_n3A_3571 = arith.select %eq3A_3563, %get3A_3568, %broadcast_in_dim3A_3570 : vector<16xi1>, vector<16xf32>
      %add3A_3572 = arith.addf %broadcast_in_dim3A_3560, %select_n3A_3571 : vector<16xf32>
      %eq3A_3573 = arith.constant 1 : i32
      %eq3A_3574 = vector.broadcast %eq3A_3573 : i32 to vector<16xi32>
      %eq3A_3575 = arith.cmpi eq, %iota3A, %eq3A_3574 : vector<16xi32>
      %get3A_3576 = arith.constant 113 : i32
      %get3A_3577 = arith.index_cast %get3A_3576 : i32 to index
      %get3A_3578 = arith.constant 0 : index
      %get3A_3579 = tpu.vector_load %arg8[%get3A_3577, %get3A_3578] {strides = array<i32>} : memref<256x16xf32, #tpu.memory_space<vmem>>, vector<1x16xf32>,
      %get3A_3580 = vector.shape_cast %get3A_3579 : vector<1x16xf32> to vector<16xf32>
      %jit3A_3581 = arith.constant 0.000000e+00 : f32
      %broadcast_in_dim3A_3582 = vector.broadcast %jit3A_3581 : f32 to vector<16xf32>
      %select_n3A_3583 = arith.select %eq3A_3575, %get3A_3580, %broadcast_in_dim3A_3582 : vector<16xi1>, vector<16xf32>
      %add3A_3584 = arith.addf %add3A_3572, %select_n3A_3583 : vector<16xf32>
      %eq3A_3585 = arith.constant 2 : i32
      %eq3A_3586 = vector.broadcast %eq3A_3585 : i32 to vector<16xi32>
      %eq3A_3587 = arith.cmpi eq, %iota3A, %eq3A_3586 : vector<16xi32>
      %get3A_3588 = arith.constant 114 : i32
      %get3A_3589 = arith.index_cast %get3A_3588 : i32 to index
      %get3A_3590 = arith.constant 0 : index
      %get3A_3591 = tpu.vector_load %arg8[%get3A_3589, %get3A_3590] {strides = array<i32>} : memref<256x16xf32, #tpu.memory_space<vmem>>, vector<1x16xf32>,
      %get3A_3592 = vector.shape_cast %get3A_3591 : vector<1x16xf32> to vector<16xf32>
      %jit3A_3593 = arith.constant 0.000000e+00 : f32
      %broadcast_in_dim3A_3594 = vector.broadcast %jit3A_3593 : f32 to vector<16xf32>
      %select_n3A_3595 = arith.select %eq3A_3587, %get3A_3592, %broadcast_in_dim3A_3594 : vector<16xi1>, vector<16xf32>
      %add3A_3596 = arith.addf %add3A_3584, %select_n3A_3595 : vector<16xf32>
      %eq3A_3597 = arith.constant 3 : i32
      %eq3A_3598 = vector.broadcast %eq3A_3597 : i32 to vector<16xi32>
      %eq3A_3599 = arith.cmpi eq, %iota3A, %eq3A_3598 : vector<16xi32>
      %get3A_3600 = arith.constant 115 : i32
      %get3A_3601 = arith.index_cast %get3A_3600 : i32 to index
      %get3A_3602 = arith.constant 0 : index
      %get3A_3603 = tpu.vector_load %arg8[%get3A_3601, %get3A_3602] {strides = array<i32>} : memref<256x16xf32, #tpu.memory_space<vmem>>, vector<1x16xf32>,
      %get3A_3604 = vector.shape_cast %get3A_3603 : vector<1x16xf32> to vector<16xf32>
      %jit3A_3605 = arith.constant 0.000000e+00 : f32
      %broadcast_in_dim3A_3606 = vector.broadcast %jit3A_3605 : f32 to vector<16xf32>
      %select_n3A_3607 = arith.select %eq3A_3599, %get3A_3604, %broadcast_in_dim3A_3606 : vector<16xi1>, vector<16xf32>
      %add3A_3608 = arith.addf %add3A_3596, %select_n3A_3607 : vector<16xf32>
      %eq3A_3609 = arith.constant 4 : i32
      %eq3A_3610 = vector.broadcast %eq3A_3609 : i32 to vector<16xi32>
      %eq3A_3611 = arith.cmpi eq, %iota3A, %eq3A_3610 : vector<16xi32>
      %get3A_3612 = arith.constant 116 : i32
      %get3A_3613 = arith.index_cast %get3A_3612 : i32 to index
      %get3A_3614 = arith.constant 0 : index
      %get3A_3615 = tpu.vector_load %arg8[%get3A_3613, %get3A_3614] {strides = array<i32>} : memref<256x16xf32, #tpu.memory_space<vmem>>, vector<1x16xf32>,
      %get3A_3616 = vector.shape_cast %get3A_3615 : vector<1x16xf32> to vector<16xf32>
      %jit3A_3617 = arith.constant 0.000000e+00 : f32
      %broadcast_in_dim3A_3618 = vector.broadcast %jit3A_3617 : f32 to vector<16xf32>
      %select_n3A_3619 = arith.select %eq3A_3611, %get3A_3616, %broadcast_in_dim3A_3618 : vector<16xi1>, vector<16xf32>
      %add3A_3620 = arith.addf %add3A_3608, %select_n3A_3619 : vector<16xf32>
      %eq3A_3621 = arith.constant 5 : i32
      %eq3A_3622 = vector.broadcast %eq3A_3621 : i32 to vector<16xi32>
      %eq3A_3623 = arith.cmpi eq, %iota3A, %eq3A_3622 : vector<16xi32>
      %get3A_3624 = arith.constant 117 : i32
      %get3A_3625 = arith.index_cast %get3A_3624 : i32 to index
      %get3A_3626 = arith.constant 0 : index
      %get3A_3627 = tpu.vector_load %arg8[%get3A_3625, %get3A_3626] {strides = array<i32>} : memref<256x16xf32, #tpu.memory_space<vmem>>, vector<1x16xf32>,
      %get3A_3628 = vector.shape_cast %get3A_3627 : vector<1x16xf32> to vector<16xf32>
      %jit3A_3629 = arith.constant 0.000000e+00 : f32
      %broadcast_in_dim3A_3630 = vector.broadcast %jit3A_3629 : f32 to vector<16xf32>
      %select_n3A_3631 = arith.select %eq3A_3623, %get3A_3628, %broadcast_in_dim3A_3630 : vector<16xi1>, vector<16xf32>
      %add3A_3632 = arith.addf %add3A_3620, %select_n3A_3631 : vector<16xf32>
      %eq3A_3633 = arith.constant 6 : i32
      %eq3A_3634 = vector.broadcast %eq3A_3633 : i32 to vector<16xi32>
      %eq3A_3635 = arith.cmpi eq, %iota3A, %eq3A_3634 : vector<16xi32>
      %get3A_3636 = arith.constant 118 : i32
      %get3A_3637 = arith.index_cast %get3A_3636 : i32 to index
      %get3A_3638 = arith.constant 0 : index
      %get3A_3639 = tpu.vector_load %arg8[%get3A_3637, %get3A_3638] {strides = array<i32>} : memref<256x16xf32, #tpu.memory_space<vmem>>, vector<1x16xf32>,
      %get3A_3640 = vector.shape_cast %get3A_3639 : vector<1x16xf32> to vector<16xf32>
      %jit3A_3641 = arith.constant 0.000000e+00 : f32
      %broadcast_in_dim3A_3642 = vector.broadcast %jit3A_3641 : f32 to vector<16xf32>
      %select_n3A_3643 = arith.select %eq3A_3635, %get3A_3640, %broadcast_in_dim3A_3642 : vector<16xi1>, vector<16xf32>
      %add3A_3644 = arith.addf %add3A_3632, %select_n3A_3643 : vector<16xf32>
      %eq3A_3645 = arith.constant 7 : i32
      %eq3A_3646 = vector.broadcast %eq3A_3645 : i32 to vector<16xi32>
      %eq3A_3647 = arith.cmpi eq, %iota3A, %eq3A_3646 : vector<16xi32>
      %get3A_3648 = arith.constant 119 : i32
      %get3A_3649 = arith.index_cast %get3A_3648 : i32 to index
      %get3A_3650 = arith.constant 0 : index
      %get3A_3651 = tpu.vector_load %arg8[%get3A_3649, %get3A_3650] {strides = array<i32>} : memref<256x16xf32, #tpu.memory_space<vmem>>, vector<1x16xf32>,
      %get3A_3652 = vector.shape_cast %get3A_3651 : vector<1x16xf32> to vector<16xf32>
      %jit3A_3653 = arith.constant 0.000000e+00 : f32
      %broadcast_in_dim3A_3654 = vector.broadcast %jit3A_3653 : f32 to vector<16xf32>
      %select_n3A_3655 = arith.select %eq3A_3647, %get3A_3652, %broadcast_in_dim3A_3654 : vector<16xi1>, vector<16xf32>
      %add3A_3656 = arith.addf %add3A_3644, %select_n3A_3655 : vector<16xf32>
      %eq3A_3657 = arith.constant 8 : i32
      %eq3A_3658 = vector.broadcast %eq3A_3657 : i32 to vector<16xi32>
      %eq3A_3659 = arith.cmpi eq, %iota3A, %eq3A_3658 : vector<16xi32>
      %get3A_3660 = arith.constant 120 : i32
      %get3A_3661 = arith.index_cast %get3A_3660 : i32 to index
      %get3A_3662 = arith.constant 0 : index
      %get3A_3663 = tpu.vector_load %arg8[%get3A_3661, %get3A_3662] {strides = array<i32>} : memref<256x16xf32, #tpu.memory_space<vmem>>, vector<1x16xf32>,
      %get3A_3664 = vector.shape_cast %get3A_3663 : vector<1x16xf32> to vector<16xf32>
      %jit3A_3665 = arith.constant 0.000000e+00 : f32
      %broadcast_in_dim3A_3666 = vector.broadcast %jit3A_3665 : f32 to vector<16xf32>
      %select_n3A_3667 = arith.select %eq3A_3659, %get3A_3664, %broadcast_in_dim3A_3666 : vector<16xi1>, vector<16xf32>
      %add3A_3668 = arith.addf %add3A_3656, %select_n3A_3667 : vector<16xf32>
      %eq3A_3669 = arith.constant 9 : i32
      %eq3A_3670 = vector.broadcast %eq3A_3669 : i32 to vector<16xi32>
      %eq3A_3671 = arith.cmpi eq, %iota3A, %eq3A_3670 : vector<16xi32>
      %get3A_3672 = arith.constant 121 : i32
      %get3A_3673 = arith.index_cast %get3A_3672 : i32 to index
      %get3A_3674 = arith.constant 0 : index
      %get3A_3675 = tpu.vector_load %arg8[%get3A_3673, %get3A_3674] {strides = array<i32>} : memref<256x16xf32, #tpu.memory_space<vmem>>, vector<1x16xf32>,
      %get3A_3676 = vector.shape_cast %get3A_3675 : vector<1x16xf32> to vector<16xf32>
      %jit3A_3677 = arith.constant 0.000000e+00 : f32
      %broadcast_in_dim3A_3678 = vector.broadcast %jit3A_3677 : f32 to vector<16xf32>
      %select_n3A_3679 = arith.select %eq3A_3671, %get3A_3676, %broadcast_in_dim3A_3678 : vector<16xi1>, vector<16xf32>
      %add3A_3680 = arith.addf %add3A_3668, %select_n3A_3679 : vector<16xf32>
      %swap3A_3681 = arith.constant 7 : i32
      %swap3A_3682 = arith.index_cast %swap3A_3681 : i32 to index
      %swap3A_3683 = arith.constant 0 : index
      %swap3A_3684 = tpu.vector_load %arg9[%swap3A_3682, %swap3A_3683] {strides = array<i32>} : memref<16x16xf32, #tpu.memory_space<vmem>>, vector<1x16xf32>,
      %swap3A_3685 = vector.shape_cast %swap3A_3684 : vector<1x16xf32> to vector<16xf32>
      %swap3A_3686 = vector.shape_cast %add3A_3680 : vector<16xf32> to vector<1x16xf32>
      tpu.vector_store %arg9[%swap3A_3682, %swap3A_3683], %swap3A_3686 {strides = array<i32>} : memref<16x16xf32, #tpu.memory_space<vmem>>, vector<1x16xf32>,
      %broadcast_in_dim3A_3687 = arith.constant 0.000000e+00 : f32
      %broadcast_in_dim3A_3688 = vector.broadcast %broadcast_in_dim3A_3687 : f32 to vector<16xf32>
      %eq3A_3689 = arith.constant 0 : i32
      %eq3A_3690 = vector.broadcast %eq3A_3689 : i32 to vector<16xi32>
      %eq3A_3691 = arith.cmpi eq, %iota3A, %eq3A_3690 : vector<16xi32>
      %get3A_3692 = arith.constant 128 : i32
      %get3A_3693 = arith.index_cast %get3A_3692 : i32 to index
      %get3A_3694 = arith.constant 0 : index
      %get3A_3695 = tpu.vector_load %arg8[%get3A_3693, %get3A_3694] {strides = array<i32>} : memref<256x16xf32, #tpu.memory_space<vmem>>, vector<1x16xf32>,
      %get3A_3696 = vector.shape_cast %get3A_3695 : vector<1x16xf32> to vector<16xf32>
      %jit3A_3697 = arith.constant 0.000000e+00 : f32
      %broadcast_in_dim3A_3698 = vector.broadcast %jit3A_3697 : f32 to vector<16xf32>
      %select_n3A_3699 = arith.select %eq3A_3691, %get3A_3696, %broadcast_in_dim3A_3698 : vector<16xi1>, vector<16xf32>
      %add3A_3700 = arith.addf %broadcast_in_dim3A_3688, %select_n3A_3699 : vector<16xf32>
      %eq3A_3701 = arith.constant 1 : i32
      %eq3A_3702 = vector.broadcast %eq3A_3701 : i32 to vector<16xi32>
      %eq3A_3703 = arith.cmpi eq, %iota3A, %eq3A_3702 : vector<16xi32>
      %get3A_3704 = arith.constant 129 : i32
      %get3A_3705 = arith.index_cast %get3A_3704 : i32 to index
      %get3A_3706 = arith.constant 0 : index
      %get3A_3707 = tpu.vector_load %arg8[%get3A_3705, %get3A_3706] {strides = array<i32>} : memref<256x16xf32, #tpu.memory_space<vmem>>, vector<1x16xf32>,
      %get3A_3708 = vector.shape_cast %get3A_3707 : vector<1x16xf32> to vector<16xf32>
      %jit3A_3709 = arith.constant 0.000000e+00 : f32
      %broadcast_in_dim3A_3710 = vector.broadcast %jit3A_3709 : f32 to vector<16xf32>
      %select_n3A_3711 = arith.select %eq3A_3703, %get3A_3708, %broadcast_in_dim3A_3710 : vector<16xi1>, vector<16xf32>
      %add3A_3712 = arith.addf %add3A_3700, %select_n3A_3711 : vector<16xf32>
      %eq3A_3713 = arith.constant 2 : i32
      %eq3A_3714 = vector.broadcast %eq3A_3713 : i32 to vector<16xi32>
      %eq3A_3715 = arith.cmpi eq, %iota3A, %eq3A_3714 : vector<16xi32>
      %get3A_3716 = arith.constant 130 : i32
      %get3A_3717 = arith.index_cast %get3A_3716 : i32 to index
      %get3A_3718 = arith.constant 0 : index
      %get3A_3719 = tpu.vector_load %arg8[%get3A_3717, %get3A_3718] {strides = array<i32>} : memref<256x16xf32, #tpu.memory_space<vmem>>, vector<1x16xf32>,
      %get3A_3720 = vector.shape_cast %get3A_3719 : vector<1x16xf32> to vector<16xf32>
      %jit3A_3721 = arith.constant 0.000000e+00 : f32
      %broadcast_in_dim3A_3722 = vector.broadcast %jit3A_3721 : f32 to vector<16xf32>
      %select_n3A_3723 = arith.select %eq3A_3715, %get3A_3720, %broadcast_in_dim3A_3722 : vector<16xi1>, vector<16xf32>
      %add3A_3724 = arith.addf %add3A_3712, %select_n3A_3723 : vector<16xf32>
      %eq3A_3725 = arith.constant 3 : i32
      %eq3A_3726 = vector.broadcast %eq3A_3725 : i32 to vector<16xi32>
      %eq3A_3727 = arith.cmpi eq, %iota3A, %eq3A_3726 : vector<16xi32>
      %get3A_3728 = arith.constant 131 : i32
      %get3A_3729 = arith.index_cast %get3A_3728 : i32 to index
      %get3A_3730 = arith.constant 0 : index
      %get3A_3731 = tpu.vector_load %arg8[%get3A_3729, %get3A_3730] {strides = array<i32>} : memref<256x16xf32, #tpu.memory_space<vmem>>, vector<1x16xf32>,
      %get3A_3732 = vector.shape_cast %get3A_3731 : vector<1x16xf32> to vector<16xf32>
      %jit3A_3733 = arith.constant 0.000000e+00 : f32
      %broadcast_in_dim3A_3734 = vector.broadcast %jit3A_3733 : f32 to vector<16xf32>
      %select_n3A_3735 = arith.select %eq3A_3727, %get3A_3732, %broadcast_in_dim3A_3734 : vector<16xi1>, vector<16xf32>
      %add3A_3736 = arith.addf %add3A_3724, %select_n3A_3735 : vector<16xf32>
      %eq3A_3737 = arith.constant 4 : i32
      %eq3A_3738 = vector.broadcast %eq3A_3737 : i32 to vector<16xi32>
      %eq3A_3739 = arith.cmpi eq, %iota3A, %eq3A_3738 : vector<16xi32>
      %get3A_3740 = arith.constant 132 : i32
      %get3A_3741 = arith.index_cast %get3A_3740 : i32 to index
      %get3A_3742 = arith.constant 0 : index
      %get3A_3743 = tpu.vector_load %arg8[%get3A_3741, %get3A_3742] {strides = array<i32>} : memref<256x16xf32, #tpu.memory_space<vmem>>, vector<1x16xf32>,
      %get3A_3744 = vector.shape_cast %get3A_3743 : vector<1x16xf32> to vector<16xf32>
      %jit3A_3745 = arith.constant 0.000000e+00 : f32
      %broadcast_in_dim3A_3746 = vector.broadcast %jit3A_3745 : f32 to vector<16xf32>
      %select_n3A_3747 = arith.select %eq3A_3739, %get3A_3744, %broadcast_in_dim3A_3746 : vector<16xi1>, vector<16xf32>
      %add3A_3748 = arith.addf %add3A_3736, %select_n3A_3747 : vector<16xf32>
      %eq3A_3749 = arith.constant 5 : i32
      %eq3A_3750 = vector.broadcast %eq3A_3749 : i32 to vector<16xi32>
      %eq3A_3751 = arith.cmpi eq, %iota3A, %eq3A_3750 : vector<16xi32>
      %get3A_3752 = arith.constant 133 : i32
      %get3A_3753 = arith.index_cast %get3A_3752 : i32 to index
      %get3A_3754 = arith.constant 0 : index
      %get3A_3755 = tpu.vector_load %arg8[%get3A_3753, %get3A_3754] {strides = array<i32>} : memref<256x16xf32, #tpu.memory_space<vmem>>, vector<1x16xf32>,
      %get3A_3756 = vector.shape_cast %get3A_3755 : vector<1x16xf32> to vector<16xf32>
      %jit3A_3757 = arith.constant 0.000000e+00 : f32
      %broadcast_in_dim3A_3758 = vector.broadcast %jit3A_3757 : f32 to vector<16xf32>
      %select_n3A_3759 = arith.select %eq3A_3751, %get3A_3756, %broadcast_in_dim3A_3758 : vector<16xi1>, vector<16xf32>
      %add3A_3760 = arith.addf %add3A_3748, %select_n3A_3759 : vector<16xf32>
      %eq3A_3761 = arith.constant 6 : i32
      %eq3A_3762 = vector.broadcast %eq3A_3761 : i32 to vector<16xi32>
      %eq3A_3763 = arith.cmpi eq, %iota3A, %eq3A_3762 : vector<16xi32>
      %get3A_3764 = arith.constant 134 : i32
      %get3A_3765 = arith.index_cast %get3A_3764 : i32 to index
      %get3A_3766 = arith.constant 0 : index
      %get3A_3767 = tpu.vector_load %arg8[%get3A_3765, %get3A_3766] {strides = array<i32>} : memref<256x16xf32, #tpu.memory_space<vmem>>, vector<1x16xf32>,
      %get3A_3768 = vector.shape_cast %get3A_3767 : vector<1x16xf32> to vector<16xf32>
      %jit3A_3769 = arith.constant 0.000000e+00 : f32
      %broadcast_in_dim3A_3770 = vector.broadcast %jit3A_3769 : f32 to vector<16xf32>
      %select_n3A_3771 = arith.select %eq3A_3763, %get3A_3768, %broadcast_in_dim3A_3770 : vector<16xi1>, vector<16xf32>
      %add3A_3772 = arith.addf %add3A_3760, %select_n3A_3771 : vector<16xf32>
      %eq3A_3773 = arith.constant 7 : i32
      %eq3A_3774 = vector.broadcast %eq3A_3773 : i32 to vector<16xi32>
      %eq3A_3775 = arith.cmpi eq, %iota3A, %eq3A_3774 : vector<16xi32>
      %get3A_3776 = arith.constant 135 : i32
      %get3A_3777 = arith.index_cast %get3A_3776 : i32 to index
      %get3A_3778 = arith.constant 0 : index
      %get3A_3779 = tpu.vector_load %arg8[%get3A_3777, %get3A_3778] {strides = array<i32>} : memref<256x16xf32, #tpu.memory_space<vmem>>, vector<1x16xf32>,
      %get3A_3780 = vector.shape_cast %get3A_3779 : vector<1x16xf32> to vector<16xf32>
      %jit3A_3781 = arith.constant 0.000000e+00 : f32
      %broadcast_in_dim3A_3782 = vector.broadcast %jit3A_3781 : f32 to vector<16xf32>
      %select_n3A_3783 = arith.select %eq3A_3775, %get3A_3780, %broadcast_in_dim3A_3782 : vector<16xi1>, vector<16xf32>
      %add3A_3784 = arith.addf %add3A_3772, %select_n3A_3783 : vector<16xf32>
      %eq3A_3785 = arith.constant 8 : i32
      %eq3A_3786 = vector.broadcast %eq3A_3785 : i32 to vector<16xi32>
      %eq3A_3787 = arith.cmpi eq, %iota3A, %eq3A_3786 : vector<16xi32>
      %get3A_3788 = arith.constant 136 : i32
      %get3A_3789 = arith.index_cast %get3A_3788 : i32 to index
      %get3A_3790 = arith.constant 0 : index
      %get3A_3791 = tpu.vector_load %arg8[%get3A_3789, %get3A_3790] {strides = array<i32>} : memref<256x16xf32, #tpu.memory_space<vmem>>, vector<1x16xf32>,
      %get3A_3792 = vector.shape_cast %get3A_3791 : vector<1x16xf32> to vector<16xf32>
      %jit3A_3793 = arith.constant 0.000000e+00 : f32
      %broadcast_in_dim3A_3794 = vector.broadcast %jit3A_3793 : f32 to vector<16xf32>
      %select_n3A_3795 = arith.select %eq3A_3787, %get3A_3792, %broadcast_in_dim3A_3794 : vector<16xi1>, vector<16xf32>
      %add3A_3796 = arith.addf %add3A_3784, %select_n3A_3795 : vector<16xf32>
      %eq3A_3797 = arith.constant 9 : i32
      %eq3A_3798 = vector.broadcast %eq3A_3797 : i32 to vector<16xi32>
      %eq3A_3799 = arith.cmpi eq, %iota3A, %eq3A_3798 : vector<16xi32>
      %get3A_3800 = arith.constant 137 : i32
      %get3A_3801 = arith.index_cast %get3A_3800 : i32 to index
      %get3A_3802 = arith.constant 0 : index
      %get3A_3803 = tpu.vector_load %arg8[%get3A_3801, %get3A_3802] {strides = array<i32>} : memref<256x16xf32, #tpu.memory_space<vmem>>, vector<1x16xf32>,
      %get3A_3804 = vector.shape_cast %get3A_3803 : vector<1x16xf32> to vector<16xf32>
      %jit3A_3805 = arith.constant 0.000000e+00 : f32
      %broadcast_in_dim3A_3806 = vector.broadcast %jit3A_3805 : f32 to vector<16xf32>
      %select_n3A_3807 = arith.select %eq3A_3799, %get3A_3804, %broadcast_in_dim3A_3806 : vector<16xi1>, vector<16xf32>
      %add3A_3808 = arith.addf %add3A_3796, %select_n3A_3807 : vector<16xf32>
      %swap3A_3809 = arith.constant 8 : i32
      %swap3A_3810 = arith.index_cast %swap3A_3809 : i32 to index
      %swap3A_3811 = arith.constant 0 : index
      %swap3A_3812 = tpu.vector_load %arg9[%swap3A_3810, %swap3A_3811] {strides = array<i32>} : memref<16x16xf32, #tpu.memory_space<vmem>>, vector<1x16xf32>,
      %swap3A_3813 = vector.shape_cast %swap3A_3812 : vector<1x16xf32> to vector<16xf32>
      %swap3A_3814 = vector.shape_cast %add3A_3808 : vector<16xf32> to vector<1x16xf32>
      tpu.vector_store %arg9[%swap3A_3810, %swap3A_3811], %swap3A_3814 {strides = array<i32>} : memref<16x16xf32, #tpu.memory_space<vmem>>, vector<1x16xf32>,
      %broadcast_in_dim3A_3815 = arith.constant 0.000000e+00 : f32
      %broadcast_in_dim3A_3816 = vector.broadcast %broadcast_in_dim3A_3815 : f32 to vector<16xf32>
      %eq3A_3817 = arith.constant 0 : i32
      %eq3A_3818 = vector.broadcast %eq3A_3817 : i32 to vector<16xi32>
      %eq3A_3819 = arith.cmpi eq, %iota3A, %eq3A_3818 : vector<16xi32>
      %get3A_3820 = arith.constant 144 : i32
      %get3A_3821 = arith.index_cast %get3A_3820 : i32 to index
      %get3A_3822 = arith.constant 0 : index
      %get3A_3823 = tpu.vector_load %arg8[%get3A_3821, %get3A_3822] {strides = array<i32>} : memref<256x16xf32, #tpu.memory_space<vmem>>, vector<1x16xf32>,
      %get3A_3824 = vector.shape_cast %get3A_3823 : vector<1x16xf32> to vector<16xf32>
      %jit3A_3825 = arith.constant 0.000000e+00 : f32
      %broadcast_in_dim3A_3826 = vector.broadcast %jit3A_3825 : f32 to vector<16xf32>
      %select_n3A_3827 = arith.select %eq3A_3819, %get3A_3824, %broadcast_in_dim3A_3826 : vector<16xi1>, vector<16xf32>
      %add3A_3828 = arith.addf %broadcast_in_dim3A_3816, %select_n3A_3827 : vector<16xf32>
      %eq3A_3829 = arith.constant 1 : i32
      %eq3A_3830 = vector.broadcast %eq3A_3829 : i32 to vector<16xi32>
      %eq3A_3831 = arith.cmpi eq, %iota3A, %eq3A_3830 : vector<16xi32>
      %get3A_3832 = arith.constant 145 : i32
      %get3A_3833 = arith.index_cast %get3A_3832 : i32 to index
      %get3A_3834 = arith.constant 0 : index
      %get3A_3835 = tpu.vector_load %arg8[%get3A_3833, %get3A_3834] {strides = array<i32>} : memref<256x16xf32, #tpu.memory_space<vmem>>, vector<1x16xf32>,
      %get3A_3836 = vector.shape_cast %get3A_3835 : vector<1x16xf32> to vector<16xf32>
      %jit3A_3837 = arith.constant 0.000000e+00 : f32
      %broadcast_in_dim3A_3838 = vector.broadcast %jit3A_3837 : f32 to vector<16xf32>
      %select_n3A_3839 = arith.select %eq3A_3831, %get3A_3836, %broadcast_in_dim3A_3838 : vector<16xi1>, vector<16xf32>
      %add3A_3840 = arith.addf %add3A_3828, %select_n3A_3839 : vector<16xf32>
      %eq3A_3841 = arith.constant 2 : i32
      %eq3A_3842 = vector.broadcast %eq3A_3841 : i32 to vector<16xi32>
      %eq3A_3843 = arith.cmpi eq, %iota3A, %eq3A_3842 : vector<16xi32>
      %get3A_3844 = arith.constant 146 : i32
      %get3A_3845 = arith.index_cast %get3A_3844 : i32 to index
      %get3A_3846 = arith.constant 0 : index
      %get3A_3847 = tpu.vector_load %arg8[%get3A_3845, %get3A_3846] {strides = array<i32>} : memref<256x16xf32, #tpu.memory_space<vmem>>, vector<1x16xf32>,
      %get3A_3848 = vector.shape_cast %get3A_3847 : vector<1x16xf32> to vector<16xf32>
      %jit3A_3849 = arith.constant 0.000000e+00 : f32
      %broadcast_in_dim3A_3850 = vector.broadcast %jit3A_3849 : f32 to vector<16xf32>
      %select_n3A_3851 = arith.select %eq3A_3843, %get3A_3848, %broadcast_in_dim3A_3850 : vector<16xi1>, vector<16xf32>
      %add3A_3852 = arith.addf %add3A_3840, %select_n3A_3851 : vector<16xf32>
      %eq3A_3853 = arith.constant 3 : i32
      %eq3A_3854 = vector.broadcast %eq3A_3853 : i32 to vector<16xi32>
      %eq3A_3855 = arith.cmpi eq, %iota3A, %eq3A_3854 : vector<16xi32>
      %get3A_3856 = arith.constant 147 : i32
      %get3A_3857 = arith.index_cast %get3A_3856 : i32 to index
      %get3A_3858 = arith.constant 0 : index
      %get3A_3859 = tpu.vector_load %arg8[%get3A_3857, %get3A_3858] {strides = array<i32>} : memref<256x16xf32, #tpu.memory_space<vmem>>, vector<1x16xf32>,
      %get3A_3860 = vector.shape_cast %get3A_3859 : vector<1x16xf32> to vector<16xf32>
      %jit3A_3861 = arith.constant 0.000000e+00 : f32
      %broadcast_in_dim3A_3862 = vector.broadcast %jit3A_3861 : f32 to vector<16xf32>
      %select_n3A_3863 = arith.select %eq3A_3855, %get3A_3860, %broadcast_in_dim3A_3862 : vector<16xi1>, vector<16xf32>
      %add3A_3864 = arith.addf %add3A_3852, %select_n3A_3863 : vector<16xf32>
      %eq3A_3865 = arith.constant 4 : i32
      %eq3A_3866 = vector.broadcast %eq3A_3865 : i32 to vector<16xi32>
      %eq3A_3867 = arith.cmpi eq, %iota3A, %eq3A_3866 : vector<16xi32>
      %get3A_3868 = arith.constant 148 : i32
      %get3A_3869 = arith.index_cast %get3A_3868 : i32 to index
      %get3A_3870 = arith.constant 0 : index
      %get3A_3871 = tpu.vector_load %arg8[%get3A_3869, %get3A_3870] {strides = array<i32>} : memref<256x16xf32, #tpu.memory_space<vmem>>, vector<1x16xf32>,
      %get3A_3872 = vector.shape_cast %get3A_3871 : vector<1x16xf32> to vector<16xf32>
      %jit3A_3873 = arith.constant 0.000000e+00 : f32
      %broadcast_in_dim3A_3874 = vector.broadcast %jit3A_3873 : f32 to vector<16xf32>
      %select_n3A_3875 = arith.select %eq3A_3867, %get3A_3872, %broadcast_in_dim3A_3874 : vector<16xi1>, vector<16xf32>
      %add3A_3876 = arith.addf %add3A_3864, %select_n3A_3875 : vector<16xf32>
      %eq3A_3877 = arith.constant 5 : i32
      %eq3A_3878 = vector.broadcast %eq3A_3877 : i32 to vector<16xi32>
      %eq3A_3879 = arith.cmpi eq, %iota3A, %eq3A_3878 : vector<16xi32>
      %get3A_3880 = arith.constant 149 : i32
      %get3A_3881 = arith.index_cast %get3A_3880 : i32 to index
      %get3A_3882 = arith.constant 0 : index
      %get3A_3883 = tpu.vector_load %arg8[%get3A_3881, %get3A_3882] {strides = array<i32>} : memref<256x16xf32, #tpu.memory_space<vmem>>, vector<1x16xf32>,
      %get3A_3884 = vector.shape_cast %get3A_3883 : vector<1x16xf32> to vector<16xf32>
      %jit3A_3885 = arith.constant 0.000000e+00 : f32
      %broadcast_in_dim3A_3886 = vector.broadcast %jit3A_3885 : f32 to vector<16xf32>
      %select_n3A_3887 = arith.select %eq3A_3879, %get3A_3884, %broadcast_in_dim3A_3886 : vector<16xi1>, vector<16xf32>
      %add3A_3888 = arith.addf %add3A_3876, %select_n3A_3887 : vector<16xf32>
      %eq3A_3889 = arith.constant 6 : i32
      %eq3A_3890 = vector.broadcast %eq3A_3889 : i32 to vector<16xi32>
      %eq3A_3891 = arith.cmpi eq, %iota3A, %eq3A_3890 : vector<16xi32>
      %get3A_3892 = arith.constant 150 : i32
      %get3A_3893 = arith.index_cast %get3A_3892 : i32 to index
      %get3A_3894 = arith.constant 0 : index
      %get3A_3895 = tpu.vector_load %arg8[%get3A_3893, %get3A_3894] {strides = array<i32>} : memref<256x16xf32, #tpu.memory_space<vmem>>, vector<1x16xf32>,
      %get3A_3896 = vector.shape_cast %get3A_3895 : vector<1x16xf32> to vector<16xf32>
      %jit3A_3897 = arith.constant 0.000000e+00 : f32
      %broadcast_in_dim3A_3898 = vector.broadcast %jit3A_3897 : f32 to vector<16xf32>
      %select_n3A_3899 = arith.select %eq3A_3891, %get3A_3896, %broadcast_in_dim3A_3898 : vector<16xi1>, vector<16xf32>
      %add3A_3900 = arith.addf %add3A_3888, %select_n3A_3899 : vector<16xf32>
      %eq3A_3901 = arith.constant 7 : i32
      %eq3A_3902 = vector.broadcast %eq3A_3901 : i32 to vector<16xi32>
      %eq3A_3903 = arith.cmpi eq, %iota3A, %eq3A_3902 : vector<16xi32>
      %get3A_3904 = arith.constant 151 : i32
      %get3A_3905 = arith.index_cast %get3A_3904 : i32 to index
      %get3A_3906 = arith.constant 0 : index
      %get3A_3907 = tpu.vector_load %arg8[%get3A_3905, %get3A_3906] {strides = array<i32>} : memref<256x16xf32, #tpu.memory_space<vmem>>, vector<1x16xf32>,
      %get3A_3908 = vector.shape_cast %get3A_3907 : vector<1x16xf32> to vector<16xf32>
      %jit3A_3909 = arith.constant 0.000000e+00 : f32
      %broadcast_in_dim3A_3910 = vector.broadcast %jit3A_3909 : f32 to vector<16xf32>
      %select_n3A_3911 = arith.select %eq3A_3903, %get3A_3908, %broadcast_in_dim3A_3910 : vector<16xi1>, vector<16xf32>
      %add3A_3912 = arith.addf %add3A_3900, %select_n3A_3911 : vector<16xf32>
      %eq3A_3913 = arith.constant 8 : i32
      %eq3A_3914 = vector.broadcast %eq3A_3913 : i32 to vector<16xi32>
      %eq3A_3915 = arith.cmpi eq, %iota3A, %eq3A_3914 : vector<16xi32>
      %get3A_3916 = arith.constant 152 : i32
      %get3A_3917 = arith.index_cast %get3A_3916 : i32 to index
      %get3A_3918 = arith.constant 0 : index
      %get3A_3919 = tpu.vector_load %arg8[%get3A_3917, %get3A_3918] {strides = array<i32>} : memref<256x16xf32, #tpu.memory_space<vmem>>, vector<1x16xf32>,
      %get3A_3920 = vector.shape_cast %get3A_3919 : vector<1x16xf32> to vector<16xf32>
      %jit3A_3921 = arith.constant 0.000000e+00 : f32
      %broadcast_in_dim3A_3922 = vector.broadcast %jit3A_3921 : f32 to vector<16xf32>
      %select_n3A_3923 = arith.select %eq3A_3915, %get3A_3920, %broadcast_in_dim3A_3922 : vector<16xi1>, vector<16xf32>
      %add3A_3924 = arith.addf %add3A_3912, %select_n3A_3923 : vector<16xf32>
      %eq3A_3925 = arith.constant 9 : i32
      %eq3A_3926 = vector.broadcast %eq3A_3925 : i32 to vector<16xi32>
      %eq3A_3927 = arith.cmpi eq, %iota3A, %eq3A_3926 : vector<16xi32>
      %get3A_3928 = arith.constant 153 : i32
      %get3A_3929 = arith.index_cast %get3A_3928 : i32 to index
      %get3A_3930 = arith.constant 0 : index
      %get3A_3931 = tpu.vector_load %arg8[%get3A_3929, %get3A_3930] {strides = array<i32>} : memref<256x16xf32, #tpu.memory_space<vmem>>, vector<1x16xf32>,
      %get3A_3932 = vector.shape_cast %get3A_3931 : vector<1x16xf32> to vector<16xf32>
      %jit3A_3933 = arith.constant 0.000000e+00 : f32
      %broadcast_in_dim3A_3934 = vector.broadcast %jit3A_3933 : f32 to vector<16xf32>
      %select_n3A_3935 = arith.select %eq3A_3927, %get3A_3932, %broadcast_in_dim3A_3934 : vector<16xi1>, vector<16xf32>
      %add3A_3936 = arith.addf %add3A_3924, %select_n3A_3935 : vector<16xf32>
      %swap3A_3937 = arith.constant 9 : i32
      %swap3A_3938 = arith.index_cast %swap3A_3937 : i32 to index
      %swap3A_3939 = arith.constant 0 : index
      %swap3A_3940 = tpu.vector_load %arg9[%swap3A_3938, %swap3A_3939] {strides = array<i32>} : memref<16x16xf32, #tpu.memory_space<vmem>>, vector<1x16xf32>,
      %swap3A_3941 = vector.shape_cast %swap3A_3940 : vector<1x16xf32> to vector<16xf32>
      %swap3A_3942 = vector.shape_cast %add3A_3936 : vector<16xf32> to vector<1x16xf32>
      tpu.vector_store %arg9[%swap3A_3938, %swap3A_3939], %swap3A_3942 {strides = array<i32>} : memref<16x16xf32, #tpu.memory_space<vmem>>, vector<1x16xf32>,
      "tpu.region"() ({
        %run_scoped3A = tpu.sem_alloc : memref<!tpu.dma_semaphore, #tpu.memory_space<semaphore_mem>>
        tpu.enqueue_dma source(%arg9 : memref<16x16xf32, #tpu.memory_space<vmem>>) target(%arg3 : memref<16x16xf32, #tpu.memory_space<hbm>>) target_semaphore(%run_scoped3A : memref<!tpu.dma_semaphore, #tpu.memory_space<semaphore_mem>>)
        tpu.wait_dma2 semaphore(%run_scoped3A : memref<!tpu.dma_semaphore, #tpu.memory_space<semaphore_mem>>) src(%arg9 : memref<16x16xf32, #tpu.memory_space<vmem>>) dst(%arg3 : memref<16x16xf32, #tpu.memory_space<hbm>>)
        tpu.yield
      }) : () -> ()
    } else {
    }
    return
  }
}

module attributes {stable_mosaic.version = 14 : i64} {
  func.func @_fused(%arg0: memref<10x512xf32, #tpu.memory_space<vmem>>, %arg1: memref<16x16xf32, #tpu.memory_space<vmem>>, %arg2: memref<1x512xf32, #tpu.memory_space<vmem>>, %arg3: memref<1x512xf32, #tpu.memory_space<vmem>>, %arg4: memref<1x512xf32, #tpu.memory_space<vmem>>, %arg5: memref<1x512xf32, #tpu.memory_space<vmem>>, %arg6: memref<1x512xf32, #tpu.memory_space<vmem>>, %arg7: memref<1x512xf32, #tpu.memory_space<vmem>>, %arg8: memref<1x512xf32, #tpu.memory_space<vmem>>, %arg9: memref<1x512xf32, #tpu.memory_space<vmem>>, %arg10: memref<1x1xf32, #tpu.memory_space<vmem>>, %arg11: memref<1x512xf32, #tpu.memory_space<vmem>>, %arg12: memref<1x512xf32, #tpu.memory_space<vmem>>, %arg13: memref<1x10xf32, #tpu.memory_space<vmem>>, %arg14: memref<10x10xf32, #tpu.memory_space<vmem>>, %arg15: memref<1x512xf32, #tpu.memory_space<vmem>>, %arg16: memref<1x1xf32, #tpu.memory_space<vmem>>, %arg17: memref<512x512xf32, #tpu.memory_space<vmem>>, %arg18: memref<1x512xf32, #tpu.memory_space<vmem>>, %arg19: memref<512x512xf32, #tpu.memory_space<vmem>>, %arg20: memref<512x512xf32, #tpu.memory_space<vmem>>, %arg21: memref<512x512xf32, #tpu.memory_space<vmem>>, %arg22: memref<512x512xf32, #tpu.memory_space<vmem>>, %arg23: memref<512x512xf32, #tpu.memory_space<vmem>>, %arg24: memref<512x512xf32, #tpu.memory_space<vmem>>, %arg25: memref<512x512xf32, #tpu.memory_space<vmem>>, %arg26: memref<512x512xf32, #tpu.memory_space<vmem>>, %arg27: memref<10x1xf32, #tpu.memory_space<vmem>>, %arg28: memref<10x1xf32, #tpu.memory_space<vmem>>) attributes {dimension_semantics = [], scalar_prefetch = 0 : i64, scratch_operands = 0 : i64, tpu.core_type = #tpu.core_type<tc>} {
    %get3A = arith.constant 0 : index
    %get3A_0 = arith.constant 0 : index
    %get3A_1 = vector.load %arg0[%get3A, %get3A_0] : memref<10x512xf32, #tpu.memory_space<vmem>>, vector<10x512xf32>
    %get3A_2 = arith.constant 0 : index
    %get3A_3 = arith.constant 0 : index
    %get3A_4 = vector.load %arg19[%get3A_2, %get3A_3] : memref<512x512xf32, #tpu.memory_space<vmem>>, vector<512x512xf32>
    %dot_general3A = arith.constant dense<0.000000e+00> : vector<10x512xf32>
    %dot_general3A_5 = tpu.matmul %get3A_1, %get3A_4, %dot_general3A {dimension_numbers = #tpu.dot_dimension_numbers<[1], [1], [0], [0], [0, 0, 1, 0], [], []>, transpose_lhs_hint = false} : vector<10x512xf32>, vector<512x512xf32>, vector<10x512xf32> -> vector<10x512xf32>
    %get3A_6 = arith.constant 0 : index
    %get3A_7 = arith.constant 0 : index
    %get3A_8 = vector.load %arg2[%get3A_6, %get3A_7] : memref<1x512xf32, #tpu.memory_space<vmem>>, vector<1x512xf32>
    %add3A = vector.broadcast %get3A_8 : vector<1x512xf32> to vector<10x512xf32>
    %add3A_9 = arith.addf %dot_general3A_5, %add3A : vector<10x512xf32>
    %max3A = arith.constant 0.000000e+00 : f32
    %max3A_10 = vector.broadcast %max3A : f32 to vector<10x512xf32>
    %max3A_11 = arith.maximumf %add3A_9, %max3A_10 : vector<10x512xf32>
    %get3A_12 = arith.constant 0 : index
    %get3A_13 = arith.constant 0 : index
    %get3A_14 = vector.load %arg20[%get3A_12, %get3A_13] : memref<512x512xf32, #tpu.memory_space<vmem>>, vector<512x512xf32>
    %dot_general3A_15 = arith.constant dense<0.000000e+00> : vector<10x512xf32>
    %dot_general3A_16 = tpu.matmul %max3A_11, %get3A_14, %dot_general3A_15 {dimension_numbers = #tpu.dot_dimension_numbers<[1], [1], [0], [0], [0, 0, 1, 0], [], []>, transpose_lhs_hint = false} : vector<10x512xf32>, vector<512x512xf32>, vector<10x512xf32> -> vector<10x512xf32>
    %get3A_17 = arith.constant 0 : index
    %get3A_18 = arith.constant 0 : index
    %get3A_19 = vector.load %arg3[%get3A_17, %get3A_18] : memref<1x512xf32, #tpu.memory_space<vmem>>, vector<1x512xf32>
    %add3A_20 = vector.broadcast %get3A_19 : vector<1x512xf32> to vector<10x512xf32>
    %add3A_21 = arith.addf %dot_general3A_16, %add3A_20 : vector<10x512xf32>
    %max3A_22 = arith.constant 0.000000e+00 : f32
    %max3A_23 = vector.broadcast %max3A_22 : f32 to vector<10x512xf32>
    %max3A_24 = arith.maximumf %add3A_21, %max3A_23 : vector<10x512xf32>
    %add3A_25 = arith.addf %max3A_24, %get3A_1 : vector<10x512xf32>
    %max3A_26 = arith.constant 0.000000e+00 : f32
    %max3A_27 = vector.broadcast %max3A_26 : f32 to vector<10x512xf32>
    %max3A_28 = arith.maximumf %add3A_25, %max3A_27 : vector<10x512xf32>
    %get3A_29 = arith.constant 0 : index
    %get3A_30 = arith.constant 0 : index
    %get3A_31 = vector.load %arg21[%get3A_29, %get3A_30] : memref<512x512xf32, #tpu.memory_space<vmem>>, vector<512x512xf32>
    %dot_general3A_32 = arith.constant dense<0.000000e+00> : vector<10x512xf32>
    %dot_general3A_33 = tpu.matmul %max3A_28, %get3A_31, %dot_general3A_32 {dimension_numbers = #tpu.dot_dimension_numbers<[1], [1], [0], [0], [0, 0, 1, 0], [], []>, transpose_lhs_hint = false} : vector<10x512xf32>, vector<512x512xf32>, vector<10x512xf32> -> vector<10x512xf32>
    %get3A_34 = arith.constant 0 : index
    %get3A_35 = arith.constant 0 : index
    %get3A_36 = vector.load %arg4[%get3A_34, %get3A_35] : memref<1x512xf32, #tpu.memory_space<vmem>>, vector<1x512xf32>
    %add3A_37 = vector.broadcast %get3A_36 : vector<1x512xf32> to vector<10x512xf32>
    %add3A_38 = arith.addf %dot_general3A_33, %add3A_37 : vector<10x512xf32>
    %max3A_39 = arith.constant 0.000000e+00 : f32
    %max3A_40 = vector.broadcast %max3A_39 : f32 to vector<10x512xf32>
    %max3A_41 = arith.maximumf %add3A_38, %max3A_40 : vector<10x512xf32>
    %get3A_42 = arith.constant 0 : index
    %get3A_43 = arith.constant 0 : index
    %get3A_44 = vector.load %arg22[%get3A_42, %get3A_43] : memref<512x512xf32, #tpu.memory_space<vmem>>, vector<512x512xf32>
    %dot_general3A_45 = arith.constant dense<0.000000e+00> : vector<10x512xf32>
    %dot_general3A_46 = tpu.matmul %max3A_41, %get3A_44, %dot_general3A_45 {dimension_numbers = #tpu.dot_dimension_numbers<[1], [1], [0], [0], [0, 0, 1, 0], [], []>, transpose_lhs_hint = false} : vector<10x512xf32>, vector<512x512xf32>, vector<10x512xf32> -> vector<10x512xf32>
    %get3A_47 = arith.constant 0 : index
    %get3A_48 = arith.constant 0 : index
    %get3A_49 = vector.load %arg5[%get3A_47, %get3A_48] : memref<1x512xf32, #tpu.memory_space<vmem>>, vector<1x512xf32>
    %add3A_50 = vector.broadcast %get3A_49 : vector<1x512xf32> to vector<10x512xf32>
    %add3A_51 = arith.addf %dot_general3A_46, %add3A_50 : vector<10x512xf32>
    %max3A_52 = arith.constant 0.000000e+00 : f32
    %max3A_53 = vector.broadcast %max3A_52 : f32 to vector<10x512xf32>
    %max3A_54 = arith.maximumf %add3A_51, %max3A_53 : vector<10x512xf32>
    %add3A_55 = arith.addf %max3A_54, %max3A_28 : vector<10x512xf32>
    %max3A_56 = arith.constant 0.000000e+00 : f32
    %max3A_57 = vector.broadcast %max3A_56 : f32 to vector<10x512xf32>
    %max3A_58 = arith.maximumf %add3A_55, %max3A_57 : vector<10x512xf32>
    %get3A_59 = arith.constant 0 : index
    %get3A_60 = arith.constant 0 : index
    %get3A_61 = vector.load %arg23[%get3A_59, %get3A_60] : memref<512x512xf32, #tpu.memory_space<vmem>>, vector<512x512xf32>
    %dot_general3A_62 = arith.constant dense<0.000000e+00> : vector<10x512xf32>
    %dot_general3A_63 = tpu.matmul %max3A_58, %get3A_61, %dot_general3A_62 {dimension_numbers = #tpu.dot_dimension_numbers<[1], [1], [0], [0], [0, 0, 1, 0], [], []>, transpose_lhs_hint = false} : vector<10x512xf32>, vector<512x512xf32>, vector<10x512xf32> -> vector<10x512xf32>
    %get3A_64 = arith.constant 0 : index
    %get3A_65 = arith.constant 0 : index
    %get3A_66 = vector.load %arg6[%get3A_64, %get3A_65] : memref<1x512xf32, #tpu.memory_space<vmem>>, vector<1x512xf32>
    %add3A_67 = vector.broadcast %get3A_66 : vector<1x512xf32> to vector<10x512xf32>
    %add3A_68 = arith.addf %dot_general3A_63, %add3A_67 : vector<10x512xf32>
    %max3A_69 = arith.constant 0.000000e+00 : f32
    %max3A_70 = vector.broadcast %max3A_69 : f32 to vector<10x512xf32>
    %max3A_71 = arith.maximumf %add3A_68, %max3A_70 : vector<10x512xf32>
    %get3A_72 = arith.constant 0 : index
    %get3A_73 = arith.constant 0 : index
    %get3A_74 = vector.load %arg24[%get3A_72, %get3A_73] : memref<512x512xf32, #tpu.memory_space<vmem>>, vector<512x512xf32>
    %dot_general3A_75 = arith.constant dense<0.000000e+00> : vector<10x512xf32>
    %dot_general3A_76 = tpu.matmul %max3A_71, %get3A_74, %dot_general3A_75 {dimension_numbers = #tpu.dot_dimension_numbers<[1], [1], [0], [0], [0, 0, 1, 0], [], []>, transpose_lhs_hint = false} : vector<10x512xf32>, vector<512x512xf32>, vector<10x512xf32> -> vector<10x512xf32>
    %get3A_77 = arith.constant 0 : index
    %get3A_78 = arith.constant 0 : index
    %get3A_79 = vector.load %arg7[%get3A_77, %get3A_78] : memref<1x512xf32, #tpu.memory_space<vmem>>, vector<1x512xf32>
    %add3A_80 = vector.broadcast %get3A_79 : vector<1x512xf32> to vector<10x512xf32>
    %add3A_81 = arith.addf %dot_general3A_76, %add3A_80 : vector<10x512xf32>
    %max3A_82 = arith.constant 0.000000e+00 : f32
    %max3A_83 = vector.broadcast %max3A_82 : f32 to vector<10x512xf32>
    %max3A_84 = arith.maximumf %add3A_81, %max3A_83 : vector<10x512xf32>
    %add3A_85 = arith.addf %max3A_84, %max3A_58 : vector<10x512xf32>
    %max3A_86 = arith.constant 0.000000e+00 : f32
    %max3A_87 = vector.broadcast %max3A_86 : f32 to vector<10x512xf32>
    %max3A_88 = arith.maximumf %add3A_85, %max3A_87 : vector<10x512xf32>
    %get3A_89 = arith.constant 0 : index
    %get3A_90 = arith.constant 0 : index
    %get3A_91 = vector.load %arg25[%get3A_89, %get3A_90] : memref<512x512xf32, #tpu.memory_space<vmem>>, vector<512x512xf32>
    %dot_general3A_92 = arith.constant dense<0.000000e+00> : vector<10x512xf32>
    %dot_general3A_93 = tpu.matmul %max3A_88, %get3A_91, %dot_general3A_92 {dimension_numbers = #tpu.dot_dimension_numbers<[1], [1], [0], [0], [0, 0, 1, 0], [], []>, transpose_lhs_hint = false} : vector<10x512xf32>, vector<512x512xf32>, vector<10x512xf32> -> vector<10x512xf32>
    %get3A_94 = arith.constant 0 : index
    %get3A_95 = arith.constant 0 : index
    %get3A_96 = vector.load %arg8[%get3A_94, %get3A_95] : memref<1x512xf32, #tpu.memory_space<vmem>>, vector<1x512xf32>
    %add3A_97 = vector.broadcast %get3A_96 : vector<1x512xf32> to vector<10x512xf32>
    %add3A_98 = arith.addf %dot_general3A_93, %add3A_97 : vector<10x512xf32>
    %max3A_99 = arith.constant 0.000000e+00 : f32
    %max3A_100 = vector.broadcast %max3A_99 : f32 to vector<10x512xf32>
    %max3A_101 = arith.maximumf %add3A_98, %max3A_100 : vector<10x512xf32>
    %get3A_102 = arith.constant 0 : index
    %get3A_103 = arith.constant 0 : index
    %get3A_104 = vector.load %arg26[%get3A_102, %get3A_103] : memref<512x512xf32, #tpu.memory_space<vmem>>, vector<512x512xf32>
    %dot_general3A_105 = arith.constant dense<0.000000e+00> : vector<10x512xf32>
    %dot_general3A_106 = tpu.matmul %max3A_101, %get3A_104, %dot_general3A_105 {dimension_numbers = #tpu.dot_dimension_numbers<[1], [1], [0], [0], [0, 0, 1, 0], [], []>, transpose_lhs_hint = false} : vector<10x512xf32>, vector<512x512xf32>, vector<10x512xf32> -> vector<10x512xf32>
    %get3A_107 = arith.constant 0 : index
    %get3A_108 = arith.constant 0 : index
    %get3A_109 = vector.load %arg9[%get3A_107, %get3A_108] : memref<1x512xf32, #tpu.memory_space<vmem>>, vector<1x512xf32>
    %add3A_110 = vector.broadcast %get3A_109 : vector<1x512xf32> to vector<10x512xf32>
    %add3A_111 = arith.addf %dot_general3A_106, %add3A_110 : vector<10x512xf32>
    %max3A_112 = arith.constant 0.000000e+00 : f32
    %max3A_113 = vector.broadcast %max3A_112 : f32 to vector<10x512xf32>
    %max3A_114 = arith.maximumf %add3A_111, %max3A_113 : vector<10x512xf32>
    %add3A_115 = arith.addf %max3A_114, %max3A_88 : vector<10x512xf32>
    %max3A_116 = arith.constant 0.000000e+00 : f32
    %max3A_117 = vector.broadcast %max3A_116 : f32 to vector<10x512xf32>
    %max3A_118 = arith.maximumf %add3A_115, %max3A_117 : vector<10x512xf32>
    %get3A_119 = arith.constant 0 : index
    %get3A_120 = arith.constant 0 : index
    %get3A_121 = vector.load %arg11[%get3A_119, %get3A_120] : memref<1x512xf32, #tpu.memory_space<vmem>>, vector<1x512xf32>
    %mul3A = vector.broadcast %get3A_121 : vector<1x512xf32> to vector<10x512xf32>
    %mul3A_122 = arith.mulf %max3A_118, %mul3A : vector<10x512xf32>
    %reduce_sum3A = arith.constant dense<0.000000e+00> : vector<10xf32>
    %reduce_sum3A_123 = vector.multi_reduction <add>, %mul3A_122, %reduce_sum3A [1] : vector<10x512xf32> to vector<10xf32>
    %broadcast_in_dim3A = vector.shape_cast %reduce_sum3A_123 : vector<10xf32> to vector<10x1xf32>
    %get3A_124 = arith.constant 0 : index
    %get3A_125 = arith.constant 0 : index
    %get3A_126 = vector.load %arg10[%get3A_124, %get3A_125] : memref<1x1xf32, #tpu.memory_space<vmem>>, vector<1x1xf32>
    %get3A_127 = vector.extract %get3A_126[0, 0] : f32 from vector<1x1xf32>
    %mul3A_128 = vector.broadcast %get3A_127 : f32 to vector<10x1xf32>
    %mul3A_129 = arith.mulf %broadcast_in_dim3A, %mul3A_128 : vector<10x1xf32>
    %get3A_130 = arith.constant 0 : index
    %get3A_131 = arith.constant 0 : index
    %get3A_132 = vector.load %arg12[%get3A_130, %get3A_131] : memref<1x512xf32, #tpu.memory_space<vmem>>, vector<1x512xf32>
    %mul3A_133 = vector.broadcast %get3A_132 : vector<1x512xf32> to vector<10x512xf32>
    %mul3A_134 = arith.mulf %max3A_118, %mul3A_133 : vector<10x512xf32>
    %reduce_sum3A_135 = arith.constant dense<0.000000e+00> : vector<10xf32>
    %reduce_sum3A_136 = vector.multi_reduction <add>, %mul3A_134, %reduce_sum3A_135 [1] : vector<10x512xf32> to vector<10xf32>
    %broadcast_in_dim3A_137 = vector.shape_cast %reduce_sum3A_136 : vector<10xf32> to vector<10x1xf32>
    %dot_general3A_138 = arith.constant dense<0.000000e+00> : vector<10x10xf32>
    %dot_general3A_139 = tpu.matmul %mul3A_129, %broadcast_in_dim3A_137, %dot_general3A_138 {dimension_numbers = #tpu.dot_dimension_numbers<[1], [1], [0], [0], [0, 0, 1, 0], [], []>, transpose_lhs_hint = false} : vector<10x1xf32>, vector<10x1xf32>, vector<10x10xf32> -> vector<10x10xf32>
    %get3A_140 = arith.constant 0 : index
    %get3A_141 = arith.constant 0 : index
    %get3A_142 = vector.load %arg13[%get3A_140, %get3A_141] : memref<1x10xf32, #tpu.memory_space<vmem>>, vector<1x10xf32>
    %add3A_143 = vector.broadcast %get3A_142 : vector<1x10xf32> to vector<10x10xf32>
    %add3A_144 = arith.addf %dot_general3A_139, %add3A_143 : vector<10x10xf32>
    %logistic3A = arith.negf %add3A_144 : vector<10x10xf32>
    %logistic3A_145 = math.exp %logistic3A : vector<10x10xf32>
    %logistic3A_146 = arith.constant 1.000000e+00 : f32
    %logistic3A_147 = vector.broadcast %logistic3A_146 : f32 to vector<10x10xf32>
    %logistic3A_148 = arith.addf %logistic3A_147, %logistic3A_145 : vector<10x10xf32>
    %logistic3A_149 = arith.divf %logistic3A_147, %logistic3A_148 : vector<10x10xf32>
    %get3A_150 = arith.constant 0 : index
    %get3A_151 = arith.constant 0 : index
    %get3A_152 = vector.load %arg14[%get3A_150, %get3A_151] : memref<10x10xf32, #tpu.memory_space<vmem>>, vector<10x10xf32>
    %dot_general3A_153 = arith.constant dense<0.000000e+00> : vector<10x10xf32>
    %dot_general3A_154 = tpu.matmul %logistic3A_149, %get3A_152, %dot_general3A_153 {dimension_numbers = #tpu.dot_dimension_numbers<[1], [0], [0], [1], [0, 0, 1, 1], [], []>, transpose_lhs_hint = false} : vector<10x10xf32>, vector<10x10xf32>, vector<10x10xf32> -> vector<10x10xf32>
    %get3A_155 = arith.constant 0 : index
    %get3A_156 = arith.constant 0 : index
    %get3A_157 = vector.load %arg1[%get3A_155, %get3A_156] : memref<16x16xf32, #tpu.memory_space<vmem>>, vector<16x16xf32>
    %slice3A = vector.extract_strided_slice %get3A_157 {offsets = [0, 0], sizes = [10, 10], strides = [1, 1]} : vector<16x16xf32> to vector<10x10xf32>
    %reduce_sum3A_158 = arith.constant dense<0.000000e+00> : vector<10xf32>
    %reduce_sum3A_159 = vector.multi_reduction <add>, %slice3A, %reduce_sum3A_158 [1] : vector<10x10xf32> to vector<10xf32>
    %broadcast_in_dim3A_160 = vector.shape_cast %reduce_sum3A_159 : vector<10xf32> to vector<10x1xf32>
    %reduce_sum3A_161 = arith.constant dense<0.000000e+00> : vector<10xf32>
    %reduce_sum3A_162 = vector.multi_reduction <add>, %slice3A, %reduce_sum3A_161 [0] : vector<10x10xf32> to vector<10xf32>
    %broadcast_in_dim3A_163 = vector.shape_cast %reduce_sum3A_162 : vector<10xf32> to vector<1x10xf32>
    %gt3A = arith.constant 0.000000e+00 : f32
    %gt3A_164 = vector.broadcast %gt3A : f32 to vector<10x1xf32>
    %gt3A_165 = arith.cmpf ogt, %broadcast_in_dim3A_160, %gt3A_164 : vector<10x1xf32>
    %max3A_166 = arith.constant 9.99999996E-13 : f32
    %max3A_167 = vector.broadcast %max3A_166 : f32 to vector<10x1xf32>
    %max3A_168 = arith.maximumf %broadcast_in_dim3A_160, %max3A_167 : vector<10x1xf32>
    %rsqrt3A = math.rsqrt %max3A_168 : vector<10x1xf32>
    %jit3A = arith.constant 0.000000e+00 : f32
    %broadcast_in_dim3A_169 = vector.broadcast %jit3A : f32 to vector<10x1xf32>
    %select_n3A = arith.select %gt3A_165, %rsqrt3A, %broadcast_in_dim3A_169 : vector<10x1xi1>, vector<10x1xf32>
    %gt3A_170 = arith.constant 0.000000e+00 : f32
    %gt3A_171 = vector.broadcast %gt3A_170 : f32 to vector<1x10xf32>
    %gt3A_172 = arith.cmpf ogt, %broadcast_in_dim3A_163, %gt3A_171 : vector<1x10xf32>
    %max3A_173 = arith.constant 9.99999996E-13 : f32
    %max3A_174 = vector.broadcast %max3A_173 : f32 to vector<1x10xf32>
    %max3A_175 = arith.maximumf %broadcast_in_dim3A_163, %max3A_174 : vector<1x10xf32>
    %rsqrt3A_176 = math.rsqrt %max3A_175 : vector<1x10xf32>
    %jit3A_177 = arith.constant 0.000000e+00 : f32
    %broadcast_in_dim3A_178 = vector.broadcast %jit3A_177 : f32 to vector<1x10xf32>
    %select_n3A_179 = arith.select %gt3A_172, %rsqrt3A_176, %broadcast_in_dim3A_178 : vector<1x10xi1>, vector<1x10xf32>
    %mul3A_180 = vector.broadcast %select_n3A : vector<10x1xf32> to vector<10x10xf32>
    %mul3A_181 = arith.mulf %slice3A, %mul3A_180 : vector<10x10xf32>
    %mul3A_182 = vector.broadcast %select_n3A_179 : vector<1x10xf32> to vector<10x10xf32>
    %mul3A_183 = arith.mulf %mul3A_181, %mul3A_182 : vector<10x10xf32>
    %dot_general3A_184 = arith.constant dense<0.000000e+00> : vector<10x512xf32>
    %dot_general3A_185 = tpu.matmul %mul3A_183, %max3A_118, %dot_general3A_184 {dimension_numbers = #tpu.dot_dimension_numbers<[1], [0], [0], [1], [0, 0, 1, 1], [], []>, transpose_lhs_hint = false} : vector<10x10xf32>, vector<10x512xf32>, vector<10x512xf32> -> vector<10x512xf32>
    %get3A_186 = arith.constant 0 : index
    %get3A_187 = arith.constant 0 : index
    %get3A_188 = vector.load %arg17[%get3A_186, %get3A_187] : memref<512x512xf32, #tpu.memory_space<vmem>>, vector<512x512xf32>
    %dot_general3A_189 = arith.constant dense<0.000000e+00> : vector<10x512xf32>
    %dot_general3A_190 = tpu.matmul %dot_general3A_185, %get3A_188, %dot_general3A_189 {dimension_numbers = #tpu.dot_dimension_numbers<[1], [0], [0], [1], [0, 0, 1, 1], [], []>, transpose_lhs_hint = false} : vector<10x512xf32>, vector<512x512xf32>, vector<10x512xf32> -> vector<10x512xf32>
    %get3A_191 = arith.constant 0 : index
    %get3A_192 = arith.constant 0 : index
    %get3A_193 = vector.load %arg18[%get3A_191, %get3A_192] : memref<1x512xf32, #tpu.memory_space<vmem>>, vector<1x512xf32>
    %add3A_194 = vector.broadcast %get3A_193 : vector<1x512xf32> to vector<10x512xf32>
    %add3A_195 = arith.addf %dot_general3A_190, %add3A_194 : vector<10x512xf32>
    %dot_general3A_196 = arith.constant dense<0.000000e+00> : vector<10x512xf32>
    %dot_general3A_197 = tpu.matmul %dot_general3A_154, %add3A_195, %dot_general3A_196 {dimension_numbers = #tpu.dot_dimension_numbers<[1], [0], [0], [1], [0, 0, 1, 1], [], []>, transpose_lhs_hint = false} : vector<10x10xf32>, vector<10x512xf32>, vector<10x512xf32> -> vector<10x512xf32>
    %get3A_198 = arith.constant 0 : index
    %get3A_199 = arith.constant 0 : index
    %get3A_200 = vector.load %arg15[%get3A_198, %get3A_199] : memref<1x512xf32, #tpu.memory_space<vmem>>, vector<1x512xf32>
    %mul3A_201 = vector.broadcast %get3A_200 : vector<1x512xf32> to vector<10x512xf32>
    %mul3A_202 = arith.mulf %dot_general3A_197, %mul3A_201 : vector<10x512xf32>
    %reduce_sum3A_203 = arith.constant dense<0.000000e+00> : vector<10xf32>
    %reduce_sum3A_204 = vector.multi_reduction <add>, %mul3A_202, %reduce_sum3A_203 [1] : vector<10x512xf32> to vector<10xf32>
    %broadcast_in_dim3A_205 = vector.shape_cast %reduce_sum3A_204 : vector<10xf32> to vector<10x1xf32>
    %get3A_206 = arith.constant 0 : index
    %get3A_207 = arith.constant 0 : index
    %get3A_208 = vector.load %arg16[%get3A_206, %get3A_207] : memref<1x1xf32, #tpu.memory_space<vmem>>, vector<1x1xf32>
    %get3A_209 = vector.extract %get3A_208[0, 0] : f32 from vector<1x1xf32>
    %add3A_210 = vector.broadcast %get3A_209 : f32 to vector<10x1xf32>
    %add3A_211 = arith.addf %broadcast_in_dim3A_205, %add3A_210 : vector<10x1xf32>
    %logistic3A_212 = arith.negf %add3A_211 : vector<10x1xf32>
    %logistic3A_213 = math.exp %logistic3A_212 : vector<10x1xf32>
    %logistic3A_214 = arith.constant 1.000000e+00 : f32
    %logistic3A_215 = vector.broadcast %logistic3A_214 : f32 to vector<10x1xf32>
    %logistic3A_216 = arith.addf %logistic3A_215, %logistic3A_213 : vector<10x1xf32>
    %logistic3A_217 = arith.divf %logistic3A_215, %logistic3A_216 : vector<10x1xf32>
    %exp3A = math.exp %logistic3A_217 : vector<10x1xf32>
    %reduce_sum3A_218 = vector.shape_cast %exp3A : vector<10x1xf32> to vector<1x10x1xf32>
    %reduce_sum3A_219 = arith.constant dense<0.000000e+00> : vector<1xf32>
    %reduce_sum3A_220 = vector.multi_reduction <add>, %reduce_sum3A_218, %reduce_sum3A_219 [1, 2] : vector<1x10x1xf32> to vector<1xf32>
    %reduce_sum3A_221 = vector.shape_cast %reduce_sum3A_220 : vector<1xf32> to vector<1x1x1xf32>
    %reduce_sum3A_222 = vector.extract %reduce_sum3A_221[0, 0, 0] : f32 from vector<1x1x1xf32>
    %div3A = vector.broadcast %reduce_sum3A_222 : f32 to vector<10x1xf32>
    %div3A_223 = arith.divf %exp3A, %div3A : vector<10x1xf32>
    %swap3A = arith.constant 0 : index
    %swap3A_224 = arith.constant 0 : index
    %swap3A_225 = vector.load %arg27[%swap3A, %swap3A_224] : memref<10x1xf32, #tpu.memory_space<vmem>>, vector<10x1xf32>
    tpu.vector_store %arg27[%swap3A, %swap3A_224], %div3A_223 {strides = array<i32>} : memref<10x1xf32, #tpu.memory_space<vmem>>, vector<10x1xf32>,
    %sub3A = arith.constant 1.000000e+00 : f32
    %sub3A_226 = vector.broadcast %sub3A : f32 to vector<10x1xf32>
    %sub3A_227 = arith.subf %sub3A_226, %logistic3A_217 : vector<10x1xf32>
    %exp3A_228 = math.exp %sub3A_227 : vector<10x1xf32>
    %reduce_sum3A_229 = vector.shape_cast %exp3A_228 : vector<10x1xf32> to vector<1x10x1xf32>
    %reduce_sum3A_230 = arith.constant dense<0.000000e+00> : vector<1xf32>
    %reduce_sum3A_231 = vector.multi_reduction <add>, %reduce_sum3A_229, %reduce_sum3A_230 [1, 2] : vector<1x10x1xf32> to vector<1xf32>
    %reduce_sum3A_232 = vector.shape_cast %reduce_sum3A_231 : vector<1xf32> to vector<1x1x1xf32>
    %reduce_sum3A_233 = vector.extract %reduce_sum3A_232[0, 0, 0] : f32 from vector<1x1x1xf32>
    %div3A_234 = vector.broadcast %reduce_sum3A_233 : f32 to vector<10x1xf32>
    %div3A_235 = arith.divf %exp3A_228, %div3A_234 : vector<10x1xf32>
    %swap3A_236 = arith.constant 0 : index
    %swap3A_237 = arith.constant 0 : index
    %swap3A_238 = vector.load %arg28[%swap3A_236, %swap3A_237] : memref<10x1xf32, #tpu.memory_space<vmem>>, vector<10x1xf32>
    tpu.vector_store %arg28[%swap3A_236, %swap3A_237], %div3A_235 {strides = array<i32>} : memref<10x1xf32, #tpu.memory_space<vmem>>, vector<10x1xf32>,
    return
  }
}

</mosaic_0001>

<sc_bundles>
// kernel: kernel.4.cloned.1.call-start
scs
__scs_entry_jumppad:
0x0: {  	(pc) =	sbr.rel $0x88, $3  }
0x1: {  	(tag) =	ssettag $0x0;
	lr =	simm.s32 $0x1  }
0x2: {  	[smem:$0x3F86] =	sst lr;
	_ =	strace $0xD0000000  }
0x3: {  	_ = 	snop  }
0x4: {  	_ = 	snop  }
0x5: {  	_ = 	snop  }
0x6: {  	_ = 	snop  }
0x7: {  	_ = 	snop  }
__scs_overlays_trampoline_lowered:
0x8: {  	[smem:$0x3F95] =	sst s0  }
0x9: {  	[smem:$0x3F96] =	sst s1  }
0xa: {  	[smem:$0x3F97] =	sst s2  }
0xb: {  	[smem:$0x3F98] =	sst s3  }
0xc: {  	[smem:$0x3F99] =	sst s4  }
0xd: {  	[smem:$0x3F9A] =	sst s5  }
0xe: {  	[smem:$0x3F9B] =	sst s6  }
0xf: {  	[smem:$0x3F9C] =	sst s7  }
0x10: {  	[smem:$0x3F9D] =	sst s8  }
0x11: {  	[smem:$0x3F9E] =	sst s9;
	s0 =	simm.s32 @!p0 $0x0  }
0x12: {  	s1 =	sld [smem:$0x3F84];
	s0 =	simm.s32 @p0 $0x1  }
0x13: {  	[smem:$0x3F9F] =	sst s0;
	s0 =	simm.s32 @!p1 $0x0  }
0x14: {  	s2 =	sld [smem:$0x3F83];
	s0 =	simm.s32 @p1 $0x1  }
0x15: {  	[smem:$0x3FA0] =	sst s0;
	s0 =	simm.s32 @!p2 $0x0  }
0x16: {  	s3 =	sld [smem:$0x3FDB];
	s0 =	simm.s32 @p2 $0x1  }
0x17: {  	s4 =	simm.s32 $0x1BF5;
	[smem:$0x3FA2] =	sst s0  }
0x18: {  	s0 =	sld [smem:$0x3F85];
	_ =	swait.ge [sflag:s4], $0x0  }
0x19: {  	s7 =	sld [smem:$0x3F86]  }
0x1a: {  	s8 =	sadd.s32 $0xFFFFE003, lr  }
0x1b: {  	s9 =	sadd.s32 $0xFFFFFEF7, lr;
	s5 =	simm.s32 $0xFFFFFFFF;
	p2 =	slt.u32 s8, $0xFFFFF086  }
0x1c: {  	p1 =	slt.u32 s9, $0xF7A;
	s5 =	simm.s32 @!p2 $0x0  }
0x1d: {  	s5 =	simm.s32 @p1 $0x1;
	p0 =	seq.s32 s7, s2  }
0x1e: {  	s7 =	smul.u32 @!p0 $0xF7A, s2;
	p2 =	seq.s32 @!p0 s5, $0x0  }
0x1f: {  	s9 =	smul.u32 $0xF7A, s1;
	s8 =	simm.s32 @!p0 $0x1BF5;
	p2 =	por !p2, p0  }
0x20: {  	[sflag:s8] =	ssyncset.s32 @!p0 $0xFFFFF086;
	s6 =	sadd.s32 @!p0 s3, s7;
	s7 =	simm.s32 @!p0 $0x108  }
0x21: {  	s3 =	sadd.s32 s3, s9;
	s6 =	sadd.s32 @!p0 $0x88, s6;
	s7 =	simm.s32 @p2 $0x1082  }
0x22: {  	[simem:s7], [sflag:s8] =	dma.local @!p0 [hbm:s6], $0xF7A  }
0x23: {  	s9 =	sor.u32 $0xD0000000, s2;
	s6 =	simm.s32 $0x108;
	_ =	swait.ge @!p0 [sflag:s8], $0x0  }
0x24: {  	s3 =	sadd.s32 $0x88, s3;
	s6 =	simm.s32 @!p1 $0x1082;
	[sflag:s4] =	ssyncset.s32 $0xFFFFF086  }
0x25: {  	[simem:s6], [sflag:s4] =	dma.local [hbm:s3], $0xF7A  }
0x26: {  	[smem:$0x3F86] =	sst s1;
	(tag) =	ssettag s2;
	_ =	strace s9  }
0x27: {  	s1 =	sld [smem:$0x3F96]  }
0x28: {  	s2 =	sld [smem:$0x3F97]  }
0x29: {  	s4 =	sld [smem:$0x3F99]  }
0x2a: {  	p0 =	seq.s32 s5, $0x0;
	s5 =	sld [smem:$0x3F9A]  }
0x2b: {  	s6 =	sld [smem:$0x3F9B]  }
0x2c: {  	s7 =	sld [smem:$0x3F9C]  }
0x2d: {  	s3 =	simm.s32 $0x108;
	s8 =	sld [smem:$0x3F9D]  }
0x2e: {  	s3 =	simm.s32 @!p0 $0x1082;
	s9 =	sld [smem:$0x3F9E]  }
0x2f: {  	lr =	sadd.s32 s0, s3;
	s0 =	sld [smem:$0x3F95]  }
0x30: {  	s3 =	sld [smem:$0x3F98]  }
0x31: {  	[smem:$0x3FA1] =	sst s10  }
0x32: {  	s10 =	sld [smem:$0x3F9F];
	_ =	sdelay $0x3  }
0x33: {  	p0 =	seq.s32 s10, $0x1;
	s10 =	sld [smem:$0x3FA1];
	_ =	sdelay $0x3  }
0x34: {  	[smem:$0x3FA1] =	sst s10  }
0x35: {  	s10 =	sld [smem:$0x3FA0];
	_ =	sdelay $0x3  }
0x36: {  	p1 =	seq.s32 s10, $0x1;
	s10 =	sld [smem:$0x3FA1];
	_ =	sdelay $0x3  }
0x37: {  	[smem:$0x3FA1] =	sst s10  }
0x38: {  	s10 =	sld [smem:$0x3FA2]  }
0x39: {  	_ = 	snop;
	(pc) =	sbr.ind lr, $3  }
0x3a: {  	_ = 	snop  }
0x3b: {  	_ = 	snop  }
0x3c: {  	p2 =	seq.s32 s10, $0x1;
	s10 =	sld [smem:$0x3FA1]  }
0x3d: {  	_ =	shalt  }
0x3e: {  	_ =	shalt  }
0x3f: {  	_ =	shalt  }
0x40: {  	_ =	shalt  }
0x41: {  	_ =	shalt  }
0x42: {  	_ =	shalt  }
0x43: {  	_ =	shalt  }
0x44: {  	_ =	shalt  }
0x45: {  	_ =	shalt  }
0x46: {  	_ =	shalt  }
0x47: {  	_ =	shalt  }
0x48: {  	_ =	shalt  }
0x49: {  	_ =	shalt  }
0x4a: {  	_ =	shalt  }
0x4b: {  	_ =	shalt  }
0x4c: {  	_ =	shalt  }
0x4d: {  	_ =	shalt  }
0x4e: {  	_ =	shalt  }
0x4f: {  	_ =	shalt  }
0x50: {  	_ =	shalt  }
0x51: {  	_ =	shalt  }
0x52: {  	_ =	shalt  }
0x53: {  	_ =	shalt  }
0x54: {  	_ =	shalt  }
0x55: {  	_ =	shalt  }
0x56: {  	_ =	shalt  }
0x57: {  	_ =	shalt  }
0x58: {  	_ =	shalt  }
0x59: {  	_ =	shalt  }
0x5a: {  	_ =	shalt  }
0x5b: {  	_ =	shalt  }
0x5c: {  	_ =	shalt  }
0x5d: {  	_ =	shalt  }
0x5e: {  	_ =	shalt  }
0x5f: {  	_ =	shalt  }
0x60: {  	_ =	shalt  }
0x61: {  	_ =	shalt  }
0x62: {  	_ =	shalt  }
0x63: {  	_ =	shalt  }
0x64: {  	_ =	shalt  }
0x65: {  	_ =	shalt  }
0x66: {  	_ =	shalt  }
0x67: {  	_ =	shalt  }
0x68: {  	_ =	shalt  }
0x69: {  	_ =	shalt  }
0x6a: {  	_ =	shalt  }
0x6b: {  	_ =	shalt  }
0x6c: {  	_ =	shalt  }
0x6d: {  	_ =	shalt  }
0x6e: {  	_ =	shalt  }
0x6f: {  	_ =	shalt  }
0x70: {  	_ =	shalt  }
0x71: {  	_ =	shalt  }
0x72: {  	_ =	shalt  }
0x73: {  	_ =	shalt  }
0x74: {  	_ =	shalt  }
0x75: {  	_ =	shalt  }
0x76: {  	_ =	shalt  }
0x77: {  	_ =	shalt  }
0x78: {  	_ =	shalt  }
0x79: {  	_ =	shalt  }
0x7a: {  	_ =	shalt  }
0x7b: {  	_ =	shalt  }
0x7c: {  	_ =	shalt  }
0x7d: {  	_ =	shalt  }
0x7e: {  	_ =	shalt  }
0x7f: {  	_ =	shalt  }
0x80: {  	_ =	shalt  }
0x81: {  	_ =	shalt  }
0x82: {  	_ =	shalt  }
0x83: {  	_ =	shalt  }
0x84: {  	_ =	shalt  }
0x85: {  	_ =	shalt  }
0x86: {  	_ =	shalt  }
0x87: {  	_ =	shalt  }
.Lfunc_end0:
.L_simem_size_0:
called_computation_lowered:
.L_overlay_start_0:
0x88: {  	s2 =	sld [smem:$0x3FD9]  }
0x89: {  	s3 =	sld [smem:$0x3FFE];
	_ =	sdelay $0x1  }
0x8a: {  	s1 =	srdreg.scid  }
0x8b: {  	s0 =	sand.u32 $0x1, s1  }
0x8c: {  	s17 =	sshll.u32 s0, $0xA;
	s2 =	sadd.s32 s3, s2  }
0x8d: {  	s2 =	sadd.s32 s2, s17  }
0x8e: {  	[smem:$0x3FAD] =	sst s2  }
0x8f: {  	_ = 	snop  }
0x90: {  	s2 =	sld [smem:$0x3FC8];
	(tm) =	ssettm $0x1  }
0x91: {  	s18 =	sld [smem:$0x3FFB];
	_ =	sdelay $0x3  }
0x92: {  	_ =	strace s18  }
0x93: {  	s3 =	sld [smem:$0x3FFC];
	_ =	sdelay $0x3  }
0x94: {  	_ =	strace s3  }
0x95: {  	s3 =	sld [smem:$0x3FFD];
	_ =	sdelay $0x3  }
0x96: {  	_ =	strace s3  }
0x97: {  	_ =	strace $0x8FFFFFFF  }
0x98: {  	s19 =	sld [smem:$0x3FDB];
	_ =	sdelay $0x1  }
0x99: {  	s4 =	simm.s32 $_scs_section_size  }
0x9a: {  	s5 =	simm.s32 $_size__tile_overlayer_lowered;
	s6 =	simm.s32 $_tile_overlayer_lowered  }
0x9b: {  	s22 =	simm.s32 $0x1BFF;
	s21 =	sshll.u32 s6, $0x1;
	s3 =	sadd.s32 s4, s19  }
0x9c: {  	s7 =	simm.s32 $0x0;
	s20 =	sshll.u32 s5, $0x1;
	s5 =	sadd.s32 s21, s3  }
0x9d: {  	[timem:s7], [sflag:s22] =	dma.local [hbm:s5], s20  }
0x9e: {  	_ =	swait.ge [sflag:s22], s20  }
0x9f: {  	s4 =	ssub.s32 $0x0, s20;
	[sflag:s22] =	ssyncset.done $0x0  }
0xa0: {  	[sflag:s22] =	ssyncadd.s32 s4;
	_ =	sdelay $0x1  }
0xa1: {  	s23 =	simm.s32 $0x1B8B  }
0xa2: {  	_ =	swait.ge [sflag:s23], $0x1  }
0xa3: {  	[sflag:s23] =	ssyncset.done $0x0  }
0xa4: {  	s25 =	simm.s32 $0x1B8E;
	s24 =	sld [smem:$0x3FFE];
	[sflag:s23] =	ssyncadd.s32 $0xFFFFFFFF  }
0xa5: {  	s26 =	simm.s32 $execute0_lowered;
	[smem:$0x3FD2] =	sst s25  }
0xa6: {  	s5 =	sshll.u32 s26, $0x1;
	_ =	strace $0x80000046;
	[dreg:$0x1] =	wrdreg $0xFFFFFFFF  }
0xa7: {  	s28 =	simm.s32 $_size_execute0_lowered;
	s3 =	sadd.s32 s3, s5;
	[dreg:$0x0] =	wrdreg $0x0  }
0xa8: {  	s5 =	sshll.u32 s28, $0x1;
	[dreg:$0x2] =	wrdreg s3  }
0xa9: {  	[dreg:$0x3] =	wrdreg s5  }
0xaa: {  	[dreg:$0x4] =	wrdreg $0xC0  }
0xab: {  	_ =	task [dreg:s7], $0x5FFFF  }
0xac: {  	[dreg:$0x1] =	wrdreg $0xFFFFFFFF  }
0xad: {  	[dreg:$0x0] =	wrdreg $0x60  }
0xae: {  	[dreg:$0x2] =	wrdreg s2  }
0xaf: {  	[dreg:$0x3] =	wrdreg s24  }
0xb0: {  	[dreg:$0x4] =	wrdreg $0xDB000  }
0xb1: {  	[dreg:$0x5] =	wrdreg $0x9  }
0xb2: {  	_ =	task.clear_ibuf [dreg:s7], $0x6FFFF;
	_ =	strace $0x90000046  }
0xb3: {  	s29 =	simm.s32 $0x9;
	_ =	strace $0x80000048  }
0xb4: {  	_ =	swait.ge [sflag:s29], $0x1  }
0xb5: {  	[sflag:s29] =	ssyncadd.s32 $0xFFFFFFFF  }
0xb6: {  	_ =	strace $0x90000048  }
0xb7: {  	_ =	sfence  }
0xb8: {  	s30 =	sld [smem:$0x0];
	_ =	sdelay $0x2  }
0xb9: {  	s31 =	sshll.u32 s1, $0xD;
	s1 =	sshrl.u32 s1, $0x2  }
0xba: {  	s3 =	sand.u32 $0x4000, s31;
	s1 =	sadd.s32 s1, s30  }
0xbb: {  	s0 =	sor.u32 s3, s0;
	s1 =	sshll.u32 s1, $0x11  }
0xbc: {  	s0 =	sor.u32 s1, s0  }
0xbd: {  	s0 =	sadd.s32 $0x8F2B, s0  }
0xbe: {  	[sflag:s0] =	ssyncadd.remote.s32 $0x1  }
0xbf: {  	_ =	sfence.sel $0xFFFF  }
0xc0: {  	[dreg:$0x0] =	wrdreg $0xFFFFFFFF;
	(pc) =	sbr.abs _section_cstart, $3  }
0xc1: {  	[dreg:$0x1] =	wrdreg $0xFFFFFFFF  }
0xc2: {  	_ =	task.clear_ibuf [dreg:s7], $0x2FFFF;
	_ =	strace $0x9FFFFFFF  }
0xc3: {  	(tm) =	ssettm $0x7FFFFFFF  }
tec
execute0_lowered:
.L_overlay_start_1:
0x0: {  	(tag) =	ssettag $0x1  }
0x1: {  	s0 =	srdreg.scid  }
0x2: {  	s2 =	stileid.u32;
	s6 =	sand.u32 $0x1, s0  }
0x3: {  	s7 =	sor.u32 s2, s6  }
0x4: {  	p0 =	sne.s32 s7, $0x0  }
.Ltmp0:
0x5: {  	s1 =	rddreg [dreg:$0x0];
	(pc) =	sbr.rel @p0 .LBB2_3-.Ltmp0, $4  }
0x6: {  	s5 =	rddreg [dreg:$0x1]  }
0x7: {  	s3 =	rddreg [dreg:$0x2];
	s4 =	simm.s32 $0x0  }
0x8: {  	[smem:$0x7FF] =	sst s4  }
0x9: {  	s0 =	rddreg [dreg:$0x3];
	_ =	strace $0x80000047  }
0xa: {  	s6 =	ssub.s32 $0x2, s6  }
0xb: {  	s5 =	sadd.s32 $0x2200, s5;
	s8 =	simm.s32 $0x80;
	s9 =	simm.s32 $0x100  }
0xc: {  	v0 =	vimm.f32 $0.0e+00;
	v1 =	vimm.f32 $1.000000000e+00;
	vm0 =	vmmov $0x1;
	s10 =	simm.s32 $0x5300;
	s11 =	simm.s32 $0x1;
	s12 =	simm.s32 $0x2  }
0xd: {  	vm1 =	vcmask $0x308;
	vm2 =	vcmask $0x70C;
	vm3 =	vcmask $0xB10;
	s13 =	simm.s32 $0x3;
	s14 =	simm.s32 $0xA0;
	s15 =	simm.s32 $0x200  }
0xe: {  	vm4 =	vcmask $0xF14;
	vm5 =	vcmask $0x1318;
	vm6 =	vcmask $0x171C;
	s16 =	simm.s32 $0x300;
	s17 =	simm.s32 $0x4;
	s7 =	sshrl.u32 s6, $0x1  }
0xf: {  	vm7 =	vcmask $0x1B20;
	vm8 =	vcmask $0x1F24;
	vm9 =	vcmask $0x2328;
	s18 =	simm.s32 $0xD300;
	s6 =	ssub.s32 s6, s7;
	s7 =	sadd.s32 $0x10, s1  }
.LBB2_2:
0x10: {  	[tilespmem:s4], [sflag:$0x1] =	stream.strided.gather [hbm4b:s1+s8], $0x100, s9, s8, $0x38;
	[tilespmem:$0xDC00] =	vst v63  }
0x11: {  	_ = 	snop  }
0x12: {  	[tilespmem:s9], [sflag:$0x2] =	stream.strided.gather [hbm4b:s7+s8], $0x100, s9, s8, $0x38;
	[tilespmem:$0xDC00] =	vst v63  }
0x13: {  	[tilespmem:$0x5300] =	vst v0  }
0x14: {  	[tilespmem:$0x5380] =	vst v0  }
0x15: {  	[tilespmem:$0x5400] =	vst v0  }
0x16: {  	[tilespmem:$0x5480] =	vst v0  }
0x17: {  	[tilespmem:$0x5500] =	vst v0  }
0x18: {  	[tilespmem:$0x5580] =	vst v0  }
0x19: {  	[tilespmem:$0x5600] =	vst v0  }
0x1a: {  	[tilespmem:$0x5680] =	vst v0  }
0x1b: {  	[tilespmem:$0x5700] =	vst v0  }
0x1c: {  	[tilespmem:$0x5780] =	vst v0  }
0x1d: {  	[tilespmem:$0x5800] =	vst v0  }
0x1e: {  	[tilespmem:$0x5880] =	vst v0  }
0x1f: {  	[tilespmem:$0x5900] =	vst v0  }
0x20: {  	[tilespmem:$0x5980] =	vst v0  }
0x21: {  	[tilespmem:$0x5A00] =	vst v0  }
0x22: {  	[tilespmem:$0x5A80] =	vst v0  }
0x23: {  	[tilespmem:$0x5B00] =	vst v0  }
0x24: {  	[tilespmem:$0x5B80] =	vst v0  }
0x25: {  	[tilespmem:$0x5C00] =	vst v0  }
0x26: {  	[tilespmem:$0x5C80] =	vst v0  }
0x27: {  	[tilespmem:$0x5D00] =	vst v0  }
0x28: {  	[tilespmem:$0x5D80] =	vst v0  }
0x29: {  	[tilespmem:$0x5E00] =	vst v0  }
0x2a: {  	[tilespmem:$0x5E80] =	vst v0  }
0x2b: {  	[tilespmem:$0x5F00] =	vst v0  }
0x2c: {  	[tilespmem:$0x5F80] =	vst v0  }
0x2d: {  	[tilespmem:$0x6000] =	vst v0  }
0x2e: {  	[tilespmem:$0x6080] =	vst v0  }
0x2f: {  	[tilespmem:$0x6100] =	vst v0  }
0x30: {  	[tilespmem:$0x6180] =	vst v0  }
0x31: {  	[tilespmem:$0x6200] =	vst v0  }
0x32: {  	[tilespmem:$0x6280] =	vst v0  }
0x33: {  	[tilespmem:$0x6300] =	vst v0  }
0x34: {  	[tilespmem:$0x6380] =	vst v0  }
0x35: {  	[tilespmem:$0x6400] =	vst v0  }
0x36: {  	[tilespmem:$0x6480] =	vst v0  }
0x37: {  	[tilespmem:$0x6500] =	vst v0  }
0x38: {  	[tilespmem:$0x6580] =	vst v0  }
0x39: {  	[tilespmem:$0x6600] =	vst v0  }
0x3a: {  	[tilespmem:$0x6680] =	vst v0  }
0x3b: {  	[tilespmem:$0x6700] =	vst v0  }
0x3c: {  	[tilespmem:$0x6780] =	vst v0  }
0x3d: {  	[tilespmem:$0x6800] =	vst v0  }
0x3e: {  	[tilespmem:$0x6880] =	vst v0  }
0x3f: {  	[tilespmem:$0x6900] =	vst v0  }
0x40: {  	[tilespmem:$0x6980] =	vst v0  }
0x41: {  	[tilespmem:$0x6A00] =	vst v0  }
0x42: {  	[tilespmem:$0x6A80] =	vst v0  }
0x43: {  	[tilespmem:$0x6B00] =	vst v0  }
0x44: {  	[tilespmem:$0x6B80] =	vst v0  }
0x45: {  	[tilespmem:$0x6C00] =	vst v0  }
0x46: {  	[tilespmem:$0x6C80] =	vst v0  }
0x47: {  	[tilespmem:$0x6D00] =	vst v0  }
0x48: {  	[tilespmem:$0x6D80] =	vst v0  }
0x49: {  	[tilespmem:$0x6E00] =	vst v0  }
0x4a: {  	[tilespmem:$0x6E80] =	vst v0  }
0x4b: {  	[tilespmem:$0x6F00] =	vst v0  }
0x4c: {  	[tilespmem:$0x6F80] =	vst v0  }
0x4d: {  	[tilespmem:$0x7000] =	vst v0  }
0x4e: {  	[tilespmem:$0x7080] =	vst v0  }
0x4f: {  	[tilespmem:$0x7100] =	vst v0  }
0x50: {  	[tilespmem:$0x7180] =	vst v0  }
0x51: {  	[tilespmem:$0x7200] =	vst v0  }
0x52: {  	[tilespmem:$0x7280] =	vst v0  }
0x53: {  	[tilespmem:$0x7300] =	vst v0  }
0x54: {  	[tilespmem:$0x7380] =	vst v0  }
0x55: {  	[tilespmem:$0x7400] =	vst v0  }
0x56: {  	[tilespmem:$0x7480] =	vst v0  }
0x57: {  	[tilespmem:$0x7500] =	vst v0  }
0x58: {  	[tilespmem:$0x7580] =	vst v0  }
0x59: {  	[tilespmem:$0x7600] =	vst v0  }
0x5a: {  	[tilespmem:$0x7680] =	vst v0  }
0x5b: {  	[tilespmem:$0x7700] =	vst v0  }
0x5c: {  	[tilespmem:$0x7780] =	vst v0  }
0x5d: {  	[tilespmem:$0x7800] =	vst v0  }
0x5e: {  	[tilespmem:$0x7880] =	vst v0  }
0x5f: {  	[tilespmem:$0x7900] =	vst v0  }
0x60: {  	[tilespmem:$0x7980] =	vst v0  }
0x61: {  	[tilespmem:$0x7A00] =	vst v0  }
0x62: {  	[tilespmem:$0x7A80] =	vst v0  }
0x63: {  	[tilespmem:$0x7B00] =	vst v0  }
0x64: {  	[tilespmem:$0x7B80] =	vst v0  }
0x65: {  	[tilespmem:$0x7C00] =	vst v0  }
0x66: {  	[tilespmem:$0x7C80] =	vst v0  }
0x67: {  	[tilespmem:$0x7D00] =	vst v0  }
0x68: {  	[tilespmem:$0x7D80] =	vst v0  }
0x69: {  	[tilespmem:$0x7E00] =	vst v0  }
0x6a: {  	[tilespmem:$0x7E80] =	vst v0  }
0x6b: {  	[tilespmem:$0x7F00] =	vst v0  }
0x6c: {  	[tilespmem:$0x7F80] =	vst v0  }
0x6d: {  	[tilespmem:$0x8000] =	vst v0  }
0x6e: {  	[tilespmem:$0x8080] =	vst v0  }
0x6f: {  	[tilespmem:$0x8100] =	vst v0  }
0x70: {  	[tilespmem:$0x8180] =	vst v0  }
0x71: {  	[tilespmem:$0x8200] =	vst v0  }
0x72: {  	[tilespmem:$0x8280] =	vst v0  }
0x73: {  	[tilespmem:$0x8300] =	vst v0  }
0x74: {  	[tilespmem:$0x8380] =	vst v0  }
0x75: {  	[tilespmem:$0x8400] =	vst v0  }
0x76: {  	[tilespmem:$0x8480] =	vst v0  }
0x77: {  	[tilespmem:$0x8500] =	vst v0  }
0x78: {  	[tilespmem:$0x8580] =	vst v0  }
0x79: {  	[tilespmem:$0x8600] =	vst v0  }
0x7a: {  	[tilespmem:$0x8680] =	vst v0  }
0x7b: {  	[tilespmem:$0x8700] =	vst v0  }
0x7c: {  	[tilespmem:$0x8780] =	vst v0  }
0x7d: {  	[tilespmem:$0x8800] =	vst v0  }
0x7e: {  	[tilespmem:$0x8880] =	vst v0  }
0x7f: {  	[tilespmem:$0x8900] =	vst v0  }
0x80: {  	[tilespmem:$0x8980] =	vst v0  }
0x81: {  	[tilespmem:$0x8A00] =	vst v0  }
0x82: {  	[tilespmem:$0x8A80] =	vst v0  }
0x83: {  	[tilespmem:$0x8B00] =	vst v0  }
0x84: {  	[tilespmem:$0x8B80] =	vst v0  }
0x85: {  	[tilespmem:$0x8C00] =	vst v0  }
0x86: {  	[tilespmem:$0x8C80] =	vst v0  }
0x87: {  	[tilespmem:$0x8D00] =	vst v0  }
0x88: {  	[tilespmem:$0x8D80] =	vst v0  }
0x89: {  	[tilespmem:$0x8E00] =	vst v0  }
0x8a: {  	[tilespmem:$0x8E80] =	vst v0  }
0x8b: {  	[tilespmem:$0x8F00] =	vst v0  }
0x8c: {  	[tilespmem:$0x8F80] =	vst v0  }
0x8d: {  	[tilespmem:$0x9000] =	vst v0  }
0x8e: {  	[tilespmem:$0x9080] =	vst v0  }
0x8f: {  	[tilespmem:$0x9100] =	vst v0  }
0x90: {  	[tilespmem:$0x9180] =	vst v0  }
0x91: {  	[tilespmem:$0x9200] =	vst v0  }
0x92: {  	[tilespmem:$0x9280] =	vst v0  }
0x93: {  	[tilespmem:$0x9300] =	vst v0  }
0x94: {  	[tilespmem:$0x9380] =	vst v0  }
0x95: {  	[tilespmem:$0x9400] =	vst v0  }
0x96: {  	[tilespmem:$0x9480] =	vst v0  }
0x97: {  	[tilespmem:$0x9500] =	vst v0  }
0x98: {  	[tilespmem:$0x9580] =	vst v0  }
0x99: {  	[tilespmem:$0x9600] =	vst v0  }
0x9a: {  	[tilespmem:$0x9680] =	vst v0  }
0x9b: {  	[tilespmem:$0x9700] =	vst v0  }
0x9c: {  	[tilespmem:$0x9780] =	vst v0  }
0x9d: {  	[tilespmem:$0x9800] =	vst v0  }
0x9e: {  	[tilespmem:$0x9880] =	vst v0  }
0x9f: {  	[tilespmem:$0x9900] =	vst v0  }
0xa0: {  	[tilespmem:$0x9980] =	vst v0  }
0xa1: {  	[tilespmem:$0x9A00] =	vst v0  }
0xa2: {  	[tilespmem:$0x9A80] =	vst v0  }
0xa3: {  	[tilespmem:$0x9B00] =	vst v0  }
0xa4: {  	[tilespmem:$0x9B80] =	vst v0  }
0xa5: {  	[tilespmem:$0x9C00] =	vst v0  }
0xa6: {  	[tilespmem:$0x9C80] =	vst v0  }
0xa7: {  	[tilespmem:$0x9D00] =	vst v0  }
0xa8: {  	[tilespmem:$0x9D80] =	vst v0  }
0xa9: {  	[tilespmem:$0x9E00] =	vst v0  }
0xaa: {  	[tilespmem:$0x9E80] =	vst v0  }
0xab: {  	[tilespmem:$0x9F00] =	vst v0  }
0xac: {  	[tilespmem:$0x9F80] =	vst v0  }
0xad: {  	[tilespmem:$0xA000] =	vst v0  }
0xae: {  	[tilespmem:$0xA080] =	vst v0  }
0xaf: {  	[tilespmem:$0xA100] =	vst v0  }
0xb0: {  	[tilespmem:$0xA180] =	vst v0  }
0xb1: {  	[tilespmem:$0xA200] =	vst v0  }
0xb2: {  	[tilespmem:$0xA280] =	vst v0  }
0xb3: {  	[tilespmem:$0xA300] =	vst v0  }
0xb4: {  	[tilespmem:$0xA380] =	vst v0  }
0xb5: {  	[tilespmem:$0xA400] =	vst v0  }
0xb6: {  	[tilespmem:$0xA480] =	vst v0  }
0xb7: {  	[tilespmem:$0xA500] =	vst v0  }
0xb8: {  	[tilespmem:$0xA580] =	vst v0  }
0xb9: {  	[tilespmem:$0xA600] =	vst v0  }
0xba: {  	[tilespmem:$0xA680] =	vst v0  }
0xbb: {  	[tilespmem:$0xA700] =	vst v0  }
0xbc: {  	[tilespmem:$0xA780] =	vst v0  }
0xbd: {  	[tilespmem:$0xA800] =	vst v0  }
0xbe: {  	[tilespmem:$0xA880] =	vst v0  }
0xbf: {  	[tilespmem:$0xA900] =	vst v0  }
0xc0: {  	[tilespmem:$0xA980] =	vst v0  }
0xc1: {  	[tilespmem:$0xAA00] =	vst v0  }
0xc2: {  	[tilespmem:$0xAA80] =	vst v0  }
0xc3: {  	[tilespmem:$0xAB00] =	vst v0  }
0xc4: {  	[tilespmem:$0xAB80] =	vst v0  }
0xc5: {  	[tilespmem:$0xAC00] =	vst v0  }
0xc6: {  	[tilespmem:$0xAC80] =	vst v0  }
0xc7: {  	[tilespmem:$0xAD00] =	vst v0  }
0xc8: {  	[tilespmem:$0xAD80] =	vst v0  }
0xc9: {  	[tilespmem:$0xAE00] =	vst v0  }
0xca: {  	[tilespmem:$0xAE80] =	vst v0  }
0xcb: {  	[tilespmem:$0xAF00] =	vst v0  }
0xcc: {  	[tilespmem:$0xAF80] =	vst v0  }
0xcd: {  	[tilespmem:$0xB000] =	vst v0  }
0xce: {  	[tilespmem:$0xB080] =	vst v0  }
0xcf: {  	[tilespmem:$0xB100] =	vst v0  }
0xd0: {  	[tilespmem:$0xB180] =	vst v0  }
0xd1: {  	[tilespmem:$0xB200] =	vst v0  }
0xd2: {  	[tilespmem:$0xB280] =	vst v0  }
0xd3: {  	[tilespmem:$0xB300] =	vst v0  }
0xd4: {  	[tilespmem:$0xB380] =	vst v0  }
0xd5: {  	[tilespmem:$0xB400] =	vst v0  }
0xd6: {  	[tilespmem:$0xB480] =	vst v0  }
0xd7: {  	[tilespmem:$0xB500] =	vst v0  }
0xd8: {  	[tilespmem:$0xB580] =	vst v0  }
0xd9: {  	[tilespmem:$0xB600] =	vst v0  }
0xda: {  	[tilespmem:$0xB680] =	vst v0  }
0xdb: {  	[tilespmem:$0xB700] =	vst v0  }
0xdc: {  	[tilespmem:$0xB780] =	vst v0  }
0xdd: {  	[tilespmem:$0xB800] =	vst v0  }
0xde: {  	[tilespmem:$0xB880] =	vst v0  }
0xdf: {  	[tilespmem:$0xB900] =	vst v0  }
0xe0: {  	[tilespmem:$0xB980] =	vst v0  }
0xe1: {  	[tilespmem:$0xBA00] =	vst v0  }
0xe2: {  	[tilespmem:$0xBA80] =	vst v0  }
0xe3: {  	[tilespmem:$0xBB00] =	vst v0  }
0xe4: {  	[tilespmem:$0xBB80] =	vst v0  }
0xe5: {  	[tilespmem:$0xBC00] =	vst v0  }
0xe6: {  	[tilespmem:$0xBC80] =	vst v0  }
0xe7: {  	[tilespmem:$0xBD00] =	vst v0  }
0xe8: {  	[tilespmem:$0xBD80] =	vst v0  }
0xe9: {  	[tilespmem:$0xBE00] =	vst v0  }
0xea: {  	[tilespmem:$0xBE80] =	vst v0  }
0xeb: {  	[tilespmem:$0xBF00] =	vst v0  }
0xec: {  	[tilespmem:$0xBF80] =	vst v0  }
0xed: {  	[tilespmem:$0xC000] =	vst v0  }
0xee: {  	[tilespmem:$0xC080] =	vst v0  }
0xef: {  	[tilespmem:$0xC100] =	vst v0  }
0xf0: {  	[tilespmem:$0xC180] =	vst v0  }
0xf1: {  	[tilespmem:$0xC200] =	vst v0  }
0xf2: {  	[tilespmem:$0xC280] =	vst v0  }
0xf3: {  	[tilespmem:$0xC300] =	vst v0  }
0xf4: {  	[tilespmem:$0xC380] =	vst v0  }
0xf5: {  	[tilespmem:$0xC400] =	vst v0  }
0xf6: {  	[tilespmem:$0xC480] =	vst v0  }
0xf7: {  	[tilespmem:$0xC500] =	vst v0  }
0xf8: {  	[tilespmem:$0xC580] =	vst v0  }
0xf9: {  	[tilespmem:$0xC600] =	vst v0  }
0xfa: {  	[tilespmem:$0xC680] =	vst v0  }
0xfb: {  	[tilespmem:$0xC700] =	vst v0  }
0xfc: {  	[tilespmem:$0xC780] =	vst v0  }
0xfd: {  	[tilespmem:$0xC800] =	vst v0  }
0xfe: {  	[tilespmem:$0xC880] =	vst v0  }
0xff: {  	[tilespmem:$0xC900] =	vst v0  }
0x100: {  	[tilespmem:$0xC980] =	vst v0  }
0x101: {  	[tilespmem:$0xCA00] =	vst v0  }
0x102: {  	[tilespmem:$0xCA80] =	vst v0  }
0x103: {  	[tilespmem:$0xCB00] =	vst v0  }
0x104: {  	[tilespmem:$0xCB80] =	vst v0  }
0x105: {  	[tilespmem:$0xCC00] =	vst v0  }
0x106: {  	[tilespmem:$0xCC80] =	vst v0  }
0x107: {  	[tilespmem:$0xCD00] =	vst v0  }
0x108: {  	[tilespmem:$0xCD80] =	vst v0  }
0x109: {  	[tilespmem:$0xCE00] =	vst v0  }
0x10a: {  	[tilespmem:$0xCE80] =	vst v0  }
0x10b: {  	[tilespmem:$0xCF00] =	vst v0  }
0x10c: {  	[tilespmem:$0xCF80] =	vst v0  }
0x10d: {  	[tilespmem:$0xD000] =	vst v0  }
0x10e: {  	[tilespmem:$0xD080] =	vst v0  }
0x10f: {  	[tilespmem:$0xD100] =	vst v0  }
0x110: {  	[tilespmem:$0xD180] =	vst v0  }
0x111: {  	[tilespmem:$0xD200] =	vst v0  }
0x112: {  	[tilespmem:$0xD280] =	vst v0  }
0x113: {  	[spmem:s3] =	stream.linear.scatter [tilespmem:s10], [sflag:$0x3], $0x8000, $0x38;
	[tilespmem:$0xDC00] =	vst v63  }
0x114: {  	[tilespmem:$0x300] =	vst v1  }
0x115: {  	[tilespmem:$0x380] =	vst v1  }
0x116: {  	[tilespmem:$0x400] =	vst v1  }
0x117: {  	[tilespmem:$0x480] =	vst v1  }
0x118: {  	[tilespmem:$0x500] =	vst v1  }
0x119: {  	[tilespmem:$0x580] =	vst v1  }
0x11a: {  	[tilespmem:$0x600] =	vst v1  }
0x11b: {  	[tilespmem:$0x680] =	vst v1  }
0x11c: {  	[tilespmem:$0x700] =	vst v1  }
0x11d: {  	[tilespmem:$0x780] =	vst v1  }
0x11e: {  	[tilespmem:$0x800] =	vst v1  }
0x11f: {  	[tilespmem:$0x880] =	vst v1  }
0x120: {  	[tilespmem:$0x900] =	vst v1  }
0x121: {  	[tilespmem:$0x980] =	vst v1  }
0x122: {  	[tilespmem:$0xA00] =	vst v1  }
0x123: {  	[tilespmem:$0xA80] =	vst v1  }
0x124: {  	[tilespmem:$0xB00] =	vst v1  }
0x125: {  	[tilespmem:$0xB80] =	vst v1  }
0x126: {  	[tilespmem:$0xC00] =	vst v1  }
0x127: {  	[tilespmem:$0xC80] =	vst v1  }
0x128: {  	[tilespmem:$0xD00] =	vst v1  }
0x129: {  	[tilespmem:$0xD80] =	vst v1  }
0x12a: {  	[tilespmem:$0xE00] =	vst v1  }
0x12b: {  	[tilespmem:$0xE80] =	vst v1  }
0x12c: {  	[tilespmem:$0xF00] =	vst v1  }
0x12d: {  	[tilespmem:$0xF80] =	vst v1  }
0x12e: {  	[tilespmem:$0x1000] =	vst v1  }
0x12f: {  	[tilespmem:$0x1080] =	vst v1  }
0x130: {  	[tilespmem:$0x1100] =	vst v1  }
0x131: {  	[tilespmem:$0x1180] =	vst v1  }
0x132: {  	[tilespmem:$0x1200] =	vst v1  }
0x133: {  	[tilespmem:$0x1280] =	vst v1  }
0x134: {  	[tilespmem:$0x1300] =	vst v1  }
0x135: {  	[tilespmem:$0x1380] =	vst v1  }
0x136: {  	[tilespmem:$0x1400] =	vst v1  }
0x137: {  	[tilespmem:$0x1480] =	vst v1  }
0x138: {  	[tilespmem:$0x1500] =	vst v1  }
0x139: {  	[tilespmem:$0x1580] =	vst v1  }
0x13a: {  	[tilespmem:$0x1600] =	vst v1  }
0x13b: {  	[tilespmem:$0x1680] =	vst v1  }
0x13c: {  	[tilespmem:$0x1700] =	vst v1  }
0x13d: {  	[tilespmem:$0x1780] =	vst v1  }
0x13e: {  	[tilespmem:$0x1800] =	vst v1  }
0x13f: {  	[tilespmem:$0x1880] =	vst v1  }
0x140: {  	[tilespmem:$0x1900] =	vst v1  }
0x141: {  	[tilespmem:$0x1980] =	vst v1  }
0x142: {  	[tilespmem:$0x1A00] =	vst v1  }
0x143: {  	[tilespmem:$0x1A80] =	vst v1  }
0x144: {  	[tilespmem:$0x1B00] =	vst v1  }
0x145: {  	[tilespmem:$0x1B80] =	vst v1  }
0x146: {  	[tilespmem:$0x1C00] =	vst v1  }
0x147: {  	[tilespmem:$0x1C80] =	vst v1  }
0x148: {  	[tilespmem:$0x1D00] =	vst v1  }
0x149: {  	[tilespmem:$0x1D80] =	vst v1  }
0x14a: {  	[tilespmem:$0x1E00] =	vst v1  }
0x14b: {  	[tilespmem:$0x1E80] =	vst v1  }
0x14c: {  	[tilespmem:$0x1F00] =	vst v1  }
0x14d: {  	[tilespmem:$0x1F80] =	vst v1  }
0x14e: {  	[tilespmem:$0x2000] =	vst v1  }
0x14f: {  	[tilespmem:$0x2080] =	vst v1  }
0x150: {  	[tilespmem:$0x2100] =	vst v1  }
0x151: {  	[tilespmem:$0x2180] =	vst v1  }
0x152: {  	[tilespmem:$0x2200] =	vst v1  }
0x153: {  	[tilespmem:$0x2280] =	vst v1  }
0x154: {  	[tilespmem:$0x2300] =	vst v1  }
0x155: {  	[tilespmem:$0x2380] =	vst v1  }
0x156: {  	[tilespmem:$0x2400] =	vst v1  }
0x157: {  	[tilespmem:$0x2480] =	vst v1  }
0x158: {  	[tilespmem:$0x2500] =	vst v1  }
0x159: {  	[tilespmem:$0x2580] =	vst v1  }
0x15a: {  	[tilespmem:$0x2600] =	vst v1  }
0x15b: {  	[tilespmem:$0x2680] =	vst v1  }
0x15c: {  	[tilespmem:$0x2700] =	vst v1  }
0x15d: {  	[tilespmem:$0x2780] =	vst v1  }
0x15e: {  	[tilespmem:$0x2800] =	vst v1  }
0x15f: {  	[tilespmem:$0x2880] =	vst v1  }
0x160: {  	[tilespmem:$0x2900] =	vst v1  }
0x161: {  	[tilespmem:$0x2980] =	vst v1  }
0x162: {  	[tilespmem:$0x2A00] =	vst v1  }
0x163: {  	[tilespmem:$0x2A80] =	vst v1  }
0x164: {  	[tilespmem:$0x2B00] =	vst v1  }
0x165: {  	[tilespmem:$0x2B80] =	vst v1  }
0x166: {  	[tilespmem:$0x2C00] =	vst v1  }
0x167: {  	[tilespmem:$0x2C80] =	vst v1  }
0x168: {  	[tilespmem:$0x2D00] =	vst v1  }
0x169: {  	[tilespmem:$0x2D80] =	vst v1  }
0x16a: {  	[tilespmem:$0x2E00] =	vst v1  }
0x16b: {  	[tilespmem:$0x2E80] =	vst v1  }
0x16c: {  	[tilespmem:$0x2F00] =	vst v1  }
0x16d: {  	[tilespmem:$0x2F80] =	vst v1  }
0x16e: {  	[tilespmem:$0x3000] =	vst v1  }
0x16f: {  	[tilespmem:$0x3080] =	vst v1  }
0x170: {  	[tilespmem:$0x3100] =	vst v1  }
0x171: {  	[tilespmem:$0x3180] =	vst v1  }
0x172: {  	[tilespmem:$0x3200] =	vst v1  }
0x173: {  	[tilespmem:$0x3280] =	vst v1  }
0x174: {  	[tilespmem:$0x3300] =	vst v1  }
0x175: {  	[tilespmem:$0x3380] =	vst v1  }
0x176: {  	[tilespmem:$0x3400] =	vst v1  }
0x177: {  	[tilespmem:$0x3480] =	vst v1  }
0x178: {  	[tilespmem:$0x3500] =	vst v1  }
0x179: {  	[tilespmem:$0x3580] =	vst v1  }
0x17a: {  	[tilespmem:$0x3600] =	vst v1  }
0x17b: {  	[tilespmem:$0x3680] =	vst v1  }
0x17c: {  	[tilespmem:$0x3700] =	vst v1  }
0x17d: {  	[tilespmem:$0x3780] =	vst v1  }
0x17e: {  	[tilespmem:$0x3800] =	vst v1  }
0x17f: {  	[tilespmem:$0x3880] =	vst v1  }
0x180: {  	[tilespmem:$0x3900] =	vst v1  }
0x181: {  	[tilespmem:$0x3980] =	vst v1  }
0x182: {  	[tilespmem:$0x3A00] =	vst v1  }
0x183: {  	[tilespmem:$0x3A80] =	vst v1  }
0x184: {  	[tilespmem:$0x3B00] =	vst v1  }
0x185: {  	[tilespmem:$0x3B80] =	vst v1  }
0x186: {  	[tilespmem:$0x3C00] =	vst v1  }
0x187: {  	[tilespmem:$0x3C80] =	vst v1  }
0x188: {  	[tilespmem:$0x3D00] =	vst v1  }
0x189: {  	[tilespmem:$0x3D80] =	vst v1  }
0x18a: {  	[tilespmem:$0x3E00] =	vst v1  }
0x18b: {  	[tilespmem:$0x3E80] =	vst v1  }
0x18c: {  	[tilespmem:$0x3F00] =	vst v1  }
0x18d: {  	[tilespmem:$0x3F80] =	vst v1  }
0x18e: {  	[tilespmem:$0x4000] =	vst v1  }
0x18f: {  	[tilespmem:$0x4080] =	vst v1  }
0x190: {  	[tilespmem:$0x4100] =	vst v1  }
0x191: {  	[tilespmem:$0x4180] =	vst v1  }
0x192: {  	[tilespmem:$0x4200] =	vst v1  }
0x193: {  	[tilespmem:$0x4280] =	vst v1  }
0x194: {  	[tilespmem:$0x4300] =	vst v1  }
0x195: {  	[tilespmem:$0x4380] =	vst v1  }
0x196: {  	[tilespmem:$0x4400] =	vst v1  }
0x197: {  	[tilespmem:$0x4480] =	vst v1  }
0x198: {  	[tilespmem:$0x4500] =	vst v1  }
0x199: {  	[tilespmem:$0x4580] =	vst v1  }
0x19a: {  	[tilespmem:$0x4600] =	vst v1  }
0x19b: {  	[tilespmem:$0x4680] =	vst v1  }
0x19c: {  	[tilespmem:$0x4700] =	vst v1  }
0x19d: {  	[tilespmem:$0x4780] =	vst v1  }
0x19e: {  	[tilespmem:$0x4800] =	vst v1  }
0x19f: {  	[tilespmem:$0x4880] =	vst v1  }
0x1a0: {  	[tilespmem:$0x4900] =	vst v1  }
0x1a1: {  	[tilespmem:$0x4980] =	vst v1  }
0x1a2: {  	[tilespmem:$0x4A00] =	vst v1  }
0x1a3: {  	[tilespmem:$0x4A80] =	vst v1  }
0x1a4: {  	[tilespmem:$0x4B00] =	vst v1  }
0x1a5: {  	[tilespmem:$0x4B80] =	vst v1  }
0x1a6: {  	[tilespmem:$0x4C00] =	vst v1  }
0x1a7: {  	[tilespmem:$0x4C80] =	vst v1  }
0x1a8: {  	[tilespmem:$0x4D00] =	vst v1  }
0x1a9: {  	[tilespmem:$0x4D80] =	vst v1  }
0x1aa: {  	[tilespmem:$0x4E00] =	vst v1  }
0x1ab: {  	[tilespmem:$0x4E80] =	vst v1  }
0x1ac: {  	[tilespmem:$0x4F00] =	vst v1  }
0x1ad: {  	[tilespmem:$0x4F80] =	vst v1  }
0x1ae: {  	[tilespmem:$0x5000] =	vst v1  }
0x1af: {  	[tilespmem:$0x5080] =	vst v1  }
0x1b0: {  	[tilespmem:$0x5100] =	vst v1  }
0x1b1: {  	[tilespmem:$0x5180] =	vst v1  }
0x1b2: {  	[tilespmem:$0x5200] =	vst v1  }
0x1b3: {  	[tilespmem:$0x5280] =	vst v1  }
0x1b4: {  	_ =	swait.ge [sflag:s11], $0x100  }
0x1b5: {  	[sflag:s11] =	ssyncset.done $0x0  }
0x1b6: {  	[sflag:s11] =	ssyncadd.s32 $0xFFFFFF00  }
0x1b7: {  	_ =	swait.ge [sflag:s12], $0x100  }
0x1b8: {  	[sflag:s12] =	ssyncset.done $0x0  }
0x1b9: {  	[sflag:s12] =	ssyncadd.s32 $0xFFFFFF00  }
0x1ba: {  	v2 =	vld [tilespmem:$0x0]  }
0x1bb: {  	v3 =	vld [tilespmem:$0x100]  }
0x1bc: {  	v4 =	vld [tilespmem:$0x10]  }
0x1bd: {  	v5 =	vld [tilespmem:$0x110]  }
0x1be: {  	v6 =	vld [tilespmem:$0x20]  }
0x1bf: {  	v7 =	vld [tilespmem:$0x120]  }
0x1c0: {  	v8 =	vld [tilespmem:$0x30]  }
0x1c1: {  	v9 =	vld [tilespmem:$0x130]  }
0x1c2: {  	v10 =	vld [tilespmem:$0x40]  }
0x1c3: {  	v11 =	vld [tilespmem:$0x140]  }
0x1c4: {  	v12 =	vld [tilespmem:$0x50]  }
0x1c5: {  	v13 =	vld [tilespmem:$0x150]  }
0x1c6: {  	v14 =	vld [tilespmem:$0x60]  }
0x1c7: {  	v15 =	vld [tilespmem:$0x160]  }
0x1c8: {  	v16 =	vld [tilespmem:$0x70];
	v3 =	vshll.u32 v3, $0x4  }
0x1c9: {  	v33 =	vld [tilespmem:$0x170];
	v2 =	vadd.s32 v2, v3;
	v3 =	vshll.u32 v5, $0x4  }
0x1ca: {  	v34 =	vld [tilespmem:$0x80];
	[tilespmem:$0x200] =	vst v2;
	v2 =	vadd.s32 v4, v3;
	v3 =	vshll.u32 v7, $0x4  }
0x1cb: {  	v35 =	vld [tilespmem:$0x180];
	[tilespmem:$0x210] =	vst v2;
	v2 =	vadd.s32 v6, v3;
	v3 =	vshll.u32 v9, $0x4  }
0x1cc: {  	v36 =	vld [tilespmem:$0x190];
	[tilespmem:$0x220] =	vst v2;
	v2 =	vadd.s32 v8, v3;
	v3 =	vshll.u32 v11, $0x4  }
0x1cd: {  	v37 =	vld [tilespmem:$0x90];
	[tilespmem:$0x230] =	vst v2;
	v2 =	vadd.s32 v10, v3;
	v3 =	vshll.u32 v13, $0x4  }
0x1ce: {  	[tilespmem:$0x240] =	vst v2;
	v2 =	vadd.s32 v12, v3;
	v3 =	vshll.u32 v15, $0x4  }
0x1cf: {  	[tilespmem:$0x250] =	vst v2;
	v2 =	vadd.s32 v14, v3;
	v3 =	vshll.u32 v33, $0x4  }
0x1d0: {  	[tilespmem:$0x260] =	vst v2;
	v2 =	vadd.s32 v16, v3;
	v3 =	vshll.u32 v35, $0x4  }
0x1d1: {  	[tilespmem:$0x270] =	vst v2;
	v2 =	vadd.s32 v34, v3;
	v3 =	vshll.u32 v36, $0x4  }
0x1d2: {  	[tilespmem:$0x280] =	vst v2;
	v2 =	vadd.s32 v37, v3  }
0x1d3: {  	[tilespmem:$0x290] =	vst v2  }
0x1d4: {  	_ =	swait.ge [sflag:s13], $0x8000  }
0x1d5: {  	[sflag:s13] =	ssyncset.done $0x0  }
0x1d6: {  	[sflag:s13] =	ssyncadd.s32 $0xFFFF8000  }
0x1d7: {  	[spmem:s3] =	stream.indirect.scatter.add.f32 [tilespmem:s16], [sflag:$0x4], $0x10, s15, s14, $0xb8;
	[tilespmem:$0xDC00] =	vst v63  }
0x1d8: {  	_ =	swait.ge [sflag:s17], $0xA00  }
0x1d9: {  	[sflag:s17] =	ssyncset.done $0x0  }
0x1da: {  	[sflag:s17] =	ssyncadd.s32 $0xFFFFF600  }
0x1db: {  	[tilespmem:s10], [sflag:$0x4] =	stream.linear.gather [spmem:s3], $0x8000, $0x38;
	[tilespmem:$0xDC00] =	vst v63  }
0x1dc: {  	_ =	swait.ge [sflag:s17], $0x8000  }
0x1dd: {  	[sflag:s17] =	ssyncset.done $0x0  }
0x1de: {  	[sflag:s17] =	ssyncadd.s32 $0xFFFF8000  }
0x1df: {  	v2 =	vld [tilespmem:$0x5300]  }
0x1e0: {  	v3 =	vld [tilespmem:$0x5380]  }
0x1e1: {  	v38 =	vld [tilespmem:$0x5400]  }
0x1e2: {  	v39 =	vld [tilespmem:$0x5480]  }
0x1e3: {  	v40 =	vld [tilespmem:$0x5500]  }
0x1e4: {  	v41 =	vld [tilespmem:$0x5580]  }
0x1e5: {  	v42 =	vld [tilespmem:$0x5600]  }
0x1e6: {  	v43 =	vld [tilespmem:$0x5680]  }
0x1e7: {  	v44 =	vld [tilespmem:$0x5700]  }
0x1e8: {  	v45 =	vld [tilespmem:$0x5780]  }
0x1e9: {  	v46 =	vld [tilespmem:$0x5B00]  }
0x1ea: {  	v47 =	vld [tilespmem:$0x5B80]  }
0x1eb: {  	v48 =	vld [tilespmem:$0x5C00]  }
0x1ec: {  	v49 =	vld [tilespmem:$0x5C80]  }
0x1ed: {  	v50 =	vld [tilespmem:$0x5D00]  }
0x1ee: {  	v17 =	vld [tilespmem:$0x5D80]  }
0x1ef: {  	v18 =	vld [tilespmem:$0x5E00]  }
0x1f0: {  	v19 =	vld [tilespmem:$0x5E80]  }
0x1f1: {  	v20 =	vld [tilespmem:$0x5F00]  }
0x1f2: {  	v21 =	vld [tilespmem:$0x5F80]  }
0x1f3: {  	v22 =	vld [tilespmem:$0x6300]  }
0x1f4: {  	v23 =	vld [tilespmem:$0x6380]  }
0x1f5: {  	v24 =	vld [tilespmem:$0x6400]  }
0x1f6: {  	v25 =	vld [tilespmem:$0x6480]  }
0x1f7: {  	v26 =	vld [tilespmem:$0x6500]  }
0x1f8: {  	v27 =	vld [tilespmem:$0x6580]  }
0x1f9: {  	v28 =	vld [tilespmem:$0x6600]  }
0x1fa: {  	v29 =	vld [tilespmem:$0x6680]  }
0x1fb: {  	v30 =	vld [tilespmem:$0x6700]  }
0x1fc: {  	v31 =	vld [tilespmem:$0x6B00]  }
0x1fd: {  	v51 =	vld [tilespmem:$0x6B80]  }
0x1fe: {  	v32 =	vld [tilespmem:$0x6C00]  }
0x1ff: {  	v52 =	vld [tilespmem:$0x6C80]  }
0x200: {  	v33 =	vld [tilespmem:$0x6D00]  }
0x201: {  	v34 =	vld [tilespmem:$0x6D80]  }
0x202: {  	v54 =	vld [tilespmem:$0x6E00]  }
0x203: {  	v35 =	vld [tilespmem:$0x6E80]  }
0x204: {  	v8 =	vld [tilespmem:$0x6F00]  }
0x205: {  	v36 =	vld [tilespmem:$0x6F80];
	v2 =	vnsel vm0, $0x0, v2;
	v3 =	vsel vm1, $0x0, v3  }
0x206: {  	v9 =	vld [tilespmem:$0x7300];
	v4 =	vsel vm2, $0x0, v38;
	v5 =	vsel vm3, $0x0, v39;
	v6 =	vsel vm4, $0x0, v40  }
0x207: {  	v37 =	vld [tilespmem:$0x7380];
	v53 =	vsel vm5, $0x0, v41;
	v55 =	vsel vm6, $0x0, v42;
	v56 =	vsel vm7, $0x0, v43  }
0x208: {  	v10 =	vld [tilespmem:$0x7400];
	v57 =	vsel vm8, $0x0, v44;
	v58 =	vsel vm9, $0x0, v45;
	v59 =	vnsel vm0, $0x0, v46  }
0x209: {  	v12 =	vld [tilespmem:$0x7500];
	v61 =	vnsel vm0, $0x0, v22;
	v13 =	vsel vm1, $0x0, v47;
	v31 =	vnsel vm0, $0x0, v31  }
0x20a: {  	v38 =	vld [tilespmem:$0x7480];
	v62 =	vsel vm1, $0x0, v23;
	v14 =	vsel vm2, $0x0, v48;
	v24 =	vsel vm2, $0x0, v24  }
0x20b: {  	v22 =	vld [tilespmem:$0x7580];
	v15 =	vsel vm3, $0x0, v49;
	v40 =	vsel vm2, $0x0, v32;
	v42 =	vsel vm3, $0x0, v25  }
0x20c: {  	v39 =	vld [tilespmem:$0x7600];
	v16 =	vsel vm4, $0x0, v50;
	v45 =	vsel vm4, $0x0, v26;
	v47 =	vsel vm5, $0x0, v17  }
0x20d: {  	v41 =	vld [tilespmem:$0x7B00];
	v48 =	vsel vm4, $0x0, v33;
	v50 =	vsel vm5, $0x0, v27;
	v18 =	vsel vm6, $0x0, v18  }
0x20e: {  	v43 =	vld [tilespmem:$0x7B80];
	v19 =	vsel vm7, $0x0, v19;
	v7 =	vsel vm6, $0x0, v54;
	v20 =	vsel vm8, $0x0, v20  }
0x20f: {  	v44 =	vld [tilespmem:$0x7C00];
	v54 =	vsel vm7, $0x0, v35;
	v21 =	vsel vm9, $0x0, v21;
	v8 =	vsel vm8, $0x0, v8  }
0x210: {  	v46 =	vld [tilespmem:$0x7C80];
	v9 =	vnsel vm0, $0x0, v9;
	v2 =	vadd.f32 $0.0e+00, v2;
	v11 =	vadd.f32 $0.0e+00, v61  }
0x211: {  	v49 =	vld [tilespmem:$0x7D00];
	v32 =	vsel vm1, $0x0, v37;
	v60 =	vadd.f32 $0.0e+00, v59;
	v9 =	vadd.f32 $0.0e+00, v9  }
0x212: {  	v26 =	vld [tilespmem:$0x7E00];
	v10 =	vsel vm2, $0x0, v10;
	v2 =	vadd.f32 v3, v2;
	v11 =	vadd.f32 v62, v11  }
0x213: {  	v12 =	vsel vm4, $0x0, v12;
	v63 =	vadd.f32 $0.0e+00, v31;
	v61 =	vld [tilespmem:$0x8500];
	v9 =	vadd.f32 v32, v9  }
0x214: {  	v33 =	vld [tilespmem:$0x8600];
	v2 =	vadd.f32 v4, v2;
	v4 =	vsel vm1, $0x0, v51;
	v11 =	vadd.f32 v24, v11  }
0x215: {  	v35 =	vld [tilespmem:$0x8700];
	v51 =	vsel vm5, $0x0, v34;
	v62 =	vnsel vm0, $0x0, v41;
	v23 =	vsel vm1, $0x0, v43  }
0x216: {  	v3 =	vld [tilespmem:$0x6780];
	v9 =	vadd.f32 v10, v9;
	v41 =	vsel vm3, $0x0, v38;
	v25 =	vsel vm3, $0x0, v46  }
0x217: {  	v31 =	vld [tilespmem:$0x7680];
	v46 =	vsel vm4, $0x0, v49;
	v4 =	vadd.f32 v4, v63;
	v2 =	vadd.f32 v5, v2  }
0x218: {  	v59 =	vld [tilespmem:$0x8480];
	v49 =	vsel vm4, $0x0, v61;
	v11 =	vadd.f32 v42, v11;
	v9 =	vadd.f32 v41, v9  }
0x219: {  	v34 =	vld [tilespmem:$0x8680];
	v5 =	vsel vm3, $0x0, v52;
	v4 =	vadd.f32 v40, v4;
	v2 =	vadd.f32 v6, v2  }
0x21a: {  	v43 =	vld [tilespmem:$0x8B00];
	v52 =	vsel vm6, $0x0, v28;
	v6 =	vadd.f32 v13, v60;
	v11 =	vadd.f32 v45, v11  }
0x21b: {  	v3 =	vsel vm9, $0x0, v3;
	v40 =	vld [tilespmem:$0x8780];
	v9 =	vadd.f32 v12, v9;
	v4 =	vadd.f32 v5, v4  }
0x21c: {  	v13 =	vld [tilespmem:$0x7700];
	v60 =	vsel vm9, $0x0, v36;
	v2 =	vadd.f32 v53, v2;
	v11 =	vadd.f32 v50, v11  }
0x21d: {  	v36 =	vsel vm2, $0x0, v44;
	v44 =	vld [tilespmem:$0x8B80];
	v14 =	vadd.f32 v14, v6;
	v4 =	vadd.f32 v48, v4  }
0x21e: {  	v45 =	vld [tilespmem:$0x8C00];
	v48 =	vsel vm5, $0x0, v22;
	v2 =	vadd.f32 v55, v2;
	v11 =	vadd.f32 v52, v11  }
0x21f: {  	v63 =	vld [tilespmem:$0x8580];
	v53 =	vsel vm7, $0x0, v29;
	v14 =	vadd.f32 v15, v14;
	v9 =	vadd.f32 v48, v9  }
0x220: {  	v61 =	vld [tilespmem:$0x9300];
	v52 =	vsel vm6, $0x0, v39;
	v29 =	vsel vm9, $0x0, v40;
	v11 =	vadd.f32 v53, v11  }
0x221: {  	v6 =	vld [tilespmem:$0x7780];
	v4 =	vadd.f32 v51, v4;
	v2 =	vadd.f32 v56, v2;
	v56 =	vsel vm8, $0x0, v30  }
0x222: {  	v55 =	vld [tilespmem:$0x8300];
	v13 =	vsel vm8, $0x0, v13;
	v15 =	vsel vm1, $0x0, v44;
	v11 =	vadd.f32 v56, v11  }
0x223: {  	v28 =	vld [tilespmem:$0x9B80];
	v38 =	vsel vm2, $0x0, v45;
	v14 =	vadd.f32 v16, v14;
	v9 =	vadd.f32 v52, v9  }
0x224: {  	v51 =	vld [tilespmem:$0x8D80];
	v30 =	vnsel vm0, $0x0, v43;
	v3 =	vadd.f32 v3, v11;
	v11 =	vadd.f32 $0.0e+00, v62  }
0x225: {  	v16 =	vld [tilespmem:$0x7D80];
	v53 =	vsel vm5, $0x0, v63;
	v4 =	vadd.f32 v7, v4;
	v32 =	vadd.f32 $0.0e+00, v30  }
0x226: {  	v7 =	vld [tilespmem:$0x7F80];
	v6 =	vsel vm9, $0x0, v6;
	v2 =	vadd.f32 v57, v2;
	v11 =	vadd.f32 v23, v11  }
0x227: {  	v5 =	vadd.f32 v47, v14;
	v14 =	vld [tilespmem:$0x7E80];
	v4 =	vadd.f32 v54, v4;
	v27 =	vnsel vm0, $0x0, v55  }
0x228: {  	v57 =	vld [tilespmem:$0x8380];
	v55 =	vsel vm6, $0x0, v26;
	v2 =	vadd.f32 v58, v2;
	v10 =	vadd.f32 v36, v11  }
0x229: {  	v48 =	vld [tilespmem:$0x9E80];
	v5 =	vadd.f32 v18, v5;
	v27 =	vadd.f32 $0.0e+00, v27;
	v12 =	vsel vm5, $0x0, v51  }
0x22a: {  	v56 =	vld [tilespmem:$0x8E80];
	v4 =	vadd.f32 v8, v4;
	v8 =	vsel vm3, $0x0, v59;
	v10 =	vadd.f32 v25, v10  }
0x22b: {  	v58 =	vld [tilespmem:$0x8400];
	v16 =	vsel vm5, $0x0, v16;
	v5 =	vadd.f32 v19, v5;
	v23 =	vsel vm8, $0x0, v35  }
0x22c: {  	v18 =	vld [tilespmem:$0x7F00];
	v7 =	vsel vm9, $0x0, v7;
	v4 =	vadd.f32 v60, v4;
	v10 =	vadd.f32 v46, v10  }
0x22d: {  	v50 =	vld [tilespmem:$0x8D00];
	v19 =	vsel vm1, $0x0, v57;
	v57 =	vsel vm7, $0x0, v31;
	v14 =	vsel vm7, $0x0, v14  }
0x22e: {  	v51 =	vld [tilespmem:$0x9F00];
	v60 =	vsel vm7, $0x0, v34;
	v5 =	vadd.f32 v20, v5;
	v10 =	vadd.f32 v16, v10  }
0x22f: {  	v63 =	vld [tilespmem:$0x9B00];
	[tilespmem:$0xD300] =	vst v2;
	v2 =	vsel vm7, $0x0, v56;
	v37 =	vadd.f32 v19, v27;
	v9 =	vadd.f32 v57, v9  }
0x230: {  	v35 =	vld [tilespmem:$0x9480];
	v57 =	vsel vm7, $0x0, v48;
	v42 =	vsel vm2, $0x0, v58;
	v10 =	vadd.f32 v55, v10  }
0x231: {  	v27 =	vld [tilespmem:$0x9380];
	v58 =	vsel vm6, $0x0, v33;
	v62 =	vsel vm8, $0x0, v18;
	v5 =	vadd.f32 v21, v5  }
0x232: {  	v47 =	vld [tilespmem:$0x8C80];
	v33 =	vnsel vm0, $0x0, v61;
	v11 =	vadd.f32 v42, v37;
	v10 =	vadd.f32 v14, v10  }
0x233: {  	v31 =	vld [tilespmem:$0x9400];
	v61 =	vsel vm8, $0x0, v51;
	v9 =	vadd.f32 v13, v9;
	v13 =	vadd.f32 $0.0e+00, v33  }
0x234: {  	v34 =	vld [tilespmem:$0x9C00];
	v21 =	vsel vm4, $0x0, v50;
	v14 =	vnsel vm0, $0x0, v63;
	v10 =	vadd.f32 v62, v10  }
0x235: {  	v41 =	vld [tilespmem:$0x9580];
	v42 =	vsel vm3, $0x0, v35;
	v8 =	vadd.f32 v8, v11;
	v14 =	vadd.f32 $0.0e+00, v14  }
0x236: {  	v37 =	vld [tilespmem:$0x9C80];
	v36 =	vsel vm1, $0x0, v27;
	v7 =	vadd.f32 v7, v10;
	v10 =	vadd.f32 v15, v32  }
0x237: {  	v39 =	vld [tilespmem:$0x9500];
	v6 =	vadd.f32 v6, v9;
	v9 =	vsel vm1, $0x0, v28;
	v13 =	vadd.f32 v36, v13  }
0x238: {  	v40 =	vld [tilespmem:$0x9D00];
	v19 =	vsel vm2, $0x0, v31;
	v9 =	vadd.f32 v9, v14;
	v10 =	vadd.f32 v38, v10  }
0x239: {  	v54 =	vld [tilespmem:$0x8E00];
	v11 =	vsel vm3, $0x0, v47;
	v20 =	vsel vm2, $0x0, v34;
	v13 =	vadd.f32 v19, v13  }
0x23a: {  	v43 =	vld [tilespmem:$0x9D80];
	v47 =	vsel vm5, $0x0, v41;
	v9 =	vadd.f32 v20, v9;
	v10 =	vadd.f32 v11, v10  }
0x23b: {  	v44 =	vld [tilespmem:$0x9600];
	v8 =	vadd.f32 v49, v8;
	v18 =	vsel vm3, $0x0, v37;
	v11 =	vadd.f32 v42, v13  }
0x23c: {  	v45 =	vld [tilespmem:$0x9E00];
	v15 =	vsel vm4, $0x0, v39;
	v9 =	vadd.f32 v18, v9;
	v10 =	vadd.f32 v21, v10  }
0x23d: {  	v46 =	vld [tilespmem:$0x9680];
	v8 =	vadd.f32 v53, v8;
	v14 =	vsel vm4, $0x0, v40;
	v11 =	vadd.f32 v15, v11  }
0x23e: {  	v59 =	vld [tilespmem:$0x8F00];
	v49 =	vsel vm6, $0x0, v54;
	v9 =	vadd.f32 v14, v9;
	v10 =	vadd.f32 v12, v10  }
0x23f: {  	v50 =	vld [tilespmem:$0x9700];
	v8 =	vadd.f32 v58, v8;
	v20 =	vsel vm5, $0x0, v43;
	v11 =	vadd.f32 v47, v11  }
0x240: {  	v17 =	vld [tilespmem:$0x8F80];
	v13 =	vsel vm6, $0x0, v44;
	v9 =	vadd.f32 v20, v9;
	v10 =	vadd.f32 v49, v10  }
0x241: {  	v52 =	vld [tilespmem:$0x9780];
	v53 =	vsel vm6, $0x0, v45;
	v8 =	vadd.f32 v60, v8;
	v11 =	vadd.f32 v13, v11  }
0x242: {  	[tilespmem:$0xD400] =	vst v3;
	v55 =	vld [tilespmem:$0x9F80];
	v54 =	vsel vm7, $0x0, v46;
	v9 =	vadd.f32 v53, v9;
	v2 =	vadd.f32 v2, v10  }
0x243: {  	[tilespmem:$0xD480] =	vst v4;
	v56 =	vsel vm8, $0x0, v59;
	v8 =	vadd.f32 v23, v8;
	v3 =	vadd.f32 v54, v11  }
0x244: {  	[tilespmem:$0xD380] =	vst v5;
	v59 =	vsel vm8, $0x0, v50;
	v58 =	vadd.f32 v57, v9;
	v2 =	vadd.f32 v56, v2  }
0x245: {  	[tilespmem:$0xD500] =	vst v6;
	v60 =	vsel vm9, $0x0, v17;
	v8 =	vadd.f32 v29, v8;
	v3 =	vadd.f32 v59, v3  }
0x246: {  	v62 =	vsel vm9, $0x0, v52;
	[tilespmem:$0xD580] =	vst v7;
	v4 =	vadd.f32 v61, v58;
	v2 =	vadd.f32 v60, v2  }
0x247: {  	v63 =	vsel vm9, $0x0, v55;
	[tilespmem:$0xD600] =	vst v8;
	v3 =	vadd.f32 v62, v3  }
0x248: {  	[tilespmem:$0xD680] =	vst v2;
	v2 =	vadd.f32 v63, v4  }
0x249: {  	p0 =	sne.s32 s6, $0x1;
	[tilespmem:$0xD700] =	vst v3  }
.Ltmp1:
0x24a: {  	[tilespmem:$0xD780] =	vst v2;
	(pc) =	sbr.rel @p0 .LBB2_2-.Ltmp1, $4  }
0x24b: {  	[hbm4b:s5+s4] =	stream.linear.scatter [tilespmem:s18], [sflag:$0x4], $0x800, $0x38;
	[tilespmem:$0xDC00] =	vst v63  }
0x24c: {  	_ =	swait.ge [sflag:s17], $0x800  }
0x24d: {  	[sflag:s17] =	ssyncset.done $0x0  }
0x24e: {  	s6 =	sadd.s32 $0xFFFFFFFF, s6;
	[sflag:s17] =	ssyncadd.s32 $0xFFFFF800  }
.LBB2_3:
0x24f: {  	_ =	sfence.sel $0x180000  }
0x250: {  	[bflag:$0x0] =	sbarrier.arrive $0xFFFF  }
0x251: {  	p0 =	sne.s32 s2, $0x0;
	_ =	strace $0x90000047  }
0x252: {  	s0 =	sadd.s32 @!p0 $0x100000, s0;
	[bflag:$0x2] =	sbarrier.arrive $0xFFFF  }
0x253: {  	[sflag:s0] =	ssyncadd.tile.s32 @!p0 $0x1;
	_ =	shalt  }
.Lfunc_end2:
_tile_overlayer_lowered:
.L_overlay_start_2:
0x254: {  	(tag) =	ssettag $0x2  }
0x255: {  	s0 =	rddreg [dreg:$0x0];
	s2 =	stileid.u32  }
0x256: {  	s1 =	rddreg [dreg:$0x1];
	p0 =	sne.s32 s2, $0x0  }
0x257: {  	s3 =	rddreg [dreg:$0x2];
	[bflag:$0x3] =	sbarrier.arrive $0xFFFF;
	s2 =	simm.s32 @!p0 $0x1C04  }
0x258: {  	[timem:s3], [sflag:s2] =	dma.local @!p0 [hbm:s0], s1  }
0x259: {  	s0 =	simm.s32 @!p0 $0x4  }
0x25a: {  	_ =	swait.ge @!p0 [sflag:s0], s1  }
0x25b: {  	s1 =	ssub.s32 @!p0 $0x0, s1;
	[sflag:s0] =	ssyncset.done @!p0 $0x0  }
0x25c: {  	[sflag:s0] =	ssyncadd.s32 @!p0 s1  }
0x25d: {  	[bflag:$0x3] =	sbarrier.arrive $0xFFFF  }
0x25e: {  	_ =	shalt  }

</sc_bundles>
